<compile_context>
chip_gen: v7x
topology: tpu7x:2x2x1
jax: 0.10.2.dev20260603
libtpu: 0.0.44.dev20260713+nightly
codegen_flags: <defaults>
</compile_context>

<pallas_src>
import functools

import jax
import jax.numpy as jnp
from jax import lax
from jax.experimental import pallas as pl
from jax.experimental.pallas import tpu as pltpu
from jax.experimental.pallas import tpu_sc as plsc

N = 10000
E = 160000
NC = 2
NS = 16
R = 10240
RP = R // NS
EPT = E // NS
NB = 80
NBH = NB // 2
NT = NBH // 2
EPW = E // (NC * NS)
NBD = 40

_mesh = plsc.VectorSubcoreMesh(
    core_axis_name="c", subcore_axis_name="s", num_cores=NC, num_subcores=NS)


@functools.partial(
    pl.kernel,
    out_type=jax.ShapeDtypeStruct((NC * R, 128), jnp.float32),
    mesh=_mesh,
    scratch_types=[
        pltpu.VMEM((NBD, 128), jnp.int32),
        pltpu.VMEM((RP // 128, 128), jnp.int32),
        pltpu.VMEM((128, 128), jnp.float32),
        pltpu.VMEM((128, 128), jnp.float32),
        pltpu.VMEM_SHARED((R, 128), jnp.float32),
    ],
)
def _deg_kernel(dst_hbm, seq_hbm, ones_hbm, zeros_hbm, out_hbm,
                idx_v, seq_v, ones_v, stage_v, acc):
  c = lax.axis_index("c")
  s = lax.axis_index("s")
  w = s * NC + c

  pltpu.sync_copy(ones_hbm, ones_v)
  pltpu.sync_copy(zeros_hbm, stage_v)
  pltpu.sync_copy(dst_hbm.at[w], idx_v)
  pltpu.sync_copy(seq_hbm.at[s], seq_v)
  for q in range(RP // 128):
    pltpu.sync_copy(stage_v, acc.at[seq_v.at[q]])
  plsc.subcore_barrier()

  def body(b, _):
    pltpu.sync_copy(ones_v, acc.at[idx_v.at[b]], add=True)
    return 0
  lax.fori_loop(0, NBD, body, 0)

  plsc.subcore_barrier()
  for q in range(RP // 128):
    pltpu.sync_copy(acc.at[seq_v.at[q]], stage_v)
    pltpu.sync_copy(stage_v,
                    out_hbm.at[pl.ds(c * R + s * RP + q * 128, 128)])


def _make_agg_kernel(nch):
  cps = nch // NC

  @functools.partial(
      pl.kernel,
      out_type=jax.ShapeDtypeStruct((nch * R, 128), jnp.float32),
      mesh=_mesh,
      scratch_types=[
          pltpu.VMEM((NBH, 128), jnp.int32),
          pltpu.VMEM((NBH, 128), jnp.int32),
          pltpu.VMEM((RP // 128, 128), jnp.int32),
          pltpu.VMEM((2, 128, 128), jnp.float32),
          pltpu.VMEM_SHARED((R, 128), jnp.float32),
          pltpu.SemaphoreType.DMA,
          pltpu.SemaphoreType.DMA,
          pltpu.SemaphoreType.DMA,
          pltpu.SemaphoreType.DMA,
      ],
  )
  def agg(vals_hbm, src_hbm, dst_hbm, seq_hbm, out_hbm,
          idx_s, idx_d, seq_v, rows, acc, semg0, semg1, sems0, sems1):
    c = lax.axis_index("c")
    s = lax.axis_index("s")
    pltpu.sync_copy(seq_hbm.at[s], seq_v)

    for j in range(cps):
      chunk = c * cps + j
      base = chunk * R
      for q in range(RP // 128):
        pltpu.sync_copy(vals_hbm.at[pl.ds(base + s * RP + q * 128, 128)],
                        rows.at[0])
        pltpu.sync_copy(rows.at[0], acc.at[seq_v.at[q]])
      plsc.subcore_barrier()

      for half in range(2):
        pltpu.sync_copy(src_hbm.at[chunk, s, pl.ds(half * NBH, NBH)], idx_s)
        pltpu.sync_copy(dst_hbm.at[s, pl.ds(half * NBH, NBH)], idx_d)

        pltpu.async_copy(vals_hbm.at[idx_s.at[0]], rows.at[0], semg0)
        pltpu.async_copy(vals_hbm.at[idx_s.at[1]], rows.at[1], semg1)

        def body(t, _):
          b0 = 2 * t
          b1 = b0 + 1
          pltpu.make_async_copy(
              vals_hbm.at[idx_s.at[b0]], rows.at[0], semg0).wait()
          s0 = pltpu.async_copy(rows.at[0], acc.at[idx_d.at[b0]], sems0,
                                add=True)
          pltpu.make_async_copy(
              vals_hbm.at[idx_s.at[b1]], rows.at[1], semg1).wait()
          s1 = pltpu.async_copy(rows.at[1], acc.at[idx_d.at[b1]], sems1,
                                add=True)
          s0.wait()

          @pl.when(t + 1 < NT)
          def _():
            pltpu.async_copy(vals_hbm.at[idx_s.at[b0 + 2]], rows.at[0],
                             semg0)
          s1.wait()

          @pl.when(t + 1 < NT)
          def _():
            pltpu.async_copy(vals_hbm.at[idx_s.at[b1 + 2]], rows.at[1],
                             semg1)
          return 0

        lax.fori_loop(0, NT, body, 0)

      plsc.subcore_barrier()
      for q in range(RP // 128):
        pltpu.sync_copy(acc.at[seq_v.at[q]], rows.at[0])
        pltpu.sync_copy(rows.at[0],
                        out_hbm.at[pl.ds(base + s * RP + q * 128, 128)])
      plsc.subcore_barrier()

  return agg


_agg2 = _make_agg_kernel(2)
_agg4 = _make_agg_kernel(4)


def _predis_body(p0, p1, x, od, ov):
  deg = p0[:, :1] + p1[:, :1] + 1.0
  d = lax.rsqrt(deg)
  od[...] = d
  ov[0] = x[...] * d


def _predis(p0, p1, x):
  mb = 400
  return pl.pallas_call(
      _predis_body,
      grid=(N // mb, 2),
      in_specs=[
          pl.BlockSpec((mb, 128), lambda i, c: (i, 0)),
          pl.BlockSpec((mb, 128), lambda i, c: (i, 0)),
          pl.BlockSpec((mb, 128), lambda i, c: (i, c)),
      ],
      out_specs=[
          pl.BlockSpec((mb, 1), lambda i, c: (i, 0)),
          pl.BlockSpec((1, mb, 128), lambda i, c: (c, i, 0)),
      ],
      out_shape=[
          jax.ShapeDtypeStruct((R, 1), jnp.float32),
          jax.ShapeDtypeStruct((2, R, 128), jnp.float32),
      ],
  )(p0, p1, x)


def _mm1_body(a0, a1, w0, w1, d, b, o):
  o[...] = jnp.maximum(
      jnp.dot(a0[...] * d[...], w0[...], preferred_element_type=jnp.float32)
      + jnp.dot(a1[...] * d[...], w1[...],
                preferred_element_type=jnp.float32)
      + b[...], 0.0)


def _mm1(agg1_0, agg1_1, w1_0, w1_1, dis, b1):
  mb, nb = 400, 256
  return pl.pallas_call(
      _mm1_body,
      grid=(N // mb, 1024 // nb),
      in_specs=[
          pl.BlockSpec((mb, 128), lambda i, j: (i, 0)),
          pl.BlockSpec((mb, 128), lambda i, j: (i, 0)),
          pl.BlockSpec((128, nb), lambda i, j: (0, j)),
          pl.BlockSpec((128, nb), lambda i, j: (0, j)),
          pl.BlockSpec((mb, 1), lambda i, j: (i, 0)),
          pl.BlockSpec((1, nb), lambda i, j: (0, j)),
      ],
      out_specs=pl.BlockSpec((mb, nb), lambda i, j: (i, j)),
      out_shape=jax.ShapeDtypeStruct((N, 1024), jnp.float32),
  )(agg1_0, agg1_1, w1_0, w1_1, dis, b1)


def _mm2_body(a, w, d, o):
  r = jnp.dot(a[...], w[...], preferred_element_type=jnp.float32) * d[...]
  o[0] = r[:, :128]
  o[1] = r[:, 128:]


def _mm2(h, w2, dis):
  mb = 400
  return pl.pallas_call(
      _mm2_body,
      grid=(N // mb, 2),
      in_specs=[
          pl.BlockSpec((mb, 1024), lambda i, j: (i, 0)),
          pl.BlockSpec((1024, 256), lambda i, j: (0, j)),
          pl.BlockSpec((mb, 1), lambda i, j: (i, 0)),
      ],
      out_specs=pl.BlockSpec((2, mb, 128), lambda i, j: (j, i, 0)),
      out_shape=jax.ShapeDtypeStruct((4, R, 128), jnp.float32),
  )(h, w2, dis)


def _final_body(a, d, b, o):
  o[:, :128] = a[0] * d[...] + b[0]
  o[:, 128:] = a[1] * d[...] + b[1]


def _final(agg2, dis, b2r):
  mb = 400
  return pl.pallas_call(
      _final_body,
      grid=(N // mb, 2),
      in_specs=[
          pl.BlockSpec((2, mb, 128), lambda i, c: (c, i, 0)),
          pl.BlockSpec((mb, 1), lambda i, c: (i, 0)),
          pl.BlockSpec((2, 1, 128), lambda i, c: (c, 0, 0)),
      ],
      out_specs=pl.BlockSpec((mb, 256), lambda i, c: (i, c)),
      out_shape=jax.ShapeDtypeStruct((N, 512), jnp.float32),
  )(agg2, dis, b2r)


def kernel(x, edge_index, W1, b1, W2, b2):
  src = edge_index[0].astype(jnp.int32)
  dst = edge_index[1].astype(jnp.int32)

  src_t = jnp.pad(src.reshape(NS, EPT), ((0, 0), (0, NB * 128 - EPT)))
  src_t = src_t.reshape(NS, NB, 128)
  dst_t = jnp.pad(dst.reshape(NS, EPT), ((0, 0), (0, NB * 128 - EPT)),
                  constant_values=N).reshape(NS, NB, 128)
  off2 = (R * jnp.arange(2, dtype=jnp.int32))[:, None, None, None]
  off4 = (R * jnp.arange(4, dtype=jnp.int32))[:, None, None, None]
  src2 = src_t[None] + off2
  src4 = src_t[None] + off4

  dst_d = jnp.pad(dst.reshape(NC * NS, EPW),
                  ((0, 0), (0, NBD * 128 - EPW)),
                  constant_values=N).reshape(NC * NS, NBD, 128)

  seq = jnp.arange(R, dtype=jnp.int32).reshape(NS, RP // 128, 128)

  ones_in = jnp.ones((128, 128), jnp.float32)
  zeros_in = jnp.zeros((128, 128), jnp.float32)
  parts = _deg_kernel(dst_d, seq, ones_in, zeros_in).reshape(NC, R, 128)
  dis, vals1 = _predis(parts[0], parts[1], x)
  vals1 = vals1.reshape(2 * R, 128)
  agg1 = _agg2(vals1, src2, dst_t, seq)
  a1r = agg1.reshape(2, R, 128)
  h = _mm1(a1r[0], a1r[1], W1[:128], W1[128:], dis,
           b1.reshape(1, 1024))
  vals2 = _mm2(h, W2, dis).reshape(4 * R, 128)
  agg2 = _agg4(vals2, src4, dst_t, seq)
  return _final(agg2.reshape(4, R, 128), dis, b2.reshape(4, 1, 128))

# --- scband reference (transcript-rebuilt; emitter-appended) ---
"""Pipeline reference for scband-fed-ua-15333033246778 (READ-ONLY COPY).

The authoritative reference and input builder live on the scoring server;
editing this copy changes nothing except your own understanding.
"""

import jax, jax.numpy as jnp
import numpy as np

N = 10000
E = 160000
D_IN = 256
D_HID = 1024
D_OUT = 512


def setup_inputs(seed: int = 0) -> dict:
    key = jax.random.key(seed)
    k1, k2, k3, k4 = jax.random.split(key, 4)
    x = jax.random.normal(k1, (N, D_IN), dtype=jnp.float32)
    edge_index = jax.random.randint(k2, (2, E), 0, N, dtype=jnp.int64)
    W1 = jax.random.normal(k3, (D_IN, D_HID), dtype=jnp.float32) * 0.05
    b1 = jnp.zeros((D_HID,), dtype=jnp.float32)
    W2 = jax.random.normal(k4, (D_HID, D_OUT), dtype=jnp.float32) * 0.05
    b2 = jnp.zeros((D_OUT,), dtype=jnp.float32)
    return {"x": x, "edge_index": edge_index, "W1": W1, "b1": b1, "W2": W2, "b2": b2}


def _gcn_conv(x, edge_index, W, b):
    # Faithful PyG GCNConv: add self-loops, symmetric normalization, linear transform,
    # gather messages from src, scatter-add to dst, add bias.
    n = x.shape[0]
    loop = jnp.arange(n, dtype=edge_index.dtype)
    src = jnp.concatenate([edge_index[0], loop])
    dst = jnp.concatenate([edge_index[1], loop])
    deg = jnp.zeros((n,), dtype=x.dtype).at[dst].add(1.0)
    deg_inv_sqrt = 1.0 / jnp.sqrt(jnp.clip(deg, 1.0, None))
    norm = deg_inv_sqrt[src] * deg_inv_sqrt[dst]
    h = x @ W
    msg = h[src] * norm[:, None]
    out = jax.ops.segment_sum(msg, dst, num_segments=n)
    return out + b


def reference(x, edge_index, W1, b1, W2, b2):
    h = _gcn_conv(x, edge_index, W1, b1)
    h = jax.nn.relu(h)
    return _gcn_conv(h, edge_index, W2, b2)

if __name__ == "__main__":
    import jax
    _d = setup_inputs()
    print(jax.jit(kernel)(*tuple(_d.values())))

</pallas_src>

<mosaic_0001>
#map = affine_map<(d0, d1) -> (0, 0, 0)>
#map1 = affine_map<(d0, d1) -> (0, 0)>
module attributes {stable_mosaic.version = 14 : i64} {
  func.func @_deg_kernel(%arg0: i32, %arg1: i32, %arg2: memref<32x40x128xi32, #tpu.memory_space<hbm>>, %arg3: memref<16x5x128xi32, #tpu.memory_space<hbm>>, %arg4: memref<128x128xf32, #tpu.memory_space<hbm>>, %arg5: memref<128x128xf32, #tpu.memory_space<hbm>>, %arg6: memref<20480x128xf32, #tpu.memory_space<hbm>>, %arg7: memref<40x128xi32, #tpu.memory_space<vmem>>, %arg8: memref<5x128xi32, #tpu.memory_space<vmem>>, %arg9: memref<128x128xf32, #tpu.memory_space<vmem>>, %arg10: memref<128x128xf32, #tpu.memory_space<vmem>>, %arg11: memref<10240x128xf32, #tpu.memory_space<vmem_shared>>) attributes {dimension_semantics = [#tpu.dimension_semantics<core_parallel>, #tpu.dimension_semantics<subcore_parallel>], iteration_bounds = array<i64: 2, 16>, scalar_prefetch = 0 : i64, scratch_operands = 5 : i64, tpu.core_type = #tpu.core_type<sc_vector_subcore>, window_params = [{transform_indices = #map}, {transform_indices = #map}, {transform_indices = #map1}, {transform_indices = #map1}, {transform_indices = #map1}]} {
    %mul3A = arith.constant 2 : i32
    %mul3A_0 = arith.muli %arg1, %mul3A : i32
    %add3A = arith.addi %mul3A_0, %arg0 : i32
    "tpu.region"() ({
      %run_scoped3A_52 = tpu.sem_alloc : memref<!tpu.dma_semaphore, #tpu.memory_space<semaphore_mem>>
      tpu.enqueue_dma source(%arg4 : memref<128x128xf32, #tpu.memory_space<hbm>>) target(%arg9 : memref<128x128xf32, #tpu.memory_space<vmem>>) target_semaphore(%run_scoped3A_52 : memref<!tpu.dma_semaphore, #tpu.memory_space<semaphore_mem>>)
      tpu.wait_dma2 semaphore(%run_scoped3A_52 : memref<!tpu.dma_semaphore, #tpu.memory_space<semaphore_mem>>) src(%arg4 : memref<128x128xf32, #tpu.memory_space<hbm>>) dst(%arg9 : memref<128x128xf32, #tpu.memory_space<vmem>>)
      tpu.yield
    }) : () -> ()
    "tpu.region"() ({
      %run_scoped3A_52 = tpu.sem_alloc : memref<!tpu.dma_semaphore, #tpu.memory_space<semaphore_mem>>
      tpu.enqueue_dma source(%arg5 : memref<128x128xf32, #tpu.memory_space<hbm>>) target(%arg10 : memref<128x128xf32, #tpu.memory_space<vmem>>) target_semaphore(%run_scoped3A_52 : memref<!tpu.dma_semaphore, #tpu.memory_space<semaphore_mem>>)
      tpu.wait_dma2 semaphore(%run_scoped3A_52 : memref<!tpu.dma_semaphore, #tpu.memory_space<semaphore_mem>>) src(%arg5 : memref<128x128xf32, #tpu.memory_space<hbm>>) dst(%arg10 : memref<128x128xf32, #tpu.memory_space<vmem>>)
      tpu.yield
    }) : () -> ()
    "tpu.region"() ({
      %run_scoped3A_52 = tpu.sem_alloc : memref<!tpu.dma_semaphore, #tpu.memory_space<semaphore_mem>>
      %dma_start3A = arith.constant 0 : i32
      %dma_start3A_53 = arith.constant 0 : i32
      %dma_start3A_54 = tpu.memref_slice %arg2[%add3A, %dma_start3A, %dma_start3A_53] : memref<32x40x128xi32, #tpu.memory_space<hbm>> -> memref<1x40x128xi32, #tpu.memory_space<hbm>>
      %dma_start3A_55 = tpu.memref_squeeze %dma_start3A_54 : memref<1x40x128xi32, #tpu.memory_space<hbm>> -> memref<40x128xi32, #tpu.memory_space<hbm>>
      %dma_start3A_56 = arith.constant 0 : i32
      %dma_start3A_57 = arith.constant 0 : i32
      %dma_start3A_58 = tpu.memref_slice %arg2[%add3A, %dma_start3A_56, %dma_start3A_57] : memref<32x40x128xi32, #tpu.memory_space<hbm>> -> memref<1x40x128xi32, #tpu.memory_space<hbm>>
      %dma_start3A_59 = tpu.memref_squeeze %dma_start3A_58 : memref<1x40x128xi32, #tpu.memory_space<hbm>> -> memref<40x128xi32, #tpu.memory_space<hbm>>
      tpu.enqueue_dma source(%dma_start3A_59 : memref<40x128xi32, #tpu.memory_space<hbm>>) target(%arg7 : memref<40x128xi32, #tpu.memory_space<vmem>>) target_semaphore(%run_scoped3A_52 : memref<!tpu.dma_semaphore, #tpu.memory_space<semaphore_mem>>)
      %dma_wait3A = arith.constant 0 : i32
      %dma_wait3A_60 = arith.constant 0 : i32
      %dma_wait3A_61 = tpu.memref_slice %arg2[%add3A, %dma_wait3A, %dma_wait3A_60] : memref<32x40x128xi32, #tpu.memory_space<hbm>> -> memref<1x40x128xi32, #tpu.memory_space<hbm>>
      %dma_wait3A_62 = tpu.memref_squeeze %dma_wait3A_61 : memref<1x40x128xi32, #tpu.memory_space<hbm>> -> memref<40x128xi32, #tpu.memory_space<hbm>>
      %dma_wait3A_63 = arith.constant 0 : i32
      %dma_wait3A_64 = arith.constant 0 : i32
      %dma_wait3A_65 = tpu.memref_slice %arg2[%add3A, %dma_wait3A_63, %dma_wait3A_64] : memref<32x40x128xi32, #tpu.memory_space<hbm>> -> memref<1x40x128xi32, #tpu.memory_space<hbm>>
      %dma_wait3A_66 = tpu.memref_squeeze %dma_wait3A_65 : memref<1x40x128xi32, #tpu.memory_space<hbm>> -> memref<40x128xi32, #tpu.memory_space<hbm>>
      tpu.wait_dma2 semaphore(%run_scoped3A_52 : memref<!tpu.dma_semaphore, #tpu.memory_space<semaphore_mem>>) src(%dma_wait3A_66 : memref<40x128xi32, #tpu.memory_space<hbm>>) dst(%arg7 : memref<40x128xi32, #tpu.memory_space<vmem>>)
      tpu.yield
    }) : () -> ()
    "tpu.region"() ({
      %run_scoped3A_52 = tpu.sem_alloc : memref<!tpu.dma_semaphore, #tpu.memory_space<semaphore_mem>>
      %dma_start3A = arith.constant 0 : i32
      %dma_start3A_53 = arith.constant 0 : i32
      %dma_start3A_54 = tpu.memref_slice %arg3[%arg1, %dma_start3A, %dma_start3A_53] : memref<16x5x128xi32, #tpu.memory_space<hbm>> -> memref<1x5x128xi32, #tpu.memory_space<hbm>>
      %dma_start3A_55 = tpu.memref_squeeze %dma_start3A_54 : memref<1x5x128xi32, #tpu.memory_space<hbm>> -> memref<5x128xi32, #tpu.memory_space<hbm>>
      %dma_start3A_56 = arith.constant 0 : i32
      %dma_start3A_57 = arith.constant 0 : i32
      %dma_start3A_58 = tpu.memref_slice %arg3[%arg1, %dma_start3A_56, %dma_start3A_57] : memref<16x5x128xi32, #tpu.memory_space<hbm>> -> memref<1x5x128xi32, #tpu.memory_space<hbm>>
      %dma_start3A_59 = tpu.memref_squeeze %dma_start3A_58 : memref<1x5x128xi32, #tpu.memory_space<hbm>> -> memref<5x128xi32, #tpu.memory_space<hbm>>
      tpu.enqueue_dma source(%dma_start3A_59 : memref<5x128xi32, #tpu.memory_space<hbm>>) target(%arg8 : memref<5x128xi32, #tpu.memory_space<vmem>>) target_semaphore(%run_scoped3A_52 : memref<!tpu.dma_semaphore, #tpu.memory_space<semaphore_mem>>)
      %dma_wait3A = arith.constant 0 : i32
      %dma_wait3A_60 = arith.constant 0 : i32
      %dma_wait3A_61 = tpu.memref_slice %arg3[%arg1, %dma_wait3A, %dma_wait3A_60] : memref<16x5x128xi32, #tpu.memory_space<hbm>> -> memref<1x5x128xi32, #tpu.memory_space<hbm>>
      %dma_wait3A_62 = tpu.memref_squeeze %dma_wait3A_61 : memref<1x5x128xi32, #tpu.memory_space<hbm>> -> memref<5x128xi32, #tpu.memory_space<hbm>>
      %dma_wait3A_63 = arith.constant 0 : i32
      %dma_wait3A_64 = arith.constant 0 : i32
      %dma_wait3A_65 = tpu.memref_slice %arg3[%arg1, %dma_wait3A_63, %dma_wait3A_64] : memref<16x5x128xi32, #tpu.memory_space<hbm>> -> memref<1x5x128xi32, #tpu.memory_space<hbm>>
      %dma_wait3A_66 = tpu.memref_squeeze %dma_wait3A_65 : memref<1x5x128xi32, #tpu.memory_space<hbm>> -> memref<5x128xi32, #tpu.memory_space<hbm>>
      tpu.wait_dma2 semaphore(%run_scoped3A_52 : memref<!tpu.dma_semaphore, #tpu.memory_space<semaphore_mem>>) src(%dma_wait3A_66 : memref<5x128xi32, #tpu.memory_space<hbm>>) dst(%arg8 : memref<5x128xi32, #tpu.memory_space<vmem>>)
      tpu.yield
    }) : () -> ()
    %run_scoped3A = arith.constant 0 : i32
    "tpu.region"() ({
      %run_scoped3A_52 = tpu.sem_alloc : memref<!tpu.dma_semaphore, #tpu.memory_space<semaphore_mem>>
      %dma_start3A = arith.constant 0 : i32
      %dma_start3A_53 = tpu.memref_slice %arg8[%run_scoped3A, %dma_start3A] : memref<5x128xi32, #tpu.memory_space<vmem>> -> memref<1x128xi32, #tpu.memory_space<vmem>>
      %dma_start3A_54 = tpu.memref_squeeze %dma_start3A_53 : memref<1x128xi32, #tpu.memory_space<vmem>> -> memref<128xi32, #tpu.memory_space<vmem>>
      %dma_start3A_55 = arith.constant 0 : i32
      %dma_start3A_56 = arith.constant 0 : i32
      %dma_start3A_57 = tpu.memref_slice %arg11[%dma_start3A_55, %dma_start3A_56] : memref<10240x128xf32, #tpu.memory_space<vmem_shared>> -> memref<10240x128xf32, #tpu.memory_space<vmem_shared>>
      tpu.enqueue_indirect_dma source(%arg10 : memref<128x128xf32, #tpu.memory_space<vmem>>) target(%dma_start3A_57 : memref<10240x128xf32, #tpu.memory_space<vmem_shared>>) offsets(%dma_start3A_54 : memref<128xi32, #tpu.memory_space<vmem>>) semaphore(%run_scoped3A_52 : memref<!tpu.dma_semaphore, #tpu.memory_space<semaphore_mem>>)
      %dma_wait3A = arith.constant 0 : i32
      %dma_wait3A_58 = tpu.memref_slice %arg8[%run_scoped3A, %dma_wait3A] : memref<5x128xi32, #tpu.memory_space<vmem>> -> memref<1x128xi32, #tpu.memory_space<vmem>>
      %dma_wait3A_59 = tpu.memref_squeeze %dma_wait3A_58 : memref<1x128xi32, #tpu.memory_space<vmem>> -> memref<128xi32, #tpu.memory_space<vmem>>
      %dma_wait3A_60 = arith.constant 0 : i32
      %dma_wait3A_61 = arith.constant 0 : i32
      %dma_wait3A_62 = tpu.memref_slice %arg11[%dma_wait3A_60, %dma_wait3A_61] : memref<10240x128xf32, #tpu.memory_space<vmem_shared>> -> memref<10240x128xf32, #tpu.memory_space<vmem_shared>>
      tpu.wait_indirect_dma semaphore(%run_scoped3A_52 : memref<!tpu.dma_semaphore, #tpu.memory_space<semaphore_mem>>) src(%arg10 : memref<128x128xf32, #tpu.memory_space<vmem>>) dst(%dma_wait3A_62 : memref<10240x128xf32, #tpu.memory_space<vmem_shared>>)
      tpu.yield
    }) : () -> ()
    %run_scoped3A_1 = arith.constant 1 : i32
    "tpu.region"() ({
      %run_scoped3A_52 = tpu.sem_alloc : memref<!tpu.dma_semaphore, #tpu.memory_space<semaphore_mem>>
      %dma_start3A = arith.constant 0 : i32
      %dma_start3A_53 = tpu.memref_slice %arg8[%run_scoped3A_1, %dma_start3A] : memref<5x128xi32, #tpu.memory_space<vmem>> -> memref<1x128xi32, #tpu.memory_space<vmem>>
      %dma_start3A_54 = tpu.memref_squeeze %dma_start3A_53 : memref<1x128xi32, #tpu.memory_space<vmem>> -> memref<128xi32, #tpu.memory_space<vmem>>
      %dma_start3A_55 = arith.constant 0 : i32
      %dma_start3A_56 = arith.constant 0 : i32
      %dma_start3A_57 = tpu.memref_slice %arg11[%dma_start3A_55, %dma_start3A_56] : memref<10240x128xf32, #tpu.memory_space<vmem_shared>> -> memref<10240x128xf32, #tpu.memory_space<vmem_shared>>
      tpu.enqueue_indirect_dma source(%arg10 : memref<128x128xf32, #tpu.memory_space<vmem>>) target(%dma_start3A_57 : memref<10240x128xf32, #tpu.memory_space<vmem_shared>>) offsets(%dma_start3A_54 : memref<128xi32, #tpu.memory_space<vmem>>) semaphore(%run_scoped3A_52 : memref<!tpu.dma_semaphore, #tpu.memory_space<semaphore_mem>>)
      %dma_wait3A = arith.constant 0 : i32
      %dma_wait3A_58 = tpu.memref_slice %arg8[%run_scoped3A_1, %dma_wait3A] : memref<5x128xi32, #tpu.memory_space<vmem>> -> memref<1x128xi32, #tpu.memory_space<vmem>>
      %dma_wait3A_59 = tpu.memref_squeeze %dma_wait3A_58 : memref<1x128xi32, #tpu.memory_space<vmem>> -> memref<128xi32, #tpu.memory_space<vmem>>
      %dma_wait3A_60 = arith.constant 0 : i32
      %dma_wait3A_61 = arith.constant 0 : i32
      %dma_wait3A_62 = tpu.memref_slice %arg11[%dma_wait3A_60, %dma_wait3A_61] : memref<10240x128xf32, #tpu.memory_space<vmem_shared>> -> memref<10240x128xf32, #tpu.memory_space<vmem_shared>>
      tpu.wait_indirect_dma semaphore(%run_scoped3A_52 : memref<!tpu.dma_semaphore, #tpu.memory_space<semaphore_mem>>) src(%arg10 : memref<128x128xf32, #tpu.memory_space<vmem>>) dst(%dma_wait3A_62 : memref<10240x128xf32, #tpu.memory_space<vmem_shared>>)
      tpu.yield
    }) : () -> ()
    %run_scoped3A_2 = arith.constant 2 : i32
    "tpu.region"() ({
      %run_scoped3A_52 = tpu.sem_alloc : memref<!tpu.dma_semaphore, #tpu.memory_space<semaphore_mem>>
      %dma_start3A = arith.constant 0 : i32
      %dma_start3A_53 = tpu.memref_slice %arg8[%run_scoped3A_2, %dma_start3A] : memref<5x128xi32, #tpu.memory_space<vmem>> -> memref<1x128xi32, #tpu.memory_space<vmem>>
      %dma_start3A_54 = tpu.memref_squeeze %dma_start3A_53 : memref<1x128xi32, #tpu.memory_space<vmem>> -> memref<128xi32, #tpu.memory_space<vmem>>
      %dma_start3A_55 = arith.constant 0 : i32
      %dma_start3A_56 = arith.constant 0 : i32
      %dma_start3A_57 = tpu.memref_slice %arg11[%dma_start3A_55, %dma_start3A_56] : memref<10240x128xf32, #tpu.memory_space<vmem_shared>> -> memref<10240x128xf32, #tpu.memory_space<vmem_shared>>
      tpu.enqueue_indirect_dma source(%arg10 : memref<128x128xf32, #tpu.memory_space<vmem>>) target(%dma_start3A_57 : memref<10240x128xf32, #tpu.memory_space<vmem_shared>>) offsets(%dma_start3A_54 : memref<128xi32, #tpu.memory_space<vmem>>) semaphore(%run_scoped3A_52 : memref<!tpu.dma_semaphore, #tpu.memory_space<semaphore_mem>>)
      %dma_wait3A = arith.constant 0 : i32
      %dma_wait3A_58 = tpu.memref_slice %arg8[%run_scoped3A_2, %dma_wait3A] : memref<5x128xi32, #tpu.memory_space<vmem>> -> memref<1x128xi32, #tpu.memory_space<vmem>>
      %dma_wait3A_59 = tpu.memref_squeeze %dma_wait3A_58 : memref<1x128xi32, #tpu.memory_space<vmem>> -> memref<128xi32, #tpu.memory_space<vmem>>
      %dma_wait3A_60 = arith.constant 0 : i32
      %dma_wait3A_61 = arith.constant 0 : i32
      %dma_wait3A_62 = tpu.memref_slice %arg11[%dma_wait3A_60, %dma_wait3A_61] : memref<10240x128xf32, #tpu.memory_space<vmem_shared>> -> memref<10240x128xf32, #tpu.memory_space<vmem_shared>>
      tpu.wait_indirect_dma semaphore(%run_scoped3A_52 : memref<!tpu.dma_semaphore, #tpu.memory_space<semaphore_mem>>) src(%arg10 : memref<128x128xf32, #tpu.memory_space<vmem>>) dst(%dma_wait3A_62 : memref<10240x128xf32, #tpu.memory_space<vmem_shared>>)
      tpu.yield
    }) : () -> ()
    %run_scoped3A_3 = arith.constant 3 : i32
    "tpu.region"() ({
      %run_scoped3A_52 = tpu.sem_alloc : memref<!tpu.dma_semaphore, #tpu.memory_space<semaphore_mem>>
      %dma_start3A = arith.constant 0 : i32
      %dma_start3A_53 = tpu.memref_slice %arg8[%run_scoped3A_3, %dma_start3A] : memref<5x128xi32, #tpu.memory_space<vmem>> -> memref<1x128xi32, #tpu.memory_space<vmem>>
      %dma_start3A_54 = tpu.memref_squeeze %dma_start3A_53 : memref<1x128xi32, #tpu.memory_space<vmem>> -> memref<128xi32, #tpu.memory_space<vmem>>
      %dma_start3A_55 = arith.constant 0 : i32
      %dma_start3A_56 = arith.constant 0 : i32
      %dma_start3A_57 = tpu.memref_slice %arg11[%dma_start3A_55, %dma_start3A_56] : memref<10240x128xf32, #tpu.memory_space<vmem_shared>> -> memref<10240x128xf32, #tpu.memory_space<vmem_shared>>
      tpu.enqueue_indirect_dma source(%arg10 : memref<128x128xf32, #tpu.memory_space<vmem>>) target(%dma_start3A_57 : memref<10240x128xf32, #tpu.memory_space<vmem_shared>>) offsets(%dma_start3A_54 : memref<128xi32, #tpu.memory_space<vmem>>) semaphore(%run_scoped3A_52 : memref<!tpu.dma_semaphore, #tpu.memory_space<semaphore_mem>>)
      %dma_wait3A = arith.constant 0 : i32
      %dma_wait3A_58 = tpu.memref_slice %arg8[%run_scoped3A_3, %dma_wait3A] : memref<5x128xi32, #tpu.memory_space<vmem>> -> memref<1x128xi32, #tpu.memory_space<vmem>>
      %dma_wait3A_59 = tpu.memref_squeeze %dma_wait3A_58 : memref<1x128xi32, #tpu.memory_space<vmem>> -> memref<128xi32, #tpu.memory_space<vmem>>
      %dma_wait3A_60 = arith.constant 0 : i32
      %dma_wait3A_61 = arith.constant 0 : i32
      %dma_wait3A_62 = tpu.memref_slice %arg11[%dma_wait3A_60, %dma_wait3A_61] : memref<10240x128xf32, #tpu.memory_space<vmem_shared>> -> memref<10240x128xf32, #tpu.memory_space<vmem_shared>>
      tpu.wait_indirect_dma semaphore(%run_scoped3A_52 : memref<!tpu.dma_semaphore, #tpu.memory_space<semaphore_mem>>) src(%arg10 : memref<128x128xf32, #tpu.memory_space<vmem>>) dst(%dma_wait3A_62 : memref<10240x128xf32, #tpu.memory_space<vmem_shared>>)
      tpu.yield
    }) : () -> ()
    %run_scoped3A_4 = arith.constant 4 : i32
    "tpu.region"() ({
      %run_scoped3A_52 = tpu.sem_alloc : memref<!tpu.dma_semaphore, #tpu.memory_space<semaphore_mem>>
      %dma_start3A = arith.constant 0 : i32
      %dma_start3A_53 = tpu.memref_slice %arg8[%run_scoped3A_4, %dma_start3A] : memref<5x128xi32, #tpu.memory_space<vmem>> -> memref<1x128xi32, #tpu.memory_space<vmem>>
      %dma_start3A_54 = tpu.memref_squeeze %dma_start3A_53 : memref<1x128xi32, #tpu.memory_space<vmem>> -> memref<128xi32, #tpu.memory_space<vmem>>
      %dma_start3A_55 = arith.constant 0 : i32
      %dma_start3A_56 = arith.constant 0 : i32
      %dma_start3A_57 = tpu.memref_slice %arg11[%dma_start3A_55, %dma_start3A_56] : memref<10240x128xf32, #tpu.memory_space<vmem_shared>> -> memref<10240x128xf32, #tpu.memory_space<vmem_shared>>
      tpu.enqueue_indirect_dma source(%arg10 : memref<128x128xf32, #tpu.memory_space<vmem>>) target(%dma_start3A_57 : memref<10240x128xf32, #tpu.memory_space<vmem_shared>>) offsets(%dma_start3A_54 : memref<128xi32, #tpu.memory_space<vmem>>) semaphore(%run_scoped3A_52 : memref<!tpu.dma_semaphore, #tpu.memory_space<semaphore_mem>>)
      %dma_wait3A = arith.constant 0 : i32
      %dma_wait3A_58 = tpu.memref_slice %arg8[%run_scoped3A_4, %dma_wait3A] : memref<5x128xi32, #tpu.memory_space<vmem>> -> memref<1x128xi32, #tpu.memory_space<vmem>>
      %dma_wait3A_59 = tpu.memref_squeeze %dma_wait3A_58 : memref<1x128xi32, #tpu.memory_space<vmem>> -> memref<128xi32, #tpu.memory_space<vmem>>
      %dma_wait3A_60 = arith.constant 0 : i32
      %dma_wait3A_61 = arith.constant 0 : i32
      %dma_wait3A_62 = tpu.memref_slice %arg11[%dma_wait3A_60, %dma_wait3A_61] : memref<10240x128xf32, #tpu.memory_space<vmem_shared>> -> memref<10240x128xf32, #tpu.memory_space<vmem_shared>>
      tpu.wait_indirect_dma semaphore(%run_scoped3A_52 : memref<!tpu.dma_semaphore, #tpu.memory_space<semaphore_mem>>) src(%arg10 : memref<128x128xf32, #tpu.memory_space<vmem>>) dst(%dma_wait3A_62 : memref<10240x128xf32, #tpu.memory_space<vmem_shared>>)
      tpu.yield
    }) : () -> ()
    %barrier3A = arith.constant 0 : index
    tpu.barrier barrier_id(%barrier3A)
    %scan3A = arith.constant 0 : i32
    %scan3A_5 = arith.constant 0 : i32
    %scan3A_6 = arith.constant 40 : i32
    %scan3A_7 = arith.addi %scan3A_5, %scan3A_6 : i32
    %scan3A_8 = arith.constant 1 : i32
    %scan3A_9 = scf.for %scan3A_52 = %scan3A_5 to %scan3A_7 step %scan3A_8 iter_args(%scan3A_53 = %scan3A) -> (i32)  : i32 {
      "tpu.region"() ({
        %run_scoped3A_55 = tpu.sem_alloc : memref<!tpu.dma_semaphore, #tpu.memory_space<semaphore_mem>>
        %dma_start3A = arith.constant 0 : i32
        %dma_start3A_56 = tpu.memref_slice %arg7[%scan3A_52, %dma_start3A] : memref<40x128xi32, #tpu.memory_space<vmem>> -> memref<1x128xi32, #tpu.memory_space<vmem>>
        %dma_start3A_57 = tpu.memref_squeeze %dma_start3A_56 : memref<1x128xi32, #tpu.memory_space<vmem>> -> memref<128xi32, #tpu.memory_space<vmem>>
        %dma_start3A_58 = arith.constant 0 : i32
        %dma_start3A_59 = arith.constant 0 : i32
        %dma_start3A_60 = tpu.memref_slice %arg11[%dma_start3A_58, %dma_start3A_59] : memref<10240x128xf32, #tpu.memory_space<vmem_shared>> -> memref<10240x128xf32, #tpu.memory_space<vmem_shared>>
        tpu.enqueue_indirect_dma source(%arg9 : memref<128x128xf32, #tpu.memory_space<vmem>>) target(%dma_start3A_60 : memref<10240x128xf32, #tpu.memory_space<vmem_shared>>) offsets(%dma_start3A_57 : memref<128xi32, #tpu.memory_space<vmem>>) semaphore(%run_scoped3A_55 : memref<!tpu.dma_semaphore, #tpu.memory_space<semaphore_mem>>) {add = true}
        %dma_wait3A = arith.constant 0 : i32
        %dma_wait3A_61 = tpu.memref_slice %arg7[%scan3A_52, %dma_wait3A] : memref<40x128xi32, #tpu.memory_space<vmem>> -> memref<1x128xi32, #tpu.memory_space<vmem>>
        %dma_wait3A_62 = tpu.memref_squeeze %dma_wait3A_61 : memref<1x128xi32, #tpu.memory_space<vmem>> -> memref<128xi32, #tpu.memory_space<vmem>>
        %dma_wait3A_63 = arith.constant 0 : i32
        %dma_wait3A_64 = arith.constant 0 : i32
        %dma_wait3A_65 = tpu.memref_slice %arg11[%dma_wait3A_63, %dma_wait3A_64] : memref<10240x128xf32, #tpu.memory_space<vmem_shared>> -> memref<10240x128xf32, #tpu.memory_space<vmem_shared>>
        tpu.wait_indirect_dma semaphore(%run_scoped3A_55 : memref<!tpu.dma_semaphore, #tpu.memory_space<semaphore_mem>>) src(%arg9 : memref<128x128xf32, #tpu.memory_space<vmem>>) dst(%dma_wait3A_65 : memref<10240x128xf32, #tpu.memory_space<vmem_shared>>)
        tpu.yield
      }) : () -> ()
      %scan3A_54 = arith.constant 0 : i32
      scf.yield %scan3A_54 : i32
    }
    %scan3A_10 = arith.constant 40 : i32
    %barrier3A_11 = arith.constant 0 : index
    tpu.barrier barrier_id(%barrier3A_11)
    %run_scoped3A_12 = arith.constant 0 : i32
    "tpu.region"() ({
      %run_scoped3A_52 = tpu.sem_alloc : memref<!tpu.dma_semaphore, #tpu.memory_space<semaphore_mem>>
      %dma_start3A = arith.constant 0 : i32
      %dma_start3A_53 = tpu.memref_slice %arg8[%run_scoped3A_12, %dma_start3A] : memref<5x128xi32, #tpu.memory_space<vmem>> -> memref<1x128xi32, #tpu.memory_space<vmem>>
      %dma_start3A_54 = tpu.memref_squeeze %dma_start3A_53 : memref<1x128xi32, #tpu.memory_space<vmem>> -> memref<128xi32, #tpu.memory_space<vmem>>
      %dma_start3A_55 = arith.constant 0 : i32
      %dma_start3A_56 = arith.constant 0 : i32
      %dma_start3A_57 = tpu.memref_slice %arg11[%dma_start3A_55, %dma_start3A_56] : memref<10240x128xf32, #tpu.memory_space<vmem_shared>> -> memref<10240x128xf32, #tpu.memory_space<vmem_shared>>
      tpu.enqueue_indirect_dma source(%dma_start3A_57 : memref<10240x128xf32, #tpu.memory_space<vmem_shared>>) target(%arg10 : memref<128x128xf32, #tpu.memory_space<vmem>>) offsets(%dma_start3A_54 : memref<128xi32, #tpu.memory_space<vmem>>) semaphore(%run_scoped3A_52 : memref<!tpu.dma_semaphore, #tpu.memory_space<semaphore_mem>>)
      %dma_wait3A = arith.constant 0 : i32
      %dma_wait3A_58 = tpu.memref_slice %arg8[%run_scoped3A_12, %dma_wait3A] : memref<5x128xi32, #tpu.memory_space<vmem>> -> memref<1x128xi32, #tpu.memory_space<vmem>>
      %dma_wait3A_59 = tpu.memref_squeeze %dma_wait3A_58 : memref<1x128xi32, #tpu.memory_space<vmem>> -> memref<128xi32, #tpu.memory_space<vmem>>
      %dma_wait3A_60 = arith.constant 0 : i32
      %dma_wait3A_61 = arith.constant 0 : i32
      %dma_wait3A_62 = tpu.memref_slice %arg11[%dma_wait3A_60, %dma_wait3A_61] : memref<10240x128xf32, #tpu.memory_space<vmem_shared>> -> memref<10240x128xf32, #tpu.memory_space<vmem_shared>>
      tpu.wait_indirect_dma semaphore(%run_scoped3A_52 : memref<!tpu.dma_semaphore, #tpu.memory_space<semaphore_mem>>) src(%dma_wait3A_62 : memref<10240x128xf32, #tpu.memory_space<vmem_shared>>) dst(%arg10 : memref<128x128xf32, #tpu.memory_space<vmem>>)
      tpu.yield
    }) : () -> ()
    %mul3A_13 = arith.constant 10240 : i32
    %mul3A_14 = arith.muli %arg0, %mul3A_13 : i32
    %mul3A_15 = arith.constant 640 : i32
    %mul3A_16 = arith.muli %arg1, %mul3A_15 : i32
    %add3A_17 = arith.addi %mul3A_14, %mul3A_16 : i32
    %add3A_18 = arith.constant 0 : i32
    %add3A_19 = arith.addi %add3A_17, %add3A_18 : i32
    "tpu.region"() ({
      %run_scoped3A_52 = tpu.sem_alloc : memref<!tpu.dma_semaphore, #tpu.memory_space<semaphore_mem>>
      %dma_start3A = arith.constant 0 : i32
      %dma_start3A_53 = tpu.memref_slice %arg6[%add3A_19, %dma_start3A] : memref<20480x128xf32, #tpu.memory_space<hbm>> -> memref<128x128xf32, #tpu.memory_space<hbm>>
      %dma_start3A_54 = arith.constant 0 : i32
      %dma_start3A_55 = tpu.memref_slice %arg6[%add3A_19, %dma_start3A_54] : memref<20480x128xf32, #tpu.memory_space<hbm>> -> memref<128x128xf32, #tpu.memory_space<hbm>>
      tpu.enqueue_dma source(%arg10 : memref<128x128xf32, #tpu.memory_space<vmem>>) target(%dma_start3A_55 : memref<128x128xf32, #tpu.memory_space<hbm>>) target_semaphore(%run_scoped3A_52 : memref<!tpu.dma_semaphore, #tpu.memory_space<semaphore_mem>>)
      %dma_wait3A = arith.constant 0 : i32
      %dma_wait3A_56 = tpu.memref_slice %arg6[%add3A_19, %dma_wait3A] : memref<20480x128xf32, #tpu.memory_space<hbm>> -> memref<128x128xf32, #tpu.memory_space<hbm>>
      %dma_wait3A_57 = arith.constant 0 : i32
      %dma_wait3A_58 = tpu.memref_slice %arg6[%add3A_19, %dma_wait3A_57] : memref<20480x128xf32, #tpu.memory_space<hbm>> -> memref<128x128xf32, #tpu.memory_space<hbm>>
      tpu.wait_dma2 semaphore(%run_scoped3A_52 : memref<!tpu.dma_semaphore, #tpu.memory_space<semaphore_mem>>) src(%arg10 : memref<128x128xf32, #tpu.memory_space<vmem>>) dst(%dma_wait3A_58 : memref<128x128xf32, #tpu.memory_space<hbm>>)
      tpu.yield
    }) : () -> ()
    %run_scoped3A_20 = arith.constant 1 : i32
    "tpu.region"() ({
      %run_scoped3A_52 = tpu.sem_alloc : memref<!tpu.dma_semaphore, #tpu.memory_space<semaphore_mem>>
      %dma_start3A = arith.constant 0 : i32
      %dma_start3A_53 = tpu.memref_slice %arg8[%run_scoped3A_20, %dma_start3A] : memref<5x128xi32, #tpu.memory_space<vmem>> -> memref<1x128xi32, #tpu.memory_space<vmem>>
      %dma_start3A_54 = tpu.memref_squeeze %dma_start3A_53 : memref<1x128xi32, #tpu.memory_space<vmem>> -> memref<128xi32, #tpu.memory_space<vmem>>
      %dma_start3A_55 = arith.constant 0 : i32
      %dma_start3A_56 = arith.constant 0 : i32
      %dma_start3A_57 = tpu.memref_slice %arg11[%dma_start3A_55, %dma_start3A_56] : memref<10240x128xf32, #tpu.memory_space<vmem_shared>> -> memref<10240x128xf32, #tpu.memory_space<vmem_shared>>
      tpu.enqueue_indirect_dma source(%dma_start3A_57 : memref<10240x128xf32, #tpu.memory_space<vmem_shared>>) target(%arg10 : memref<128x128xf32, #tpu.memory_space<vmem>>) offsets(%dma_start3A_54 : memref<128xi32, #tpu.memory_space<vmem>>) semaphore(%run_scoped3A_52 : memref<!tpu.dma_semaphore, #tpu.memory_space<semaphore_mem>>)
      %dma_wait3A = arith.constant 0 : i32
      %dma_wait3A_58 = tpu.memref_slice %arg8[%run_scoped3A_20, %dma_wait3A] : memref<5x128xi32, #tpu.memory_space<vmem>> -> memref<1x128xi32, #tpu.memory_space<vmem>>
      %dma_wait3A_59 = tpu.memref_squeeze %dma_wait3A_58 : memref<1x128xi32, #tpu.memory_space<vmem>> -> memref<128xi32, #tpu.memory_space<vmem>>
      %dma_wait3A_60 = arith.constant 0 : i32
      %dma_wait3A_61 = arith.constant 0 : i32
      %dma_wait3A_62 = tpu.memref_slice %arg11[%dma_wait3A_60, %dma_wait3A_61] : memref<10240x128xf32, #tpu.memory_space<vmem_shared>> -> memref<10240x128xf32, #tpu.memory_space<vmem_shared>>
      tpu.wait_indirect_dma semaphore(%run_scoped3A_52 : memref<!tpu.dma_semaphore, #tpu.memory_space<semaphore_mem>>) src(%dma_wait3A_62 : memref<10240x128xf32, #tpu.memory_space<vmem_shared>>) dst(%arg10 : memref<128x128xf32, #tpu.memory_space<vmem>>)
      tpu.yield
    }) : () -> ()
    %mul3A_21 = arith.constant 10240 : i32
    %mul3A_22 = arith.muli %arg0, %mul3A_21 : i32
    %mul3A_23 = arith.constant 640 : i32
    %mul3A_24 = arith.muli %arg1, %mul3A_23 : i32
    %add3A_25 = arith.addi %mul3A_22, %mul3A_24 : i32
    %add3A_26 = arith.constant 128 : i32
    %add3A_27 = arith.addi %add3A_25, %add3A_26 : i32
    "tpu.region"() ({
      %run_scoped3A_52 = tpu.sem_alloc : memref<!tpu.dma_semaphore, #tpu.memory_space<semaphore_mem>>
      %dma_start3A = arith.constant 0 : i32
      %dma_start3A_53 = tpu.memref_slice %arg6[%add3A_27, %dma_start3A] : memref<20480x128xf32, #tpu.memory_space<hbm>> -> memref<128x128xf32, #tpu.memory_space<hbm>>
      %dma_start3A_54 = arith.constant 0 : i32
      %dma_start3A_55 = tpu.memref_slice %arg6[%add3A_27, %dma_start3A_54] : memref<20480x128xf32, #tpu.memory_space<hbm>> -> memref<128x128xf32, #tpu.memory_space<hbm>>
      tpu.enqueue_dma source(%arg10 : memref<128x128xf32, #tpu.memory_space<vmem>>) target(%dma_start3A_55 : memref<128x128xf32, #tpu.memory_space<hbm>>) target_semaphore(%run_scoped3A_52 : memref<!tpu.dma_semaphore, #tpu.memory_space<semaphore_mem>>)
      %dma_wait3A = arith.constant 0 : i32
      %dma_wait3A_56 = tpu.memref_slice %arg6[%add3A_27, %dma_wait3A] : memref<20480x128xf32, #tpu.memory_space<hbm>> -> memref<128x128xf32, #tpu.memory_space<hbm>>
      %dma_wait3A_57 = arith.constant 0 : i32
      %dma_wait3A_58 = tpu.memref_slice %arg6[%add3A_27, %dma_wait3A_57] : memref<20480x128xf32, #tpu.memory_space<hbm>> -> memref<128x128xf32, #tpu.memory_space<hbm>>
      tpu.wait_dma2 semaphore(%run_scoped3A_52 : memref<!tpu.dma_semaphore, #tpu.memory_space<semaphore_mem>>) src(%arg10 : memref<128x128xf32, #tpu.memory_space<vmem>>) dst(%dma_wait3A_58 : memref<128x128xf32, #tpu.memory_space<hbm>>)
      tpu.yield
    }) : () -> ()
    %run_scoped3A_28 = arith.constant 2 : i32
    "tpu.region"() ({
      %run_scoped3A_52 = tpu.sem_alloc : memref<!tpu.dma_semaphore, #tpu.memory_space<semaphore_mem>>
      %dma_start3A = arith.constant 0 : i32
      %dma_start3A_53 = tpu.memref_slice %arg8[%run_scoped3A_28, %dma_start3A] : memref<5x128xi32, #tpu.memory_space<vmem>> -> memref<1x128xi32, #tpu.memory_space<vmem>>
      %dma_start3A_54 = tpu.memref_squeeze %dma_start3A_53 : memref<1x128xi32, #tpu.memory_space<vmem>> -> memref<128xi32, #tpu.memory_space<vmem>>
      %dma_start3A_55 = arith.constant 0 : i32
      %dma_start3A_56 = arith.constant 0 : i32
      %dma_start3A_57 = tpu.memref_slice %arg11[%dma_start3A_55, %dma_start3A_56] : memref<10240x128xf32, #tpu.memory_space<vmem_shared>> -> memref<10240x128xf32, #tpu.memory_space<vmem_shared>>
      tpu.enqueue_indirect_dma source(%dma_start3A_57 : memref<10240x128xf32, #tpu.memory_space<vmem_shared>>) target(%arg10 : memref<128x128xf32, #tpu.memory_space<vmem>>) offsets(%dma_start3A_54 : memref<128xi32, #tpu.memory_space<vmem>>) semaphore(%run_scoped3A_52 : memref<!tpu.dma_semaphore, #tpu.memory_space<semaphore_mem>>)
      %dma_wait3A = arith.constant 0 : i32
      %dma_wait3A_58 = tpu.memref_slice %arg8[%run_scoped3A_28, %dma_wait3A] : memref<5x128xi32, #tpu.memory_space<vmem>> -> memref<1x128xi32, #tpu.memory_space<vmem>>
      %dma_wait3A_59 = tpu.memref_squeeze %dma_wait3A_58 : memref<1x128xi32, #tpu.memory_space<vmem>> -> memref<128xi32, #tpu.memory_space<vmem>>
      %dma_wait3A_60 = arith.constant 0 : i32
      %dma_wait3A_61 = arith.constant 0 : i32
      %dma_wait3A_62 = tpu.memref_slice %arg11[%dma_wait3A_60, %dma_wait3A_61] : memref<10240x128xf32, #tpu.memory_space<vmem_shared>> -> memref<10240x128xf32, #tpu.memory_space<vmem_shared>>
      tpu.wait_indirect_dma semaphore(%run_scoped3A_52 : memref<!tpu.dma_semaphore, #tpu.memory_space<semaphore_mem>>) src(%dma_wait3A_62 : memref<10240x128xf32, #tpu.memory_space<vmem_shared>>) dst(%arg10 : memref<128x128xf32, #tpu.memory_space<vmem>>)
      tpu.yield
    }) : () -> ()
    %mul3A_29 = arith.constant 10240 : i32
    %mul3A_30 = arith.muli %arg0, %mul3A_29 : i32
    %mul3A_31 = arith.constant 640 : i32
    %mul3A_32 = arith.muli %arg1, %mul3A_31 : i32
    %add3A_33 = arith.addi %mul3A_30, %mul3A_32 : i32
    %add3A_34 = arith.constant 256 : i32
    %add3A_35 = arith.addi %add3A_33, %add3A_34 : i32
    "tpu.region"() ({
      %run_scoped3A_52 = tpu.sem_alloc : memref<!tpu.dma_semaphore, #tpu.memory_space<semaphore_mem>>
      %dma_start3A = arith.constant 0 : i32
      %dma_start3A_53 = tpu.memref_slice %arg6[%add3A_35, %dma_start3A] : memref<20480x128xf32, #tpu.memory_space<hbm>> -> memref<128x128xf32, #tpu.memory_space<hbm>>
      %dma_start3A_54 = arith.constant 0 : i32
      %dma_start3A_55 = tpu.memref_slice %arg6[%add3A_35, %dma_start3A_54] : memref<20480x128xf32, #tpu.memory_space<hbm>> -> memref<128x128xf32, #tpu.memory_space<hbm>>
      tpu.enqueue_dma source(%arg10 : memref<128x128xf32, #tpu.memory_space<vmem>>) target(%dma_start3A_55 : memref<128x128xf32, #tpu.memory_space<hbm>>) target_semaphore(%run_scoped3A_52 : memref<!tpu.dma_semaphore, #tpu.memory_space<semaphore_mem>>)
      %dma_wait3A = arith.constant 0 : i32
      %dma_wait3A_56 = tpu.memref_slice %arg6[%add3A_35, %dma_wait3A] : memref<20480x128xf32, #tpu.memory_space<hbm>> -> memref<128x128xf32, #tpu.memory_space<hbm>>
      %dma_wait3A_57 = arith.constant 0 : i32
      %dma_wait3A_58 = tpu.memref_slice %arg6[%add3A_35, %dma_wait3A_57] : memref<20480x128xf32, #tpu.memory_space<hbm>> -> memref<128x128xf32, #tpu.memory_space<hbm>>
      tpu.wait_dma2 semaphore(%run_scoped3A_52 : memref<!tpu.dma_semaphore, #tpu.memory_space<semaphore_mem>>) src(%arg10 : memref<128x128xf32, #tpu.memory_space<vmem>>) dst(%dma_wait3A_58 : memref<128x128xf32, #tpu.memory_space<hbm>>)
      tpu.yield
    }) : () -> ()
    %run_scoped3A_36 = arith.constant 3 : i32
    "tpu.region"() ({
      %run_scoped3A_52 = tpu.sem_alloc : memref<!tpu.dma_semaphore, #tpu.memory_space<semaphore_mem>>
      %dma_start3A = arith.constant 0 : i32
      %dma_start3A_53 = tpu.memref_slice %arg8[%run_scoped3A_36, %dma_start3A] : memref<5x128xi32, #tpu.memory_space<vmem>> -> memref<1x128xi32, #tpu.memory_space<vmem>>
      %dma_start3A_54 = tpu.memref_squeeze %dma_start3A_53 : memref<1x128xi32, #tpu.memory_space<vmem>> -> memref<128xi32, #tpu.memory_space<vmem>>
      %dma_start3A_55 = arith.constant 0 : i32
      %dma_start3A_56 = arith.constant 0 : i32
      %dma_start3A_57 = tpu.memref_slice %arg11[%dma_start3A_55, %dma_start3A_56] : memref<10240x128xf32, #tpu.memory_space<vmem_shared>> -> memref<10240x128xf32, #tpu.memory_space<vmem_shared>>
      tpu.enqueue_indirect_dma source(%dma_start3A_57 : memref<10240x128xf32, #tpu.memory_space<vmem_shared>>) target(%arg10 : memref<128x128xf32, #tpu.memory_space<vmem>>) offsets(%dma_start3A_54 : memref<128xi32, #tpu.memory_space<vmem>>) semaphore(%run_scoped3A_52 : memref<!tpu.dma_semaphore, #tpu.memory_space<semaphore_mem>>)
      %dma_wait3A = arith.constant 0 : i32
      %dma_wait3A_58 = tpu.memref_slice %arg8[%run_scoped3A_36, %dma_wait3A] : memref<5x128xi32, #tpu.memory_space<vmem>> -> memref<1x128xi32, #tpu.memory_space<vmem>>
      %dma_wait3A_59 = tpu.memref_squeeze %dma_wait3A_58 : memref<1x128xi32, #tpu.memory_space<vmem>> -> memref<128xi32, #tpu.memory_space<vmem>>
      %dma_wait3A_60 = arith.constant 0 : i32
      %dma_wait3A_61 = arith.constant 0 : i32
      %dma_wait3A_62 = tpu.memref_slice %arg11[%dma_wait3A_60, %dma_wait3A_61] : memref<10240x128xf32, #tpu.memory_space<vmem_shared>> -> memref<10240x128xf32, #tpu.memory_space<vmem_shared>>
      tpu.wait_indirect_dma semaphore(%run_scoped3A_52 : memref<!tpu.dma_semaphore, #tpu.memory_space<semaphore_mem>>) src(%dma_wait3A_62 : memref<10240x128xf32, #tpu.memory_space<vmem_shared>>) dst(%arg10 : memref<128x128xf32, #tpu.memory_space<vmem>>)
      tpu.yield
    }) : () -> ()
    %mul3A_37 = arith.constant 10240 : i32
    %mul3A_38 = arith.muli %arg0, %mul3A_37 : i32
    %mul3A_39 = arith.constant 640 : i32
    %mul3A_40 = arith.muli %arg1, %mul3A_39 : i32
    %add3A_41 = arith.addi %mul3A_38, %mul3A_40 : i32
    %add3A_42 = arith.constant 384 : i32
    %add3A_43 = arith.addi %add3A_41, %add3A_42 : i32
    "tpu.region"() ({
      %run_scoped3A_52 = tpu.sem_alloc : memref<!tpu.dma_semaphore, #tpu.memory_space<semaphore_mem>>
      %dma_start3A = arith.constant 0 : i32
      %dma_start3A_53 = tpu.memref_slice %arg6[%add3A_43, %dma_start3A] : memref<20480x128xf32, #tpu.memory_space<hbm>> -> memref<128x128xf32, #tpu.memory_space<hbm>>
      %dma_start3A_54 = arith.constant 0 : i32
      %dma_start3A_55 = tpu.memref_slice %arg6[%add3A_43, %dma_start3A_54] : memref<20480x128xf32, #tpu.memory_space<hbm>> -> memref<128x128xf32, #tpu.memory_space<hbm>>
      tpu.enqueue_dma source(%arg10 : memref<128x128xf32, #tpu.memory_space<vmem>>) target(%dma_start3A_55 : memref<128x128xf32, #tpu.memory_space<hbm>>) target_semaphore(%run_scoped3A_52 : memref<!tpu.dma_semaphore, #tpu.memory_space<semaphore_mem>>)
      %dma_wait3A = arith.constant 0 : i32
      %dma_wait3A_56 = tpu.memref_slice %arg6[%add3A_43, %dma_wait3A] : memref<20480x128xf32, #tpu.memory_space<hbm>> -> memref<128x128xf32, #tpu.memory_space<hbm>>
      %dma_wait3A_57 = arith.constant 0 : i32
      %dma_wait3A_58 = tpu.memref_slice %arg6[%add3A_43, %dma_wait3A_57] : memref<20480x128xf32, #tpu.memory_space<hbm>> -> memref<128x128xf32, #tpu.memory_space<hbm>>
      tpu.wait_dma2 semaphore(%run_scoped3A_52 : memref<!tpu.dma_semaphore, #tpu.memory_space<semaphore_mem>>) src(%arg10 : memref<128x128xf32, #tpu.memory_space<vmem>>) dst(%dma_wait3A_58 : memref<128x128xf32, #tpu.memory_space<hbm>>)
      tpu.yield
    }) : () -> ()
    %run_scoped3A_44 = arith.constant 4 : i32
    "tpu.region"() ({
      %run_scoped3A_52 = tpu.sem_alloc : memref<!tpu.dma_semaphore, #tpu.memory_space<semaphore_mem>>
      %dma_start3A = arith.constant 0 : i32
      %dma_start3A_53 = tpu.memref_slice %arg8[%run_scoped3A_44, %dma_start3A] : memref<5x128xi32, #tpu.memory_space<vmem>> -> memref<1x128xi32, #tpu.memory_space<vmem>>
      %dma_start3A_54 = tpu.memref_squeeze %dma_start3A_53 : memref<1x128xi32, #tpu.memory_space<vmem>> -> memref<128xi32, #tpu.memory_space<vmem>>
      %dma_start3A_55 = arith.constant 0 : i32
      %dma_start3A_56 = arith.constant 0 : i32
      %dma_start3A_57 = tpu.memref_slice %arg11[%dma_start3A_55, %dma_start3A_56] : memref<10240x128xf32, #tpu.memory_space<vmem_shared>> -> memref<10240x128xf32, #tpu.memory_space<vmem_shared>>
      tpu.enqueue_indirect_dma source(%dma_start3A_57 : memref<10240x128xf32, #tpu.memory_space<vmem_shared>>) target(%arg10 : memref<128x128xf32, #tpu.memory_space<vmem>>) offsets(%dma_start3A_54 : memref<128xi32, #tpu.memory_space<vmem>>) semaphore(%run_scoped3A_52 : memref<!tpu.dma_semaphore, #tpu.memory_space<semaphore_mem>>)
      %dma_wait3A = arith.constant 0 : i32
      %dma_wait3A_58 = tpu.memref_slice %arg8[%run_scoped3A_44, %dma_wait3A] : memref<5x128xi32, #tpu.memory_space<vmem>> -> memref<1x128xi32, #tpu.memory_space<vmem>>
      %dma_wait3A_59 = tpu.memref_squeeze %dma_wait3A_58 : memref<1x128xi32, #tpu.memory_space<vmem>> -> memref<128xi32, #tpu.memory_space<vmem>>
      %dma_wait3A_60 = arith.constant 0 : i32
      %dma_wait3A_61 = arith.constant 0 : i32
      %dma_wait3A_62 = tpu.memref_slice %arg11[%dma_wait3A_60, %dma_wait3A_61] : memref<10240x128xf32, #tpu.memory_space<vmem_shared>> -> memref<10240x128xf32, #tpu.memory_space<vmem_shared>>
      tpu.wait_indirect_dma semaphore(%run_scoped3A_52 : memref<!tpu.dma_semaphore, #tpu.memory_space<semaphore_mem>>) src(%dma_wait3A_62 : memref<10240x128xf32, #tpu.memory_space<vmem_shared>>) dst(%arg10 : memref<128x128xf32, #tpu.memory_space<vmem>>)
      tpu.yield
    }) : () -> ()
    %mul3A_45 = arith.constant 10240 : i32
    %mul3A_46 = arith.muli %arg0, %mul3A_45 : i32
    %mul3A_47 = arith.constant 640 : i32
    %mul3A_48 = arith.muli %arg1, %mul3A_47 : i32
    %add3A_49 = arith.addi %mul3A_46, %mul3A_48 : i32
    %add3A_50 = arith.constant 512 : i32
    %add3A_51 = arith.addi %add3A_49, %add3A_50 : i32
    "tpu.region"() ({
      %run_scoped3A_52 = tpu.sem_alloc : memref<!tpu.dma_semaphore, #tpu.memory_space<semaphore_mem>>
      %dma_start3A = arith.constant 0 : i32
      %dma_start3A_53 = tpu.memref_slice %arg6[%add3A_51, %dma_start3A] : memref<20480x128xf32, #tpu.memory_space<hbm>> -> memref<128x128xf32, #tpu.memory_space<hbm>>
      %dma_start3A_54 = arith.constant 0 : i32
      %dma_start3A_55 = tpu.memref_slice %arg6[%add3A_51, %dma_start3A_54] : memref<20480x128xf32, #tpu.memory_space<hbm>> -> memref<128x128xf32, #tpu.memory_space<hbm>>
      tpu.enqueue_dma source(%arg10 : memref<128x128xf32, #tpu.memory_space<vmem>>) target(%dma_start3A_55 : memref<128x128xf32, #tpu.memory_space<hbm>>) target_semaphore(%run_scoped3A_52 : memref<!tpu.dma_semaphore, #tpu.memory_space<semaphore_mem>>)
      %dma_wait3A = arith.constant 0 : i32
      %dma_wait3A_56 = tpu.memref_slice %arg6[%add3A_51, %dma_wait3A] : memref<20480x128xf32, #tpu.memory_space<hbm>> -> memref<128x128xf32, #tpu.memory_space<hbm>>
      %dma_wait3A_57 = arith.constant 0 : i32
      %dma_wait3A_58 = tpu.memref_slice %arg6[%add3A_51, %dma_wait3A_57] : memref<20480x128xf32, #tpu.memory_space<hbm>> -> memref<128x128xf32, #tpu.memory_space<hbm>>
      tpu.wait_dma2 semaphore(%run_scoped3A_52 : memref<!tpu.dma_semaphore, #tpu.memory_space<semaphore_mem>>) src(%arg10 : memref<128x128xf32, #tpu.memory_space<vmem>>) dst(%dma_wait3A_58 : memref<128x128xf32, #tpu.memory_space<hbm>>)
      tpu.yield
    }) : () -> ()
    return
  }
}

#map = affine_map<(d0, d1) -> (0, 0)>
#map1 = affine_map<(d0, d1) -> (0, 0, 0, 0)>
#map2 = affine_map<(d0, d1) -> (0, 0, 0)>
module attributes {stable_mosaic.version = 14 : i64} {
  func.func @agg(%arg0: i32, %arg1: i32, %arg2: memref<40960x128xf32, #tpu.memory_space<hbm>>, %arg3: memref<4x16x80x128xi32, #tpu.memory_space<hbm>>, %arg4: memref<16x80x128xi32, #tpu.memory_space<hbm>>, %arg5: memref<16x5x128xi32, #tpu.memory_space<hbm>>, %arg6: memref<40960x128xf32, #tpu.memory_space<hbm>>, %arg7: memref<40x128xi32, #tpu.memory_space<vmem>>, %arg8: memref<40x128xi32, #tpu.memory_space<vmem>>, %arg9: memref<5x128xi32, #tpu.memory_space<vmem>>, %arg10: memref<2x128x128xf32, #tpu.memory_space<vmem>>, %arg11: memref<10240x128xf32, #tpu.memory_space<vmem_shared>>, %arg12: memref<!tpu.dma_semaphore, #tpu.memory_space<semaphore_mem>>, %arg13: memref<!tpu.dma_semaphore, #tpu.memory_space<semaphore_mem>>, %arg14: memref<!tpu.dma_semaphore, #tpu.memory_space<semaphore_mem>>, %arg15: memref<!tpu.dma_semaphore, #tpu.memory_space<semaphore_mem>>) attributes {dimension_semantics = [#tpu.dimension_semantics<core_parallel>, #tpu.dimension_semantics<subcore_parallel>], iteration_bounds = array<i64: 2, 16>, scalar_prefetch = 0 : i64, scratch_operands = 9 : i64, tpu.core_type = #tpu.core_type<sc_vector_subcore>, window_params = [{transform_indices = #map}, {transform_indices = #map1}, {transform_indices = #map2}, {transform_indices = #map2}, {transform_indices = #map}]} {
    "tpu.region"() ({
      %run_scoped3A_296 = tpu.sem_alloc : memref<!tpu.dma_semaphore, #tpu.memory_space<semaphore_mem>>
      %dma_start3A_297 = arith.constant 0 : i32
      %dma_start3A_298 = arith.constant 0 : i32
      %dma_start3A_299 = tpu.memref_slice %arg5[%arg1, %dma_start3A_297, %dma_start3A_298] : memref<16x5x128xi32, #tpu.memory_space<hbm>> -> memref<1x5x128xi32, #tpu.memory_space<hbm>>
      %dma_start3A_300 = tpu.memref_squeeze %dma_start3A_299 : memref<1x5x128xi32, #tpu.memory_space<hbm>> -> memref<5x128xi32, #tpu.memory_space<hbm>>
      %dma_start3A_301 = arith.constant 0 : i32
      %dma_start3A_302 = arith.constant 0 : i32
      %dma_start3A_303 = tpu.memref_slice %arg5[%arg1, %dma_start3A_301, %dma_start3A_302] : memref<16x5x128xi32, #tpu.memory_space<hbm>> -> memref<1x5x128xi32, #tpu.memory_space<hbm>>
      %dma_start3A_304 = tpu.memref_squeeze %dma_start3A_303 : memref<1x5x128xi32, #tpu.memory_space<hbm>> -> memref<5x128xi32, #tpu.memory_space<hbm>>
      tpu.enqueue_dma source(%dma_start3A_304 : memref<5x128xi32, #tpu.memory_space<hbm>>) target(%arg9 : memref<5x128xi32, #tpu.memory_space<vmem>>) target_semaphore(%run_scoped3A_296 : memref<!tpu.dma_semaphore, #tpu.memory_space<semaphore_mem>>)
      %dma_wait3A = arith.constant 0 : i32
      %dma_wait3A_305 = arith.constant 0 : i32
      %dma_wait3A_306 = tpu.memref_slice %arg5[%arg1, %dma_wait3A, %dma_wait3A_305] : memref<16x5x128xi32, #tpu.memory_space<hbm>> -> memref<1x5x128xi32, #tpu.memory_space<hbm>>
      %dma_wait3A_307 = tpu.memref_squeeze %dma_wait3A_306 : memref<1x5x128xi32, #tpu.memory_space<hbm>> -> memref<5x128xi32, #tpu.memory_space<hbm>>
      %dma_wait3A_308 = arith.constant 0 : i32
      %dma_wait3A_309 = arith.constant 0 : i32
      %dma_wait3A_310 = tpu.memref_slice %arg5[%arg1, %dma_wait3A_308, %dma_wait3A_309] : memref<16x5x128xi32, #tpu.memory_space<hbm>> -> memref<1x5x128xi32, #tpu.memory_space<hbm>>
      %dma_wait3A_311 = tpu.memref_squeeze %dma_wait3A_310 : memref<1x5x128xi32, #tpu.memory_space<hbm>> -> memref<5x128xi32, #tpu.memory_space<hbm>>
      tpu.wait_dma2 semaphore(%run_scoped3A_296 : memref<!tpu.dma_semaphore, #tpu.memory_space<semaphore_mem>>) src(%dma_wait3A_311 : memref<5x128xi32, #tpu.memory_space<hbm>>) dst(%arg9 : memref<5x128xi32, #tpu.memory_space<vmem>>)
      tpu.yield
    }) : () -> ()
    %mul3A = arith.constant 2 : i32
    %mul3A_0 = arith.muli %arg0, %mul3A : i32
    %add3A = arith.constant 0 : i32
    %add3A_1 = arith.addi %mul3A_0, %add3A : i32
    %mul3A_2 = arith.constant 10240 : i32
    %mul3A_3 = arith.muli %add3A_1, %mul3A_2 : i32
    %mul3A_4 = arith.constant 640 : i32
    %mul3A_5 = arith.muli %arg1, %mul3A_4 : i32
    %add3A_6 = arith.addi %mul3A_3, %mul3A_5 : i32
    %add3A_7 = arith.constant 0 : i32
    %add3A_8 = arith.addi %add3A_6, %add3A_7 : i32
    %run_scoped3A = arith.constant 0 : i32
    "tpu.region"() ({
      %run_scoped3A_296 = tpu.sem_alloc : memref<!tpu.dma_semaphore, #tpu.memory_space<semaphore_mem>>
      %dma_start3A_297 = arith.constant 0 : i32
      %dma_start3A_298 = arith.constant 0 : i32
      %dma_start3A_299 = tpu.memref_slice %arg10[%run_scoped3A, %dma_start3A_297, %dma_start3A_298] : memref<2x128x128xf32, #tpu.memory_space<vmem>> -> memref<1x128x128xf32, #tpu.memory_space<vmem>>
      %dma_start3A_300 = tpu.memref_squeeze %dma_start3A_299 : memref<1x128x128xf32, #tpu.memory_space<vmem>> -> memref<128x128xf32, #tpu.memory_space<vmem>>
      %dma_start3A_301 = arith.constant 0 : i32
      %dma_start3A_302 = tpu.memref_slice %arg2[%add3A_8, %dma_start3A_301] : memref<40960x128xf32, #tpu.memory_space<hbm>> -> memref<128x128xf32, #tpu.memory_space<hbm>>
      %dma_start3A_303 = arith.constant 0 : i32
      %dma_start3A_304 = arith.constant 0 : i32
      %dma_start3A_305 = tpu.memref_slice %arg10[%run_scoped3A, %dma_start3A_303, %dma_start3A_304] : memref<2x128x128xf32, #tpu.memory_space<vmem>> -> memref<1x128x128xf32, #tpu.memory_space<vmem>>
      %dma_start3A_306 = tpu.memref_squeeze %dma_start3A_305 : memref<1x128x128xf32, #tpu.memory_space<vmem>> -> memref<128x128xf32, #tpu.memory_space<vmem>>
      %dma_start3A_307 = arith.constant 0 : i32
      %dma_start3A_308 = tpu.memref_slice %arg2[%add3A_8, %dma_start3A_307] : memref<40960x128xf32, #tpu.memory_space<hbm>> -> memref<128x128xf32, #tpu.memory_space<hbm>>
      tpu.enqueue_dma source(%dma_start3A_308 : memref<128x128xf32, #tpu.memory_space<hbm>>) target(%dma_start3A_306 : memref<128x128xf32, #tpu.memory_space<vmem>>) target_semaphore(%run_scoped3A_296 : memref<!tpu.dma_semaphore, #tpu.memory_space<semaphore_mem>>)
      %dma_wait3A = arith.constant 0 : i32
      %dma_wait3A_309 = arith.constant 0 : i32
      %dma_wait3A_310 = tpu.memref_slice %arg10[%run_scoped3A, %dma_wait3A, %dma_wait3A_309] : memref<2x128x128xf32, #tpu.memory_space<vmem>> -> memref<1x128x128xf32, #tpu.memory_space<vmem>>
      %dma_wait3A_311 = tpu.memref_squeeze %dma_wait3A_310 : memref<1x128x128xf32, #tpu.memory_space<vmem>> -> memref<128x128xf32, #tpu.memory_space<vmem>>
      %dma_wait3A_312 = arith.constant 0 : i32
      %dma_wait3A_313 = tpu.memref_slice %arg2[%add3A_8, %dma_wait3A_312] : memref<40960x128xf32, #tpu.memory_space<hbm>> -> memref<128x128xf32, #tpu.memory_space<hbm>>
      %dma_wait3A_314 = arith.constant 0 : i32
      %dma_wait3A_315 = arith.constant 0 : i32
      %dma_wait3A_316 = tpu.memref_slice %arg10[%run_scoped3A, %dma_wait3A_314, %dma_wait3A_315] : memref<2x128x128xf32, #tpu.memory_space<vmem>> -> memref<1x128x128xf32, #tpu.memory_space<vmem>>
      %dma_wait3A_317 = tpu.memref_squeeze %dma_wait3A_316 : memref<1x128x128xf32, #tpu.memory_space<vmem>> -> memref<128x128xf32, #tpu.memory_space<vmem>>
      %dma_wait3A_318 = arith.constant 0 : i32
      %dma_wait3A_319 = tpu.memref_slice %arg2[%add3A_8, %dma_wait3A_318] : memref<40960x128xf32, #tpu.memory_space<hbm>> -> memref<128x128xf32, #tpu.memory_space<hbm>>
      tpu.wait_dma2 semaphore(%run_scoped3A_296 : memref<!tpu.dma_semaphore, #tpu.memory_space<semaphore_mem>>) src(%dma_wait3A_319 : memref<128x128xf32, #tpu.memory_space<hbm>>) dst(%dma_wait3A_317 : memref<128x128xf32, #tpu.memory_space<vmem>>)
      tpu.yield
    }) : () -> ()
    %run_scoped3A_9 = arith.constant 0 : i32
    %run_scoped3A_10 = arith.constant 0 : i32
    "tpu.region"() ({
      %run_scoped3A_296 = tpu.sem_alloc : memref<!tpu.dma_semaphore, #tpu.memory_space<semaphore_mem>>
      %dma_start3A_297 = arith.constant 0 : i32
      %dma_start3A_298 = arith.constant 0 : i32
      %dma_start3A_299 = tpu.memref_slice %arg10[%run_scoped3A_9, %dma_start3A_297, %dma_start3A_298] : memref<2x128x128xf32, #tpu.memory_space<vmem>> -> memref<1x128x128xf32, #tpu.memory_space<vmem>>
      %dma_start3A_300 = tpu.memref_squeeze %dma_start3A_299 : memref<1x128x128xf32, #tpu.memory_space<vmem>> -> memref<128x128xf32, #tpu.memory_space<vmem>>
      %dma_start3A_301 = arith.constant 0 : i32
      %dma_start3A_302 = tpu.memref_slice %arg9[%run_scoped3A_10, %dma_start3A_301] : memref<5x128xi32, #tpu.memory_space<vmem>> -> memref<1x128xi32, #tpu.memory_space<vmem>>
      %dma_start3A_303 = tpu.memref_squeeze %dma_start3A_302 : memref<1x128xi32, #tpu.memory_space<vmem>> -> memref<128xi32, #tpu.memory_space<vmem>>
      %dma_start3A_304 = arith.constant 0 : i32
      %dma_start3A_305 = arith.constant 0 : i32
      %dma_start3A_306 = tpu.memref_slice %arg11[%dma_start3A_304, %dma_start3A_305] : memref<10240x128xf32, #tpu.memory_space<vmem_shared>> -> memref<10240x128xf32, #tpu.memory_space<vmem_shared>>
      tpu.enqueue_indirect_dma source(%dma_start3A_300 : memref<128x128xf32, #tpu.memory_space<vmem>>) target(%dma_start3A_306 : memref<10240x128xf32, #tpu.memory_space<vmem_shared>>) offsets(%dma_start3A_303 : memref<128xi32, #tpu.memory_space<vmem>>) semaphore(%run_scoped3A_296 : memref<!tpu.dma_semaphore, #tpu.memory_space<semaphore_mem>>)
      %dma_wait3A = arith.constant 0 : i32
      %dma_wait3A_307 = arith.constant 0 : i32
      %dma_wait3A_308 = tpu.memref_slice %arg10[%run_scoped3A_9, %dma_wait3A, %dma_wait3A_307] : memref<2x128x128xf32, #tpu.memory_space<vmem>> -> memref<1x128x128xf32, #tpu.memory_space<vmem>>
      %dma_wait3A_309 = tpu.memref_squeeze %dma_wait3A_308 : memref<1x128x128xf32, #tpu.memory_space<vmem>> -> memref<128x128xf32, #tpu.memory_space<vmem>>
      %dma_wait3A_310 = arith.constant 0 : i32
      %dma_wait3A_311 = tpu.memref_slice %arg9[%run_scoped3A_10, %dma_wait3A_310] : memref<5x128xi32, #tpu.memory_space<vmem>> -> memref<1x128xi32, #tpu.memory_space<vmem>>
      %dma_wait3A_312 = tpu.memref_squeeze %dma_wait3A_311 : memref<1x128xi32, #tpu.memory_space<vmem>> -> memref<128xi32, #tpu.memory_space<vmem>>
      %dma_wait3A_313 = arith.constant 0 : i32
      %dma_wait3A_314 = arith.constant 0 : i32
      %dma_wait3A_315 = tpu.memref_slice %arg11[%dma_wait3A_313, %dma_wait3A_314] : memref<10240x128xf32, #tpu.memory_space<vmem_shared>> -> memref<10240x128xf32, #tpu.memory_space<vmem_shared>>
      tpu.wait_indirect_dma semaphore(%run_scoped3A_296 : memref<!tpu.dma_semaphore, #tpu.memory_space<semaphore_mem>>) src(%dma_wait3A_309 : memref<128x128xf32, #tpu.memory_space<vmem>>) dst(%dma_wait3A_315 : memref<10240x128xf32, #tpu.memory_space<vmem_shared>>)
      tpu.yield
    }) : () -> ()
    %mul3A_11 = arith.constant 640 : i32
    %mul3A_12 = arith.muli %arg1, %mul3A_11 : i32
    %add3A_13 = arith.addi %mul3A_3, %mul3A_12 : i32
    %add3A_14 = arith.constant 128 : i32
    %add3A_15 = arith.addi %add3A_13, %add3A_14 : i32
    %run_scoped3A_16 = arith.constant 0 : i32
    "tpu.region"() ({
      %run_scoped3A_296 = tpu.sem_alloc : memref<!tpu.dma_semaphore, #tpu.memory_space<semaphore_mem>>
      %dma_start3A_297 = arith.constant 0 : i32
      %dma_start3A_298 = arith.constant 0 : i32
      %dma_start3A_299 = tpu.memref_slice %arg10[%run_scoped3A_16, %dma_start3A_297, %dma_start3A_298] : memref<2x128x128xf32, #tpu.memory_space<vmem>> -> memref<1x128x128xf32, #tpu.memory_space<vmem>>
      %dma_start3A_300 = tpu.memref_squeeze %dma_start3A_299 : memref<1x128x128xf32, #tpu.memory_space<vmem>> -> memref<128x128xf32, #tpu.memory_space<vmem>>
      %dma_start3A_301 = arith.constant 0 : i32
      %dma_start3A_302 = tpu.memref_slice %arg2[%add3A_15, %dma_start3A_301] : memref<40960x128xf32, #tpu.memory_space<hbm>> -> memref<128x128xf32, #tpu.memory_space<hbm>>
      %dma_start3A_303 = arith.constant 0 : i32
      %dma_start3A_304 = arith.constant 0 : i32
      %dma_start3A_305 = tpu.memref_slice %arg10[%run_scoped3A_16, %dma_start3A_303, %dma_start3A_304] : memref<2x128x128xf32, #tpu.memory_space<vmem>> -> memref<1x128x128xf32, #tpu.memory_space<vmem>>
      %dma_start3A_306 = tpu.memref_squeeze %dma_start3A_305 : memref<1x128x128xf32, #tpu.memory_space<vmem>> -> memref<128x128xf32, #tpu.memory_space<vmem>>
      %dma_start3A_307 = arith.constant 0 : i32
      %dma_start3A_308 = tpu.memref_slice %arg2[%add3A_15, %dma_start3A_307] : memref<40960x128xf32, #tpu.memory_space<hbm>> -> memref<128x128xf32, #tpu.memory_space<hbm>>
      tpu.enqueue_dma source(%dma_start3A_308 : memref<128x128xf32, #tpu.memory_space<hbm>>) target(%dma_start3A_306 : memref<128x128xf32, #tpu.memory_space<vmem>>) target_semaphore(%run_scoped3A_296 : memref<!tpu.dma_semaphore, #tpu.memory_space<semaphore_mem>>)
      %dma_wait3A = arith.constant 0 : i32
      %dma_wait3A_309 = arith.constant 0 : i32
      %dma_wait3A_310 = tpu.memref_slice %arg10[%run_scoped3A_16, %dma_wait3A, %dma_wait3A_309] : memref<2x128x128xf32, #tpu.memory_space<vmem>> -> memref<1x128x128xf32, #tpu.memory_space<vmem>>
      %dma_wait3A_311 = tpu.memref_squeeze %dma_wait3A_310 : memref<1x128x128xf32, #tpu.memory_space<vmem>> -> memref<128x128xf32, #tpu.memory_space<vmem>>
      %dma_wait3A_312 = arith.constant 0 : i32
      %dma_wait3A_313 = tpu.memref_slice %arg2[%add3A_15, %dma_wait3A_312] : memref<40960x128xf32, #tpu.memory_space<hbm>> -> memref<128x128xf32, #tpu.memory_space<hbm>>
      %dma_wait3A_314 = arith.constant 0 : i32
      %dma_wait3A_315 = arith.constant 0 : i32
      %dma_wait3A_316 = tpu.memref_slice %arg10[%run_scoped3A_16, %dma_wait3A_314, %dma_wait3A_315] : memref<2x128x128xf32, #tpu.memory_space<vmem>> -> memref<1x128x128xf32, #tpu.memory_space<vmem>>
      %dma_wait3A_317 = tpu.memref_squeeze %dma_wait3A_316 : memref<1x128x128xf32, #tpu.memory_space<vmem>> -> memref<128x128xf32, #tpu.memory_space<vmem>>
      %dma_wait3A_318 = arith.constant 0 : i32
      %dma_wait3A_319 = tpu.memref_slice %arg2[%add3A_15, %dma_wait3A_318] : memref<40960x128xf32, #tpu.memory_space<hbm>> -> memref<128x128xf32, #tpu.memory_space<hbm>>
      tpu.wait_dma2 semaphore(%run_scoped3A_296 : memref<!tpu.dma_semaphore, #tpu.memory_space<semaphore_mem>>) src(%dma_wait3A_319 : memref<128x128xf32, #tpu.memory_space<hbm>>) dst(%dma_wait3A_317 : memref<128x128xf32, #tpu.memory_space<vmem>>)
      tpu.yield
    }) : () -> ()
    %run_scoped3A_17 = arith.constant 0 : i32
    %run_scoped3A_18 = arith.constant 1 : i32
    "tpu.region"() ({
      %run_scoped3A_296 = tpu.sem_alloc : memref<!tpu.dma_semaphore, #tpu.memory_space<semaphore_mem>>
      %dma_start3A_297 = arith.constant 0 : i32
      %dma_start3A_298 = arith.constant 0 : i32
      %dma_start3A_299 = tpu.memref_slice %arg10[%run_scoped3A_17, %dma_start3A_297, %dma_start3A_298] : memref<2x128x128xf32, #tpu.memory_space<vmem>> -> memref<1x128x128xf32, #tpu.memory_space<vmem>>
      %dma_start3A_300 = tpu.memref_squeeze %dma_start3A_299 : memref<1x128x128xf32, #tpu.memory_space<vmem>> -> memref<128x128xf32, #tpu.memory_space<vmem>>
      %dma_start3A_301 = arith.constant 0 : i32
      %dma_start3A_302 = tpu.memref_slice %arg9[%run_scoped3A_18, %dma_start3A_301] : memref<5x128xi32, #tpu.memory_space<vmem>> -> memref<1x128xi32, #tpu.memory_space<vmem>>
      %dma_start3A_303 = tpu.memref_squeeze %dma_start3A_302 : memref<1x128xi32, #tpu.memory_space<vmem>> -> memref<128xi32, #tpu.memory_space<vmem>>
      %dma_start3A_304 = arith.constant 0 : i32
      %dma_start3A_305 = arith.constant 0 : i32
      %dma_start3A_306 = tpu.memref_slice %arg11[%dma_start3A_304, %dma_start3A_305] : memref<10240x128xf32, #tpu.memory_space<vmem_shared>> -> memref<10240x128xf32, #tpu.memory_space<vmem_shared>>
      tpu.enqueue_indirect_dma source(%dma_start3A_300 : memref<128x128xf32, #tpu.memory_space<vmem>>) target(%dma_start3A_306 : memref<10240x128xf32, #tpu.memory_space<vmem_shared>>) offsets(%dma_start3A_303 : memref<128xi32, #tpu.memory_space<vmem>>) semaphore(%run_scoped3A_296 : memref<!tpu.dma_semaphore, #tpu.memory_space<semaphore_mem>>)
      %dma_wait3A = arith.constant 0 : i32
      %dma_wait3A_307 = arith.constant 0 : i32
      %dma_wait3A_308 = tpu.memref_slice %arg10[%run_scoped3A_17, %dma_wait3A, %dma_wait3A_307] : memref<2x128x128xf32, #tpu.memory_space<vmem>> -> memref<1x128x128xf32, #tpu.memory_space<vmem>>
      %dma_wait3A_309 = tpu.memref_squeeze %dma_wait3A_308 : memref<1x128x128xf32, #tpu.memory_space<vmem>> -> memref<128x128xf32, #tpu.memory_space<vmem>>
      %dma_wait3A_310 = arith.constant 0 : i32
      %dma_wait3A_311 = tpu.memref_slice %arg9[%run_scoped3A_18, %dma_wait3A_310] : memref<5x128xi32, #tpu.memory_space<vmem>> -> memref<1x128xi32, #tpu.memory_space<vmem>>
      %dma_wait3A_312 = tpu.memref_squeeze %dma_wait3A_311 : memref<1x128xi32, #tpu.memory_space<vmem>> -> memref<128xi32, #tpu.memory_space<vmem>>
      %dma_wait3A_313 = arith.constant 0 : i32
      %dma_wait3A_314 = arith.constant 0 : i32
      %dma_wait3A_315 = tpu.memref_slice %arg11[%dma_wait3A_313, %dma_wait3A_314] : memref<10240x128xf32, #tpu.memory_space<vmem_shared>> -> memref<10240x128xf32, #tpu.memory_space<vmem_shared>>
      tpu.wait_indirect_dma semaphore(%run_scoped3A_296 : memref<!tpu.dma_semaphore, #tpu.memory_space<semaphore_mem>>) src(%dma_wait3A_309 : memref<128x128xf32, #tpu.memory_space<vmem>>) dst(%dma_wait3A_315 : memref<10240x128xf32, #tpu.memory_space<vmem_shared>>)
      tpu.yield
    }) : () -> ()
    %mul3A_19 = arith.constant 640 : i32
    %mul3A_20 = arith.muli %arg1, %mul3A_19 : i32
    %add3A_21 = arith.addi %mul3A_3, %mul3A_20 : i32
    %add3A_22 = arith.constant 256 : i32
    %add3A_23 = arith.addi %add3A_21, %add3A_22 : i32
    %run_scoped3A_24 = arith.constant 0 : i32
    "tpu.region"() ({
      %run_scoped3A_296 = tpu.sem_alloc : memref<!tpu.dma_semaphore, #tpu.memory_space<semaphore_mem>>
      %dma_start3A_297 = arith.constant 0 : i32
      %dma_start3A_298 = arith.constant 0 : i32
      %dma_start3A_299 = tpu.memref_slice %arg10[%run_scoped3A_24, %dma_start3A_297, %dma_start3A_298] : memref<2x128x128xf32, #tpu.memory_space<vmem>> -> memref<1x128x128xf32, #tpu.memory_space<vmem>>
      %dma_start3A_300 = tpu.memref_squeeze %dma_start3A_299 : memref<1x128x128xf32, #tpu.memory_space<vmem>> -> memref<128x128xf32, #tpu.memory_space<vmem>>
      %dma_start3A_301 = arith.constant 0 : i32
      %dma_start3A_302 = tpu.memref_slice %arg2[%add3A_23, %dma_start3A_301] : memref<40960x128xf32, #tpu.memory_space<hbm>> -> memref<128x128xf32, #tpu.memory_space<hbm>>
      %dma_start3A_303 = arith.constant 0 : i32
      %dma_start3A_304 = arith.constant 0 : i32
      %dma_start3A_305 = tpu.memref_slice %arg10[%run_scoped3A_24, %dma_start3A_303, %dma_start3A_304] : memref<2x128x128xf32, #tpu.memory_space<vmem>> -> memref<1x128x128xf32, #tpu.memory_space<vmem>>
      %dma_start3A_306 = tpu.memref_squeeze %dma_start3A_305 : memref<1x128x128xf32, #tpu.memory_space<vmem>> -> memref<128x128xf32, #tpu.memory_space<vmem>>
      %dma_start3A_307 = arith.constant 0 : i32
      %dma_start3A_308 = tpu.memref_slice %arg2[%add3A_23, %dma_start3A_307] : memref<40960x128xf32, #tpu.memory_space<hbm>> -> memref<128x128xf32, #tpu.memory_space<hbm>>
      tpu.enqueue_dma source(%dma_start3A_308 : memref<128x128xf32, #tpu.memory_space<hbm>>) target(%dma_start3A_306 : memref<128x128xf32, #tpu.memory_space<vmem>>) target_semaphore(%run_scoped3A_296 : memref<!tpu.dma_semaphore, #tpu.memory_space<semaphore_mem>>)
      %dma_wait3A = arith.constant 0 : i32
      %dma_wait3A_309 = arith.constant 0 : i32
      %dma_wait3A_310 = tpu.memref_slice %arg10[%run_scoped3A_24, %dma_wait3A, %dma_wait3A_309] : memref<2x128x128xf32, #tpu.memory_space<vmem>> -> memref<1x128x128xf32, #tpu.memory_space<vmem>>
      %dma_wait3A_311 = tpu.memref_squeeze %dma_wait3A_310 : memref<1x128x128xf32, #tpu.memory_space<vmem>> -> memref<128x128xf32, #tpu.memory_space<vmem>>
      %dma_wait3A_312 = arith.constant 0 : i32
      %dma_wait3A_313 = tpu.memref_slice %arg2[%add3A_23, %dma_wait3A_312] : memref<40960x128xf32, #tpu.memory_space<hbm>> -> memref<128x128xf32, #tpu.memory_space<hbm>>
      %dma_wait3A_314 = arith.constant 0 : i32
      %dma_wait3A_315 = arith.constant 0 : i32
      %dma_wait3A_316 = tpu.memref_slice %arg10[%run_scoped3A_24, %dma_wait3A_314, %dma_wait3A_315] : memref<2x128x128xf32, #tpu.memory_space<vmem>> -> memref<1x128x128xf32, #tpu.memory_space<vmem>>
      %dma_wait3A_317 = tpu.memref_squeeze %dma_wait3A_316 : memref<1x128x128xf32, #tpu.memory_space<vmem>> -> memref<128x128xf32, #tpu.memory_space<vmem>>
      %dma_wait3A_318 = arith.constant 0 : i32
      %dma_wait3A_319 = tpu.memref_slice %arg2[%add3A_23, %dma_wait3A_318] : memref<40960x128xf32, #tpu.memory_space<hbm>> -> memref<128x128xf32, #tpu.memory_space<hbm>>
      tpu.wait_dma2 semaphore(%run_scoped3A_296 : memref<!tpu.dma_semaphore, #tpu.memory_space<semaphore_mem>>) src(%dma_wait3A_319 : memref<128x128xf32, #tpu.memory_space<hbm>>) dst(%dma_wait3A_317 : memref<128x128xf32, #tpu.memory_space<vmem>>)
      tpu.yield
    }) : () -> ()
    %run_scoped3A_25 = arith.constant 0 : i32
    %run_scoped3A_26 = arith.constant 2 : i32
    "tpu.region"() ({
      %run_scoped3A_296 = tpu.sem_alloc : memref<!tpu.dma_semaphore, #tpu.memory_space<semaphore_mem>>
      %dma_start3A_297 = arith.constant 0 : i32
      %dma_start3A_298 = arith.constant 0 : i32
      %dma_start3A_299 = tpu.memref_slice %arg10[%run_scoped3A_25, %dma_start3A_297, %dma_start3A_298] : memref<2x128x128xf32, #tpu.memory_space<vmem>> -> memref<1x128x128xf32, #tpu.memory_space<vmem>>
      %dma_start3A_300 = tpu.memref_squeeze %dma_start3A_299 : memref<1x128x128xf32, #tpu.memory_space<vmem>> -> memref<128x128xf32, #tpu.memory_space<vmem>>
      %dma_start3A_301 = arith.constant 0 : i32
      %dma_start3A_302 = tpu.memref_slice %arg9[%run_scoped3A_26, %dma_start3A_301] : memref<5x128xi32, #tpu.memory_space<vmem>> -> memref<1x128xi32, #tpu.memory_space<vmem>>
      %dma_start3A_303 = tpu.memref_squeeze %dma_start3A_302 : memref<1x128xi32, #tpu.memory_space<vmem>> -> memref<128xi32, #tpu.memory_space<vmem>>
      %dma_start3A_304 = arith.constant 0 : i32
      %dma_start3A_305 = arith.constant 0 : i32
      %dma_start3A_306 = tpu.memref_slice %arg11[%dma_start3A_304, %dma_start3A_305] : memref<10240x128xf32, #tpu.memory_space<vmem_shared>> -> memref<10240x128xf32, #tpu.memory_space<vmem_shared>>
      tpu.enqueue_indirect_dma source(%dma_start3A_300 : memref<128x128xf32, #tpu.memory_space<vmem>>) target(%dma_start3A_306 : memref<10240x128xf32, #tpu.memory_space<vmem_shared>>) offsets(%dma_start3A_303 : memref<128xi32, #tpu.memory_space<vmem>>) semaphore(%run_scoped3A_296 : memref<!tpu.dma_semaphore, #tpu.memory_space<semaphore_mem>>)
      %dma_wait3A = arith.constant 0 : i32
      %dma_wait3A_307 = arith.constant 0 : i32
      %dma_wait3A_308 = tpu.memref_slice %arg10[%run_scoped3A_25, %dma_wait3A, %dma_wait3A_307] : memref<2x128x128xf32, #tpu.memory_space<vmem>> -> memref<1x128x128xf32, #tpu.memory_space<vmem>>
      %dma_wait3A_309 = tpu.memref_squeeze %dma_wait3A_308 : memref<1x128x128xf32, #tpu.memory_space<vmem>> -> memref<128x128xf32, #tpu.memory_space<vmem>>
      %dma_wait3A_310 = arith.constant 0 : i32
      %dma_wait3A_311 = tpu.memref_slice %arg9[%run_scoped3A_26, %dma_wait3A_310] : memref<5x128xi32, #tpu.memory_space<vmem>> -> memref<1x128xi32, #tpu.memory_space<vmem>>
      %dma_wait3A_312 = tpu.memref_squeeze %dma_wait3A_311 : memref<1x128xi32, #tpu.memory_space<vmem>> -> memref<128xi32, #tpu.memory_space<vmem>>
      %dma_wait3A_313 = arith.constant 0 : i32
      %dma_wait3A_314 = arith.constant 0 : i32
      %dma_wait3A_315 = tpu.memref_slice %arg11[%dma_wait3A_313, %dma_wait3A_314] : memref<10240x128xf32, #tpu.memory_space<vmem_shared>> -> memref<10240x128xf32, #tpu.memory_space<vmem_shared>>
      tpu.wait_indirect_dma semaphore(%run_scoped3A_296 : memref<!tpu.dma_semaphore, #tpu.memory_space<semaphore_mem>>) src(%dma_wait3A_309 : memref<128x128xf32, #tpu.memory_space<vmem>>) dst(%dma_wait3A_315 : memref<10240x128xf32, #tpu.memory_space<vmem_shared>>)
      tpu.yield
    }) : () -> ()
    %mul3A_27 = arith.constant 640 : i32
    %mul3A_28 = arith.muli %arg1, %mul3A_27 : i32
    %add3A_29 = arith.addi %mul3A_3, %mul3A_28 : i32
    %add3A_30 = arith.constant 384 : i32
    %add3A_31 = arith.addi %add3A_29, %add3A_30 : i32
    %run_scoped3A_32 = arith.constant 0 : i32
    "tpu.region"() ({
      %run_scoped3A_296 = tpu.sem_alloc : memref<!tpu.dma_semaphore, #tpu.memory_space<semaphore_mem>>
      %dma_start3A_297 = arith.constant 0 : i32
      %dma_start3A_298 = arith.constant 0 : i32
      %dma_start3A_299 = tpu.memref_slice %arg10[%run_scoped3A_32, %dma_start3A_297, %dma_start3A_298] : memref<2x128x128xf32, #tpu.memory_space<vmem>> -> memref<1x128x128xf32, #tpu.memory_space<vmem>>
      %dma_start3A_300 = tpu.memref_squeeze %dma_start3A_299 : memref<1x128x128xf32, #tpu.memory_space<vmem>> -> memref<128x128xf32, #tpu.memory_space<vmem>>
      %dma_start3A_301 = arith.constant 0 : i32
      %dma_start3A_302 = tpu.memref_slice %arg2[%add3A_31, %dma_start3A_301] : memref<40960x128xf32, #tpu.memory_space<hbm>> -> memref<128x128xf32, #tpu.memory_space<hbm>>
      %dma_start3A_303 = arith.constant 0 : i32
      %dma_start3A_304 = arith.constant 0 : i32
      %dma_start3A_305 = tpu.memref_slice %arg10[%run_scoped3A_32, %dma_start3A_303, %dma_start3A_304] : memref<2x128x128xf32, #tpu.memory_space<vmem>> -> memref<1x128x128xf32, #tpu.memory_space<vmem>>
      %dma_start3A_306 = tpu.memref_squeeze %dma_start3A_305 : memref<1x128x128xf32, #tpu.memory_space<vmem>> -> memref<128x128xf32, #tpu.memory_space<vmem>>
      %dma_start3A_307 = arith.constant 0 : i32
      %dma_start3A_308 = tpu.memref_slice %arg2[%add3A_31, %dma_start3A_307] : memref<40960x128xf32, #tpu.memory_space<hbm>> -> memref<128x128xf32, #tpu.memory_space<hbm>>
      tpu.enqueue_dma source(%dma_start3A_308 : memref<128x128xf32, #tpu.memory_space<hbm>>) target(%dma_start3A_306 : memref<128x128xf32, #tpu.memory_space<vmem>>) target_semaphore(%run_scoped3A_296 : memref<!tpu.dma_semaphore, #tpu.memory_space<semaphore_mem>>)
      %dma_wait3A = arith.constant 0 : i32
      %dma_wait3A_309 = arith.constant 0 : i32
      %dma_wait3A_310 = tpu.memref_slice %arg10[%run_scoped3A_32, %dma_wait3A, %dma_wait3A_309] : memref<2x128x128xf32, #tpu.memory_space<vmem>> -> memref<1x128x128xf32, #tpu.memory_space<vmem>>
      %dma_wait3A_311 = tpu.memref_squeeze %dma_wait3A_310 : memref<1x128x128xf32, #tpu.memory_space<vmem>> -> memref<128x128xf32, #tpu.memory_space<vmem>>
      %dma_wait3A_312 = arith.constant 0 : i32
      %dma_wait3A_313 = tpu.memref_slice %arg2[%add3A_31, %dma_wait3A_312] : memref<40960x128xf32, #tpu.memory_space<hbm>> -> memref<128x128xf32, #tpu.memory_space<hbm>>
      %dma_wait3A_314 = arith.constant 0 : i32
      %dma_wait3A_315 = arith.constant 0 : i32
      %dma_wait3A_316 = tpu.memref_slice %arg10[%run_scoped3A_32, %dma_wait3A_314, %dma_wait3A_315] : memref<2x128x128xf32, #tpu.memory_space<vmem>> -> memref<1x128x128xf32, #tpu.memory_space<vmem>>
      %dma_wait3A_317 = tpu.memref_squeeze %dma_wait3A_316 : memref<1x128x128xf32, #tpu.memory_space<vmem>> -> memref<128x128xf32, #tpu.memory_space<vmem>>
      %dma_wait3A_318 = arith.constant 0 : i32
      %dma_wait3A_319 = tpu.memref_slice %arg2[%add3A_31, %dma_wait3A_318] : memref<40960x128xf32, #tpu.memory_space<hbm>> -> memref<128x128xf32, #tpu.memory_space<hbm>>
      tpu.wait_dma2 semaphore(%run_scoped3A_296 : memref<!tpu.dma_semaphore, #tpu.memory_space<semaphore_mem>>) src(%dma_wait3A_319 : memref<128x128xf32, #tpu.memory_space<hbm>>) dst(%dma_wait3A_317 : memref<128x128xf32, #tpu.memory_space<vmem>>)
      tpu.yield
    }) : () -> ()
    %run_scoped3A_33 = arith.constant 0 : i32
    %run_scoped3A_34 = arith.constant 3 : i32
    "tpu.region"() ({
      %run_scoped3A_296 = tpu.sem_alloc : memref<!tpu.dma_semaphore, #tpu.memory_space<semaphore_mem>>
      %dma_start3A_297 = arith.constant 0 : i32
      %dma_start3A_298 = arith.constant 0 : i32
      %dma_start3A_299 = tpu.memref_slice %arg10[%run_scoped3A_33, %dma_start3A_297, %dma_start3A_298] : memref<2x128x128xf32, #tpu.memory_space<vmem>> -> memref<1x128x128xf32, #tpu.memory_space<vmem>>
      %dma_start3A_300 = tpu.memref_squeeze %dma_start3A_299 : memref<1x128x128xf32, #tpu.memory_space<vmem>> -> memref<128x128xf32, #tpu.memory_space<vmem>>
      %dma_start3A_301 = arith.constant 0 : i32
      %dma_start3A_302 = tpu.memref_slice %arg9[%run_scoped3A_34, %dma_start3A_301] : memref<5x128xi32, #tpu.memory_space<vmem>> -> memref<1x128xi32, #tpu.memory_space<vmem>>
      %dma_start3A_303 = tpu.memref_squeeze %dma_start3A_302 : memref<1x128xi32, #tpu.memory_space<vmem>> -> memref<128xi32, #tpu.memory_space<vmem>>
      %dma_start3A_304 = arith.constant 0 : i32
      %dma_start3A_305 = arith.constant 0 : i32
      %dma_start3A_306 = tpu.memref_slice %arg11[%dma_start3A_304, %dma_start3A_305] : memref<10240x128xf32, #tpu.memory_space<vmem_shared>> -> memref<10240x128xf32, #tpu.memory_space<vmem_shared>>
      tpu.enqueue_indirect_dma source(%dma_start3A_300 : memref<128x128xf32, #tpu.memory_space<vmem>>) target(%dma_start3A_306 : memref<10240x128xf32, #tpu.memory_space<vmem_shared>>) offsets(%dma_start3A_303 : memref<128xi32, #tpu.memory_space<vmem>>) semaphore(%run_scoped3A_296 : memref<!tpu.dma_semaphore, #tpu.memory_space<semaphore_mem>>)
      %dma_wait3A = arith.constant 0 : i32
      %dma_wait3A_307 = arith.constant 0 : i32
      %dma_wait3A_308 = tpu.memref_slice %arg10[%run_scoped3A_33, %dma_wait3A, %dma_wait3A_307] : memref<2x128x128xf32, #tpu.memory_space<vmem>> -> memref<1x128x128xf32, #tpu.memory_space<vmem>>
      %dma_wait3A_309 = tpu.memref_squeeze %dma_wait3A_308 : memref<1x128x128xf32, #tpu.memory_space<vmem>> -> memref<128x128xf32, #tpu.memory_space<vmem>>
      %dma_wait3A_310 = arith.constant 0 : i32
      %dma_wait3A_311 = tpu.memref_slice %arg9[%run_scoped3A_34, %dma_wait3A_310] : memref<5x128xi32, #tpu.memory_space<vmem>> -> memref<1x128xi32, #tpu.memory_space<vmem>>
      %dma_wait3A_312 = tpu.memref_squeeze %dma_wait3A_311 : memref<1x128xi32, #tpu.memory_space<vmem>> -> memref<128xi32, #tpu.memory_space<vmem>>
      %dma_wait3A_313 = arith.constant 0 : i32
      %dma_wait3A_314 = arith.constant 0 : i32
      %dma_wait3A_315 = tpu.memref_slice %arg11[%dma_wait3A_313, %dma_wait3A_314] : memref<10240x128xf32, #tpu.memory_space<vmem_shared>> -> memref<10240x128xf32, #tpu.memory_space<vmem_shared>>
      tpu.wait_indirect_dma semaphore(%run_scoped3A_296 : memref<!tpu.dma_semaphore, #tpu.memory_space<semaphore_mem>>) src(%dma_wait3A_309 : memref<128x128xf32, #tpu.memory_space<vmem>>) dst(%dma_wait3A_315 : memref<10240x128xf32, #tpu.memory_space<vmem_shared>>)
      tpu.yield
    }) : () -> ()
    %mul3A_35 = arith.constant 640 : i32
    %mul3A_36 = arith.muli %arg1, %mul3A_35 : i32
    %add3A_37 = arith.addi %mul3A_3, %mul3A_36 : i32
    %add3A_38 = arith.constant 512 : i32
    %add3A_39 = arith.addi %add3A_37, %add3A_38 : i32
    %run_scoped3A_40 = arith.constant 0 : i32
    "tpu.region"() ({
      %run_scoped3A_296 = tpu.sem_alloc : memref<!tpu.dma_semaphore, #tpu.memory_space<semaphore_mem>>
      %dma_start3A_297 = arith.constant 0 : i32
      %dma_start3A_298 = arith.constant 0 : i32
      %dma_start3A_299 = tpu.memref_slice %arg10[%run_scoped3A_40, %dma_start3A_297, %dma_start3A_298] : memref<2x128x128xf32, #tpu.memory_space<vmem>> -> memref<1x128x128xf32, #tpu.memory_space<vmem>>
      %dma_start3A_300 = tpu.memref_squeeze %dma_start3A_299 : memref<1x128x128xf32, #tpu.memory_space<vmem>> -> memref<128x128xf32, #tpu.memory_space<vmem>>
      %dma_start3A_301 = arith.constant 0 : i32
      %dma_start3A_302 = tpu.memref_slice %arg2[%add3A_39, %dma_start3A_301] : memref<40960x128xf32, #tpu.memory_space<hbm>> -> memref<128x128xf32, #tpu.memory_space<hbm>>
      %dma_start3A_303 = arith.constant 0 : i32
      %dma_start3A_304 = arith.constant 0 : i32
      %dma_start3A_305 = tpu.memref_slice %arg10[%run_scoped3A_40, %dma_start3A_303, %dma_start3A_304] : memref<2x128x128xf32, #tpu.memory_space<vmem>> -> memref<1x128x128xf32, #tpu.memory_space<vmem>>
      %dma_start3A_306 = tpu.memref_squeeze %dma_start3A_305 : memref<1x128x128xf32, #tpu.memory_space<vmem>> -> memref<128x128xf32, #tpu.memory_space<vmem>>
      %dma_start3A_307 = arith.constant 0 : i32
      %dma_start3A_308 = tpu.memref_slice %arg2[%add3A_39, %dma_start3A_307] : memref<40960x128xf32, #tpu.memory_space<hbm>> -> memref<128x128xf32, #tpu.memory_space<hbm>>
      tpu.enqueue_dma source(%dma_start3A_308 : memref<128x128xf32, #tpu.memory_space<hbm>>) target(%dma_start3A_306 : memref<128x128xf32, #tpu.memory_space<vmem>>) target_semaphore(%run_scoped3A_296 : memref<!tpu.dma_semaphore, #tpu.memory_space<semaphore_mem>>)
      %dma_wait3A = arith.constant 0 : i32
      %dma_wait3A_309 = arith.constant 0 : i32
      %dma_wait3A_310 = tpu.memref_slice %arg10[%run_scoped3A_40, %dma_wait3A, %dma_wait3A_309] : memref<2x128x128xf32, #tpu.memory_space<vmem>> -> memref<1x128x128xf32, #tpu.memory_space<vmem>>
      %dma_wait3A_311 = tpu.memref_squeeze %dma_wait3A_310 : memref<1x128x128xf32, #tpu.memory_space<vmem>> -> memref<128x128xf32, #tpu.memory_space<vmem>>
      %dma_wait3A_312 = arith.constant 0 : i32
      %dma_wait3A_313 = tpu.memref_slice %arg2[%add3A_39, %dma_wait3A_312] : memref<40960x128xf32, #tpu.memory_space<hbm>> -> memref<128x128xf32, #tpu.memory_space<hbm>>
      %dma_wait3A_314 = arith.constant 0 : i32
      %dma_wait3A_315 = arith.constant 0 : i32
      %dma_wait3A_316 = tpu.memref_slice %arg10[%run_scoped3A_40, %dma_wait3A_314, %dma_wait3A_315] : memref<2x128x128xf32, #tpu.memory_space<vmem>> -> memref<1x128x128xf32, #tpu.memory_space<vmem>>
      %dma_wait3A_317 = tpu.memref_squeeze %dma_wait3A_316 : memref<1x128x128xf32, #tpu.memory_space<vmem>> -> memref<128x128xf32, #tpu.memory_space<vmem>>
      %dma_wait3A_318 = arith.constant 0 : i32
      %dma_wait3A_319 = tpu.memref_slice %arg2[%add3A_39, %dma_wait3A_318] : memref<40960x128xf32, #tpu.memory_space<hbm>> -> memref<128x128xf32, #tpu.memory_space<hbm>>
      tpu.wait_dma2 semaphore(%run_scoped3A_296 : memref<!tpu.dma_semaphore, #tpu.memory_space<semaphore_mem>>) src(%dma_wait3A_319 : memref<128x128xf32, #tpu.memory_space<hbm>>) dst(%dma_wait3A_317 : memref<128x128xf32, #tpu.memory_space<vmem>>)
      tpu.yield
    }) : () -> ()
    %run_scoped3A_41 = arith.constant 0 : i32
    %run_scoped3A_42 = arith.constant 4 : i32
    "tpu.region"() ({
      %run_scoped3A_296 = tpu.sem_alloc : memref<!tpu.dma_semaphore, #tpu.memory_space<semaphore_mem>>
      %dma_start3A_297 = arith.constant 0 : i32
      %dma_start3A_298 = arith.constant 0 : i32
      %dma_start3A_299 = tpu.memref_slice %arg10[%run_scoped3A_41, %dma_start3A_297, %dma_start3A_298] : memref<2x128x128xf32, #tpu.memory_space<vmem>> -> memref<1x128x128xf32, #tpu.memory_space<vmem>>
      %dma_start3A_300 = tpu.memref_squeeze %dma_start3A_299 : memref<1x128x128xf32, #tpu.memory_space<vmem>> -> memref<128x128xf32, #tpu.memory_space<vmem>>
      %dma_start3A_301 = arith.constant 0 : i32
      %dma_start3A_302 = tpu.memref_slice %arg9[%run_scoped3A_42, %dma_start3A_301] : memref<5x128xi32, #tpu.memory_space<vmem>> -> memref<1x128xi32, #tpu.memory_space<vmem>>
      %dma_start3A_303 = tpu.memref_squeeze %dma_start3A_302 : memref<1x128xi32, #tpu.memory_space<vmem>> -> memref<128xi32, #tpu.memory_space<vmem>>
      %dma_start3A_304 = arith.constant 0 : i32
      %dma_start3A_305 = arith.constant 0 : i32
      %dma_start3A_306 = tpu.memref_slice %arg11[%dma_start3A_304, %dma_start3A_305] : memref<10240x128xf32, #tpu.memory_space<vmem_shared>> -> memref<10240x128xf32, #tpu.memory_space<vmem_shared>>
      tpu.enqueue_indirect_dma source(%dma_start3A_300 : memref<128x128xf32, #tpu.memory_space<vmem>>) target(%dma_start3A_306 : memref<10240x128xf32, #tpu.memory_space<vmem_shared>>) offsets(%dma_start3A_303 : memref<128xi32, #tpu.memory_space<vmem>>) semaphore(%run_scoped3A_296 : memref<!tpu.dma_semaphore, #tpu.memory_space<semaphore_mem>>)
      %dma_wait3A = arith.constant 0 : i32
      %dma_wait3A_307 = arith.constant 0 : i32
      %dma_wait3A_308 = tpu.memref_slice %arg10[%run_scoped3A_41, %dma_wait3A, %dma_wait3A_307] : memref<2x128x128xf32, #tpu.memory_space<vmem>> -> memref<1x128x128xf32, #tpu.memory_space<vmem>>
      %dma_wait3A_309 = tpu.memref_squeeze %dma_wait3A_308 : memref<1x128x128xf32, #tpu.memory_space<vmem>> -> memref<128x128xf32, #tpu.memory_space<vmem>>
      %dma_wait3A_310 = arith.constant 0 : i32
      %dma_wait3A_311 = tpu.memref_slice %arg9[%run_scoped3A_42, %dma_wait3A_310] : memref<5x128xi32, #tpu.memory_space<vmem>> -> memref<1x128xi32, #tpu.memory_space<vmem>>
      %dma_wait3A_312 = tpu.memref_squeeze %dma_wait3A_311 : memref<1x128xi32, #tpu.memory_space<vmem>> -> memref<128xi32, #tpu.memory_space<vmem>>
      %dma_wait3A_313 = arith.constant 0 : i32
      %dma_wait3A_314 = arith.constant 0 : i32
      %dma_wait3A_315 = tpu.memref_slice %arg11[%dma_wait3A_313, %dma_wait3A_314] : memref<10240x128xf32, #tpu.memory_space<vmem_shared>> -> memref<10240x128xf32, #tpu.memory_space<vmem_shared>>
      tpu.wait_indirect_dma semaphore(%run_scoped3A_296 : memref<!tpu.dma_semaphore, #tpu.memory_space<semaphore_mem>>) src(%dma_wait3A_309 : memref<128x128xf32, #tpu.memory_space<vmem>>) dst(%dma_wait3A_315 : memref<10240x128xf32, #tpu.memory_space<vmem_shared>>)
      tpu.yield
    }) : () -> ()
    %barrier3A = arith.constant 0 : index
    tpu.barrier barrier_id(%barrier3A)
    "tpu.region"() ({
      %run_scoped3A_296 = tpu.sem_alloc : memref<!tpu.dma_semaphore, #tpu.memory_space<semaphore_mem>>
      %dma_start3A_297 = arith.constant 0 : i32
      %dma_start3A_298 = arith.constant 0 : i32
      %dma_start3A_299 = tpu.memref_slice %arg3[%add3A_1, %arg1, %dma_start3A_297, %dma_start3A_298] : memref<4x16x80x128xi32, #tpu.memory_space<hbm>> -> memref<1x1x40x128xi32, #tpu.memory_space<hbm>>
      %dma_start3A_300 = tpu.memref_squeeze %dma_start3A_299 : memref<1x1x40x128xi32, #tpu.memory_space<hbm>> -> memref<40x128xi32, #tpu.memory_space<hbm>>
      %dma_start3A_301 = arith.constant 0 : i32
      %dma_start3A_302 = arith.constant 0 : i32
      %dma_start3A_303 = tpu.memref_slice %arg3[%add3A_1, %arg1, %dma_start3A_301, %dma_start3A_302] : memref<4x16x80x128xi32, #tpu.memory_space<hbm>> -> memref<1x1x40x128xi32, #tpu.memory_space<hbm>>
      %dma_start3A_304 = tpu.memref_squeeze %dma_start3A_303 : memref<1x1x40x128xi32, #tpu.memory_space<hbm>> -> memref<40x128xi32, #tpu.memory_space<hbm>>
      tpu.enqueue_dma source(%dma_start3A_304 : memref<40x128xi32, #tpu.memory_space<hbm>>) target(%arg7 : memref<40x128xi32, #tpu.memory_space<vmem>>) target_semaphore(%run_scoped3A_296 : memref<!tpu.dma_semaphore, #tpu.memory_space<semaphore_mem>>)
      %dma_wait3A = arith.constant 0 : i32
      %dma_wait3A_305 = arith.constant 0 : i32
      %dma_wait3A_306 = tpu.memref_slice %arg3[%add3A_1, %arg1, %dma_wait3A, %dma_wait3A_305] : memref<4x16x80x128xi32, #tpu.memory_space<hbm>> -> memref<1x1x40x128xi32, #tpu.memory_space<hbm>>
      %dma_wait3A_307 = tpu.memref_squeeze %dma_wait3A_306 : memref<1x1x40x128xi32, #tpu.memory_space<hbm>> -> memref<40x128xi32, #tpu.memory_space<hbm>>
      %dma_wait3A_308 = arith.constant 0 : i32
      %dma_wait3A_309 = arith.constant 0 : i32
      %dma_wait3A_310 = tpu.memref_slice %arg3[%add3A_1, %arg1, %dma_wait3A_308, %dma_wait3A_309] : memref<4x16x80x128xi32, #tpu.memory_space<hbm>> -> memref<1x1x40x128xi32, #tpu.memory_space<hbm>>
      %dma_wait3A_311 = tpu.memref_squeeze %dma_wait3A_310 : memref<1x1x40x128xi32, #tpu.memory_space<hbm>> -> memref<40x128xi32, #tpu.memory_space<hbm>>
      tpu.wait_dma2 semaphore(%run_scoped3A_296 : memref<!tpu.dma_semaphore, #tpu.memory_space<semaphore_mem>>) src(%dma_wait3A_311 : memref<40x128xi32, #tpu.memory_space<hbm>>) dst(%arg7 : memref<40x128xi32, #tpu.memory_space<vmem>>)
      tpu.yield
    }) : () -> ()
    "tpu.region"() ({
      %run_scoped3A_296 = tpu.sem_alloc : memref<!tpu.dma_semaphore, #tpu.memory_space<semaphore_mem>>
      %dma_start3A_297 = arith.constant 0 : i32
      %dma_start3A_298 = arith.constant 0 : i32
      %dma_start3A_299 = tpu.memref_slice %arg4[%arg1, %dma_start3A_297, %dma_start3A_298] : memref<16x80x128xi32, #tpu.memory_space<hbm>> -> memref<1x40x128xi32, #tpu.memory_space<hbm>>
      %dma_start3A_300 = tpu.memref_squeeze %dma_start3A_299 : memref<1x40x128xi32, #tpu.memory_space<hbm>> -> memref<40x128xi32, #tpu.memory_space<hbm>>
      %dma_start3A_301 = arith.constant 0 : i32
      %dma_start3A_302 = arith.constant 0 : i32
      %dma_start3A_303 = tpu.memref_slice %arg4[%arg1, %dma_start3A_301, %dma_start3A_302] : memref<16x80x128xi32, #tpu.memory_space<hbm>> -> memref<1x40x128xi32, #tpu.memory_space<hbm>>
      %dma_start3A_304 = tpu.memref_squeeze %dma_start3A_303 : memref<1x40x128xi32, #tpu.memory_space<hbm>> -> memref<40x128xi32, #tpu.memory_space<hbm>>
      tpu.enqueue_dma source(%dma_start3A_304 : memref<40x128xi32, #tpu.memory_space<hbm>>) target(%arg8 : memref<40x128xi32, #tpu.memory_space<vmem>>) target_semaphore(%run_scoped3A_296 : memref<!tpu.dma_semaphore, #tpu.memory_space<semaphore_mem>>)
      %dma_wait3A = arith.constant 0 : i32
      %dma_wait3A_305 = arith.constant 0 : i32
      %dma_wait3A_306 = tpu.memref_slice %arg4[%arg1, %dma_wait3A, %dma_wait3A_305] : memref<16x80x128xi32, #tpu.memory_space<hbm>> -> memref<1x40x128xi32, #tpu.memory_space<hbm>>
      %dma_wait3A_307 = tpu.memref_squeeze %dma_wait3A_306 : memref<1x40x128xi32, #tpu.memory_space<hbm>> -> memref<40x128xi32, #tpu.memory_space<hbm>>
      %dma_wait3A_308 = arith.constant 0 : i32
      %dma_wait3A_309 = arith.constant 0 : i32
      %dma_wait3A_310 = tpu.memref_slice %arg4[%arg1, %dma_wait3A_308, %dma_wait3A_309] : memref<16x80x128xi32, #tpu.memory_space<hbm>> -> memref<1x40x128xi32, #tpu.memory_space<hbm>>
      %dma_wait3A_311 = tpu.memref_squeeze %dma_wait3A_310 : memref<1x40x128xi32, #tpu.memory_space<hbm>> -> memref<40x128xi32, #tpu.memory_space<hbm>>
      tpu.wait_dma2 semaphore(%run_scoped3A_296 : memref<!tpu.dma_semaphore, #tpu.memory_space<semaphore_mem>>) src(%dma_wait3A_311 : memref<40x128xi32, #tpu.memory_space<hbm>>) dst(%arg8 : memref<40x128xi32, #tpu.memory_space<vmem>>)
      tpu.yield
    }) : () -> ()
    %dma_start3A = arith.constant 0 : i32
    %dma_start3A_43 = arith.constant 0 : i32
    %dma_start3A_44 = arith.constant 0 : i32
    %dma_start3A_45 = arith.constant 0 : i32
    %dma_start3A_46 = tpu.memref_slice %arg10[%dma_start3A_43, %dma_start3A_44, %dma_start3A_45] : memref<2x128x128xf32, #tpu.memory_space<vmem>> -> memref<1x128x128xf32, #tpu.memory_space<vmem>>
    %dma_start3A_47 = tpu.memref_squeeze %dma_start3A_46 : memref<1x128x128xf32, #tpu.memory_space<vmem>> -> memref<128x128xf32, #tpu.memory_space<vmem>>
    %dma_start3A_48 = arith.constant 0 : i32
    %dma_start3A_49 = tpu.memref_slice %arg7[%dma_start3A, %dma_start3A_48] : memref<40x128xi32, #tpu.memory_space<vmem>> -> memref<1x128xi32, #tpu.memory_space<vmem>>
    %dma_start3A_50 = tpu.memref_squeeze %dma_start3A_49 : memref<1x128xi32, #tpu.memory_space<vmem>> -> memref<128xi32, #tpu.memory_space<vmem>>
    %dma_start3A_51 = arith.constant 0 : i32
    %dma_start3A_52 = arith.constant 0 : i32
    %dma_start3A_53 = tpu.memref_slice %arg2[%dma_start3A_51, %dma_start3A_52] : memref<40960x128xf32, #tpu.memory_space<hbm>> -> memref<40960x128xf32, #tpu.memory_space<hbm>>
    tpu.enqueue_indirect_dma source(%dma_start3A_53 : memref<40960x128xf32, #tpu.memory_space<hbm>>) target(%dma_start3A_47 : memref<128x128xf32, #tpu.memory_space<vmem>>) offsets(%dma_start3A_50 : memref<128xi32, #tpu.memory_space<vmem>>) semaphore(%arg12 : memref<!tpu.dma_semaphore, #tpu.memory_space<semaphore_mem>>)
    %dma_start3A_54 = arith.constant 1 : i32
    %dma_start3A_55 = arith.constant 1 : i32
    %dma_start3A_56 = arith.constant 0 : i32
    %dma_start3A_57 = arith.constant 0 : i32
    %dma_start3A_58 = tpu.memref_slice %arg10[%dma_start3A_55, %dma_start3A_56, %dma_start3A_57] : memref<2x128x128xf32, #tpu.memory_space<vmem>> -> memref<1x128x128xf32, #tpu.memory_space<vmem>>
    %dma_start3A_59 = tpu.memref_squeeze %dma_start3A_58 : memref<1x128x128xf32, #tpu.memory_space<vmem>> -> memref<128x128xf32, #tpu.memory_space<vmem>>
    %dma_start3A_60 = arith.constant 0 : i32
    %dma_start3A_61 = tpu.memref_slice %arg7[%dma_start3A_54, %dma_start3A_60] : memref<40x128xi32, #tpu.memory_space<vmem>> -> memref<1x128xi32, #tpu.memory_space<vmem>>
    %dma_start3A_62 = tpu.memref_squeeze %dma_start3A_61 : memref<1x128xi32, #tpu.memory_space<vmem>> -> memref<128xi32, #tpu.memory_space<vmem>>
    %dma_start3A_63 = arith.constant 0 : i32
    %dma_start3A_64 = arith.constant 0 : i32
    %dma_start3A_65 = tpu.memref_slice %arg2[%dma_start3A_63, %dma_start3A_64] : memref<40960x128xf32, #tpu.memory_space<hbm>> -> memref<40960x128xf32, #tpu.memory_space<hbm>>
    tpu.enqueue_indirect_dma source(%dma_start3A_65 : memref<40960x128xf32, #tpu.memory_space<hbm>>) target(%dma_start3A_59 : memref<128x128xf32, #tpu.memory_space<vmem>>) offsets(%dma_start3A_62 : memref<128xi32, #tpu.memory_space<vmem>>) semaphore(%arg13 : memref<!tpu.dma_semaphore, #tpu.memory_space<semaphore_mem>>)
    %scan3A = arith.constant 0 : i32
    %scan3A_66 = arith.constant 0 : i32
    %scan3A_67 = arith.constant 20 : i32
    %scan3A_68 = arith.addi %scan3A_66, %scan3A_67 : i32
    %scan3A_69 = arith.constant 1 : i32
    %scan3A_70 = scf.for %scan3A_296 = %scan3A_66 to %scan3A_68 step %scan3A_69 iter_args(%scan3A_297 = %scan3A) -> (i32)  : i32 {
      %mul3A_298 = arith.constant 2 : i32
      %mul3A_299 = arith.muli %mul3A_298, %scan3A_296 : i32
      %add3A_300 = arith.constant 1 : i32
      %add3A_301 = arith.addi %mul3A_299, %add3A_300 : i32
      %dma_wait3A = arith.constant 0 : i32
      %dma_wait3A_302 = arith.constant 0 : i32
      %dma_wait3A_303 = arith.constant 0 : i32
      %dma_wait3A_304 = tpu.memref_slice %arg10[%dma_wait3A, %dma_wait3A_302, %dma_wait3A_303] : memref<2x128x128xf32, #tpu.memory_space<vmem>> -> memref<1x128x128xf32, #tpu.memory_space<vmem>>
      %dma_wait3A_305 = tpu.memref_squeeze %dma_wait3A_304 : memref<1x128x128xf32, #tpu.memory_space<vmem>> -> memref<128x128xf32, #tpu.memory_space<vmem>>
      %dma_wait3A_306 = arith.constant 0 : i32
      %dma_wait3A_307 = tpu.memref_slice %arg7[%mul3A_299, %dma_wait3A_306] : memref<40x128xi32, #tpu.memory_space<vmem>> -> memref<1x128xi32, #tpu.memory_space<vmem>>
      %dma_wait3A_308 = tpu.memref_squeeze %dma_wait3A_307 : memref<1x128xi32, #tpu.memory_space<vmem>> -> memref<128xi32, #tpu.memory_space<vmem>>
      %dma_wait3A_309 = arith.constant 0 : i32
      %dma_wait3A_310 = arith.constant 0 : i32
      %dma_wait3A_311 = tpu.memref_slice %arg2[%dma_wait3A_309, %dma_wait3A_310] : memref<40960x128xf32, #tpu.memory_space<hbm>> -> memref<40960x128xf32, #tpu.memory_space<hbm>>
      tpu.wait_indirect_dma semaphore(%arg12 : memref<!tpu.dma_semaphore, #tpu.memory_space<semaphore_mem>>) src(%dma_wait3A_311 : memref<40960x128xf32, #tpu.memory_space<hbm>>) dst(%dma_wait3A_305 : memref<128x128xf32, #tpu.memory_space<vmem>>)
      %dma_start3A_312 = arith.constant 0 : i32
      %dma_start3A_313 = arith.constant 0 : i32
      %dma_start3A_314 = arith.constant 0 : i32
      %dma_start3A_315 = tpu.memref_slice %arg10[%dma_start3A_312, %dma_start3A_313, %dma_start3A_314] : memref<2x128x128xf32, #tpu.memory_space<vmem>> -> memref<1x128x128xf32, #tpu.memory_space<vmem>>
      %dma_start3A_316 = tpu.memref_squeeze %dma_start3A_315 : memref<1x128x128xf32, #tpu.memory_space<vmem>> -> memref<128x128xf32, #tpu.memory_space<vmem>>
      %dma_start3A_317 = arith.constant 0 : i32
      %dma_start3A_318 = tpu.memref_slice %arg8[%mul3A_299, %dma_start3A_317] : memref<40x128xi32, #tpu.memory_space<vmem>> -> memref<1x128xi32, #tpu.memory_space<vmem>>
      %dma_start3A_319 = tpu.memref_squeeze %dma_start3A_318 : memref<1x128xi32, #tpu.memory_space<vmem>> -> memref<128xi32, #tpu.memory_space<vmem>>
      %dma_start3A_320 = arith.constant 0 : i32
      %dma_start3A_321 = arith.constant 0 : i32
      %dma_start3A_322 = tpu.memref_slice %arg11[%dma_start3A_320, %dma_start3A_321] : memref<10240x128xf32, #tpu.memory_space<vmem_shared>> -> memref<10240x128xf32, #tpu.memory_space<vmem_shared>>
      tpu.enqueue_indirect_dma source(%dma_start3A_316 : memref<128x128xf32, #tpu.memory_space<vmem>>) target(%dma_start3A_322 : memref<10240x128xf32, #tpu.memory_space<vmem_shared>>) offsets(%dma_start3A_319 : memref<128xi32, #tpu.memory_space<vmem>>) semaphore(%arg14 : memref<!tpu.dma_semaphore, #tpu.memory_space<semaphore_mem>>) {add = true}
      %dma_wait3A_323 = arith.constant 1 : i32
      %dma_wait3A_324 = arith.constant 0 : i32
      %dma_wait3A_325 = arith.constant 0 : i32
      %dma_wait3A_326 = tpu.memref_slice %arg10[%dma_wait3A_323, %dma_wait3A_324, %dma_wait3A_325] : memref<2x128x128xf32, #tpu.memory_space<vmem>> -> memref<1x128x128xf32, #tpu.memory_space<vmem>>
      %dma_wait3A_327 = tpu.memref_squeeze %dma_wait3A_326 : memref<1x128x128xf32, #tpu.memory_space<vmem>> -> memref<128x128xf32, #tpu.memory_space<vmem>>
      %dma_wait3A_328 = arith.constant 0 : i32
      %dma_wait3A_329 = tpu.memref_slice %arg7[%add3A_301, %dma_wait3A_328] : memref<40x128xi32, #tpu.memory_space<vmem>> -> memref<1x128xi32, #tpu.memory_space<vmem>>
      %dma_wait3A_330 = tpu.memref_squeeze %dma_wait3A_329 : memref<1x128xi32, #tpu.memory_space<vmem>> -> memref<128xi32, #tpu.memory_space<vmem>>
      %dma_wait3A_331 = arith.constant 0 : i32
      %dma_wait3A_332 = arith.constant 0 : i32
      %dma_wait3A_333 = tpu.memref_slice %arg2[%dma_wait3A_331, %dma_wait3A_332] : memref<40960x128xf32, #tpu.memory_space<hbm>> -> memref<40960x128xf32, #tpu.memory_space<hbm>>
      tpu.wait_indirect_dma semaphore(%arg13 : memref<!tpu.dma_semaphore, #tpu.memory_space<semaphore_mem>>) src(%dma_wait3A_333 : memref<40960x128xf32, #tpu.memory_space<hbm>>) dst(%dma_wait3A_327 : memref<128x128xf32, #tpu.memory_space<vmem>>)
      %dma_start3A_334 = arith.constant 1 : i32
      %dma_start3A_335 = arith.constant 0 : i32
      %dma_start3A_336 = arith.constant 0 : i32
      %dma_start3A_337 = tpu.memref_slice %arg10[%dma_start3A_334, %dma_start3A_335, %dma_start3A_336] : memref<2x128x128xf32, #tpu.memory_space<vmem>> -> memref<1x128x128xf32, #tpu.memory_space<vmem>>
      %dma_start3A_338 = tpu.memref_squeeze %dma_start3A_337 : memref<1x128x128xf32, #tpu.memory_space<vmem>> -> memref<128x128xf32, #tpu.memory_space<vmem>>
      %dma_start3A_339 = arith.constant 0 : i32
      %dma_start3A_340 = tpu.memref_slice %arg8[%add3A_301, %dma_start3A_339] : memref<40x128xi32, #tpu.memory_space<vmem>> -> memref<1x128xi32, #tpu.memory_space<vmem>>
      %dma_start3A_341 = tpu.memref_squeeze %dma_start3A_340 : memref<1x128xi32, #tpu.memory_space<vmem>> -> memref<128xi32, #tpu.memory_space<vmem>>
      %dma_start3A_342 = arith.constant 0 : i32
      %dma_start3A_343 = arith.constant 0 : i32
      %dma_start3A_344 = tpu.memref_slice %arg11[%dma_start3A_342, %dma_start3A_343] : memref<10240x128xf32, #tpu.memory_space<vmem_shared>> -> memref<10240x128xf32, #tpu.memory_space<vmem_shared>>
      tpu.enqueue_indirect_dma source(%dma_start3A_338 : memref<128x128xf32, #tpu.memory_space<vmem>>) target(%dma_start3A_344 : memref<10240x128xf32, #tpu.memory_space<vmem_shared>>) offsets(%dma_start3A_341 : memref<128xi32, #tpu.memory_space<vmem>>) semaphore(%arg15 : memref<!tpu.dma_semaphore, #tpu.memory_space<semaphore_mem>>) {add = true}
      %dma_wait3A_345 = arith.constant 0 : i32
      %dma_wait3A_346 = arith.constant 0 : i32
      %dma_wait3A_347 = arith.constant 0 : i32
      %dma_wait3A_348 = tpu.memref_slice %arg10[%dma_wait3A_345, %dma_wait3A_346, %dma_wait3A_347] : memref<2x128x128xf32, #tpu.memory_space<vmem>> -> memref<1x128x128xf32, #tpu.memory_space<vmem>>
      %dma_wait3A_349 = tpu.memref_squeeze %dma_wait3A_348 : memref<1x128x128xf32, #tpu.memory_space<vmem>> -> memref<128x128xf32, #tpu.memory_space<vmem>>
      %dma_wait3A_350 = arith.constant 0 : i32
      %dma_wait3A_351 = tpu.memref_slice %arg8[%mul3A_299, %dma_wait3A_350] : memref<40x128xi32, #tpu.memory_space<vmem>> -> memref<1x128xi32, #tpu.memory_space<vmem>>
      %dma_wait3A_352 = tpu.memref_squeeze %dma_wait3A_351 : memref<1x128xi32, #tpu.memory_space<vmem>> -> memref<128xi32, #tpu.memory_space<vmem>>
      %dma_wait3A_353 = arith.constant 0 : i32
      %dma_wait3A_354 = arith.constant 0 : i32
      %dma_wait3A_355 = tpu.memref_slice %arg11[%dma_wait3A_353, %dma_wait3A_354] : memref<10240x128xf32, #tpu.memory_space<vmem_shared>> -> memref<10240x128xf32, #tpu.memory_space<vmem_shared>>
      tpu.wait_indirect_dma semaphore(%arg14 : memref<!tpu.dma_semaphore, #tpu.memory_space<semaphore_mem>>) src(%dma_wait3A_349 : memref<128x128xf32, #tpu.memory_space<vmem>>) dst(%dma_wait3A_355 : memref<10240x128xf32, #tpu.memory_space<vmem_shared>>)
      %add3A_356 = arith.constant 1 : i32
      %add3A_357 = arith.addi %scan3A_296, %add3A_356 : i32
      %lt3A = arith.constant 20 : i32
      %lt3A_358 = arith.cmpi slt, %add3A_357, %lt3A : i32
      %convert_element_type3A = arith.extui %lt3A_358 : i1 to i32
      %cond3A = arith.constant 0 : i32
      %cond3A_359 = arith.cmpi ne, %convert_element_type3A, %cond3A : i32
      scf.if %cond3A_359 {
        %add3A_379 = arith.constant 2 : i32
        %add3A_380 = arith.addi %mul3A_299, %add3A_379 : i32
        %dma_start3A_381 = arith.constant 0 : i32
        %dma_start3A_382 = arith.constant 0 : i32
        %dma_start3A_383 = arith.constant 0 : i32
        %dma_start3A_384 = tpu.memref_slice %arg10[%dma_start3A_381, %dma_start3A_382, %dma_start3A_383] : memref<2x128x128xf32, #tpu.memory_space<vmem>> -> memref<1x128x128xf32, #tpu.memory_space<vmem>>
        %dma_start3A_385 = tpu.memref_squeeze %dma_start3A_384 : memref<1x128x128xf32, #tpu.memory_space<vmem>> -> memref<128x128xf32, #tpu.memory_space<vmem>>
        %dma_start3A_386 = arith.constant 0 : i32
        %dma_start3A_387 = tpu.memref_slice %arg7[%add3A_380, %dma_start3A_386] : memref<40x128xi32, #tpu.memory_space<vmem>> -> memref<1x128xi32, #tpu.memory_space<vmem>>
        %dma_start3A_388 = tpu.memref_squeeze %dma_start3A_387 : memref<1x128xi32, #tpu.memory_space<vmem>> -> memref<128xi32, #tpu.memory_space<vmem>>
        %dma_start3A_389 = arith.constant 0 : i32
        %dma_start3A_390 = arith.constant 0 : i32
        %dma_start3A_391 = tpu.memref_slice %arg2[%dma_start3A_389, %dma_start3A_390] : memref<40960x128xf32, #tpu.memory_space<hbm>> -> memref<40960x128xf32, #tpu.memory_space<hbm>>
        tpu.enqueue_indirect_dma source(%dma_start3A_391 : memref<40960x128xf32, #tpu.memory_space<hbm>>) target(%dma_start3A_385 : memref<128x128xf32, #tpu.memory_space<vmem>>) offsets(%dma_start3A_388 : memref<128xi32, #tpu.memory_space<vmem>>) semaphore(%arg12 : memref<!tpu.dma_semaphore, #tpu.memory_space<semaphore_mem>>)
      } else {
      }
      %dma_wait3A_360 = arith.constant 1 : i32
      %dma_wait3A_361 = arith.constant 0 : i32
      %dma_wait3A_362 = arith.constant 0 : i32
      %dma_wait3A_363 = tpu.memref_slice %arg10[%dma_wait3A_360, %dma_wait3A_361, %dma_wait3A_362] : memref<2x128x128xf32, #tpu.memory_space<vmem>> -> memref<1x128x128xf32, #tpu.memory_space<vmem>>
      %dma_wait3A_364 = tpu.memref_squeeze %dma_wait3A_363 : memref<1x128x128xf32, #tpu.memory_space<vmem>> -> memref<128x128xf32, #tpu.memory_space<vmem>>
      %dma_wait3A_365 = arith.constant 0 : i32
      %dma_wait3A_366 = tpu.memref_slice %arg8[%add3A_301, %dma_wait3A_365] : memref<40x128xi32, #tpu.memory_space<vmem>> -> memref<1x128xi32, #tpu.memory_space<vmem>>
      %dma_wait3A_367 = tpu.memref_squeeze %dma_wait3A_366 : memref<1x128xi32, #tpu.memory_space<vmem>> -> memref<128xi32, #tpu.memory_space<vmem>>
      %dma_wait3A_368 = arith.constant 0 : i32
      %dma_wait3A_369 = arith.constant 0 : i32
      %dma_wait3A_370 = tpu.memref_slice %arg11[%dma_wait3A_368, %dma_wait3A_369] : memref<10240x128xf32, #tpu.memory_space<vmem_shared>> -> memref<10240x128xf32, #tpu.memory_space<vmem_shared>>
      tpu.wait_indirect_dma semaphore(%arg15 : memref<!tpu.dma_semaphore, #tpu.memory_space<semaphore_mem>>) src(%dma_wait3A_364 : memref<128x128xf32, #tpu.memory_space<vmem>>) dst(%dma_wait3A_370 : memref<10240x128xf32, #tpu.memory_space<vmem_shared>>)
      %add3A_371 = arith.constant 1 : i32
      %add3A_372 = arith.addi %scan3A_296, %add3A_371 : i32
      %lt3A_373 = arith.constant 20 : i32
      %lt3A_374 = arith.cmpi slt, %add3A_372, %lt3A_373 : i32
      %convert_element_type3A_375 = arith.extui %lt3A_374 : i1 to i32
      %cond3A_376 = arith.constant 0 : i32
      %cond3A_377 = arith.cmpi ne, %convert_element_type3A_375, %cond3A_376 : i32
      scf.if %cond3A_377 {
        %add3A_379 = arith.constant 2 : i32
        %add3A_380 = arith.addi %add3A_301, %add3A_379 : i32
        %dma_start3A_381 = arith.constant 1 : i32
        %dma_start3A_382 = arith.constant 0 : i32
        %dma_start3A_383 = arith.constant 0 : i32
        %dma_start3A_384 = tpu.memref_slice %arg10[%dma_start3A_381, %dma_start3A_382, %dma_start3A_383] : memref<2x128x128xf32, #tpu.memory_space<vmem>> -> memref<1x128x128xf32, #tpu.memory_space<vmem>>
        %dma_start3A_385 = tpu.memref_squeeze %dma_start3A_384 : memref<1x128x128xf32, #tpu.memory_space<vmem>> -> memref<128x128xf32, #tpu.memory_space<vmem>>
        %dma_start3A_386 = arith.constant 0 : i32
        %dma_start3A_387 = tpu.memref_slice %arg7[%add3A_380, %dma_start3A_386] : memref<40x128xi32, #tpu.memory_space<vmem>> -> memref<1x128xi32, #tpu.memory_space<vmem>>
        %dma_start3A_388 = tpu.memref_squeeze %dma_start3A_387 : memref<1x128xi32, #tpu.memory_space<vmem>> -> memref<128xi32, #tpu.memory_space<vmem>>
        %dma_start3A_389 = arith.constant 0 : i32
        %dma_start3A_390 = arith.constant 0 : i32
        %dma_start3A_391 = tpu.memref_slice %arg2[%dma_start3A_389, %dma_start3A_390] : memref<40960x128xf32, #tpu.memory_space<hbm>> -> memref<40960x128xf32, #tpu.memory_space<hbm>>
        tpu.enqueue_indirect_dma source(%dma_start3A_391 : memref<40960x128xf32, #tpu.memory_space<hbm>>) target(%dma_start3A_385 : memref<128x128xf32, #tpu.memory_space<vmem>>) offsets(%dma_start3A_388 : memref<128xi32, #tpu.memory_space<vmem>>) semaphore(%arg13 : memref<!tpu.dma_semaphore, #tpu.memory_space<semaphore_mem>>)
      } else {
      }
      %scan3A_378 = arith.constant 0 : i32
      scf.yield %scan3A_378 : i32
    }
    %scan3A_71 = arith.constant 20 : i32
    "tpu.region"() ({
      %run_scoped3A_296 = tpu.sem_alloc : memref<!tpu.dma_semaphore, #tpu.memory_space<semaphore_mem>>
      %dma_start3A_297 = arith.constant 40 : i32
      %dma_start3A_298 = arith.constant 0 : i32
      %dma_start3A_299 = tpu.memref_slice %arg3[%add3A_1, %arg1, %dma_start3A_297, %dma_start3A_298] : memref<4x16x80x128xi32, #tpu.memory_space<hbm>> -> memref<1x1x40x128xi32, #tpu.memory_space<hbm>>
      %dma_start3A_300 = tpu.memref_squeeze %dma_start3A_299 : memref<1x1x40x128xi32, #tpu.memory_space<hbm>> -> memref<40x128xi32, #tpu.memory_space<hbm>>
      %dma_start3A_301 = arith.constant 40 : i32
      %dma_start3A_302 = arith.constant 0 : i32
      %dma_start3A_303 = tpu.memref_slice %arg3[%add3A_1, %arg1, %dma_start3A_301, %dma_start3A_302] : memref<4x16x80x128xi32, #tpu.memory_space<hbm>> -> memref<1x1x40x128xi32, #tpu.memory_space<hbm>>
      %dma_start3A_304 = tpu.memref_squeeze %dma_start3A_303 : memref<1x1x40x128xi32, #tpu.memory_space<hbm>> -> memref<40x128xi32, #tpu.memory_space<hbm>>
      tpu.enqueue_dma source(%dma_start3A_304 : memref<40x128xi32, #tpu.memory_space<hbm>>) target(%arg7 : memref<40x128xi32, #tpu.memory_space<vmem>>) target_semaphore(%run_scoped3A_296 : memref<!tpu.dma_semaphore, #tpu.memory_space<semaphore_mem>>)
      %dma_wait3A = arith.constant 40 : i32
      %dma_wait3A_305 = arith.constant 0 : i32
      %dma_wait3A_306 = tpu.memref_slice %arg3[%add3A_1, %arg1, %dma_wait3A, %dma_wait3A_305] : memref<4x16x80x128xi32, #tpu.memory_space<hbm>> -> memref<1x1x40x128xi32, #tpu.memory_space<hbm>>
      %dma_wait3A_307 = tpu.memref_squeeze %dma_wait3A_306 : memref<1x1x40x128xi32, #tpu.memory_space<hbm>> -> memref<40x128xi32, #tpu.memory_space<hbm>>
      %dma_wait3A_308 = arith.constant 40 : i32
      %dma_wait3A_309 = arith.constant 0 : i32
      %dma_wait3A_310 = tpu.memref_slice %arg3[%add3A_1, %arg1, %dma_wait3A_308, %dma_wait3A_309] : memref<4x16x80x128xi32, #tpu.memory_space<hbm>> -> memref<1x1x40x128xi32, #tpu.memory_space<hbm>>
      %dma_wait3A_311 = tpu.memref_squeeze %dma_wait3A_310 : memref<1x1x40x128xi32, #tpu.memory_space<hbm>> -> memref<40x128xi32, #tpu.memory_space<hbm>>
      tpu.wait_dma2 semaphore(%run_scoped3A_296 : memref<!tpu.dma_semaphore, #tpu.memory_space<semaphore_mem>>) src(%dma_wait3A_311 : memref<40x128xi32, #tpu.memory_space<hbm>>) dst(%arg7 : memref<40x128xi32, #tpu.memory_space<vmem>>)
      tpu.yield
    }) : () -> ()
    "tpu.region"() ({
      %run_scoped3A_296 = tpu.sem_alloc : memref<!tpu.dma_semaphore, #tpu.memory_space<semaphore_mem>>
      %dma_start3A_297 = arith.constant 40 : i32
      %dma_start3A_298 = arith.constant 0 : i32
      %dma_start3A_299 = tpu.memref_slice %arg4[%arg1, %dma_start3A_297, %dma_start3A_298] : memref<16x80x128xi32, #tpu.memory_space<hbm>> -> memref<1x40x128xi32, #tpu.memory_space<hbm>>
      %dma_start3A_300 = tpu.memref_squeeze %dma_start3A_299 : memref<1x40x128xi32, #tpu.memory_space<hbm>> -> memref<40x128xi32, #tpu.memory_space<hbm>>
      %dma_start3A_301 = arith.constant 40 : i32
      %dma_start3A_302 = arith.constant 0 : i32
      %dma_start3A_303 = tpu.memref_slice %arg4[%arg1, %dma_start3A_301, %dma_start3A_302] : memref<16x80x128xi32, #tpu.memory_space<hbm>> -> memref<1x40x128xi32, #tpu.memory_space<hbm>>
      %dma_start3A_304 = tpu.memref_squeeze %dma_start3A_303 : memref<1x40x128xi32, #tpu.memory_space<hbm>> -> memref<40x128xi32, #tpu.memory_space<hbm>>
      tpu.enqueue_dma source(%dma_start3A_304 : memref<40x128xi32, #tpu.memory_space<hbm>>) target(%arg8 : memref<40x128xi32, #tpu.memory_space<vmem>>) target_semaphore(%run_scoped3A_296 : memref<!tpu.dma_semaphore, #tpu.memory_space<semaphore_mem>>)
      %dma_wait3A = arith.constant 40 : i32
      %dma_wait3A_305 = arith.constant 0 : i32
      %dma_wait3A_306 = tpu.memref_slice %arg4[%arg1, %dma_wait3A, %dma_wait3A_305] : memref<16x80x128xi32, #tpu.memory_space<hbm>> -> memref<1x40x128xi32, #tpu.memory_space<hbm>>
      %dma_wait3A_307 = tpu.memref_squeeze %dma_wait3A_306 : memref<1x40x128xi32, #tpu.memory_space<hbm>> -> memref<40x128xi32, #tpu.memory_space<hbm>>
      %dma_wait3A_308 = arith.constant 40 : i32
      %dma_wait3A_309 = arith.constant 0 : i32
      %dma_wait3A_310 = tpu.memref_slice %arg4[%arg1, %dma_wait3A_308, %dma_wait3A_309] : memref<16x80x128xi32, #tpu.memory_space<hbm>> -> memref<1x40x128xi32, #tpu.memory_space<hbm>>
      %dma_wait3A_311 = tpu.memref_squeeze %dma_wait3A_310 : memref<1x40x128xi32, #tpu.memory_space<hbm>> -> memref<40x128xi32, #tpu.memory_space<hbm>>
      tpu.wait_dma2 semaphore(%run_scoped3A_296 : memref<!tpu.dma_semaphore, #tpu.memory_space<semaphore_mem>>) src(%dma_wait3A_311 : memref<40x128xi32, #tpu.memory_space<hbm>>) dst(%arg8 : memref<40x128xi32, #tpu.memory_space<vmem>>)
      tpu.yield
    }) : () -> ()
    %dma_start3A_72 = arith.constant 0 : i32
    %dma_start3A_73 = arith.constant 0 : i32
    %dma_start3A_74 = arith.constant 0 : i32
    %dma_start3A_75 = arith.constant 0 : i32
    %dma_start3A_76 = tpu.memref_slice %arg10[%dma_start3A_73, %dma_start3A_74, %dma_start3A_75] : memref<2x128x128xf32, #tpu.memory_space<vmem>> -> memref<1x128x128xf32, #tpu.memory_space<vmem>>
    %dma_start3A_77 = tpu.memref_squeeze %dma_start3A_76 : memref<1x128x128xf32, #tpu.memory_space<vmem>> -> memref<128x128xf32, #tpu.memory_space<vmem>>
    %dma_start3A_78 = arith.constant 0 : i32
    %dma_start3A_79 = tpu.memref_slice %arg7[%dma_start3A_72, %dma_start3A_78] : memref<40x128xi32, #tpu.memory_space<vmem>> -> memref<1x128xi32, #tpu.memory_space<vmem>>
    %dma_start3A_80 = tpu.memref_squeeze %dma_start3A_79 : memref<1x128xi32, #tpu.memory_space<vmem>> -> memref<128xi32, #tpu.memory_space<vmem>>
    %dma_start3A_81 = arith.constant 0 : i32
    %dma_start3A_82 = arith.constant 0 : i32
    %dma_start3A_83 = tpu.memref_slice %arg2[%dma_start3A_81, %dma_start3A_82] : memref<40960x128xf32, #tpu.memory_space<hbm>> -> memref<40960x128xf32, #tpu.memory_space<hbm>>
    tpu.enqueue_indirect_dma source(%dma_start3A_83 : memref<40960x128xf32, #tpu.memory_space<hbm>>) target(%dma_start3A_77 : memref<128x128xf32, #tpu.memory_space<vmem>>) offsets(%dma_start3A_80 : memref<128xi32, #tpu.memory_space<vmem>>) semaphore(%arg12 : memref<!tpu.dma_semaphore, #tpu.memory_space<semaphore_mem>>)
    %dma_start3A_84 = arith.constant 1 : i32
    %dma_start3A_85 = arith.constant 1 : i32
    %dma_start3A_86 = arith.constant 0 : i32
    %dma_start3A_87 = arith.constant 0 : i32
    %dma_start3A_88 = tpu.memref_slice %arg10[%dma_start3A_85, %dma_start3A_86, %dma_start3A_87] : memref<2x128x128xf32, #tpu.memory_space<vmem>> -> memref<1x128x128xf32, #tpu.memory_space<vmem>>
    %dma_start3A_89 = tpu.memref_squeeze %dma_start3A_88 : memref<1x128x128xf32, #tpu.memory_space<vmem>> -> memref<128x128xf32, #tpu.memory_space<vmem>>
    %dma_start3A_90 = arith.constant 0 : i32
    %dma_start3A_91 = tpu.memref_slice %arg7[%dma_start3A_84, %dma_start3A_90] : memref<40x128xi32, #tpu.memory_space<vmem>> -> memref<1x128xi32, #tpu.memory_space<vmem>>
    %dma_start3A_92 = tpu.memref_squeeze %dma_start3A_91 : memref<1x128xi32, #tpu.memory_space<vmem>> -> memref<128xi32, #tpu.memory_space<vmem>>
    %dma_start3A_93 = arith.constant 0 : i32
    %dma_start3A_94 = arith.constant 0 : i32
    %dma_start3A_95 = tpu.memref_slice %arg2[%dma_start3A_93, %dma_start3A_94] : memref<40960x128xf32, #tpu.memory_space<hbm>> -> memref<40960x128xf32, #tpu.memory_space<hbm>>
    tpu.enqueue_indirect_dma source(%dma_start3A_95 : memref<40960x128xf32, #tpu.memory_space<hbm>>) target(%dma_start3A_89 : memref<128x128xf32, #tpu.memory_space<vmem>>) offsets(%dma_start3A_92 : memref<128xi32, #tpu.memory_space<vmem>>) semaphore(%arg13 : memref<!tpu.dma_semaphore, #tpu.memory_space<semaphore_mem>>)
    %scan3A_96 = arith.constant 0 : i32
    %scan3A_97 = arith.constant 0 : i32
    %scan3A_98 = arith.constant 20 : i32
    %scan3A_99 = arith.addi %scan3A_97, %scan3A_98 : i32
    %scan3A_100 = arith.constant 1 : i32
    %scan3A_101 = scf.for %scan3A_296 = %scan3A_97 to %scan3A_99 step %scan3A_100 iter_args(%scan3A_297 = %scan3A_96) -> (i32)  : i32 {
      %mul3A_298 = arith.constant 2 : i32
      %mul3A_299 = arith.muli %mul3A_298, %scan3A_296 : i32
      %add3A_300 = arith.constant 1 : i32
      %add3A_301 = arith.addi %mul3A_299, %add3A_300 : i32
      %dma_wait3A = arith.constant 0 : i32
      %dma_wait3A_302 = arith.constant 0 : i32
      %dma_wait3A_303 = arith.constant 0 : i32
      %dma_wait3A_304 = tpu.memref_slice %arg10[%dma_wait3A, %dma_wait3A_302, %dma_wait3A_303] : memref<2x128x128xf32, #tpu.memory_space<vmem>> -> memref<1x128x128xf32, #tpu.memory_space<vmem>>
      %dma_wait3A_305 = tpu.memref_squeeze %dma_wait3A_304 : memref<1x128x128xf32, #tpu.memory_space<vmem>> -> memref<128x128xf32, #tpu.memory_space<vmem>>
      %dma_wait3A_306 = arith.constant 0 : i32
      %dma_wait3A_307 = tpu.memref_slice %arg7[%mul3A_299, %dma_wait3A_306] : memref<40x128xi32, #tpu.memory_space<vmem>> -> memref<1x128xi32, #tpu.memory_space<vmem>>
      %dma_wait3A_308 = tpu.memref_squeeze %dma_wait3A_307 : memref<1x128xi32, #tpu.memory_space<vmem>> -> memref<128xi32, #tpu.memory_space<vmem>>
      %dma_wait3A_309 = arith.constant 0 : i32
      %dma_wait3A_310 = arith.constant 0 : i32
      %dma_wait3A_311 = tpu.memref_slice %arg2[%dma_wait3A_309, %dma_wait3A_310] : memref<40960x128xf32, #tpu.memory_space<hbm>> -> memref<40960x128xf32, #tpu.memory_space<hbm>>
      tpu.wait_indirect_dma semaphore(%arg12 : memref<!tpu.dma_semaphore, #tpu.memory_space<semaphore_mem>>) src(%dma_wait3A_311 : memref<40960x128xf32, #tpu.memory_space<hbm>>) dst(%dma_wait3A_305 : memref<128x128xf32, #tpu.memory_space<vmem>>)
      %dma_start3A_312 = arith.constant 0 : i32
      %dma_start3A_313 = arith.constant 0 : i32
      %dma_start3A_314 = arith.constant 0 : i32
      %dma_start3A_315 = tpu.memref_slice %arg10[%dma_start3A_312, %dma_start3A_313, %dma_start3A_314] : memref<2x128x128xf32, #tpu.memory_space<vmem>> -> memref<1x128x128xf32, #tpu.memory_space<vmem>>
      %dma_start3A_316 = tpu.memref_squeeze %dma_start3A_315 : memref<1x128x128xf32, #tpu.memory_space<vmem>> -> memref<128x128xf32, #tpu.memory_space<vmem>>
      %dma_start3A_317 = arith.constant 0 : i32
      %dma_start3A_318 = tpu.memref_slice %arg8[%mul3A_299, %dma_start3A_317] : memref<40x128xi32, #tpu.memory_space<vmem>> -> memref<1x128xi32, #tpu.memory_space<vmem>>
      %dma_start3A_319 = tpu.memref_squeeze %dma_start3A_318 : memref<1x128xi32, #tpu.memory_space<vmem>> -> memref<128xi32, #tpu.memory_space<vmem>>
      %dma_start3A_320 = arith.constant 0 : i32
      %dma_start3A_321 = arith.constant 0 : i32
      %dma_start3A_322 = tpu.memref_slice %arg11[%dma_start3A_320, %dma_start3A_321] : memref<10240x128xf32, #tpu.memory_space<vmem_shared>> -> memref<10240x128xf32, #tpu.memory_space<vmem_shared>>
      tpu.enqueue_indirect_dma source(%dma_start3A_316 : memref<128x128xf32, #tpu.memory_space<vmem>>) target(%dma_start3A_322 : memref<10240x128xf32, #tpu.memory_space<vmem_shared>>) offsets(%dma_start3A_319 : memref<128xi32, #tpu.memory_space<vmem>>) semaphore(%arg14 : memref<!tpu.dma_semaphore, #tpu.memory_space<semaphore_mem>>) {add = true}
      %dma_wait3A_323 = arith.constant 1 : i32
      %dma_wait3A_324 = arith.constant 0 : i32
      %dma_wait3A_325 = arith.constant 0 : i32
      %dma_wait3A_326 = tpu.memref_slice %arg10[%dma_wait3A_323, %dma_wait3A_324, %dma_wait3A_325] : memref<2x128x128xf32, #tpu.memory_space<vmem>> -> memref<1x128x128xf32, #tpu.memory_space<vmem>>
      %dma_wait3A_327 = tpu.memref_squeeze %dma_wait3A_326 : memref<1x128x128xf32, #tpu.memory_space<vmem>> -> memref<128x128xf32, #tpu.memory_space<vmem>>
      %dma_wait3A_328 = arith.constant 0 : i32
      %dma_wait3A_329 = tpu.memref_slice %arg7[%add3A_301, %dma_wait3A_328] : memref<40x128xi32, #tpu.memory_space<vmem>> -> memref<1x128xi32, #tpu.memory_space<vmem>>
      %dma_wait3A_330 = tpu.memref_squeeze %dma_wait3A_329 : memref<1x128xi32, #tpu.memory_space<vmem>> -> memref<128xi32, #tpu.memory_space<vmem>>
      %dma_wait3A_331 = arith.constant 0 : i32
      %dma_wait3A_332 = arith.constant 0 : i32
      %dma_wait3A_333 = tpu.memref_slice %arg2[%dma_wait3A_331, %dma_wait3A_332] : memref<40960x128xf32, #tpu.memory_space<hbm>> -> memref<40960x128xf32, #tpu.memory_space<hbm>>
      tpu.wait_indirect_dma semaphore(%arg13 : memref<!tpu.dma_semaphore, #tpu.memory_space<semaphore_mem>>) src(%dma_wait3A_333 : memref<40960x128xf32, #tpu.memory_space<hbm>>) dst(%dma_wait3A_327 : memref<128x128xf32, #tpu.memory_space<vmem>>)
      %dma_start3A_334 = arith.constant 1 : i32
      %dma_start3A_335 = arith.constant 0 : i32
      %dma_start3A_336 = arith.constant 0 : i32
      %dma_start3A_337 = tpu.memref_slice %arg10[%dma_start3A_334, %dma_start3A_335, %dma_start3A_336] : memref<2x128x128xf32, #tpu.memory_space<vmem>> -> memref<1x128x128xf32, #tpu.memory_space<vmem>>
      %dma_start3A_338 = tpu.memref_squeeze %dma_start3A_337 : memref<1x128x128xf32, #tpu.memory_space<vmem>> -> memref<128x128xf32, #tpu.memory_space<vmem>>
      %dma_start3A_339 = arith.constant 0 : i32
      %dma_start3A_340 = tpu.memref_slice %arg8[%add3A_301, %dma_start3A_339] : memref<40x128xi32, #tpu.memory_space<vmem>> -> memref<1x128xi32, #tpu.memory_space<vmem>>
      %dma_start3A_341 = tpu.memref_squeeze %dma_start3A_340 : memref<1x128xi32, #tpu.memory_space<vmem>> -> memref<128xi32, #tpu.memory_space<vmem>>
      %dma_start3A_342 = arith.constant 0 : i32
      %dma_start3A_343 = arith.constant 0 : i32
      %dma_start3A_344 = tpu.memref_slice %arg11[%dma_start3A_342, %dma_start3A_343] : memref<10240x128xf32, #tpu.memory_space<vmem_shared>> -> memref<10240x128xf32, #tpu.memory_space<vmem_shared>>
      tpu.enqueue_indirect_dma source(%dma_start3A_338 : memref<128x128xf32, #tpu.memory_space<vmem>>) target(%dma_start3A_344 : memref<10240x128xf32, #tpu.memory_space<vmem_shared>>) offsets(%dma_start3A_341 : memref<128xi32, #tpu.memory_space<vmem>>) semaphore(%arg15 : memref<!tpu.dma_semaphore, #tpu.memory_space<semaphore_mem>>) {add = true}
      %dma_wait3A_345 = arith.constant 0 : i32
      %dma_wait3A_346 = arith.constant 0 : i32
      %dma_wait3A_347 = arith.constant 0 : i32
      %dma_wait3A_348 = tpu.memref_slice %arg10[%dma_wait3A_345, %dma_wait3A_346, %dma_wait3A_347] : memref<2x128x128xf32, #tpu.memory_space<vmem>> -> memref<1x128x128xf32, #tpu.memory_space<vmem>>
      %dma_wait3A_349 = tpu.memref_squeeze %dma_wait3A_348 : memref<1x128x128xf32, #tpu.memory_space<vmem>> -> memref<128x128xf32, #tpu.memory_space<vmem>>
      %dma_wait3A_350 = arith.constant 0 : i32
      %dma_wait3A_351 = tpu.memref_slice %arg8[%mul3A_299, %dma_wait3A_350] : memref<40x128xi32, #tpu.memory_space<vmem>> -> memref<1x128xi32, #tpu.memory_space<vmem>>
      %dma_wait3A_352 = tpu.memref_squeeze %dma_wait3A_351 : memref<1x128xi32, #tpu.memory_space<vmem>> -> memref<128xi32, #tpu.memory_space<vmem>>
      %dma_wait3A_353 = arith.constant 0 : i32
      %dma_wait3A_354 = arith.constant 0 : i32
      %dma_wait3A_355 = tpu.memref_slice %arg11[%dma_wait3A_353, %dma_wait3A_354] : memref<10240x128xf32, #tpu.memory_space<vmem_shared>> -> memref<10240x128xf32, #tpu.memory_space<vmem_shared>>
      tpu.wait_indirect_dma semaphore(%arg14 : memref<!tpu.dma_semaphore, #tpu.memory_space<semaphore_mem>>) src(%dma_wait3A_349 : memref<128x128xf32, #tpu.memory_space<vmem>>) dst(%dma_wait3A_355 : memref<10240x128xf32, #tpu.memory_space<vmem_shared>>)
      %add3A_356 = arith.constant 1 : i32
      %add3A_357 = arith.addi %scan3A_296, %add3A_356 : i32
      %lt3A = arith.constant 20 : i32
      %lt3A_358 = arith.cmpi slt, %add3A_357, %lt3A : i32
      %convert_element_type3A = arith.extui %lt3A_358 : i1 to i32
      %cond3A = arith.constant 0 : i32
      %cond3A_359 = arith.cmpi ne, %convert_element_type3A, %cond3A : i32
      scf.if %cond3A_359 {
        %add3A_379 = arith.constant 2 : i32
        %add3A_380 = arith.addi %mul3A_299, %add3A_379 : i32
        %dma_start3A_381 = arith.constant 0 : i32
        %dma_start3A_382 = arith.constant 0 : i32
        %dma_start3A_383 = arith.constant 0 : i32
        %dma_start3A_384 = tpu.memref_slice %arg10[%dma_start3A_381, %dma_start3A_382, %dma_start3A_383] : memref<2x128x128xf32, #tpu.memory_space<vmem>> -> memref<1x128x128xf32, #tpu.memory_space<vmem>>
        %dma_start3A_385 = tpu.memref_squeeze %dma_start3A_384 : memref<1x128x128xf32, #tpu.memory_space<vmem>> -> memref<128x128xf32, #tpu.memory_space<vmem>>
        %dma_start3A_386 = arith.constant 0 : i32
        %dma_start3A_387 = tpu.memref_slice %arg7[%add3A_380, %dma_start3A_386] : memref<40x128xi32, #tpu.memory_space<vmem>> -> memref<1x128xi32, #tpu.memory_space<vmem>>
        %dma_start3A_388 = tpu.memref_squeeze %dma_start3A_387 : memref<1x128xi32, #tpu.memory_space<vmem>> -> memref<128xi32, #tpu.memory_space<vmem>>
        %dma_start3A_389 = arith.constant 0 : i32
        %dma_start3A_390 = arith.constant 0 : i32
        %dma_start3A_391 = tpu.memref_slice %arg2[%dma_start3A_389, %dma_start3A_390] : memref<40960x128xf32, #tpu.memory_space<hbm>> -> memref<40960x128xf32, #tpu.memory_space<hbm>>
        tpu.enqueue_indirect_dma source(%dma_start3A_391 : memref<40960x128xf32, #tpu.memory_space<hbm>>) target(%dma_start3A_385 : memref<128x128xf32, #tpu.memory_space<vmem>>) offsets(%dma_start3A_388 : memref<128xi32, #tpu.memory_space<vmem>>) semaphore(%arg12 : memref<!tpu.dma_semaphore, #tpu.memory_space<semaphore_mem>>)
      } else {
      }
      %dma_wait3A_360 = arith.constant 1 : i32
      %dma_wait3A_361 = arith.constant 0 : i32
      %dma_wait3A_362 = arith.constant 0 : i32
      %dma_wait3A_363 = tpu.memref_slice %arg10[%dma_wait3A_360, %dma_wait3A_361, %dma_wait3A_362] : memref<2x128x128xf32, #tpu.memory_space<vmem>> -> memref<1x128x128xf32, #tpu.memory_space<vmem>>
      %dma_wait3A_364 = tpu.memref_squeeze %dma_wait3A_363 : memref<1x128x128xf32, #tpu.memory_space<vmem>> -> memref<128x128xf32, #tpu.memory_space<vmem>>
      %dma_wait3A_365 = arith.constant 0 : i32
      %dma_wait3A_366 = tpu.memref_slice %arg8[%add3A_301, %dma_wait3A_365] : memref<40x128xi32, #tpu.memory_space<vmem>> -> memref<1x128xi32, #tpu.memory_space<vmem>>
      %dma_wait3A_367 = tpu.memref_squeeze %dma_wait3A_366 : memref<1x128xi32, #tpu.memory_space<vmem>> -> memref<128xi32, #tpu.memory_space<vmem>>
      %dma_wait3A_368 = arith.constant 0 : i32
      %dma_wait3A_369 = arith.constant 0 : i32
      %dma_wait3A_370 = tpu.memref_slice %arg11[%dma_wait3A_368, %dma_wait3A_369] : memref<10240x128xf32, #tpu.memory_space<vmem_shared>> -> memref<10240x128xf32, #tpu.memory_space<vmem_shared>>
      tpu.wait_indirect_dma semaphore(%arg15 : memref<!tpu.dma_semaphore, #tpu.memory_space<semaphore_mem>>) src(%dma_wait3A_364 : memref<128x128xf32, #tpu.memory_space<vmem>>) dst(%dma_wait3A_370 : memref<10240x128xf32, #tpu.memory_space<vmem_shared>>)
      %add3A_371 = arith.constant 1 : i32
      %add3A_372 = arith.addi %scan3A_296, %add3A_371 : i32
      %lt3A_373 = arith.constant 20 : i32
      %lt3A_374 = arith.cmpi slt, %add3A_372, %lt3A_373 : i32
      %convert_element_type3A_375 = arith.extui %lt3A_374 : i1 to i32
      %cond3A_376 = arith.constant 0 : i32
      %cond3A_377 = arith.cmpi ne, %convert_element_type3A_375, %cond3A_376 : i32
      scf.if %cond3A_377 {
        %add3A_379 = arith.constant 2 : i32
        %add3A_380 = arith.addi %add3A_301, %add3A_379 : i32
        %dma_start3A_381 = arith.constant 1 : i32
        %dma_start3A_382 = arith.constant 0 : i32
        %dma_start3A_383 = arith.constant 0 : i32
        %dma_start3A_384 = tpu.memref_slice %arg10[%dma_start3A_381, %dma_start3A_382, %dma_start3A_383] : memref<2x128x128xf32, #tpu.memory_space<vmem>> -> memref<1x128x128xf32, #tpu.memory_space<vmem>>
        %dma_start3A_385 = tpu.memref_squeeze %dma_start3A_384 : memref<1x128x128xf32, #tpu.memory_space<vmem>> -> memref<128x128xf32, #tpu.memory_space<vmem>>
        %dma_start3A_386 = arith.constant 0 : i32
        %dma_start3A_387 = tpu.memref_slice %arg7[%add3A_380, %dma_start3A_386] : memref<40x128xi32, #tpu.memory_space<vmem>> -> memref<1x128xi32, #tpu.memory_space<vmem>>
        %dma_start3A_388 = tpu.memref_squeeze %dma_start3A_387 : memref<1x128xi32, #tpu.memory_space<vmem>> -> memref<128xi32, #tpu.memory_space<vmem>>
        %dma_start3A_389 = arith.constant 0 : i32
        %dma_start3A_390 = arith.constant 0 : i32
        %dma_start3A_391 = tpu.memref_slice %arg2[%dma_start3A_389, %dma_start3A_390] : memref<40960x128xf32, #tpu.memory_space<hbm>> -> memref<40960x128xf32, #tpu.memory_space<hbm>>
        tpu.enqueue_indirect_dma source(%dma_start3A_391 : memref<40960x128xf32, #tpu.memory_space<hbm>>) target(%dma_start3A_385 : memref<128x128xf32, #tpu.memory_space<vmem>>) offsets(%dma_start3A_388 : memref<128xi32, #tpu.memory_space<vmem>>) semaphore(%arg13 : memref<!tpu.dma_semaphore, #tpu.memory_space<semaphore_mem>>)
      } else {
      }
      %scan3A_378 = arith.constant 0 : i32
      scf.yield %scan3A_378 : i32
    }
    %scan3A_102 = arith.constant 20 : i32
    %barrier3A_103 = arith.constant 0 : index
    tpu.barrier barrier_id(%barrier3A_103)
    %run_scoped3A_104 = arith.constant 0 : i32
    %run_scoped3A_105 = arith.constant 0 : i32
    "tpu.region"() ({
      %run_scoped3A_296 = tpu.sem_alloc : memref<!tpu.dma_semaphore, #tpu.memory_space<semaphore_mem>>
      %dma_start3A_297 = arith.constant 0 : i32
      %dma_start3A_298 = arith.constant 0 : i32
      %dma_start3A_299 = tpu.memref_slice %arg10[%run_scoped3A_105, %dma_start3A_297, %dma_start3A_298] : memref<2x128x128xf32, #tpu.memory_space<vmem>> -> memref<1x128x128xf32, #tpu.memory_space<vmem>>
      %dma_start3A_300 = tpu.memref_squeeze %dma_start3A_299 : memref<1x128x128xf32, #tpu.memory_space<vmem>> -> memref<128x128xf32, #tpu.memory_space<vmem>>
      %dma_start3A_301 = arith.constant 0 : i32
      %dma_start3A_302 = tpu.memref_slice %arg9[%run_scoped3A_104, %dma_start3A_301] : memref<5x128xi32, #tpu.memory_space<vmem>> -> memref<1x128xi32, #tpu.memory_space<vmem>>
      %dma_start3A_303 = tpu.memref_squeeze %dma_start3A_302 : memref<1x128xi32, #tpu.memory_space<vmem>> -> memref<128xi32, #tpu.memory_space<vmem>>
      %dma_start3A_304 = arith.constant 0 : i32
      %dma_start3A_305 = arith.constant 0 : i32
      %dma_start3A_306 = tpu.memref_slice %arg11[%dma_start3A_304, %dma_start3A_305] : memref<10240x128xf32, #tpu.memory_space<vmem_shared>> -> memref<10240x128xf32, #tpu.memory_space<vmem_shared>>
      tpu.enqueue_indirect_dma source(%dma_start3A_306 : memref<10240x128xf32, #tpu.memory_space<vmem_shared>>) target(%dma_start3A_300 : memref<128x128xf32, #tpu.memory_space<vmem>>) offsets(%dma_start3A_303 : memref<128xi32, #tpu.memory_space<vmem>>) semaphore(%run_scoped3A_296 : memref<!tpu.dma_semaphore, #tpu.memory_space<semaphore_mem>>)
      %dma_wait3A = arith.constant 0 : i32
      %dma_wait3A_307 = arith.constant 0 : i32
      %dma_wait3A_308 = tpu.memref_slice %arg10[%run_scoped3A_105, %dma_wait3A, %dma_wait3A_307] : memref<2x128x128xf32, #tpu.memory_space<vmem>> -> memref<1x128x128xf32, #tpu.memory_space<vmem>>
      %dma_wait3A_309 = tpu.memref_squeeze %dma_wait3A_308 : memref<1x128x128xf32, #tpu.memory_space<vmem>> -> memref<128x128xf32, #tpu.memory_space<vmem>>
      %dma_wait3A_310 = arith.constant 0 : i32
      %dma_wait3A_311 = tpu.memref_slice %arg9[%run_scoped3A_104, %dma_wait3A_310] : memref<5x128xi32, #tpu.memory_space<vmem>> -> memref<1x128xi32, #tpu.memory_space<vmem>>
      %dma_wait3A_312 = tpu.memref_squeeze %dma_wait3A_311 : memref<1x128xi32, #tpu.memory_space<vmem>> -> memref<128xi32, #tpu.memory_space<vmem>>
      %dma_wait3A_313 = arith.constant 0 : i32
      %dma_wait3A_314 = arith.constant 0 : i32
      %dma_wait3A_315 = tpu.memref_slice %arg11[%dma_wait3A_313, %dma_wait3A_314] : memref<10240x128xf32, #tpu.memory_space<vmem_shared>> -> memref<10240x128xf32, #tpu.memory_space<vmem_shared>>
      tpu.wait_indirect_dma semaphore(%run_scoped3A_296 : memref<!tpu.dma_semaphore, #tpu.memory_space<semaphore_mem>>) src(%dma_wait3A_315 : memref<10240x128xf32, #tpu.memory_space<vmem_shared>>) dst(%dma_wait3A_309 : memref<128x128xf32, #tpu.memory_space<vmem>>)
      tpu.yield
    }) : () -> ()
    %mul3A_106 = arith.constant 640 : i32
    %mul3A_107 = arith.muli %arg1, %mul3A_106 : i32
    %add3A_108 = arith.addi %mul3A_3, %mul3A_107 : i32
    %add3A_109 = arith.constant 0 : i32
    %add3A_110 = arith.addi %add3A_108, %add3A_109 : i32
    %run_scoped3A_111 = arith.constant 0 : i32
    "tpu.region"() ({
      %run_scoped3A_296 = tpu.sem_alloc : memref<!tpu.dma_semaphore, #tpu.memory_space<semaphore_mem>>
      %dma_start3A_297 = arith.constant 0 : i32
      %dma_start3A_298 = arith.constant 0 : i32
      %dma_start3A_299 = tpu.memref_slice %arg10[%run_scoped3A_111, %dma_start3A_297, %dma_start3A_298] : memref<2x128x128xf32, #tpu.memory_space<vmem>> -> memref<1x128x128xf32, #tpu.memory_space<vmem>>
      %dma_start3A_300 = tpu.memref_squeeze %dma_start3A_299 : memref<1x128x128xf32, #tpu.memory_space<vmem>> -> memref<128x128xf32, #tpu.memory_space<vmem>>
      %dma_start3A_301 = arith.constant 0 : i32
      %dma_start3A_302 = tpu.memref_slice %arg6[%add3A_110, %dma_start3A_301] : memref<40960x128xf32, #tpu.memory_space<hbm>> -> memref<128x128xf32, #tpu.memory_space<hbm>>
      %dma_start3A_303 = arith.constant 0 : i32
      %dma_start3A_304 = tpu.memref_slice %arg6[%add3A_110, %dma_start3A_303] : memref<40960x128xf32, #tpu.memory_space<hbm>> -> memref<128x128xf32, #tpu.memory_space<hbm>>
      %dma_start3A_305 = arith.constant 0 : i32
      %dma_start3A_306 = arith.constant 0 : i32
      %dma_start3A_307 = tpu.memref_slice %arg10[%run_scoped3A_111, %dma_start3A_305, %dma_start3A_306] : memref<2x128x128xf32, #tpu.memory_space<vmem>> -> memref<1x128x128xf32, #tpu.memory_space<vmem>>
      %dma_start3A_308 = tpu.memref_squeeze %dma_start3A_307 : memref<1x128x128xf32, #tpu.memory_space<vmem>> -> memref<128x128xf32, #tpu.memory_space<vmem>>
      tpu.enqueue_dma source(%dma_start3A_308 : memref<128x128xf32, #tpu.memory_space<vmem>>) target(%dma_start3A_304 : memref<128x128xf32, #tpu.memory_space<hbm>>) target_semaphore(%run_scoped3A_296 : memref<!tpu.dma_semaphore, #tpu.memory_space<semaphore_mem>>)
      %dma_wait3A = arith.constant 0 : i32
      %dma_wait3A_309 = arith.constant 0 : i32
      %dma_wait3A_310 = tpu.memref_slice %arg10[%run_scoped3A_111, %dma_wait3A, %dma_wait3A_309] : memref<2x128x128xf32, #tpu.memory_space<vmem>> -> memref<1x128x128xf32, #tpu.memory_space<vmem>>
      %dma_wait3A_311 = tpu.memref_squeeze %dma_wait3A_310 : memref<1x128x128xf32, #tpu.memory_space<vmem>> -> memref<128x128xf32, #tpu.memory_space<vmem>>
      %dma_wait3A_312 = arith.constant 0 : i32
      %dma_wait3A_313 = tpu.memref_slice %arg6[%add3A_110, %dma_wait3A_312] : memref<40960x128xf32, #tpu.memory_space<hbm>> -> memref<128x128xf32, #tpu.memory_space<hbm>>
      %dma_wait3A_314 = arith.constant 0 : i32
      %dma_wait3A_315 = tpu.memref_slice %arg6[%add3A_110, %dma_wait3A_314] : memref<40960x128xf32, #tpu.memory_space<hbm>> -> memref<128x128xf32, #tpu.memory_space<hbm>>
      %dma_wait3A_316 = arith.constant 0 : i32
      %dma_wait3A_317 = arith.constant 0 : i32
      %dma_wait3A_318 = tpu.memref_slice %arg10[%run_scoped3A_111, %dma_wait3A_316, %dma_wait3A_317] : memref<2x128x128xf32, #tpu.memory_space<vmem>> -> memref<1x128x128xf32, #tpu.memory_space<vmem>>
      %dma_wait3A_319 = tpu.memref_squeeze %dma_wait3A_318 : memref<1x128x128xf32, #tpu.memory_space<vmem>> -> memref<128x128xf32, #tpu.memory_space<vmem>>
      tpu.wait_dma2 semaphore(%run_scoped3A_296 : memref<!tpu.dma_semaphore, #tpu.memory_space<semaphore_mem>>) src(%dma_wait3A_319 : memref<128x128xf32, #tpu.memory_space<vmem>>) dst(%dma_wait3A_315 : memref<128x128xf32, #tpu.memory_space<hbm>>)
      tpu.yield
    }) : () -> ()
    %run_scoped3A_112 = arith.constant 1 : i32
    %run_scoped3A_113 = arith.constant 0 : i32
    "tpu.region"() ({
      %run_scoped3A_296 = tpu.sem_alloc : memref<!tpu.dma_semaphore, #tpu.memory_space<semaphore_mem>>
      %dma_start3A_297 = arith.constant 0 : i32
      %dma_start3A_298 = arith.constant 0 : i32
      %dma_start3A_299 = tpu.memref_slice %arg10[%run_scoped3A_113, %dma_start3A_297, %dma_start3A_298] : memref<2x128x128xf32, #tpu.memory_space<vmem>> -> memref<1x128x128xf32, #tpu.memory_space<vmem>>
      %dma_start3A_300 = tpu.memref_squeeze %dma_start3A_299 : memref<1x128x128xf32, #tpu.memory_space<vmem>> -> memref<128x128xf32, #tpu.memory_space<vmem>>
      %dma_start3A_301 = arith.constant 0 : i32
      %dma_start3A_302 = tpu.memref_slice %arg9[%run_scoped3A_112, %dma_start3A_301] : memref<5x128xi32, #tpu.memory_space<vmem>> -> memref<1x128xi32, #tpu.memory_space<vmem>>
      %dma_start3A_303 = tpu.memref_squeeze %dma_start3A_302 : memref<1x128xi32, #tpu.memory_space<vmem>> -> memref<128xi32, #tpu.memory_space<vmem>>
      %dma_start3A_304 = arith.constant 0 : i32
      %dma_start3A_305 = arith.constant 0 : i32
      %dma_start3A_306 = tpu.memref_slice %arg11[%dma_start3A_304, %dma_start3A_305] : memref<10240x128xf32, #tpu.memory_space<vmem_shared>> -> memref<10240x128xf32, #tpu.memory_space<vmem_shared>>
      tpu.enqueue_indirect_dma source(%dma_start3A_306 : memref<10240x128xf32, #tpu.memory_space<vmem_shared>>) target(%dma_start3A_300 : memref<128x128xf32, #tpu.memory_space<vmem>>) offsets(%dma_start3A_303 : memref<128xi32, #tpu.memory_space<vmem>>) semaphore(%run_scoped3A_296 : memref<!tpu.dma_semaphore, #tpu.memory_space<semaphore_mem>>)
      %dma_wait3A = arith.constant 0 : i32
      %dma_wait3A_307 = arith.constant 0 : i32
      %dma_wait3A_308 = tpu.memref_slice %arg10[%run_scoped3A_113, %dma_wait3A, %dma_wait3A_307] : memref<2x128x128xf32, #tpu.memory_space<vmem>> -> memref<1x128x128xf32, #tpu.memory_space<vmem>>
      %dma_wait3A_309 = tpu.memref_squeeze %dma_wait3A_308 : memref<1x128x128xf32, #tpu.memory_space<vmem>> -> memref<128x128xf32, #tpu.memory_space<vmem>>
      %dma_wait3A_310 = arith.constant 0 : i32
      %dma_wait3A_311 = tpu.memref_slice %arg9[%run_scoped3A_112, %dma_wait3A_310] : memref<5x128xi32, #tpu.memory_space<vmem>> -> memref<1x128xi32, #tpu.memory_space<vmem>>
      %dma_wait3A_312 = tpu.memref_squeeze %dma_wait3A_311 : memref<1x128xi32, #tpu.memory_space<vmem>> -> memref<128xi32, #tpu.memory_space<vmem>>
      %dma_wait3A_313 = arith.constant 0 : i32
      %dma_wait3A_314 = arith.constant 0 : i32
      %dma_wait3A_315 = tpu.memref_slice %arg11[%dma_wait3A_313, %dma_wait3A_314] : memref<10240x128xf32, #tpu.memory_space<vmem_shared>> -> memref<10240x128xf32, #tpu.memory_space<vmem_shared>>
      tpu.wait_indirect_dma semaphore(%run_scoped3A_296 : memref<!tpu.dma_semaphore, #tpu.memory_space<semaphore_mem>>) src(%dma_wait3A_315 : memref<10240x128xf32, #tpu.memory_space<vmem_shared>>) dst(%dma_wait3A_309 : memref<128x128xf32, #tpu.memory_space<vmem>>)
      tpu.yield
    }) : () -> ()
    %mul3A_114 = arith.constant 640 : i32
    %mul3A_115 = arith.muli %arg1, %mul3A_114 : i32
    %add3A_116 = arith.addi %mul3A_3, %mul3A_115 : i32
    %add3A_117 = arith.constant 128 : i32
    %add3A_118 = arith.addi %add3A_116, %add3A_117 : i32
    %run_scoped3A_119 = arith.constant 0 : i32
    "tpu.region"() ({
      %run_scoped3A_296 = tpu.sem_alloc : memref<!tpu.dma_semaphore, #tpu.memory_space<semaphore_mem>>
      %dma_start3A_297 = arith.constant 0 : i32
      %dma_start3A_298 = arith.constant 0 : i32
      %dma_start3A_299 = tpu.memref_slice %arg10[%run_scoped3A_119, %dma_start3A_297, %dma_start3A_298] : memref<2x128x128xf32, #tpu.memory_space<vmem>> -> memref<1x128x128xf32, #tpu.memory_space<vmem>>
      %dma_start3A_300 = tpu.memref_squeeze %dma_start3A_299 : memref<1x128x128xf32, #tpu.memory_space<vmem>> -> memref<128x128xf32, #tpu.memory_space<vmem>>
      %dma_start3A_301 = arith.constant 0 : i32
      %dma_start3A_302 = tpu.memref_slice %arg6[%add3A_118, %dma_start3A_301] : memref<40960x128xf32, #tpu.memory_space<hbm>> -> memref<128x128xf32, #tpu.memory_space<hbm>>
      %dma_start3A_303 = arith.constant 0 : i32
      %dma_start3A_304 = tpu.memref_slice %arg6[%add3A_118, %dma_start3A_303] : memref<40960x128xf32, #tpu.memory_space<hbm>> -> memref<128x128xf32, #tpu.memory_space<hbm>>
      %dma_start3A_305 = arith.constant 0 : i32
      %dma_start3A_306 = arith.constant 0 : i32
      %dma_start3A_307 = tpu.memref_slice %arg10[%run_scoped3A_119, %dma_start3A_305, %dma_start3A_306] : memref<2x128x128xf32, #tpu.memory_space<vmem>> -> memref<1x128x128xf32, #tpu.memory_space<vmem>>
      %dma_start3A_308 = tpu.memref_squeeze %dma_start3A_307 : memref<1x128x128xf32, #tpu.memory_space<vmem>> -> memref<128x128xf32, #tpu.memory_space<vmem>>
      tpu.enqueue_dma source(%dma_start3A_308 : memref<128x128xf32, #tpu.memory_space<vmem>>) target(%dma_start3A_304 : memref<128x128xf32, #tpu.memory_space<hbm>>) target_semaphore(%run_scoped3A_296 : memref<!tpu.dma_semaphore, #tpu.memory_space<semaphore_mem>>)
      %dma_wait3A = arith.constant 0 : i32
      %dma_wait3A_309 = arith.constant 0 : i32
      %dma_wait3A_310 = tpu.memref_slice %arg10[%run_scoped3A_119, %dma_wait3A, %dma_wait3A_309] : memref<2x128x128xf32, #tpu.memory_space<vmem>> -> memref<1x128x128xf32, #tpu.memory_space<vmem>>
      %dma_wait3A_311 = tpu.memref_squeeze %dma_wait3A_310 : memref<1x128x128xf32, #tpu.memory_space<vmem>> -> memref<128x128xf32, #tpu.memory_space<vmem>>
      %dma_wait3A_312 = arith.constant 0 : i32
      %dma_wait3A_313 = tpu.memref_slice %arg6[%add3A_118, %dma_wait3A_312] : memref<40960x128xf32, #tpu.memory_space<hbm>> -> memref<128x128xf32, #tpu.memory_space<hbm>>
      %dma_wait3A_314 = arith.constant 0 : i32
      %dma_wait3A_315 = tpu.memref_slice %arg6[%add3A_118, %dma_wait3A_314] : memref<40960x128xf32, #tpu.memory_space<hbm>> -> memref<128x128xf32, #tpu.memory_space<hbm>>
      %dma_wait3A_316 = arith.constant 0 : i32
      %dma_wait3A_317 = arith.constant 0 : i32
      %dma_wait3A_318 = tpu.memref_slice %arg10[%run_scoped3A_119, %dma_wait3A_316, %dma_wait3A_317] : memref<2x128x128xf32, #tpu.memory_space<vmem>> -> memref<1x128x128xf32, #tpu.memory_space<vmem>>
      %dma_wait3A_319 = tpu.memref_squeeze %dma_wait3A_318 : memref<1x128x128xf32, #tpu.memory_space<vmem>> -> memref<128x128xf32, #tpu.memory_space<vmem>>
      tpu.wait_dma2 semaphore(%run_scoped3A_296 : memref<!tpu.dma_semaphore, #tpu.memory_space<semaphore_mem>>) src(%dma_wait3A_319 : memref<128x128xf32, #tpu.memory_space<vmem>>) dst(%dma_wait3A_315 : memref<128x128xf32, #tpu.memory_space<hbm>>)
      tpu.yield
    }) : () -> ()
    %run_scoped3A_120 = arith.constant 2 : i32
    %run_scoped3A_121 = arith.constant 0 : i32
    "tpu.region"() ({
      %run_scoped3A_296 = tpu.sem_alloc : memref<!tpu.dma_semaphore, #tpu.memory_space<semaphore_mem>>
      %dma_start3A_297 = arith.constant 0 : i32
      %dma_start3A_298 = arith.constant 0 : i32
      %dma_start3A_299 = tpu.memref_slice %arg10[%run_scoped3A_121, %dma_start3A_297, %dma_start3A_298] : memref<2x128x128xf32, #tpu.memory_space<vmem>> -> memref<1x128x128xf32, #tpu.memory_space<vmem>>
      %dma_start3A_300 = tpu.memref_squeeze %dma_start3A_299 : memref<1x128x128xf32, #tpu.memory_space<vmem>> -> memref<128x128xf32, #tpu.memory_space<vmem>>
      %dma_start3A_301 = arith.constant 0 : i32
      %dma_start3A_302 = tpu.memref_slice %arg9[%run_scoped3A_120, %dma_start3A_301] : memref<5x128xi32, #tpu.memory_space<vmem>> -> memref<1x128xi32, #tpu.memory_space<vmem>>
      %dma_start3A_303 = tpu.memref_squeeze %dma_start3A_302 : memref<1x128xi32, #tpu.memory_space<vmem>> -> memref<128xi32, #tpu.memory_space<vmem>>
      %dma_start3A_304 = arith.constant 0 : i32
      %dma_start3A_305 = arith.constant 0 : i32
      %dma_start3A_306 = tpu.memref_slice %arg11[%dma_start3A_304, %dma_start3A_305] : memref<10240x128xf32, #tpu.memory_space<vmem_shared>> -> memref<10240x128xf32, #tpu.memory_space<vmem_shared>>
      tpu.enqueue_indirect_dma source(%dma_start3A_306 : memref<10240x128xf32, #tpu.memory_space<vmem_shared>>) target(%dma_start3A_300 : memref<128x128xf32, #tpu.memory_space<vmem>>) offsets(%dma_start3A_303 : memref<128xi32, #tpu.memory_space<vmem>>) semaphore(%run_scoped3A_296 : memref<!tpu.dma_semaphore, #tpu.memory_space<semaphore_mem>>)
      %dma_wait3A = arith.constant 0 : i32
      %dma_wait3A_307 = arith.constant 0 : i32
      %dma_wait3A_308 = tpu.memref_slice %arg10[%run_scoped3A_121, %dma_wait3A, %dma_wait3A_307] : memref<2x128x128xf32, #tpu.memory_space<vmem>> -> memref<1x128x128xf32, #tpu.memory_space<vmem>>
      %dma_wait3A_309 = tpu.memref_squeeze %dma_wait3A_308 : memref<1x128x128xf32, #tpu.memory_space<vmem>> -> memref<128x128xf32, #tpu.memory_space<vmem>>
      %dma_wait3A_310 = arith.constant 0 : i32
      %dma_wait3A_311 = tpu.memref_slice %arg9[%run_scoped3A_120, %dma_wait3A_310] : memref<5x128xi32, #tpu.memory_space<vmem>> -> memref<1x128xi32, #tpu.memory_space<vmem>>
      %dma_wait3A_312 = tpu.memref_squeeze %dma_wait3A_311 : memref<1x128xi32, #tpu.memory_space<vmem>> -> memref<128xi32, #tpu.memory_space<vmem>>
      %dma_wait3A_313 = arith.constant 0 : i32
      %dma_wait3A_314 = arith.constant 0 : i32
      %dma_wait3A_315 = tpu.memref_slice %arg11[%dma_wait3A_313, %dma_wait3A_314] : memref<10240x128xf32, #tpu.memory_space<vmem_shared>> -> memref<10240x128xf32, #tpu.memory_space<vmem_shared>>
      tpu.wait_indirect_dma semaphore(%run_scoped3A_296 : memref<!tpu.dma_semaphore, #tpu.memory_space<semaphore_mem>>) src(%dma_wait3A_315 : memref<10240x128xf32, #tpu.memory_space<vmem_shared>>) dst(%dma_wait3A_309 : memref<128x128xf32, #tpu.memory_space<vmem>>)
      tpu.yield
    }) : () -> ()
    %mul3A_122 = arith.constant 640 : i32
    %mul3A_123 = arith.muli %arg1, %mul3A_122 : i32
    %add3A_124 = arith.addi %mul3A_3, %mul3A_123 : i32
    %add3A_125 = arith.constant 256 : i32
    %add3A_126 = arith.addi %add3A_124, %add3A_125 : i32
    %run_scoped3A_127 = arith.constant 0 : i32
    "tpu.region"() ({
      %run_scoped3A_296 = tpu.sem_alloc : memref<!tpu.dma_semaphore, #tpu.memory_space<semaphore_mem>>
      %dma_start3A_297 = arith.constant 0 : i32
      %dma_start3A_298 = arith.constant 0 : i32
      %dma_start3A_299 = tpu.memref_slice %arg10[%run_scoped3A_127, %dma_start3A_297, %dma_start3A_298] : memref<2x128x128xf32, #tpu.memory_space<vmem>> -> memref<1x128x128xf32, #tpu.memory_space<vmem>>
      %dma_start3A_300 = tpu.memref_squeeze %dma_start3A_299 : memref<1x128x128xf32, #tpu.memory_space<vmem>> -> memref<128x128xf32, #tpu.memory_space<vmem>>
      %dma_start3A_301 = arith.constant 0 : i32
      %dma_start3A_302 = tpu.memref_slice %arg6[%add3A_126, %dma_start3A_301] : memref<40960x128xf32, #tpu.memory_space<hbm>> -> memref<128x128xf32, #tpu.memory_space<hbm>>
      %dma_start3A_303 = arith.constant 0 : i32
      %dma_start3A_304 = tpu.memref_slice %arg6[%add3A_126, %dma_start3A_303] : memref<40960x128xf32, #tpu.memory_space<hbm>> -> memref<128x128xf32, #tpu.memory_space<hbm>>
      %dma_start3A_305 = arith.constant 0 : i32
      %dma_start3A_306 = arith.constant 0 : i32
      %dma_start3A_307 = tpu.memref_slice %arg10[%run_scoped3A_127, %dma_start3A_305, %dma_start3A_306] : memref<2x128x128xf32, #tpu.memory_space<vmem>> -> memref<1x128x128xf32, #tpu.memory_space<vmem>>
      %dma_start3A_308 = tpu.memref_squeeze %dma_start3A_307 : memref<1x128x128xf32, #tpu.memory_space<vmem>> -> memref<128x128xf32, #tpu.memory_space<vmem>>
      tpu.enqueue_dma source(%dma_start3A_308 : memref<128x128xf32, #tpu.memory_space<vmem>>) target(%dma_start3A_304 : memref<128x128xf32, #tpu.memory_space<hbm>>) target_semaphore(%run_scoped3A_296 : memref<!tpu.dma_semaphore, #tpu.memory_space<semaphore_mem>>)
      %dma_wait3A = arith.constant 0 : i32
      %dma_wait3A_309 = arith.constant 0 : i32
      %dma_wait3A_310 = tpu.memref_slice %arg10[%run_scoped3A_127, %dma_wait3A, %dma_wait3A_309] : memref<2x128x128xf32, #tpu.memory_space<vmem>> -> memref<1x128x128xf32, #tpu.memory_space<vmem>>
      %dma_wait3A_311 = tpu.memref_squeeze %dma_wait3A_310 : memref<1x128x128xf32, #tpu.memory_space<vmem>> -> memref<128x128xf32, #tpu.memory_space<vmem>>
      %dma_wait3A_312 = arith.constant 0 : i32
      %dma_wait3A_313 = tpu.memref_slice %arg6[%add3A_126, %dma_wait3A_312] : memref<40960x128xf32, #tpu.memory_space<hbm>> -> memref<128x128xf32, #tpu.memory_space<hbm>>
      %dma_wait3A_314 = arith.constant 0 : i32
      %dma_wait3A_315 = tpu.memref_slice %arg6[%add3A_126, %dma_wait3A_314] : memref<40960x128xf32, #tpu.memory_space<hbm>> -> memref<128x128xf32, #tpu.memory_space<hbm>>
      %dma_wait3A_316 = arith.constant 0 : i32
      %dma_wait3A_317 = arith.constant 0 : i32
      %dma_wait3A_318 = tpu.memref_slice %arg10[%run_scoped3A_127, %dma_wait3A_316, %dma_wait3A_317] : memref<2x128x128xf32, #tpu.memory_space<vmem>> -> memref<1x128x128xf32, #tpu.memory_space<vmem>>
      %dma_wait3A_319 = tpu.memref_squeeze %dma_wait3A_318 : memref<1x128x128xf32, #tpu.memory_space<vmem>> -> memref<128x128xf32, #tpu.memory_space<vmem>>
      tpu.wait_dma2 semaphore(%run_scoped3A_296 : memref<!tpu.dma_semaphore, #tpu.memory_space<semaphore_mem>>) src(%dma_wait3A_319 : memref<128x128xf32, #tpu.memory_space<vmem>>) dst(%dma_wait3A_315 : memref<128x128xf32, #tpu.memory_space<hbm>>)
      tpu.yield
    }) : () -> ()
    %run_scoped3A_128 = arith.constant 3 : i32
    %run_scoped3A_129 = arith.constant 0 : i32
    "tpu.region"() ({
      %run_scoped3A_296 = tpu.sem_alloc : memref<!tpu.dma_semaphore, #tpu.memory_space<semaphore_mem>>
      %dma_start3A_297 = arith.constant 0 : i32
      %dma_start3A_298 = arith.constant 0 : i32
      %dma_start3A_299 = tpu.memref_slice %arg10[%run_scoped3A_129, %dma_start3A_297, %dma_start3A_298] : memref<2x128x128xf32, #tpu.memory_space<vmem>> -> memref<1x128x128xf32, #tpu.memory_space<vmem>>
      %dma_start3A_300 = tpu.memref_squeeze %dma_start3A_299 : memref<1x128x128xf32, #tpu.memory_space<vmem>> -> memref<128x128xf32, #tpu.memory_space<vmem>>
      %dma_start3A_301 = arith.constant 0 : i32
      %dma_start3A_302 = tpu.memref_slice %arg9[%run_scoped3A_128, %dma_start3A_301] : memref<5x128xi32, #tpu.memory_space<vmem>> -> memref<1x128xi32, #tpu.memory_space<vmem>>
      %dma_start3A_303 = tpu.memref_squeeze %dma_start3A_302 : memref<1x128xi32, #tpu.memory_space<vmem>> -> memref<128xi32, #tpu.memory_space<vmem>>
      %dma_start3A_304 = arith.constant 0 : i32
      %dma_start3A_305 = arith.constant 0 : i32
      %dma_start3A_306 = tpu.memref_slice %arg11[%dma_start3A_304, %dma_start3A_305] : memref<10240x128xf32, #tpu.memory_space<vmem_shared>> -> memref<10240x128xf32, #tpu.memory_space<vmem_shared>>
      tpu.enqueue_indirect_dma source(%dma_start3A_306 : memref<10240x128xf32, #tpu.memory_space<vmem_shared>>) target(%dma_start3A_300 : memref<128x128xf32, #tpu.memory_space<vmem>>) offsets(%dma_start3A_303 : memref<128xi32, #tpu.memory_space<vmem>>) semaphore(%run_scoped3A_296 : memref<!tpu.dma_semaphore, #tpu.memory_space<semaphore_mem>>)
      %dma_wait3A = arith.constant 0 : i32
      %dma_wait3A_307 = arith.constant 0 : i32
      %dma_wait3A_308 = tpu.memref_slice %arg10[%run_scoped3A_129, %dma_wait3A, %dma_wait3A_307] : memref<2x128x128xf32, #tpu.memory_space<vmem>> -> memref<1x128x128xf32, #tpu.memory_space<vmem>>
      %dma_wait3A_309 = tpu.memref_squeeze %dma_wait3A_308 : memref<1x128x128xf32, #tpu.memory_space<vmem>> -> memref<128x128xf32, #tpu.memory_space<vmem>>
      %dma_wait3A_310 = arith.constant 0 : i32
      %dma_wait3A_311 = tpu.memref_slice %arg9[%run_scoped3A_128, %dma_wait3A_310] : memref<5x128xi32, #tpu.memory_space<vmem>> -> memref<1x128xi32, #tpu.memory_space<vmem>>
      %dma_wait3A_312 = tpu.memref_squeeze %dma_wait3A_311 : memref<1x128xi32, #tpu.memory_space<vmem>> -> memref<128xi32, #tpu.memory_space<vmem>>
      %dma_wait3A_313 = arith.constant 0 : i32
      %dma_wait3A_314 = arith.constant 0 : i32
      %dma_wait3A_315 = tpu.memref_slice %arg11[%dma_wait3A_313, %dma_wait3A_314] : memref<10240x128xf32, #tpu.memory_space<vmem_shared>> -> memref<10240x128xf32, #tpu.memory_space<vmem_shared>>
      tpu.wait_indirect_dma semaphore(%run_scoped3A_296 : memref<!tpu.dma_semaphore, #tpu.memory_space<semaphore_mem>>) src(%dma_wait3A_315 : memref<10240x128xf32, #tpu.memory_space<vmem_shared>>) dst(%dma_wait3A_309 : memref<128x128xf32, #tpu.memory_space<vmem>>)
      tpu.yield
    }) : () -> ()
    %mul3A_130 = arith.constant 640 : i32
    %mul3A_131 = arith.muli %arg1, %mul3A_130 : i32
    %add3A_132 = arith.addi %mul3A_3, %mul3A_131 : i32
    %add3A_133 = arith.constant 384 : i32
    %add3A_134 = arith.addi %add3A_132, %add3A_133 : i32
    %run_scoped3A_135 = arith.constant 0 : i32
    "tpu.region"() ({
      %run_scoped3A_296 = tpu.sem_alloc : memref<!tpu.dma_semaphore, #tpu.memory_space<semaphore_mem>>
      %dma_start3A_297 = arith.constant 0 : i32
      %dma_start3A_298 = arith.constant 0 : i32
      %dma_start3A_299 = tpu.memref_slice %arg10[%run_scoped3A_135, %dma_start3A_297, %dma_start3A_298] : memref<2x128x128xf32, #tpu.memory_space<vmem>> -> memref<1x128x128xf32, #tpu.memory_space<vmem>>
      %dma_start3A_300 = tpu.memref_squeeze %dma_start3A_299 : memref<1x128x128xf32, #tpu.memory_space<vmem>> -> memref<128x128xf32, #tpu.memory_space<vmem>>
      %dma_start3A_301 = arith.constant 0 : i32
      %dma_start3A_302 = tpu.memref_slice %arg6[%add3A_134, %dma_start3A_301] : memref<40960x128xf32, #tpu.memory_space<hbm>> -> memref<128x128xf32, #tpu.memory_space<hbm>>
      %dma_start3A_303 = arith.constant 0 : i32
      %dma_start3A_304 = tpu.memref_slice %arg6[%add3A_134, %dma_start3A_303] : memref<40960x128xf32, #tpu.memory_space<hbm>> -> memref<128x128xf32, #tpu.memory_space<hbm>>
      %dma_start3A_305 = arith.constant 0 : i32
      %dma_start3A_306 = arith.constant 0 : i32
      %dma_start3A_307 = tpu.memref_slice %arg10[%run_scoped3A_135, %dma_start3A_305, %dma_start3A_306] : memref<2x128x128xf32, #tpu.memory_space<vmem>> -> memref<1x128x128xf32, #tpu.memory_space<vmem>>
      %dma_start3A_308 = tpu.memref_squeeze %dma_start3A_307 : memref<1x128x128xf32, #tpu.memory_space<vmem>> -> memref<128x128xf32, #tpu.memory_space<vmem>>
      tpu.enqueue_dma source(%dma_start3A_308 : memref<128x128xf32, #tpu.memory_space<vmem>>) target(%dma_start3A_304 : memref<128x128xf32, #tpu.memory_space<hbm>>) target_semaphore(%run_scoped3A_296 : memref<!tpu.dma_semaphore, #tpu.memory_space<semaphore_mem>>)
      %dma_wait3A = arith.constant 0 : i32
      %dma_wait3A_309 = arith.constant 0 : i32
      %dma_wait3A_310 = tpu.memref_slice %arg10[%run_scoped3A_135, %dma_wait3A, %dma_wait3A_309] : memref<2x128x128xf32, #tpu.memory_space<vmem>> -> memref<1x128x128xf32, #tpu.memory_space<vmem>>
      %dma_wait3A_311 = tpu.memref_squeeze %dma_wait3A_310 : memref<1x128x128xf32, #tpu.memory_space<vmem>> -> memref<128x128xf32, #tpu.memory_space<vmem>>
      %dma_wait3A_312 = arith.constant 0 : i32
      %dma_wait3A_313 = tpu.memref_slice %arg6[%add3A_134, %dma_wait3A_312] : memref<40960x128xf32, #tpu.memory_space<hbm>> -> memref<128x128xf32, #tpu.memory_space<hbm>>
      %dma_wait3A_314 = arith.constant 0 : i32
      %dma_wait3A_315 = tpu.memref_slice %arg6[%add3A_134, %dma_wait3A_314] : memref<40960x128xf32, #tpu.memory_space<hbm>> -> memref<128x128xf32, #tpu.memory_space<hbm>>
      %dma_wait3A_316 = arith.constant 0 : i32
      %dma_wait3A_317 = arith.constant 0 : i32
      %dma_wait3A_318 = tpu.memref_slice %arg10[%run_scoped3A_135, %dma_wait3A_316, %dma_wait3A_317] : memref<2x128x128xf32, #tpu.memory_space<vmem>> -> memref<1x128x128xf32, #tpu.memory_space<vmem>>
      %dma_wait3A_319 = tpu.memref_squeeze %dma_wait3A_318 : memref<1x128x128xf32, #tpu.memory_space<vmem>> -> memref<128x128xf32, #tpu.memory_space<vmem>>
      tpu.wait_dma2 semaphore(%run_scoped3A_296 : memref<!tpu.dma_semaphore, #tpu.memory_space<semaphore_mem>>) src(%dma_wait3A_319 : memref<128x128xf32, #tpu.memory_space<vmem>>) dst(%dma_wait3A_315 : memref<128x128xf32, #tpu.memory_space<hbm>>)
      tpu.yield
    }) : () -> ()
    %run_scoped3A_136 = arith.constant 4 : i32
    %run_scoped3A_137 = arith.constant 0 : i32
    "tpu.region"() ({
      %run_scoped3A_296 = tpu.sem_alloc : memref<!tpu.dma_semaphore, #tpu.memory_space<semaphore_mem>>
      %dma_start3A_297 = arith.constant 0 : i32
      %dma_start3A_298 = arith.constant 0 : i32
      %dma_start3A_299 = tpu.memref_slice %arg10[%run_scoped3A_137, %dma_start3A_297, %dma_start3A_298] : memref<2x128x128xf32, #tpu.memory_space<vmem>> -> memref<1x128x128xf32, #tpu.memory_space<vmem>>
      %dma_start3A_300 = tpu.memref_squeeze %dma_start3A_299 : memref<1x128x128xf32, #tpu.memory_space<vmem>> -> memref<128x128xf32, #tpu.memory_space<vmem>>
      %dma_start3A_301 = arith.constant 0 : i32
      %dma_start3A_302 = tpu.memref_slice %arg9[%run_scoped3A_136, %dma_start3A_301] : memref<5x128xi32, #tpu.memory_space<vmem>> -> memref<1x128xi32, #tpu.memory_space<vmem>>
      %dma_start3A_303 = tpu.memref_squeeze %dma_start3A_302 : memref<1x128xi32, #tpu.memory_space<vmem>> -> memref<128xi32, #tpu.memory_space<vmem>>
      %dma_start3A_304 = arith.constant 0 : i32
      %dma_start3A_305 = arith.constant 0 : i32
      %dma_start3A_306 = tpu.memref_slice %arg11[%dma_start3A_304, %dma_start3A_305] : memref<10240x128xf32, #tpu.memory_space<vmem_shared>> -> memref<10240x128xf32, #tpu.memory_space<vmem_shared>>
      tpu.enqueue_indirect_dma source(%dma_start3A_306 : memref<10240x128xf32, #tpu.memory_space<vmem_shared>>) target(%dma_start3A_300 : memref<128x128xf32, #tpu.memory_space<vmem>>) offsets(%dma_start3A_303 : memref<128xi32, #tpu.memory_space<vmem>>) semaphore(%run_scoped3A_296 : memref<!tpu.dma_semaphore, #tpu.memory_space<semaphore_mem>>)
      %dma_wait3A = arith.constant 0 : i32
      %dma_wait3A_307 = arith.constant 0 : i32
      %dma_wait3A_308 = tpu.memref_slice %arg10[%run_scoped3A_137, %dma_wait3A, %dma_wait3A_307] : memref<2x128x128xf32, #tpu.memory_space<vmem>> -> memref<1x128x128xf32, #tpu.memory_space<vmem>>
      %dma_wait3A_309 = tpu.memref_squeeze %dma_wait3A_308 : memref<1x128x128xf32, #tpu.memory_space<vmem>> -> memref<128x128xf32, #tpu.memory_space<vmem>>
      %dma_wait3A_310 = arith.constant 0 : i32
      %dma_wait3A_311 = tpu.memref_slice %arg9[%run_scoped3A_136, %dma_wait3A_310] : memref<5x128xi32, #tpu.memory_space<vmem>> -> memref<1x128xi32, #tpu.memory_space<vmem>>
      %dma_wait3A_312 = tpu.memref_squeeze %dma_wait3A_311 : memref<1x128xi32, #tpu.memory_space<vmem>> -> memref<128xi32, #tpu.memory_space<vmem>>
      %dma_wait3A_313 = arith.constant 0 : i32
      %dma_wait3A_314 = arith.constant 0 : i32
      %dma_wait3A_315 = tpu.memref_slice %arg11[%dma_wait3A_313, %dma_wait3A_314] : memref<10240x128xf32, #tpu.memory_space<vmem_shared>> -> memref<10240x128xf32, #tpu.memory_space<vmem_shared>>
      tpu.wait_indirect_dma semaphore(%run_scoped3A_296 : memref<!tpu.dma_semaphore, #tpu.memory_space<semaphore_mem>>) src(%dma_wait3A_315 : memref<10240x128xf32, #tpu.memory_space<vmem_shared>>) dst(%dma_wait3A_309 : memref<128x128xf32, #tpu.memory_space<vmem>>)
      tpu.yield
    }) : () -> ()
    %mul3A_138 = arith.constant 640 : i32
    %mul3A_139 = arith.muli %arg1, %mul3A_138 : i32
    %add3A_140 = arith.addi %mul3A_3, %mul3A_139 : i32
    %add3A_141 = arith.constant 512 : i32
    %add3A_142 = arith.addi %add3A_140, %add3A_141 : i32
    %run_scoped3A_143 = arith.constant 0 : i32
    "tpu.region"() ({
      %run_scoped3A_296 = tpu.sem_alloc : memref<!tpu.dma_semaphore, #tpu.memory_space<semaphore_mem>>
      %dma_start3A_297 = arith.constant 0 : i32
      %dma_start3A_298 = arith.constant 0 : i32
      %dma_start3A_299 = tpu.memref_slice %arg10[%run_scoped3A_143, %dma_start3A_297, %dma_start3A_298] : memref<2x128x128xf32, #tpu.memory_space<vmem>> -> memref<1x128x128xf32, #tpu.memory_space<vmem>>
      %dma_start3A_300 = tpu.memref_squeeze %dma_start3A_299 : memref<1x128x128xf32, #tpu.memory_space<vmem>> -> memref<128x128xf32, #tpu.memory_space<vmem>>
      %dma_start3A_301 = arith.constant 0 : i32
      %dma_start3A_302 = tpu.memref_slice %arg6[%add3A_142, %dma_start3A_301] : memref<40960x128xf32, #tpu.memory_space<hbm>> -> memref<128x128xf32, #tpu.memory_space<hbm>>
      %dma_start3A_303 = arith.constant 0 : i32
      %dma_start3A_304 = tpu.memref_slice %arg6[%add3A_142, %dma_start3A_303] : memref<40960x128xf32, #tpu.memory_space<hbm>> -> memref<128x128xf32, #tpu.memory_space<hbm>>
      %dma_start3A_305 = arith.constant 0 : i32
      %dma_start3A_306 = arith.constant 0 : i32
      %dma_start3A_307 = tpu.memref_slice %arg10[%run_scoped3A_143, %dma_start3A_305, %dma_start3A_306] : memref<2x128x128xf32, #tpu.memory_space<vmem>> -> memref<1x128x128xf32, #tpu.memory_space<vmem>>
      %dma_start3A_308 = tpu.memref_squeeze %dma_start3A_307 : memref<1x128x128xf32, #tpu.memory_space<vmem>> -> memref<128x128xf32, #tpu.memory_space<vmem>>
      tpu.enqueue_dma source(%dma_start3A_308 : memref<128x128xf32, #tpu.memory_space<vmem>>) target(%dma_start3A_304 : memref<128x128xf32, #tpu.memory_space<hbm>>) target_semaphore(%run_scoped3A_296 : memref<!tpu.dma_semaphore, #tpu.memory_space<semaphore_mem>>)
      %dma_wait3A = arith.constant 0 : i32
      %dma_wait3A_309 = arith.constant 0 : i32
      %dma_wait3A_310 = tpu.memref_slice %arg10[%run_scoped3A_143, %dma_wait3A, %dma_wait3A_309] : memref<2x128x128xf32, #tpu.memory_space<vmem>> -> memref<1x128x128xf32, #tpu.memory_space<vmem>>
      %dma_wait3A_311 = tpu.memref_squeeze %dma_wait3A_310 : memref<1x128x128xf32, #tpu.memory_space<vmem>> -> memref<128x128xf32, #tpu.memory_space<vmem>>
      %dma_wait3A_312 = arith.constant 0 : i32
      %dma_wait3A_313 = tpu.memref_slice %arg6[%add3A_142, %dma_wait3A_312] : memref<40960x128xf32, #tpu.memory_space<hbm>> -> memref<128x128xf32, #tpu.memory_space<hbm>>
      %dma_wait3A_314 = arith.constant 0 : i32
      %dma_wait3A_315 = tpu.memref_slice %arg6[%add3A_142, %dma_wait3A_314] : memref<40960x128xf32, #tpu.memory_space<hbm>> -> memref<128x128xf32, #tpu.memory_space<hbm>>
      %dma_wait3A_316 = arith.constant 0 : i32
      %dma_wait3A_317 = arith.constant 0 : i32
      %dma_wait3A_318 = tpu.memref_slice %arg10[%run_scoped3A_143, %dma_wait3A_316, %dma_wait3A_317] : memref<2x128x128xf32, #tpu.memory_space<vmem>> -> memref<1x128x128xf32, #tpu.memory_space<vmem>>
      %dma_wait3A_319 = tpu.memref_squeeze %dma_wait3A_318 : memref<1x128x128xf32, #tpu.memory_space<vmem>> -> memref<128x128xf32, #tpu.memory_space<vmem>>
      tpu.wait_dma2 semaphore(%run_scoped3A_296 : memref<!tpu.dma_semaphore, #tpu.memory_space<semaphore_mem>>) src(%dma_wait3A_319 : memref<128x128xf32, #tpu.memory_space<vmem>>) dst(%dma_wait3A_315 : memref<128x128xf32, #tpu.memory_space<hbm>>)
      tpu.yield
    }) : () -> ()
    %barrier3A_144 = arith.constant 0 : index
    tpu.barrier barrier_id(%barrier3A_144)
    %mul3A_145 = arith.constant 2 : i32
    %mul3A_146 = arith.muli %arg0, %mul3A_145 : i32
    %add3A_147 = arith.constant 1 : i32
    %add3A_148 = arith.addi %mul3A_146, %add3A_147 : i32
    %mul3A_149 = arith.constant 10240 : i32
    %mul3A_150 = arith.muli %add3A_148, %mul3A_149 : i32
    %mul3A_151 = arith.constant 640 : i32
    %mul3A_152 = arith.muli %arg1, %mul3A_151 : i32
    %add3A_153 = arith.addi %mul3A_150, %mul3A_152 : i32
    %add3A_154 = arith.constant 0 : i32
    %add3A_155 = arith.addi %add3A_153, %add3A_154 : i32
    %run_scoped3A_156 = arith.constant 0 : i32
    "tpu.region"() ({
      %run_scoped3A_296 = tpu.sem_alloc : memref<!tpu.dma_semaphore, #tpu.memory_space<semaphore_mem>>
      %dma_start3A_297 = arith.constant 0 : i32
      %dma_start3A_298 = arith.constant 0 : i32
      %dma_start3A_299 = tpu.memref_slice %arg10[%run_scoped3A_156, %dma_start3A_297, %dma_start3A_298] : memref<2x128x128xf32, #tpu.memory_space<vmem>> -> memref<1x128x128xf32, #tpu.memory_space<vmem>>
      %dma_start3A_300 = tpu.memref_squeeze %dma_start3A_299 : memref<1x128x128xf32, #tpu.memory_space<vmem>> -> memref<128x128xf32, #tpu.memory_space<vmem>>
      %dma_start3A_301 = arith.constant 0 : i32
      %dma_start3A_302 = tpu.memref_slice %arg2[%add3A_155, %dma_start3A_301] : memref<40960x128xf32, #tpu.memory_space<hbm>> -> memref<128x128xf32, #tpu.memory_space<hbm>>
      %dma_start3A_303 = arith.constant 0 : i32
      %dma_start3A_304 = arith.constant 0 : i32
      %dma_start3A_305 = tpu.memref_slice %arg10[%run_scoped3A_156, %dma_start3A_303, %dma_start3A_304] : memref<2x128x128xf32, #tpu.memory_space<vmem>> -> memref<1x128x128xf32, #tpu.memory_space<vmem>>
      %dma_start3A_306 = tpu.memref_squeeze %dma_start3A_305 : memref<1x128x128xf32, #tpu.memory_space<vmem>> -> memref<128x128xf32, #tpu.memory_space<vmem>>
      %dma_start3A_307 = arith.constant 0 : i32
      %dma_start3A_308 = tpu.memref_slice %arg2[%add3A_155, %dma_start3A_307] : memref<40960x128xf32, #tpu.memory_space<hbm>> -> memref<128x128xf32, #tpu.memory_space<hbm>>
      tpu.enqueue_dma source(%dma_start3A_308 : memref<128x128xf32, #tpu.memory_space<hbm>>) target(%dma_start3A_306 : memref<128x128xf32, #tpu.memory_space<vmem>>) target_semaphore(%run_scoped3A_296 : memref<!tpu.dma_semaphore, #tpu.memory_space<semaphore_mem>>)
      %dma_wait3A = arith.constant 0 : i32
      %dma_wait3A_309 = arith.constant 0 : i32
      %dma_wait3A_310 = tpu.memref_slice %arg10[%run_scoped3A_156, %dma_wait3A, %dma_wait3A_309] : memref<2x128x128xf32, #tpu.memory_space<vmem>> -> memref<1x128x128xf32, #tpu.memory_space<vmem>>
      %dma_wait3A_311 = tpu.memref_squeeze %dma_wait3A_310 : memref<1x128x128xf32, #tpu.memory_space<vmem>> -> memref<128x128xf32, #tpu.memory_space<vmem>>
      %dma_wait3A_312 = arith.constant 0 : i32
      %dma_wait3A_313 = tpu.memref_slice %arg2[%add3A_155, %dma_wait3A_312] : memref<40960x128xf32, #tpu.memory_space<hbm>> -> memref<128x128xf32, #tpu.memory_space<hbm>>
      %dma_wait3A_314 = arith.constant 0 : i32
      %dma_wait3A_315 = arith.constant 0 : i32
      %dma_wait3A_316 = tpu.memref_slice %arg10[%run_scoped3A_156, %dma_wait3A_314, %dma_wait3A_315] : memref<2x128x128xf32, #tpu.memory_space<vmem>> -> memref<1x128x128xf32, #tpu.memory_space<vmem>>
      %dma_wait3A_317 = tpu.memref_squeeze %dma_wait3A_316 : memref<1x128x128xf32, #tpu.memory_space<vmem>> -> memref<128x128xf32, #tpu.memory_space<vmem>>
      %dma_wait3A_318 = arith.constant 0 : i32
      %dma_wait3A_319 = tpu.memref_slice %arg2[%add3A_155, %dma_wait3A_318] : memref<40960x128xf32, #tpu.memory_space<hbm>> -> memref<128x128xf32, #tpu.memory_space<hbm>>
      tpu.wait_dma2 semaphore(%run_scoped3A_296 : memref<!tpu.dma_semaphore, #tpu.memory_space<semaphore_mem>>) src(%dma_wait3A_319 : memref<128x128xf32, #tpu.memory_space<hbm>>) dst(%dma_wait3A_317 : memref<128x128xf32, #tpu.memory_space<vmem>>)
      tpu.yield
    }) : () -> ()
    %run_scoped3A_157 = arith.constant 0 : i32
    %run_scoped3A_158 = arith.constant 0 : i32
    "tpu.region"() ({
      %run_scoped3A_296 = tpu.sem_alloc : memref<!tpu.dma_semaphore, #tpu.memory_space<semaphore_mem>>
      %dma_start3A_297 = arith.constant 0 : i32
      %dma_start3A_298 = arith.constant 0 : i32
      %dma_start3A_299 = tpu.memref_slice %arg10[%run_scoped3A_157, %dma_start3A_297, %dma_start3A_298] : memref<2x128x128xf32, #tpu.memory_space<vmem>> -> memref<1x128x128xf32, #tpu.memory_space<vmem>>
      %dma_start3A_300 = tpu.memref_squeeze %dma_start3A_299 : memref<1x128x128xf32, #tpu.memory_space<vmem>> -> memref<128x128xf32, #tpu.memory_space<vmem>>
      %dma_start3A_301 = arith.constant 0 : i32
      %dma_start3A_302 = tpu.memref_slice %arg9[%run_scoped3A_158, %dma_start3A_301] : memref<5x128xi32, #tpu.memory_space<vmem>> -> memref<1x128xi32, #tpu.memory_space<vmem>>
      %dma_start3A_303 = tpu.memref_squeeze %dma_start3A_302 : memref<1x128xi32, #tpu.memory_space<vmem>> -> memref<128xi32, #tpu.memory_space<vmem>>
      %dma_start3A_304 = arith.constant 0 : i32
      %dma_start3A_305 = arith.constant 0 : i32
      %dma_start3A_306 = tpu.memref_slice %arg11[%dma_start3A_304, %dma_start3A_305] : memref<10240x128xf32, #tpu.memory_space<vmem_shared>> -> memref<10240x128xf32, #tpu.memory_space<vmem_shared>>
      tpu.enqueue_indirect_dma source(%dma_start3A_300 : memref<128x128xf32, #tpu.memory_space<vmem>>) target(%dma_start3A_306 : memref<10240x128xf32, #tpu.memory_space<vmem_shared>>) offsets(%dma_start3A_303 : memref<128xi32, #tpu.memory_space<vmem>>) semaphore(%run_scoped3A_296 : memref<!tpu.dma_semaphore, #tpu.memory_space<semaphore_mem>>)
      %dma_wait3A = arith.constant 0 : i32
      %dma_wait3A_307 = arith.constant 0 : i32
      %dma_wait3A_308 = tpu.memref_slice %arg10[%run_scoped3A_157, %dma_wait3A, %dma_wait3A_307] : memref<2x128x128xf32, #tpu.memory_space<vmem>> -> memref<1x128x128xf32, #tpu.memory_space<vmem>>
      %dma_wait3A_309 = tpu.memref_squeeze %dma_wait3A_308 : memref<1x128x128xf32, #tpu.memory_space<vmem>> -> memref<128x128xf32, #tpu.memory_space<vmem>>
      %dma_wait3A_310 = arith.constant 0 : i32
      %dma_wait3A_311 = tpu.memref_slice %arg9[%run_scoped3A_158, %dma_wait3A_310] : memref<5x128xi32, #tpu.memory_space<vmem>> -> memref<1x128xi32, #tpu.memory_space<vmem>>
      %dma_wait3A_312 = tpu.memref_squeeze %dma_wait3A_311 : memref<1x128xi32, #tpu.memory_space<vmem>> -> memref<128xi32, #tpu.memory_space<vmem>>
      %dma_wait3A_313 = arith.constant 0 : i32
      %dma_wait3A_314 = arith.constant 0 : i32
      %dma_wait3A_315 = tpu.memref_slice %arg11[%dma_wait3A_313, %dma_wait3A_314] : memref<10240x128xf32, #tpu.memory_space<vmem_shared>> -> memref<10240x128xf32, #tpu.memory_space<vmem_shared>>
      tpu.wait_indirect_dma semaphore(%run_scoped3A_296 : memref<!tpu.dma_semaphore, #tpu.memory_space<semaphore_mem>>) src(%dma_wait3A_309 : memref<128x128xf32, #tpu.memory_space<vmem>>) dst(%dma_wait3A_315 : memref<10240x128xf32, #tpu.memory_space<vmem_shared>>)
      tpu.yield
    }) : () -> ()
    %mul3A_159 = arith.constant 640 : i32
    %mul3A_160 = arith.muli %arg1, %mul3A_159 : i32
    %add3A_161 = arith.addi %mul3A_150, %mul3A_160 : i32
    %add3A_162 = arith.constant 128 : i32
    %add3A_163 = arith.addi %add3A_161, %add3A_162 : i32
    %run_scoped3A_164 = arith.constant 0 : i32
    "tpu.region"() ({
      %run_scoped3A_296 = tpu.sem_alloc : memref<!tpu.dma_semaphore, #tpu.memory_space<semaphore_mem>>
      %dma_start3A_297 = arith.constant 0 : i32
      %dma_start3A_298 = arith.constant 0 : i32
      %dma_start3A_299 = tpu.memref_slice %arg10[%run_scoped3A_164, %dma_start3A_297, %dma_start3A_298] : memref<2x128x128xf32, #tpu.memory_space<vmem>> -> memref<1x128x128xf32, #tpu.memory_space<vmem>>
      %dma_start3A_300 = tpu.memref_squeeze %dma_start3A_299 : memref<1x128x128xf32, #tpu.memory_space<vmem>> -> memref<128x128xf32, #tpu.memory_space<vmem>>
      %dma_start3A_301 = arith.constant 0 : i32
      %dma_start3A_302 = tpu.memref_slice %arg2[%add3A_163, %dma_start3A_301] : memref<40960x128xf32, #tpu.memory_space<hbm>> -> memref<128x128xf32, #tpu.memory_space<hbm>>
      %dma_start3A_303 = arith.constant 0 : i32
      %dma_start3A_304 = arith.constant 0 : i32
      %dma_start3A_305 = tpu.memref_slice %arg10[%run_scoped3A_164, %dma_start3A_303, %dma_start3A_304] : memref<2x128x128xf32, #tpu.memory_space<vmem>> -> memref<1x128x128xf32, #tpu.memory_space<vmem>>
      %dma_start3A_306 = tpu.memref_squeeze %dma_start3A_305 : memref<1x128x128xf32, #tpu.memory_space<vmem>> -> memref<128x128xf32, #tpu.memory_space<vmem>>
      %dma_start3A_307 = arith.constant 0 : i32
      %dma_start3A_308 = tpu.memref_slice %arg2[%add3A_163, %dma_start3A_307] : memref<40960x128xf32, #tpu.memory_space<hbm>> -> memref<128x128xf32, #tpu.memory_space<hbm>>
      tpu.enqueue_dma source(%dma_start3A_308 : memref<128x128xf32, #tpu.memory_space<hbm>>) target(%dma_start3A_306 : memref<128x128xf32, #tpu.memory_space<vmem>>) target_semaphore(%run_scoped3A_296 : memref<!tpu.dma_semaphore, #tpu.memory_space<semaphore_mem>>)
      %dma_wait3A = arith.constant 0 : i32
      %dma_wait3A_309 = arith.constant 0 : i32
      %dma_wait3A_310 = tpu.memref_slice %arg10[%run_scoped3A_164, %dma_wait3A, %dma_wait3A_309] : memref<2x128x128xf32, #tpu.memory_space<vmem>> -> memref<1x128x128xf32, #tpu.memory_space<vmem>>
      %dma_wait3A_311 = tpu.memref_squeeze %dma_wait3A_310 : memref<1x128x128xf32, #tpu.memory_space<vmem>> -> memref<128x128xf32, #tpu.memory_space<vmem>>
      %dma_wait3A_312 = arith.constant 0 : i32
      %dma_wait3A_313 = tpu.memref_slice %arg2[%add3A_163, %dma_wait3A_312] : memref<40960x128xf32, #tpu.memory_space<hbm>> -> memref<128x128xf32, #tpu.memory_space<hbm>>
      %dma_wait3A_314 = arith.constant 0 : i32
      %dma_wait3A_315 = arith.constant 0 : i32
      %dma_wait3A_316 = tpu.memref_slice %arg10[%run_scoped3A_164, %dma_wait3A_314, %dma_wait3A_315] : memref<2x128x128xf32, #tpu.memory_space<vmem>> -> memref<1x128x128xf32, #tpu.memory_space<vmem>>
      %dma_wait3A_317 = tpu.memref_squeeze %dma_wait3A_316 : memref<1x128x128xf32, #tpu.memory_space<vmem>> -> memref<128x128xf32, #tpu.memory_space<vmem>>
      %dma_wait3A_318 = arith.constant 0 : i32
      %dma_wait3A_319 = tpu.memref_slice %arg2[%add3A_163, %dma_wait3A_318] : memref<40960x128xf32, #tpu.memory_space<hbm>> -> memref<128x128xf32, #tpu.memory_space<hbm>>
      tpu.wait_dma2 semaphore(%run_scoped3A_296 : memref<!tpu.dma_semaphore, #tpu.memory_space<semaphore_mem>>) src(%dma_wait3A_319 : memref<128x128xf32, #tpu.memory_space<hbm>>) dst(%dma_wait3A_317 : memref<128x128xf32, #tpu.memory_space<vmem>>)
      tpu.yield
    }) : () -> ()
    %run_scoped3A_165 = arith.constant 0 : i32
    %run_scoped3A_166 = arith.constant 1 : i32
    "tpu.region"() ({
      %run_scoped3A_296 = tpu.sem_alloc : memref<!tpu.dma_semaphore, #tpu.memory_space<semaphore_mem>>
      %dma_start3A_297 = arith.constant 0 : i32
      %dma_start3A_298 = arith.constant 0 : i32
      %dma_start3A_299 = tpu.memref_slice %arg10[%run_scoped3A_165, %dma_start3A_297, %dma_start3A_298] : memref<2x128x128xf32, #tpu.memory_space<vmem>> -> memref<1x128x128xf32, #tpu.memory_space<vmem>>
      %dma_start3A_300 = tpu.memref_squeeze %dma_start3A_299 : memref<1x128x128xf32, #tpu.memory_space<vmem>> -> memref<128x128xf32, #tpu.memory_space<vmem>>
      %dma_start3A_301 = arith.constant 0 : i32
      %dma_start3A_302 = tpu.memref_slice %arg9[%run_scoped3A_166, %dma_start3A_301] : memref<5x128xi32, #tpu.memory_space<vmem>> -> memref<1x128xi32, #tpu.memory_space<vmem>>
      %dma_start3A_303 = tpu.memref_squeeze %dma_start3A_302 : memref<1x128xi32, #tpu.memory_space<vmem>> -> memref<128xi32, #tpu.memory_space<vmem>>
      %dma_start3A_304 = arith.constant 0 : i32
      %dma_start3A_305 = arith.constant 0 : i32
      %dma_start3A_306 = tpu.memref_slice %arg11[%dma_start3A_304, %dma_start3A_305] : memref<10240x128xf32, #tpu.memory_space<vmem_shared>> -> memref<10240x128xf32, #tpu.memory_space<vmem_shared>>
      tpu.enqueue_indirect_dma source(%dma_start3A_300 : memref<128x128xf32, #tpu.memory_space<vmem>>) target(%dma_start3A_306 : memref<10240x128xf32, #tpu.memory_space<vmem_shared>>) offsets(%dma_start3A_303 : memref<128xi32, #tpu.memory_space<vmem>>) semaphore(%run_scoped3A_296 : memref<!tpu.dma_semaphore, #tpu.memory_space<semaphore_mem>>)
      %dma_wait3A = arith.constant 0 : i32
      %dma_wait3A_307 = arith.constant 0 : i32
      %dma_wait3A_308 = tpu.memref_slice %arg10[%run_scoped3A_165, %dma_wait3A, %dma_wait3A_307] : memref<2x128x128xf32, #tpu.memory_space<vmem>> -> memref<1x128x128xf32, #tpu.memory_space<vmem>>
      %dma_wait3A_309 = tpu.memref_squeeze %dma_wait3A_308 : memref<1x128x128xf32, #tpu.memory_space<vmem>> -> memref<128x128xf32, #tpu.memory_space<vmem>>
      %dma_wait3A_310 = arith.constant 0 : i32
      %dma_wait3A_311 = tpu.memref_slice %arg9[%run_scoped3A_166, %dma_wait3A_310] : memref<5x128xi32, #tpu.memory_space<vmem>> -> memref<1x128xi32, #tpu.memory_space<vmem>>
      %dma_wait3A_312 = tpu.memref_squeeze %dma_wait3A_311 : memref<1x128xi32, #tpu.memory_space<vmem>> -> memref<128xi32, #tpu.memory_space<vmem>>
      %dma_wait3A_313 = arith.constant 0 : i32
      %dma_wait3A_314 = arith.constant 0 : i32
      %dma_wait3A_315 = tpu.memref_slice %arg11[%dma_wait3A_313, %dma_wait3A_314] : memref<10240x128xf32, #tpu.memory_space<vmem_shared>> -> memref<10240x128xf32, #tpu.memory_space<vmem_shared>>
      tpu.wait_indirect_dma semaphore(%run_scoped3A_296 : memref<!tpu.dma_semaphore, #tpu.memory_space<semaphore_mem>>) src(%dma_wait3A_309 : memref<128x128xf32, #tpu.memory_space<vmem>>) dst(%dma_wait3A_315 : memref<10240x128xf32, #tpu.memory_space<vmem_shared>>)
      tpu.yield
    }) : () -> ()
    %mul3A_167 = arith.constant 640 : i32
    %mul3A_168 = arith.muli %arg1, %mul3A_167 : i32
    %add3A_169 = arith.addi %mul3A_150, %mul3A_168 : i32
    %add3A_170 = arith.constant 256 : i32
    %add3A_171 = arith.addi %add3A_169, %add3A_170 : i32
    %run_scoped3A_172 = arith.constant 0 : i32
    "tpu.region"() ({
      %run_scoped3A_296 = tpu.sem_alloc : memref<!tpu.dma_semaphore, #tpu.memory_space<semaphore_mem>>
      %dma_start3A_297 = arith.constant 0 : i32
      %dma_start3A_298 = arith.constant 0 : i32
      %dma_start3A_299 = tpu.memref_slice %arg10[%run_scoped3A_172, %dma_start3A_297, %dma_start3A_298] : memref<2x128x128xf32, #tpu.memory_space<vmem>> -> memref<1x128x128xf32, #tpu.memory_space<vmem>>
      %dma_start3A_300 = tpu.memref_squeeze %dma_start3A_299 : memref<1x128x128xf32, #tpu.memory_space<vmem>> -> memref<128x128xf32, #tpu.memory_space<vmem>>
      %dma_start3A_301 = arith.constant 0 : i32
      %dma_start3A_302 = tpu.memref_slice %arg2[%add3A_171, %dma_start3A_301] : memref<40960x128xf32, #tpu.memory_space<hbm>> -> memref<128x128xf32, #tpu.memory_space<hbm>>
      %dma_start3A_303 = arith.constant 0 : i32
      %dma_start3A_304 = arith.constant 0 : i32
      %dma_start3A_305 = tpu.memref_slice %arg10[%run_scoped3A_172, %dma_start3A_303, %dma_start3A_304] : memref<2x128x128xf32, #tpu.memory_space<vmem>> -> memref<1x128x128xf32, #tpu.memory_space<vmem>>
      %dma_start3A_306 = tpu.memref_squeeze %dma_start3A_305 : memref<1x128x128xf32, #tpu.memory_space<vmem>> -> memref<128x128xf32, #tpu.memory_space<vmem>>
      %dma_start3A_307 = arith.constant 0 : i32
      %dma_start3A_308 = tpu.memref_slice %arg2[%add3A_171, %dma_start3A_307] : memref<40960x128xf32, #tpu.memory_space<hbm>> -> memref<128x128xf32, #tpu.memory_space<hbm>>
      tpu.enqueue_dma source(%dma_start3A_308 : memref<128x128xf32, #tpu.memory_space<hbm>>) target(%dma_start3A_306 : memref<128x128xf32, #tpu.memory_space<vmem>>) target_semaphore(%run_scoped3A_296 : memref<!tpu.dma_semaphore, #tpu.memory_space<semaphore_mem>>)
      %dma_wait3A = arith.constant 0 : i32
      %dma_wait3A_309 = arith.constant 0 : i32
      %dma_wait3A_310 = tpu.memref_slice %arg10[%run_scoped3A_172, %dma_wait3A, %dma_wait3A_309] : memref<2x128x128xf32, #tpu.memory_space<vmem>> -> memref<1x128x128xf32, #tpu.memory_space<vmem>>
      %dma_wait3A_311 = tpu.memref_squeeze %dma_wait3A_310 : memref<1x128x128xf32, #tpu.memory_space<vmem>> -> memref<128x128xf32, #tpu.memory_space<vmem>>
      %dma_wait3A_312 = arith.constant 0 : i32
      %dma_wait3A_313 = tpu.memref_slice %arg2[%add3A_171, %dma_wait3A_312] : memref<40960x128xf32, #tpu.memory_space<hbm>> -> memref<128x128xf32, #tpu.memory_space<hbm>>
      %dma_wait3A_314 = arith.constant 0 : i32
      %dma_wait3A_315 = arith.constant 0 : i32
      %dma_wait3A_316 = tpu.memref_slice %arg10[%run_scoped3A_172, %dma_wait3A_314, %dma_wait3A_315] : memref<2x128x128xf32, #tpu.memory_space<vmem>> -> memref<1x128x128xf32, #tpu.memory_space<vmem>>
      %dma_wait3A_317 = tpu.memref_squeeze %dma_wait3A_316 : memref<1x128x128xf32, #tpu.memory_space<vmem>> -> memref<128x128xf32, #tpu.memory_space<vmem>>
      %dma_wait3A_318 = arith.constant 0 : i32
      %dma_wait3A_319 = tpu.memref_slice %arg2[%add3A_171, %dma_wait3A_318] : memref<40960x128xf32, #tpu.memory_space<hbm>> -> memref<128x128xf32, #tpu.memory_space<hbm>>
      tpu.wait_dma2 semaphore(%run_scoped3A_296 : memref<!tpu.dma_semaphore, #tpu.memory_space<semaphore_mem>>) src(%dma_wait3A_319 : memref<128x128xf32, #tpu.memory_space<hbm>>) dst(%dma_wait3A_317 : memref<128x128xf32, #tpu.memory_space<vmem>>)
      tpu.yield
    }) : () -> ()
    %run_scoped3A_173 = arith.constant 0 : i32
    %run_scoped3A_174 = arith.constant 2 : i32
    "tpu.region"() ({
      %run_scoped3A_296 = tpu.sem_alloc : memref<!tpu.dma_semaphore, #tpu.memory_space<semaphore_mem>>
      %dma_start3A_297 = arith.constant 0 : i32
      %dma_start3A_298 = arith.constant 0 : i32
      %dma_start3A_299 = tpu.memref_slice %arg10[%run_scoped3A_173, %dma_start3A_297, %dma_start3A_298] : memref<2x128x128xf32, #tpu.memory_space<vmem>> -> memref<1x128x128xf32, #tpu.memory_space<vmem>>
      %dma_start3A_300 = tpu.memref_squeeze %dma_start3A_299 : memref<1x128x128xf32, #tpu.memory_space<vmem>> -> memref<128x128xf32, #tpu.memory_space<vmem>>
      %dma_start3A_301 = arith.constant 0 : i32
      %dma_start3A_302 = tpu.memref_slice %arg9[%run_scoped3A_174, %dma_start3A_301] : memref<5x128xi32, #tpu.memory_space<vmem>> -> memref<1x128xi32, #tpu.memory_space<vmem>>
      %dma_start3A_303 = tpu.memref_squeeze %dma_start3A_302 : memref<1x128xi32, #tpu.memory_space<vmem>> -> memref<128xi32, #tpu.memory_space<vmem>>
      %dma_start3A_304 = arith.constant 0 : i32
      %dma_start3A_305 = arith.constant 0 : i32
      %dma_start3A_306 = tpu.memref_slice %arg11[%dma_start3A_304, %dma_start3A_305] : memref<10240x128xf32, #tpu.memory_space<vmem_shared>> -> memref<10240x128xf32, #tpu.memory_space<vmem_shared>>
      tpu.enqueue_indirect_dma source(%dma_start3A_300 : memref<128x128xf32, #tpu.memory_space<vmem>>) target(%dma_start3A_306 : memref<10240x128xf32, #tpu.memory_space<vmem_shared>>) offsets(%dma_start3A_303 : memref<128xi32, #tpu.memory_space<vmem>>) semaphore(%run_scoped3A_296 : memref<!tpu.dma_semaphore, #tpu.memory_space<semaphore_mem>>)
      %dma_wait3A = arith.constant 0 : i32
      %dma_wait3A_307 = arith.constant 0 : i32
      %dma_wait3A_308 = tpu.memref_slice %arg10[%run_scoped3A_173, %dma_wait3A, %dma_wait3A_307] : memref<2x128x128xf32, #tpu.memory_space<vmem>> -> memref<1x128x128xf32, #tpu.memory_space<vmem>>
      %dma_wait3A_309 = tpu.memref_squeeze %dma_wait3A_308 : memref<1x128x128xf32, #tpu.memory_space<vmem>> -> memref<128x128xf32, #tpu.memory_space<vmem>>
      %dma_wait3A_310 = arith.constant 0 : i32
      %dma_wait3A_311 = tpu.memref_slice %arg9[%run_scoped3A_174, %dma_wait3A_310] : memref<5x128xi32, #tpu.memory_space<vmem>> -> memref<1x128xi32, #tpu.memory_space<vmem>>
      %dma_wait3A_312 = tpu.memref_squeeze %dma_wait3A_311 : memref<1x128xi32, #tpu.memory_space<vmem>> -> memref<128xi32, #tpu.memory_space<vmem>>
      %dma_wait3A_313 = arith.constant 0 : i32
      %dma_wait3A_314 = arith.constant 0 : i32
      %dma_wait3A_315 = tpu.memref_slice %arg11[%dma_wait3A_313, %dma_wait3A_314] : memref<10240x128xf32, #tpu.memory_space<vmem_shared>> -> memref<10240x128xf32, #tpu.memory_space<vmem_shared>>
      tpu.wait_indirect_dma semaphore(%run_scoped3A_296 : memref<!tpu.dma_semaphore, #tpu.memory_space<semaphore_mem>>) src(%dma_wait3A_309 : memref<128x128xf32, #tpu.memory_space<vmem>>) dst(%dma_wait3A_315 : memref<10240x128xf32, #tpu.memory_space<vmem_shared>>)
      tpu.yield
    }) : () -> ()
    %mul3A_175 = arith.constant 640 : i32
    %mul3A_176 = arith.muli %arg1, %mul3A_175 : i32
    %add3A_177 = arith.addi %mul3A_150, %mul3A_176 : i32
    %add3A_178 = arith.constant 384 : i32
    %add3A_179 = arith.addi %add3A_177, %add3A_178 : i32
    %run_scoped3A_180 = arith.constant 0 : i32
    "tpu.region"() ({
      %run_scoped3A_296 = tpu.sem_alloc : memref<!tpu.dma_semaphore, #tpu.memory_space<semaphore_mem>>
      %dma_start3A_297 = arith.constant 0 : i32
      %dma_start3A_298 = arith.constant 0 : i32
      %dma_start3A_299 = tpu.memref_slice %arg10[%run_scoped3A_180, %dma_start3A_297, %dma_start3A_298] : memref<2x128x128xf32, #tpu.memory_space<vmem>> -> memref<1x128x128xf32, #tpu.memory_space<vmem>>
      %dma_start3A_300 = tpu.memref_squeeze %dma_start3A_299 : memref<1x128x128xf32, #tpu.memory_space<vmem>> -> memref<128x128xf32, #tpu.memory_space<vmem>>
      %dma_start3A_301 = arith.constant 0 : i32
      %dma_start3A_302 = tpu.memref_slice %arg2[%add3A_179, %dma_start3A_301] : memref<40960x128xf32, #tpu.memory_space<hbm>> -> memref<128x128xf32, #tpu.memory_space<hbm>>
      %dma_start3A_303 = arith.constant 0 : i32
      %dma_start3A_304 = arith.constant 0 : i32
      %dma_start3A_305 = tpu.memref_slice %arg10[%run_scoped3A_180, %dma_start3A_303, %dma_start3A_304] : memref<2x128x128xf32, #tpu.memory_space<vmem>> -> memref<1x128x128xf32, #tpu.memory_space<vmem>>
      %dma_start3A_306 = tpu.memref_squeeze %dma_start3A_305 : memref<1x128x128xf32, #tpu.memory_space<vmem>> -> memref<128x128xf32, #tpu.memory_space<vmem>>
      %dma_start3A_307 = arith.constant 0 : i32
      %dma_start3A_308 = tpu.memref_slice %arg2[%add3A_179, %dma_start3A_307] : memref<40960x128xf32, #tpu.memory_space<hbm>> -> memref<128x128xf32, #tpu.memory_space<hbm>>
      tpu.enqueue_dma source(%dma_start3A_308 : memref<128x128xf32, #tpu.memory_space<hbm>>) target(%dma_start3A_306 : memref<128x128xf32, #tpu.memory_space<vmem>>) target_semaphore(%run_scoped3A_296 : memref<!tpu.dma_semaphore, #tpu.memory_space<semaphore_mem>>)
      %dma_wait3A = arith.constant 0 : i32
      %dma_wait3A_309 = arith.constant 0 : i32
      %dma_wait3A_310 = tpu.memref_slice %arg10[%run_scoped3A_180, %dma_wait3A, %dma_wait3A_309] : memref<2x128x128xf32, #tpu.memory_space<vmem>> -> memref<1x128x128xf32, #tpu.memory_space<vmem>>
      %dma_wait3A_311 = tpu.memref_squeeze %dma_wait3A_310 : memref<1x128x128xf32, #tpu.memory_space<vmem>> -> memref<128x128xf32, #tpu.memory_space<vmem>>
      %dma_wait3A_312 = arith.constant 0 : i32
      %dma_wait3A_313 = tpu.memref_slice %arg2[%add3A_179, %dma_wait3A_312] : memref<40960x128xf32, #tpu.memory_space<hbm>> -> memref<128x128xf32, #tpu.memory_space<hbm>>
      %dma_wait3A_314 = arith.constant 0 : i32
      %dma_wait3A_315 = arith.constant 0 : i32
      %dma_wait3A_316 = tpu.memref_slice %arg10[%run_scoped3A_180, %dma_wait3A_314, %dma_wait3A_315] : memref<2x128x128xf32, #tpu.memory_space<vmem>> -> memref<1x128x128xf32, #tpu.memory_space<vmem>>
      %dma_wait3A_317 = tpu.memref_squeeze %dma_wait3A_316 : memref<1x128x128xf32, #tpu.memory_space<vmem>> -> memref<128x128xf32, #tpu.memory_space<vmem>>
      %dma_wait3A_318 = arith.constant 0 : i32
      %dma_wait3A_319 = tpu.memref_slice %arg2[%add3A_179, %dma_wait3A_318] : memref<40960x128xf32, #tpu.memory_space<hbm>> -> memref<128x128xf32, #tpu.memory_space<hbm>>
      tpu.wait_dma2 semaphore(%run_scoped3A_296 : memref<!tpu.dma_semaphore, #tpu.memory_space<semaphore_mem>>) src(%dma_wait3A_319 : memref<128x128xf32, #tpu.memory_space<hbm>>) dst(%dma_wait3A_317 : memref<128x128xf32, #tpu.memory_space<vmem>>)
      tpu.yield
    }) : () -> ()
    %run_scoped3A_181 = arith.constant 0 : i32
    %run_scoped3A_182 = arith.constant 3 : i32
    "tpu.region"() ({
      %run_scoped3A_296 = tpu.sem_alloc : memref<!tpu.dma_semaphore, #tpu.memory_space<semaphore_mem>>
      %dma_start3A_297 = arith.constant 0 : i32
      %dma_start3A_298 = arith.constant 0 : i32
      %dma_start3A_299 = tpu.memref_slice %arg10[%run_scoped3A_181, %dma_start3A_297, %dma_start3A_298] : memref<2x128x128xf32, #tpu.memory_space<vmem>> -> memref<1x128x128xf32, #tpu.memory_space<vmem>>
      %dma_start3A_300 = tpu.memref_squeeze %dma_start3A_299 : memref<1x128x128xf32, #tpu.memory_space<vmem>> -> memref<128x128xf32, #tpu.memory_space<vmem>>
      %dma_start3A_301 = arith.constant 0 : i32
      %dma_start3A_302 = tpu.memref_slice %arg9[%run_scoped3A_182, %dma_start3A_301] : memref<5x128xi32, #tpu.memory_space<vmem>> -> memref<1x128xi32, #tpu.memory_space<vmem>>
      %dma_start3A_303 = tpu.memref_squeeze %dma_start3A_302 : memref<1x128xi32, #tpu.memory_space<vmem>> -> memref<128xi32, #tpu.memory_space<vmem>>
      %dma_start3A_304 = arith.constant 0 : i32
      %dma_start3A_305 = arith.constant 0 : i32
      %dma_start3A_306 = tpu.memref_slice %arg11[%dma_start3A_304, %dma_start3A_305] : memref<10240x128xf32, #tpu.memory_space<vmem_shared>> -> memref<10240x128xf32, #tpu.memory_space<vmem_shared>>
      tpu.enqueue_indirect_dma source(%dma_start3A_300 : memref<128x128xf32, #tpu.memory_space<vmem>>) target(%dma_start3A_306 : memref<10240x128xf32, #tpu.memory_space<vmem_shared>>) offsets(%dma_start3A_303 : memref<128xi32, #tpu.memory_space<vmem>>) semaphore(%run_scoped3A_296 : memref<!tpu.dma_semaphore, #tpu.memory_space<semaphore_mem>>)
      %dma_wait3A = arith.constant 0 : i32
      %dma_wait3A_307 = arith.constant 0 : i32
      %dma_wait3A_308 = tpu.memref_slice %arg10[%run_scoped3A_181, %dma_wait3A, %dma_wait3A_307] : memref<2x128x128xf32, #tpu.memory_space<vmem>> -> memref<1x128x128xf32, #tpu.memory_space<vmem>>
      %dma_wait3A_309 = tpu.memref_squeeze %dma_wait3A_308 : memref<1x128x128xf32, #tpu.memory_space<vmem>> -> memref<128x128xf32, #tpu.memory_space<vmem>>
      %dma_wait3A_310 = arith.constant 0 : i32
      %dma_wait3A_311 = tpu.memref_slice %arg9[%run_scoped3A_182, %dma_wait3A_310] : memref<5x128xi32, #tpu.memory_space<vmem>> -> memref<1x128xi32, #tpu.memory_space<vmem>>
      %dma_wait3A_312 = tpu.memref_squeeze %dma_wait3A_311 : memref<1x128xi32, #tpu.memory_space<vmem>> -> memref<128xi32, #tpu.memory_space<vmem>>
      %dma_wait3A_313 = arith.constant 0 : i32
      %dma_wait3A_314 = arith.constant 0 : i32
      %dma_wait3A_315 = tpu.memref_slice %arg11[%dma_wait3A_313, %dma_wait3A_314] : memref<10240x128xf32, #tpu.memory_space<vmem_shared>> -> memref<10240x128xf32, #tpu.memory_space<vmem_shared>>
      tpu.wait_indirect_dma semaphore(%run_scoped3A_296 : memref<!tpu.dma_semaphore, #tpu.memory_space<semaphore_mem>>) src(%dma_wait3A_309 : memref<128x128xf32, #tpu.memory_space<vmem>>) dst(%dma_wait3A_315 : memref<10240x128xf32, #tpu.memory_space<vmem_shared>>)
      tpu.yield
    }) : () -> ()
    %mul3A_183 = arith.constant 640 : i32
    %mul3A_184 = arith.muli %arg1, %mul3A_183 : i32
    %add3A_185 = arith.addi %mul3A_150, %mul3A_184 : i32
    %add3A_186 = arith.constant 512 : i32
    %add3A_187 = arith.addi %add3A_185, %add3A_186 : i32
    %run_scoped3A_188 = arith.constant 0 : i32
    "tpu.region"() ({
      %run_scoped3A_296 = tpu.sem_alloc : memref<!tpu.dma_semaphore, #tpu.memory_space<semaphore_mem>>
      %dma_start3A_297 = arith.constant 0 : i32
      %dma_start3A_298 = arith.constant 0 : i32
      %dma_start3A_299 = tpu.memref_slice %arg10[%run_scoped3A_188, %dma_start3A_297, %dma_start3A_298] : memref<2x128x128xf32, #tpu.memory_space<vmem>> -> memref<1x128x128xf32, #tpu.memory_space<vmem>>
      %dma_start3A_300 = tpu.memref_squeeze %dma_start3A_299 : memref<1x128x128xf32, #tpu.memory_space<vmem>> -> memref<128x128xf32, #tpu.memory_space<vmem>>
      %dma_start3A_301 = arith.constant 0 : i32
      %dma_start3A_302 = tpu.memref_slice %arg2[%add3A_187, %dma_start3A_301] : memref<40960x128xf32, #tpu.memory_space<hbm>> -> memref<128x128xf32, #tpu.memory_space<hbm>>
      %dma_start3A_303 = arith.constant 0 : i32
      %dma_start3A_304 = arith.constant 0 : i32
      %dma_start3A_305 = tpu.memref_slice %arg10[%run_scoped3A_188, %dma_start3A_303, %dma_start3A_304] : memref<2x128x128xf32, #tpu.memory_space<vmem>> -> memref<1x128x128xf32, #tpu.memory_space<vmem>>
      %dma_start3A_306 = tpu.memref_squeeze %dma_start3A_305 : memref<1x128x128xf32, #tpu.memory_space<vmem>> -> memref<128x128xf32, #tpu.memory_space<vmem>>
      %dma_start3A_307 = arith.constant 0 : i32
      %dma_start3A_308 = tpu.memref_slice %arg2[%add3A_187, %dma_start3A_307] : memref<40960x128xf32, #tpu.memory_space<hbm>> -> memref<128x128xf32, #tpu.memory_space<hbm>>
      tpu.enqueue_dma source(%dma_start3A_308 : memref<128x128xf32, #tpu.memory_space<hbm>>) target(%dma_start3A_306 : memref<128x128xf32, #tpu.memory_space<vmem>>) target_semaphore(%run_scoped3A_296 : memref<!tpu.dma_semaphore, #tpu.memory_space<semaphore_mem>>)
      %dma_wait3A = arith.constant 0 : i32
      %dma_wait3A_309 = arith.constant 0 : i32
      %dma_wait3A_310 = tpu.memref_slice %arg10[%run_scoped3A_188, %dma_wait3A, %dma_wait3A_309] : memref<2x128x128xf32, #tpu.memory_space<vmem>> -> memref<1x128x128xf32, #tpu.memory_space<vmem>>
      %dma_wait3A_311 = tpu.memref_squeeze %dma_wait3A_310 : memref<1x128x128xf32, #tpu.memory_space<vmem>> -> memref<128x128xf32, #tpu.memory_space<vmem>>
      %dma_wait3A_312 = arith.constant 0 : i32
      %dma_wait3A_313 = tpu.memref_slice %arg2[%add3A_187, %dma_wait3A_312] : memref<40960x128xf32, #tpu.memory_space<hbm>> -> memref<128x128xf32, #tpu.memory_space<hbm>>
      %dma_wait3A_314 = arith.constant 0 : i32
      %dma_wait3A_315 = arith.constant 0 : i32
      %dma_wait3A_316 = tpu.memref_slice %arg10[%run_scoped3A_188, %dma_wait3A_314, %dma_wait3A_315] : memref<2x128x128xf32, #tpu.memory_space<vmem>> -> memref<1x128x128xf32, #tpu.memory_space<vmem>>
      %dma_wait3A_317 = tpu.memref_squeeze %dma_wait3A_316 : memref<1x128x128xf32, #tpu.memory_space<vmem>> -> memref<128x128xf32, #tpu.memory_space<vmem>>
      %dma_wait3A_318 = arith.constant 0 : i32
      %dma_wait3A_319 = tpu.memref_slice %arg2[%add3A_187, %dma_wait3A_318] : memref<40960x128xf32, #tpu.memory_space<hbm>> -> memref<128x128xf32, #tpu.memory_space<hbm>>
      tpu.wait_dma2 semaphore(%run_scoped3A_296 : memref<!tpu.dma_semaphore, #tpu.memory_space<semaphore_mem>>) src(%dma_wait3A_319 : memref<128x128xf32, #tpu.memory_space<hbm>>) dst(%dma_wait3A_317 : memref<128x128xf32, #tpu.memory_space<vmem>>)
      tpu.yield
    }) : () -> ()
    %run_scoped3A_189 = arith.constant 0 : i32
    %run_scoped3A_190 = arith.constant 4 : i32
    "tpu.region"() ({
      %run_scoped3A_296 = tpu.sem_alloc : memref<!tpu.dma_semaphore, #tpu.memory_space<semaphore_mem>>
      %dma_start3A_297 = arith.constant 0 : i32
      %dma_start3A_298 = arith.constant 0 : i32
      %dma_start3A_299 = tpu.memref_slice %arg10[%run_scoped3A_189, %dma_start3A_297, %dma_start3A_298] : memref<2x128x128xf32, #tpu.memory_space<vmem>> -> memref<1x128x128xf32, #tpu.memory_space<vmem>>
      %dma_start3A_300 = tpu.memref_squeeze %dma_start3A_299 : memref<1x128x128xf32, #tpu.memory_space<vmem>> -> memref<128x128xf32, #tpu.memory_space<vmem>>
      %dma_start3A_301 = arith.constant 0 : i32
      %dma_start3A_302 = tpu.memref_slice %arg9[%run_scoped3A_190, %dma_start3A_301] : memref<5x128xi32, #tpu.memory_space<vmem>> -> memref<1x128xi32, #tpu.memory_space<vmem>>
      %dma_start3A_303 = tpu.memref_squeeze %dma_start3A_302 : memref<1x128xi32, #tpu.memory_space<vmem>> -> memref<128xi32, #tpu.memory_space<vmem>>
      %dma_start3A_304 = arith.constant 0 : i32
      %dma_start3A_305 = arith.constant 0 : i32
      %dma_start3A_306 = tpu.memref_slice %arg11[%dma_start3A_304, %dma_start3A_305] : memref<10240x128xf32, #tpu.memory_space<vmem_shared>> -> memref<10240x128xf32, #tpu.memory_space<vmem_shared>>
      tpu.enqueue_indirect_dma source(%dma_start3A_300 : memref<128x128xf32, #tpu.memory_space<vmem>>) target(%dma_start3A_306 : memref<10240x128xf32, #tpu.memory_space<vmem_shared>>) offsets(%dma_start3A_303 : memref<128xi32, #tpu.memory_space<vmem>>) semaphore(%run_scoped3A_296 : memref<!tpu.dma_semaphore, #tpu.memory_space<semaphore_mem>>)
      %dma_wait3A = arith.constant 0 : i32
      %dma_wait3A_307 = arith.constant 0 : i32
      %dma_wait3A_308 = tpu.memref_slice %arg10[%run_scoped3A_189, %dma_wait3A, %dma_wait3A_307] : memref<2x128x128xf32, #tpu.memory_space<vmem>> -> memref<1x128x128xf32, #tpu.memory_space<vmem>>
      %dma_wait3A_309 = tpu.memref_squeeze %dma_wait3A_308 : memref<1x128x128xf32, #tpu.memory_space<vmem>> -> memref<128x128xf32, #tpu.memory_space<vmem>>
      %dma_wait3A_310 = arith.constant 0 : i32
      %dma_wait3A_311 = tpu.memref_slice %arg9[%run_scoped3A_190, %dma_wait3A_310] : memref<5x128xi32, #tpu.memory_space<vmem>> -> memref<1x128xi32, #tpu.memory_space<vmem>>
      %dma_wait3A_312 = tpu.memref_squeeze %dma_wait3A_311 : memref<1x128xi32, #tpu.memory_space<vmem>> -> memref<128xi32, #tpu.memory_space<vmem>>
      %dma_wait3A_313 = arith.constant 0 : i32
      %dma_wait3A_314 = arith.constant 0 : i32
      %dma_wait3A_315 = tpu.memref_slice %arg11[%dma_wait3A_313, %dma_wait3A_314] : memref<10240x128xf32, #tpu.memory_space<vmem_shared>> -> memref<10240x128xf32, #tpu.memory_space<vmem_shared>>
      tpu.wait_indirect_dma semaphore(%run_scoped3A_296 : memref<!tpu.dma_semaphore, #tpu.memory_space<semaphore_mem>>) src(%dma_wait3A_309 : memref<128x128xf32, #tpu.memory_space<vmem>>) dst(%dma_wait3A_315 : memref<10240x128xf32, #tpu.memory_space<vmem_shared>>)
      tpu.yield
    }) : () -> ()
    %barrier3A_191 = arith.constant 0 : index
    tpu.barrier barrier_id(%barrier3A_191)
    "tpu.region"() ({
      %run_scoped3A_296 = tpu.sem_alloc : memref<!tpu.dma_semaphore, #tpu.memory_space<semaphore_mem>>
      %dma_start3A_297 = arith.constant 0 : i32
      %dma_start3A_298 = arith.constant 0 : i32
      %dma_start3A_299 = tpu.memref_slice %arg3[%add3A_148, %arg1, %dma_start3A_297, %dma_start3A_298] : memref<4x16x80x128xi32, #tpu.memory_space<hbm>> -> memref<1x1x40x128xi32, #tpu.memory_space<hbm>>
      %dma_start3A_300 = tpu.memref_squeeze %dma_start3A_299 : memref<1x1x40x128xi32, #tpu.memory_space<hbm>> -> memref<40x128xi32, #tpu.memory_space<hbm>>
      %dma_start3A_301 = arith.constant 0 : i32
      %dma_start3A_302 = arith.constant 0 : i32
      %dma_start3A_303 = tpu.memref_slice %arg3[%add3A_148, %arg1, %dma_start3A_301, %dma_start3A_302] : memref<4x16x80x128xi32, #tpu.memory_space<hbm>> -> memref<1x1x40x128xi32, #tpu.memory_space<hbm>>
      %dma_start3A_304 = tpu.memref_squeeze %dma_start3A_303 : memref<1x1x40x128xi32, #tpu.memory_space<hbm>> -> memref<40x128xi32, #tpu.memory_space<hbm>>
      tpu.enqueue_dma source(%dma_start3A_304 : memref<40x128xi32, #tpu.memory_space<hbm>>) target(%arg7 : memref<40x128xi32, #tpu.memory_space<vmem>>) target_semaphore(%run_scoped3A_296 : memref<!tpu.dma_semaphore, #tpu.memory_space<semaphore_mem>>)
      %dma_wait3A = arith.constant 0 : i32
      %dma_wait3A_305 = arith.constant 0 : i32
      %dma_wait3A_306 = tpu.memref_slice %arg3[%add3A_148, %arg1, %dma_wait3A, %dma_wait3A_305] : memref<4x16x80x128xi32, #tpu.memory_space<hbm>> -> memref<1x1x40x128xi32, #tpu.memory_space<hbm>>
      %dma_wait3A_307 = tpu.memref_squeeze %dma_wait3A_306 : memref<1x1x40x128xi32, #tpu.memory_space<hbm>> -> memref<40x128xi32, #tpu.memory_space<hbm>>
      %dma_wait3A_308 = arith.constant 0 : i32
      %dma_wait3A_309 = arith.constant 0 : i32
      %dma_wait3A_310 = tpu.memref_slice %arg3[%add3A_148, %arg1, %dma_wait3A_308, %dma_wait3A_309] : memref<4x16x80x128xi32, #tpu.memory_space<hbm>> -> memref<1x1x40x128xi32, #tpu.memory_space<hbm>>
      %dma_wait3A_311 = tpu.memref_squeeze %dma_wait3A_310 : memref<1x1x40x128xi32, #tpu.memory_space<hbm>> -> memref<40x128xi32, #tpu.memory_space<hbm>>
      tpu.wait_dma2 semaphore(%run_scoped3A_296 : memref<!tpu.dma_semaphore, #tpu.memory_space<semaphore_mem>>) src(%dma_wait3A_311 : memref<40x128xi32, #tpu.memory_space<hbm>>) dst(%arg7 : memref<40x128xi32, #tpu.memory_space<vmem>>)
      tpu.yield
    }) : () -> ()
    "tpu.region"() ({
      %run_scoped3A_296 = tpu.sem_alloc : memref<!tpu.dma_semaphore, #tpu.memory_space<semaphore_mem>>
      %dma_start3A_297 = arith.constant 0 : i32
      %dma_start3A_298 = arith.constant 0 : i32
      %dma_start3A_299 = tpu.memref_slice %arg4[%arg1, %dma_start3A_297, %dma_start3A_298] : memref<16x80x128xi32, #tpu.memory_space<hbm>> -> memref<1x40x128xi32, #tpu.memory_space<hbm>>
      %dma_start3A_300 = tpu.memref_squeeze %dma_start3A_299 : memref<1x40x128xi32, #tpu.memory_space<hbm>> -> memref<40x128xi32, #tpu.memory_space<hbm>>
      %dma_start3A_301 = arith.constant 0 : i32
      %dma_start3A_302 = arith.constant 0 : i32
      %dma_start3A_303 = tpu.memref_slice %arg4[%arg1, %dma_start3A_301, %dma_start3A_302] : memref<16x80x128xi32, #tpu.memory_space<hbm>> -> memref<1x40x128xi32, #tpu.memory_space<hbm>>
      %dma_start3A_304 = tpu.memref_squeeze %dma_start3A_303 : memref<1x40x128xi32, #tpu.memory_space<hbm>> -> memref<40x128xi32, #tpu.memory_space<hbm>>
      tpu.enqueue_dma source(%dma_start3A_304 : memref<40x128xi32, #tpu.memory_space<hbm>>) target(%arg8 : memref<40x128xi32, #tpu.memory_space<vmem>>) target_semaphore(%run_scoped3A_296 : memref<!tpu.dma_semaphore, #tpu.memory_space<semaphore_mem>>)
      %dma_wait3A = arith.constant 0 : i32
      %dma_wait3A_305 = arith.constant 0 : i32
      %dma_wait3A_306 = tpu.memref_slice %arg4[%arg1, %dma_wait3A, %dma_wait3A_305] : memref<16x80x128xi32, #tpu.memory_space<hbm>> -> memref<1x40x128xi32, #tpu.memory_space<hbm>>
      %dma_wait3A_307 = tpu.memref_squeeze %dma_wait3A_306 : memref<1x40x128xi32, #tpu.memory_space<hbm>> -> memref<40x128xi32, #tpu.memory_space<hbm>>
      %dma_wait3A_308 = arith.constant 0 : i32
      %dma_wait3A_309 = arith.constant 0 : i32
      %dma_wait3A_310 = tpu.memref_slice %arg4[%arg1, %dma_wait3A_308, %dma_wait3A_309] : memref<16x80x128xi32, #tpu.memory_space<hbm>> -> memref<1x40x128xi32, #tpu.memory_space<hbm>>
      %dma_wait3A_311 = tpu.memref_squeeze %dma_wait3A_310 : memref<1x40x128xi32, #tpu.memory_space<hbm>> -> memref<40x128xi32, #tpu.memory_space<hbm>>
      tpu.wait_dma2 semaphore(%run_scoped3A_296 : memref<!tpu.dma_semaphore, #tpu.memory_space<semaphore_mem>>) src(%dma_wait3A_311 : memref<40x128xi32, #tpu.memory_space<hbm>>) dst(%arg8 : memref<40x128xi32, #tpu.memory_space<vmem>>)
      tpu.yield
    }) : () -> ()
    %dma_start3A_192 = arith.constant 0 : i32
    %dma_start3A_193 = arith.constant 0 : i32
    %dma_start3A_194 = arith.constant 0 : i32
    %dma_start3A_195 = arith.constant 0 : i32
    %dma_start3A_196 = tpu.memref_slice %arg10[%dma_start3A_193, %dma_start3A_194, %dma_start3A_195] : memref<2x128x128xf32, #tpu.memory_space<vmem>> -> memref<1x128x128xf32, #tpu.memory_space<vmem>>
    %dma_start3A_197 = tpu.memref_squeeze %dma_start3A_196 : memref<1x128x128xf32, #tpu.memory_space<vmem>> -> memref<128x128xf32, #tpu.memory_space<vmem>>
    %dma_start3A_198 = arith.constant 0 : i32
    %dma_start3A_199 = tpu.memref_slice %arg7[%dma_start3A_192, %dma_start3A_198] : memref<40x128xi32, #tpu.memory_space<vmem>> -> memref<1x128xi32, #tpu.memory_space<vmem>>
    %dma_start3A_200 = tpu.memref_squeeze %dma_start3A_199 : memref<1x128xi32, #tpu.memory_space<vmem>> -> memref<128xi32, #tpu.memory_space<vmem>>
    %dma_start3A_201 = arith.constant 0 : i32
    %dma_start3A_202 = arith.constant 0 : i32
    %dma_start3A_203 = tpu.memref_slice %arg2[%dma_start3A_201, %dma_start3A_202] : memref<40960x128xf32, #tpu.memory_space<hbm>> -> memref<40960x128xf32, #tpu.memory_space<hbm>>
    tpu.enqueue_indirect_dma source(%dma_start3A_203 : memref<40960x128xf32, #tpu.memory_space<hbm>>) target(%dma_start3A_197 : memref<128x128xf32, #tpu.memory_space<vmem>>) offsets(%dma_start3A_200 : memref<128xi32, #tpu.memory_space<vmem>>) semaphore(%arg12 : memref<!tpu.dma_semaphore, #tpu.memory_space<semaphore_mem>>)
    %dma_start3A_204 = arith.constant 1 : i32
    %dma_start3A_205 = arith.constant 1 : i32
    %dma_start3A_206 = arith.constant 0 : i32
    %dma_start3A_207 = arith.constant 0 : i32
    %dma_start3A_208 = tpu.memref_slice %arg10[%dma_start3A_205, %dma_start3A_206, %dma_start3A_207] : memref<2x128x128xf32, #tpu.memory_space<vmem>> -> memref<1x128x128xf32, #tpu.memory_space<vmem>>
    %dma_start3A_209 = tpu.memref_squeeze %dma_start3A_208 : memref<1x128x128xf32, #tpu.memory_space<vmem>> -> memref<128x128xf32, #tpu.memory_space<vmem>>
    %dma_start3A_210 = arith.constant 0 : i32
    %dma_start3A_211 = tpu.memref_slice %arg7[%dma_start3A_204, %dma_start3A_210] : memref<40x128xi32, #tpu.memory_space<vmem>> -> memref<1x128xi32, #tpu.memory_space<vmem>>
    %dma_start3A_212 = tpu.memref_squeeze %dma_start3A_211 : memref<1x128xi32, #tpu.memory_space<vmem>> -> memref<128xi32, #tpu.memory_space<vmem>>
    %dma_start3A_213 = arith.constant 0 : i32
    %dma_start3A_214 = arith.constant 0 : i32
    %dma_start3A_215 = tpu.memref_slice %arg2[%dma_start3A_213, %dma_start3A_214] : memref<40960x128xf32, #tpu.memory_space<hbm>> -> memref<40960x128xf32, #tpu.memory_space<hbm>>
    tpu.enqueue_indirect_dma source(%dma_start3A_215 : memref<40960x128xf32, #tpu.memory_space<hbm>>) target(%dma_start3A_209 : memref<128x128xf32, #tpu.memory_space<vmem>>) offsets(%dma_start3A_212 : memref<128xi32, #tpu.memory_space<vmem>>) semaphore(%arg13 : memref<!tpu.dma_semaphore, #tpu.memory_space<semaphore_mem>>)
    %scan3A_216 = arith.constant 0 : i32
    %scan3A_217 = arith.constant 0 : i32
    %scan3A_218 = arith.constant 20 : i32
    %scan3A_219 = arith.addi %scan3A_217, %scan3A_218 : i32
    %scan3A_220 = arith.constant 1 : i32
    %scan3A_221 = scf.for %scan3A_296 = %scan3A_217 to %scan3A_219 step %scan3A_220 iter_args(%scan3A_297 = %scan3A_216) -> (i32)  : i32 {
      %mul3A_298 = arith.constant 2 : i32
      %mul3A_299 = arith.muli %mul3A_298, %scan3A_296 : i32
      %add3A_300 = arith.constant 1 : i32
      %add3A_301 = arith.addi %mul3A_299, %add3A_300 : i32
      %dma_wait3A = arith.constant 0 : i32
      %dma_wait3A_302 = arith.constant 0 : i32
      %dma_wait3A_303 = arith.constant 0 : i32
      %dma_wait3A_304 = tpu.memref_slice %arg10[%dma_wait3A, %dma_wait3A_302, %dma_wait3A_303] : memref<2x128x128xf32, #tpu.memory_space<vmem>> -> memref<1x128x128xf32, #tpu.memory_space<vmem>>
      %dma_wait3A_305 = tpu.memref_squeeze %dma_wait3A_304 : memref<1x128x128xf32, #tpu.memory_space<vmem>> -> memref<128x128xf32, #tpu.memory_space<vmem>>
      %dma_wait3A_306 = arith.constant 0 : i32
      %dma_wait3A_307 = tpu.memref_slice %arg7[%mul3A_299, %dma_wait3A_306] : memref<40x128xi32, #tpu.memory_space<vmem>> -> memref<1x128xi32, #tpu.memory_space<vmem>>
      %dma_wait3A_308 = tpu.memref_squeeze %dma_wait3A_307 : memref<1x128xi32, #tpu.memory_space<vmem>> -> memref<128xi32, #tpu.memory_space<vmem>>
      %dma_wait3A_309 = arith.constant 0 : i32
      %dma_wait3A_310 = arith.constant 0 : i32
      %dma_wait3A_311 = tpu.memref_slice %arg2[%dma_wait3A_309, %dma_wait3A_310] : memref<40960x128xf32, #tpu.memory_space<hbm>> -> memref<40960x128xf32, #tpu.memory_space<hbm>>
      tpu.wait_indirect_dma semaphore(%arg12 : memref<!tpu.dma_semaphore, #tpu.memory_space<semaphore_mem>>) src(%dma_wait3A_311 : memref<40960x128xf32, #tpu.memory_space<hbm>>) dst(%dma_wait3A_305 : memref<128x128xf32, #tpu.memory_space<vmem>>)
      %dma_start3A_312 = arith.constant 0 : i32
      %dma_start3A_313 = arith.constant 0 : i32
      %dma_start3A_314 = arith.constant 0 : i32
      %dma_start3A_315 = tpu.memref_slice %arg10[%dma_start3A_312, %dma_start3A_313, %dma_start3A_314] : memref<2x128x128xf32, #tpu.memory_space<vmem>> -> memref<1x128x128xf32, #tpu.memory_space<vmem>>
      %dma_start3A_316 = tpu.memref_squeeze %dma_start3A_315 : memref<1x128x128xf32, #tpu.memory_space<vmem>> -> memref<128x128xf32, #tpu.memory_space<vmem>>
      %dma_start3A_317 = arith.constant 0 : i32
      %dma_start3A_318 = tpu.memref_slice %arg8[%mul3A_299, %dma_start3A_317] : memref<40x128xi32, #tpu.memory_space<vmem>> -> memref<1x128xi32, #tpu.memory_space<vmem>>
      %dma_start3A_319 = tpu.memref_squeeze %dma_start3A_318 : memref<1x128xi32, #tpu.memory_space<vmem>> -> memref<128xi32, #tpu.memory_space<vmem>>
      %dma_start3A_320 = arith.constant 0 : i32
      %dma_start3A_321 = arith.constant 0 : i32
      %dma_start3A_322 = tpu.memref_slice %arg11[%dma_start3A_320, %dma_start3A_321] : memref<10240x128xf32, #tpu.memory_space<vmem_shared>> -> memref<10240x128xf32, #tpu.memory_space<vmem_shared>>
      tpu.enqueue_indirect_dma source(%dma_start3A_316 : memref<128x128xf32, #tpu.memory_space<vmem>>) target(%dma_start3A_322 : memref<10240x128xf32, #tpu.memory_space<vmem_shared>>) offsets(%dma_start3A_319 : memref<128xi32, #tpu.memory_space<vmem>>) semaphore(%arg14 : memref<!tpu.dma_semaphore, #tpu.memory_space<semaphore_mem>>) {add = true}
      %dma_wait3A_323 = arith.constant 1 : i32
      %dma_wait3A_324 = arith.constant 0 : i32
      %dma_wait3A_325 = arith.constant 0 : i32
      %dma_wait3A_326 = tpu.memref_slice %arg10[%dma_wait3A_323, %dma_wait3A_324, %dma_wait3A_325] : memref<2x128x128xf32, #tpu.memory_space<vmem>> -> memref<1x128x128xf32, #tpu.memory_space<vmem>>
      %dma_wait3A_327 = tpu.memref_squeeze %dma_wait3A_326 : memref<1x128x128xf32, #tpu.memory_space<vmem>> -> memref<128x128xf32, #tpu.memory_space<vmem>>
      %dma_wait3A_328 = arith.constant 0 : i32
      %dma_wait3A_329 = tpu.memref_slice %arg7[%add3A_301, %dma_wait3A_328] : memref<40x128xi32, #tpu.memory_space<vmem>> -> memref<1x128xi32, #tpu.memory_space<vmem>>
      %dma_wait3A_330 = tpu.memref_squeeze %dma_wait3A_329 : memref<1x128xi32, #tpu.memory_space<vmem>> -> memref<128xi32, #tpu.memory_space<vmem>>
      %dma_wait3A_331 = arith.constant 0 : i32
      %dma_wait3A_332 = arith.constant 0 : i32
      %dma_wait3A_333 = tpu.memref_slice %arg2[%dma_wait3A_331, %dma_wait3A_332] : memref<40960x128xf32, #tpu.memory_space<hbm>> -> memref<40960x128xf32, #tpu.memory_space<hbm>>
      tpu.wait_indirect_dma semaphore(%arg13 : memref<!tpu.dma_semaphore, #tpu.memory_space<semaphore_mem>>) src(%dma_wait3A_333 : memref<40960x128xf32, #tpu.memory_space<hbm>>) dst(%dma_wait3A_327 : memref<128x128xf32, #tpu.memory_space<vmem>>)
      %dma_start3A_334 = arith.constant 1 : i32
      %dma_start3A_335 = arith.constant 0 : i32
      %dma_start3A_336 = arith.constant 0 : i32
      %dma_start3A_337 = tpu.memref_slice %arg10[%dma_start3A_334, %dma_start3A_335, %dma_start3A_336] : memref<2x128x128xf32, #tpu.memory_space<vmem>> -> memref<1x128x128xf32, #tpu.memory_space<vmem>>
      %dma_start3A_338 = tpu.memref_squeeze %dma_start3A_337 : memref<1x128x128xf32, #tpu.memory_space<vmem>> -> memref<128x128xf32, #tpu.memory_space<vmem>>
      %dma_start3A_339 = arith.constant 0 : i32
      %dma_start3A_340 = tpu.memref_slice %arg8[%add3A_301, %dma_start3A_339] : memref<40x128xi32, #tpu.memory_space<vmem>> -> memref<1x128xi32, #tpu.memory_space<vmem>>
      %dma_start3A_341 = tpu.memref_squeeze %dma_start3A_340 : memref<1x128xi32, #tpu.memory_space<vmem>> -> memref<128xi32, #tpu.memory_space<vmem>>
      %dma_start3A_342 = arith.constant 0 : i32
      %dma_start3A_343 = arith.constant 0 : i32
      %dma_start3A_344 = tpu.memref_slice %arg11[%dma_start3A_342, %dma_start3A_343] : memref<10240x128xf32, #tpu.memory_space<vmem_shared>> -> memref<10240x128xf32, #tpu.memory_space<vmem_shared>>
      tpu.enqueue_indirect_dma source(%dma_start3A_338 : memref<128x128xf32, #tpu.memory_space<vmem>>) target(%dma_start3A_344 : memref<10240x128xf32, #tpu.memory_space<vmem_shared>>) offsets(%dma_start3A_341 : memref<128xi32, #tpu.memory_space<vmem>>) semaphore(%arg15 : memref<!tpu.dma_semaphore, #tpu.memory_space<semaphore_mem>>) {add = true}
      %dma_wait3A_345 = arith.constant 0 : i32
      %dma_wait3A_346 = arith.constant 0 : i32
      %dma_wait3A_347 = arith.constant 0 : i32
      %dma_wait3A_348 = tpu.memref_slice %arg10[%dma_wait3A_345, %dma_wait3A_346, %dma_wait3A_347] : memref<2x128x128xf32, #tpu.memory_space<vmem>> -> memref<1x128x128xf32, #tpu.memory_space<vmem>>
      %dma_wait3A_349 = tpu.memref_squeeze %dma_wait3A_348 : memref<1x128x128xf32, #tpu.memory_space<vmem>> -> memref<128x128xf32, #tpu.memory_space<vmem>>
      %dma_wait3A_350 = arith.constant 0 : i32
      %dma_wait3A_351 = tpu.memref_slice %arg8[%mul3A_299, %dma_wait3A_350] : memref<40x128xi32, #tpu.memory_space<vmem>> -> memref<1x128xi32, #tpu.memory_space<vmem>>
      %dma_wait3A_352 = tpu.memref_squeeze %dma_wait3A_351 : memref<1x128xi32, #tpu.memory_space<vmem>> -> memref<128xi32, #tpu.memory_space<vmem>>
      %dma_wait3A_353 = arith.constant 0 : i32
      %dma_wait3A_354 = arith.constant 0 : i32
      %dma_wait3A_355 = tpu.memref_slice %arg11[%dma_wait3A_353, %dma_wait3A_354] : memref<10240x128xf32, #tpu.memory_space<vmem_shared>> -> memref<10240x128xf32, #tpu.memory_space<vmem_shared>>
      tpu.wait_indirect_dma semaphore(%arg14 : memref<!tpu.dma_semaphore, #tpu.memory_space<semaphore_mem>>) src(%dma_wait3A_349 : memref<128x128xf32, #tpu.memory_space<vmem>>) dst(%dma_wait3A_355 : memref<10240x128xf32, #tpu.memory_space<vmem_shared>>)
      %add3A_356 = arith.constant 1 : i32
      %add3A_357 = arith.addi %scan3A_296, %add3A_356 : i32
      %lt3A = arith.constant 20 : i32
      %lt3A_358 = arith.cmpi slt, %add3A_357, %lt3A : i32
      %convert_element_type3A = arith.extui %lt3A_358 : i1 to i32
      %cond3A = arith.constant 0 : i32
      %cond3A_359 = arith.cmpi ne, %convert_element_type3A, %cond3A : i32
      scf.if %cond3A_359 {
        %add3A_379 = arith.constant 2 : i32
        %add3A_380 = arith.addi %mul3A_299, %add3A_379 : i32
        %dma_start3A_381 = arith.constant 0 : i32
        %dma_start3A_382 = arith.constant 0 : i32
        %dma_start3A_383 = arith.constant 0 : i32
        %dma_start3A_384 = tpu.memref_slice %arg10[%dma_start3A_381, %dma_start3A_382, %dma_start3A_383] : memref<2x128x128xf32, #tpu.memory_space<vmem>> -> memref<1x128x128xf32, #tpu.memory_space<vmem>>
        %dma_start3A_385 = tpu.memref_squeeze %dma_start3A_384 : memref<1x128x128xf32, #tpu.memory_space<vmem>> -> memref<128x128xf32, #tpu.memory_space<vmem>>
        %dma_start3A_386 = arith.constant 0 : i32
        %dma_start3A_387 = tpu.memref_slice %arg7[%add3A_380, %dma_start3A_386] : memref<40x128xi32, #tpu.memory_space<vmem>> -> memref<1x128xi32, #tpu.memory_space<vmem>>
        %dma_start3A_388 = tpu.memref_squeeze %dma_start3A_387 : memref<1x128xi32, #tpu.memory_space<vmem>> -> memref<128xi32, #tpu.memory_space<vmem>>
        %dma_start3A_389 = arith.constant 0 : i32
        %dma_start3A_390 = arith.constant 0 : i32
        %dma_start3A_391 = tpu.memref_slice %arg2[%dma_start3A_389, %dma_start3A_390] : memref<40960x128xf32, #tpu.memory_space<hbm>> -> memref<40960x128xf32, #tpu.memory_space<hbm>>
        tpu.enqueue_indirect_dma source(%dma_start3A_391 : memref<40960x128xf32, #tpu.memory_space<hbm>>) target(%dma_start3A_385 : memref<128x128xf32, #tpu.memory_space<vmem>>) offsets(%dma_start3A_388 : memref<128xi32, #tpu.memory_space<vmem>>) semaphore(%arg12 : memref<!tpu.dma_semaphore, #tpu.memory_space<semaphore_mem>>)
      } else {
      }
      %dma_wait3A_360 = arith.constant 1 : i32
      %dma_wait3A_361 = arith.constant 0 : i32
      %dma_wait3A_362 = arith.constant 0 : i32
      %dma_wait3A_363 = tpu.memref_slice %arg10[%dma_wait3A_360, %dma_wait3A_361, %dma_wait3A_362] : memref<2x128x128xf32, #tpu.memory_space<vmem>> -> memref<1x128x128xf32, #tpu.memory_space<vmem>>
      %dma_wait3A_364 = tpu.memref_squeeze %dma_wait3A_363 : memref<1x128x128xf32, #tpu.memory_space<vmem>> -> memref<128x128xf32, #tpu.memory_space<vmem>>
      %dma_wait3A_365 = arith.constant 0 : i32
      %dma_wait3A_366 = tpu.memref_slice %arg8[%add3A_301, %dma_wait3A_365] : memref<40x128xi32, #tpu.memory_space<vmem>> -> memref<1x128xi32, #tpu.memory_space<vmem>>
      %dma_wait3A_367 = tpu.memref_squeeze %dma_wait3A_366 : memref<1x128xi32, #tpu.memory_space<vmem>> -> memref<128xi32, #tpu.memory_space<vmem>>
      %dma_wait3A_368 = arith.constant 0 : i32
      %dma_wait3A_369 = arith.constant 0 : i32
      %dma_wait3A_370 = tpu.memref_slice %arg11[%dma_wait3A_368, %dma_wait3A_369] : memref<10240x128xf32, #tpu.memory_space<vmem_shared>> -> memref<10240x128xf32, #tpu.memory_space<vmem_shared>>
      tpu.wait_indirect_dma semaphore(%arg15 : memref<!tpu.dma_semaphore, #tpu.memory_space<semaphore_mem>>) src(%dma_wait3A_364 : memref<128x128xf32, #tpu.memory_space<vmem>>) dst(%dma_wait3A_370 : memref<10240x128xf32, #tpu.memory_space<vmem_shared>>)
      %add3A_371 = arith.constant 1 : i32
      %add3A_372 = arith.addi %scan3A_296, %add3A_371 : i32
      %lt3A_373 = arith.constant 20 : i32
      %lt3A_374 = arith.cmpi slt, %add3A_372, %lt3A_373 : i32
      %convert_element_type3A_375 = arith.extui %lt3A_374 : i1 to i32
      %cond3A_376 = arith.constant 0 : i32
      %cond3A_377 = arith.cmpi ne, %convert_element_type3A_375, %cond3A_376 : i32
      scf.if %cond3A_377 {
        %add3A_379 = arith.constant 2 : i32
        %add3A_380 = arith.addi %add3A_301, %add3A_379 : i32
        %dma_start3A_381 = arith.constant 1 : i32
        %dma_start3A_382 = arith.constant 0 : i32
        %dma_start3A_383 = arith.constant 0 : i32
        %dma_start3A_384 = tpu.memref_slice %arg10[%dma_start3A_381, %dma_start3A_382, %dma_start3A_383] : memref<2x128x128xf32, #tpu.memory_space<vmem>> -> memref<1x128x128xf32, #tpu.memory_space<vmem>>
        %dma_start3A_385 = tpu.memref_squeeze %dma_start3A_384 : memref<1x128x128xf32, #tpu.memory_space<vmem>> -> memref<128x128xf32, #tpu.memory_space<vmem>>
        %dma_start3A_386 = arith.constant 0 : i32
        %dma_start3A_387 = tpu.memref_slice %arg7[%add3A_380, %dma_start3A_386] : memref<40x128xi32, #tpu.memory_space<vmem>> -> memref<1x128xi32, #tpu.memory_space<vmem>>
        %dma_start3A_388 = tpu.memref_squeeze %dma_start3A_387 : memref<1x128xi32, #tpu.memory_space<vmem>> -> memref<128xi32, #tpu.memory_space<vmem>>
        %dma_start3A_389 = arith.constant 0 : i32
        %dma_start3A_390 = arith.constant 0 : i32
        %dma_start3A_391 = tpu.memref_slice %arg2[%dma_start3A_389, %dma_start3A_390] : memref<40960x128xf32, #tpu.memory_space<hbm>> -> memref<40960x128xf32, #tpu.memory_space<hbm>>
        tpu.enqueue_indirect_dma source(%dma_start3A_391 : memref<40960x128xf32, #tpu.memory_space<hbm>>) target(%dma_start3A_385 : memref<128x128xf32, #tpu.memory_space<vmem>>) offsets(%dma_start3A_388 : memref<128xi32, #tpu.memory_space<vmem>>) semaphore(%arg13 : memref<!tpu.dma_semaphore, #tpu.memory_space<semaphore_mem>>)
      } else {
      }
      %scan3A_378 = arith.constant 0 : i32
      scf.yield %scan3A_378 : i32
    }
    %scan3A_222 = arith.constant 20 : i32
    "tpu.region"() ({
      %run_scoped3A_296 = tpu.sem_alloc : memref<!tpu.dma_semaphore, #tpu.memory_space<semaphore_mem>>
      %dma_start3A_297 = arith.constant 40 : i32
      %dma_start3A_298 = arith.constant 0 : i32
      %dma_start3A_299 = tpu.memref_slice %arg3[%add3A_148, %arg1, %dma_start3A_297, %dma_start3A_298] : memref<4x16x80x128xi32, #tpu.memory_space<hbm>> -> memref<1x1x40x128xi32, #tpu.memory_space<hbm>>
      %dma_start3A_300 = tpu.memref_squeeze %dma_start3A_299 : memref<1x1x40x128xi32, #tpu.memory_space<hbm>> -> memref<40x128xi32, #tpu.memory_space<hbm>>
      %dma_start3A_301 = arith.constant 40 : i32
      %dma_start3A_302 = arith.constant 0 : i32
      %dma_start3A_303 = tpu.memref_slice %arg3[%add3A_148, %arg1, %dma_start3A_301, %dma_start3A_302] : memref<4x16x80x128xi32, #tpu.memory_space<hbm>> -> memref<1x1x40x128xi32, #tpu.memory_space<hbm>>
      %dma_start3A_304 = tpu.memref_squeeze %dma_start3A_303 : memref<1x1x40x128xi32, #tpu.memory_space<hbm>> -> memref<40x128xi32, #tpu.memory_space<hbm>>
      tpu.enqueue_dma source(%dma_start3A_304 : memref<40x128xi32, #tpu.memory_space<hbm>>) target(%arg7 : memref<40x128xi32, #tpu.memory_space<vmem>>) target_semaphore(%run_scoped3A_296 : memref<!tpu.dma_semaphore, #tpu.memory_space<semaphore_mem>>)
      %dma_wait3A = arith.constant 40 : i32
      %dma_wait3A_305 = arith.constant 0 : i32
      %dma_wait3A_306 = tpu.memref_slice %arg3[%add3A_148, %arg1, %dma_wait3A, %dma_wait3A_305] : memref<4x16x80x128xi32, #tpu.memory_space<hbm>> -> memref<1x1x40x128xi32, #tpu.memory_space<hbm>>
      %dma_wait3A_307 = tpu.memref_squeeze %dma_wait3A_306 : memref<1x1x40x128xi32, #tpu.memory_space<hbm>> -> memref<40x128xi32, #tpu.memory_space<hbm>>
      %dma_wait3A_308 = arith.constant 40 : i32
      %dma_wait3A_309 = arith.constant 0 : i32
      %dma_wait3A_310 = tpu.memref_slice %arg3[%add3A_148, %arg1, %dma_wait3A_308, %dma_wait3A_309] : memref<4x16x80x128xi32, #tpu.memory_space<hbm>> -> memref<1x1x40x128xi32, #tpu.memory_space<hbm>>
      %dma_wait3A_311 = tpu.memref_squeeze %dma_wait3A_310 : memref<1x1x40x128xi32, #tpu.memory_space<hbm>> -> memref<40x128xi32, #tpu.memory_space<hbm>>
      tpu.wait_dma2 semaphore(%run_scoped3A_296 : memref<!tpu.dma_semaphore, #tpu.memory_space<semaphore_mem>>) src(%dma_wait3A_311 : memref<40x128xi32, #tpu.memory_space<hbm>>) dst(%arg7 : memref<40x128xi32, #tpu.memory_space<vmem>>)
      tpu.yield
    }) : () -> ()
    "tpu.region"() ({
      %run_scoped3A_296 = tpu.sem_alloc : memref<!tpu.dma_semaphore, #tpu.memory_space<semaphore_mem>>
      %dma_start3A_297 = arith.constant 40 : i32
      %dma_start3A_298 = arith.constant 0 : i32
      %dma_start3A_299 = tpu.memref_slice %arg4[%arg1, %dma_start3A_297, %dma_start3A_298] : memref<16x80x128xi32, #tpu.memory_space<hbm>> -> memref<1x40x128xi32, #tpu.memory_space<hbm>>
      %dma_start3A_300 = tpu.memref_squeeze %dma_start3A_299 : memref<1x40x128xi32, #tpu.memory_space<hbm>> -> memref<40x128xi32, #tpu.memory_space<hbm>>
      %dma_start3A_301 = arith.constant 40 : i32
      %dma_start3A_302 = arith.constant 0 : i32
      %dma_start3A_303 = tpu.memref_slice %arg4[%arg1, %dma_start3A_301, %dma_start3A_302] : memref<16x80x128xi32, #tpu.memory_space<hbm>> -> memref<1x40x128xi32, #tpu.memory_space<hbm>>
      %dma_start3A_304 = tpu.memref_squeeze %dma_start3A_303 : memref<1x40x128xi32, #tpu.memory_space<hbm>> -> memref<40x128xi32, #tpu.memory_space<hbm>>
      tpu.enqueue_dma source(%dma_start3A_304 : memref<40x128xi32, #tpu.memory_space<hbm>>) target(%arg8 : memref<40x128xi32, #tpu.memory_space<vmem>>) target_semaphore(%run_scoped3A_296 : memref<!tpu.dma_semaphore, #tpu.memory_space<semaphore_mem>>)
      %dma_wait3A = arith.constant 40 : i32
      %dma_wait3A_305 = arith.constant 0 : i32
      %dma_wait3A_306 = tpu.memref_slice %arg4[%arg1, %dma_wait3A, %dma_wait3A_305] : memref<16x80x128xi32, #tpu.memory_space<hbm>> -> memref<1x40x128xi32, #tpu.memory_space<hbm>>
      %dma_wait3A_307 = tpu.memref_squeeze %dma_wait3A_306 : memref<1x40x128xi32, #tpu.memory_space<hbm>> -> memref<40x128xi32, #tpu.memory_space<hbm>>
      %dma_wait3A_308 = arith.constant 40 : i32
      %dma_wait3A_309 = arith.constant 0 : i32
      %dma_wait3A_310 = tpu.memref_slice %arg4[%arg1, %dma_wait3A_308, %dma_wait3A_309] : memref<16x80x128xi32, #tpu.memory_space<hbm>> -> memref<1x40x128xi32, #tpu.memory_space<hbm>>
      %dma_wait3A_311 = tpu.memref_squeeze %dma_wait3A_310 : memref<1x40x128xi32, #tpu.memory_space<hbm>> -> memref<40x128xi32, #tpu.memory_space<hbm>>
      tpu.wait_dma2 semaphore(%run_scoped3A_296 : memref<!tpu.dma_semaphore, #tpu.memory_space<semaphore_mem>>) src(%dma_wait3A_311 : memref<40x128xi32, #tpu.memory_space<hbm>>) dst(%arg8 : memref<40x128xi32, #tpu.memory_space<vmem>>)
      tpu.yield
    }) : () -> ()
    %dma_start3A_223 = arith.constant 0 : i32
    %dma_start3A_224 = arith.constant 0 : i32
    %dma_start3A_225 = arith.constant 0 : i32
    %dma_start3A_226 = arith.constant 0 : i32
    %dma_start3A_227 = tpu.memref_slice %arg10[%dma_start3A_224, %dma_start3A_225, %dma_start3A_226] : memref<2x128x128xf32, #tpu.memory_space<vmem>> -> memref<1x128x128xf32, #tpu.memory_space<vmem>>
    %dma_start3A_228 = tpu.memref_squeeze %dma_start3A_227 : memref<1x128x128xf32, #tpu.memory_space<vmem>> -> memref<128x128xf32, #tpu.memory_space<vmem>>
    %dma_start3A_229 = arith.constant 0 : i32
    %dma_start3A_230 = tpu.memref_slice %arg7[%dma_start3A_223, %dma_start3A_229] : memref<40x128xi32, #tpu.memory_space<vmem>> -> memref<1x128xi32, #tpu.memory_space<vmem>>
    %dma_start3A_231 = tpu.memref_squeeze %dma_start3A_230 : memref<1x128xi32, #tpu.memory_space<vmem>> -> memref<128xi32, #tpu.memory_space<vmem>>
    %dma_start3A_232 = arith.constant 0 : i32
    %dma_start3A_233 = arith.constant 0 : i32
    %dma_start3A_234 = tpu.memref_slice %arg2[%dma_start3A_232, %dma_start3A_233] : memref<40960x128xf32, #tpu.memory_space<hbm>> -> memref<40960x128xf32, #tpu.memory_space<hbm>>
    tpu.enqueue_indirect_dma source(%dma_start3A_234 : memref<40960x128xf32, #tpu.memory_space<hbm>>) target(%dma_start3A_228 : memref<128x128xf32, #tpu.memory_space<vmem>>) offsets(%dma_start3A_231 : memref<128xi32, #tpu.memory_space<vmem>>) semaphore(%arg12 : memref<!tpu.dma_semaphore, #tpu.memory_space<semaphore_mem>>)
    %dma_start3A_235 = arith.constant 1 : i32
    %dma_start3A_236 = arith.constant 1 : i32
    %dma_start3A_237 = arith.constant 0 : i32
    %dma_start3A_238 = arith.constant 0 : i32
    %dma_start3A_239 = tpu.memref_slice %arg10[%dma_start3A_236, %dma_start3A_237, %dma_start3A_238] : memref<2x128x128xf32, #tpu.memory_space<vmem>> -> memref<1x128x128xf32, #tpu.memory_space<vmem>>
    %dma_start3A_240 = tpu.memref_squeeze %dma_start3A_239 : memref<1x128x128xf32, #tpu.memory_space<vmem>> -> memref<128x128xf32, #tpu.memory_space<vmem>>
    %dma_start3A_241 = arith.constant 0 : i32
    %dma_start3A_242 = tpu.memref_slice %arg7[%dma_start3A_235, %dma_start3A_241] : memref<40x128xi32, #tpu.memory_space<vmem>> -> memref<1x128xi32, #tpu.memory_space<vmem>>
    %dma_start3A_243 = tpu.memref_squeeze %dma_start3A_242 : memref<1x128xi32, #tpu.memory_space<vmem>> -> memref<128xi32, #tpu.memory_space<vmem>>
    %dma_start3A_244 = arith.constant 0 : i32
    %dma_start3A_245 = arith.constant 0 : i32
    %dma_start3A_246 = tpu.memref_slice %arg2[%dma_start3A_244, %dma_start3A_245] : memref<40960x128xf32, #tpu.memory_space<hbm>> -> memref<40960x128xf32, #tpu.memory_space<hbm>>
    tpu.enqueue_indirect_dma source(%dma_start3A_246 : memref<40960x128xf32, #tpu.memory_space<hbm>>) target(%dma_start3A_240 : memref<128x128xf32, #tpu.memory_space<vmem>>) offsets(%dma_start3A_243 : memref<128xi32, #tpu.memory_space<vmem>>) semaphore(%arg13 : memref<!tpu.dma_semaphore, #tpu.memory_space<semaphore_mem>>)
    %scan3A_247 = arith.constant 0 : i32
    %scan3A_248 = arith.constant 0 : i32
    %scan3A_249 = arith.constant 20 : i32
    %scan3A_250 = arith.addi %scan3A_248, %scan3A_249 : i32
    %scan3A_251 = arith.constant 1 : i32
    %scan3A_252 = scf.for %scan3A_296 = %scan3A_248 to %scan3A_250 step %scan3A_251 iter_args(%scan3A_297 = %scan3A_247) -> (i32)  : i32 {
      %mul3A_298 = arith.constant 2 : i32
      %mul3A_299 = arith.muli %mul3A_298, %scan3A_296 : i32
      %add3A_300 = arith.constant 1 : i32
      %add3A_301 = arith.addi %mul3A_299, %add3A_300 : i32
      %dma_wait3A = arith.constant 0 : i32
      %dma_wait3A_302 = arith.constant 0 : i32
      %dma_wait3A_303 = arith.constant 0 : i32
      %dma_wait3A_304 = tpu.memref_slice %arg10[%dma_wait3A, %dma_wait3A_302, %dma_wait3A_303] : memref<2x128x128xf32, #tpu.memory_space<vmem>> -> memref<1x128x128xf32, #tpu.memory_space<vmem>>
      %dma_wait3A_305 = tpu.memref_squeeze %dma_wait3A_304 : memref<1x128x128xf32, #tpu.memory_space<vmem>> -> memref<128x128xf32, #tpu.memory_space<vmem>>
      %dma_wait3A_306 = arith.constant 0 : i32
      %dma_wait3A_307 = tpu.memref_slice %arg7[%mul3A_299, %dma_wait3A_306] : memref<40x128xi32, #tpu.memory_space<vmem>> -> memref<1x128xi32, #tpu.memory_space<vmem>>
      %dma_wait3A_308 = tpu.memref_squeeze %dma_wait3A_307 : memref<1x128xi32, #tpu.memory_space<vmem>> -> memref<128xi32, #tpu.memory_space<vmem>>
      %dma_wait3A_309 = arith.constant 0 : i32
      %dma_wait3A_310 = arith.constant 0 : i32
      %dma_wait3A_311 = tpu.memref_slice %arg2[%dma_wait3A_309, %dma_wait3A_310] : memref<40960x128xf32, #tpu.memory_space<hbm>> -> memref<40960x128xf32, #tpu.memory_space<hbm>>
      tpu.wait_indirect_dma semaphore(%arg12 : memref<!tpu.dma_semaphore, #tpu.memory_space<semaphore_mem>>) src(%dma_wait3A_311 : memref<40960x128xf32, #tpu.memory_space<hbm>>) dst(%dma_wait3A_305 : memref<128x128xf32, #tpu.memory_space<vmem>>)
      %dma_start3A_312 = arith.constant 0 : i32
      %dma_start3A_313 = arith.constant 0 : i32
      %dma_start3A_314 = arith.constant 0 : i32
      %dma_start3A_315 = tpu.memref_slice %arg10[%dma_start3A_312, %dma_start3A_313, %dma_start3A_314] : memref<2x128x128xf32, #tpu.memory_space<vmem>> -> memref<1x128x128xf32, #tpu.memory_space<vmem>>
      %dma_start3A_316 = tpu.memref_squeeze %dma_start3A_315 : memref<1x128x128xf32, #tpu.memory_space<vmem>> -> memref<128x128xf32, #tpu.memory_space<vmem>>
      %dma_start3A_317 = arith.constant 0 : i32
      %dma_start3A_318 = tpu.memref_slice %arg8[%mul3A_299, %dma_start3A_317] : memref<40x128xi32, #tpu.memory_space<vmem>> -> memref<1x128xi32, #tpu.memory_space<vmem>>
      %dma_start3A_319 = tpu.memref_squeeze %dma_start3A_318 : memref<1x128xi32, #tpu.memory_space<vmem>> -> memref<128xi32, #tpu.memory_space<vmem>>
      %dma_start3A_320 = arith.constant 0 : i32
      %dma_start3A_321 = arith.constant 0 : i32
      %dma_start3A_322 = tpu.memref_slice %arg11[%dma_start3A_320, %dma_start3A_321] : memref<10240x128xf32, #tpu.memory_space<vmem_shared>> -> memref<10240x128xf32, #tpu.memory_space<vmem_shared>>
      tpu.enqueue_indirect_dma source(%dma_start3A_316 : memref<128x128xf32, #tpu.memory_space<vmem>>) target(%dma_start3A_322 : memref<10240x128xf32, #tpu.memory_space<vmem_shared>>) offsets(%dma_start3A_319 : memref<128xi32, #tpu.memory_space<vmem>>) semaphore(%arg14 : memref<!tpu.dma_semaphore, #tpu.memory_space<semaphore_mem>>) {add = true}
      %dma_wait3A_323 = arith.constant 1 : i32
      %dma_wait3A_324 = arith.constant 0 : i32
      %dma_wait3A_325 = arith.constant 0 : i32
      %dma_wait3A_326 = tpu.memref_slice %arg10[%dma_wait3A_323, %dma_wait3A_324, %dma_wait3A_325] : memref<2x128x128xf32, #tpu.memory_space<vmem>> -> memref<1x128x128xf32, #tpu.memory_space<vmem>>
      %dma_wait3A_327 = tpu.memref_squeeze %dma_wait3A_326 : memref<1x128x128xf32, #tpu.memory_space<vmem>> -> memref<128x128xf32, #tpu.memory_space<vmem>>
      %dma_wait3A_328 = arith.constant 0 : i32
      %dma_wait3A_329 = tpu.memref_slice %arg7[%add3A_301, %dma_wait3A_328] : memref<40x128xi32, #tpu.memory_space<vmem>> -> memref<1x128xi32, #tpu.memory_space<vmem>>
      %dma_wait3A_330 = tpu.memref_squeeze %dma_wait3A_329 : memref<1x128xi32, #tpu.memory_space<vmem>> -> memref<128xi32, #tpu.memory_space<vmem>>
      %dma_wait3A_331 = arith.constant 0 : i32
      %dma_wait3A_332 = arith.constant 0 : i32
      %dma_wait3A_333 = tpu.memref_slice %arg2[%dma_wait3A_331, %dma_wait3A_332] : memref<40960x128xf32, #tpu.memory_space<hbm>> -> memref<40960x128xf32, #tpu.memory_space<hbm>>
      tpu.wait_indirect_dma semaphore(%arg13 : memref<!tpu.dma_semaphore, #tpu.memory_space<semaphore_mem>>) src(%dma_wait3A_333 : memref<40960x128xf32, #tpu.memory_space<hbm>>) dst(%dma_wait3A_327 : memref<128x128xf32, #tpu.memory_space<vmem>>)
      %dma_start3A_334 = arith.constant 1 : i32
      %dma_start3A_335 = arith.constant 0 : i32
      %dma_start3A_336 = arith.constant 0 : i32
      %dma_start3A_337 = tpu.memref_slice %arg10[%dma_start3A_334, %dma_start3A_335, %dma_start3A_336] : memref<2x128x128xf32, #tpu.memory_space<vmem>> -> memref<1x128x128xf32, #tpu.memory_space<vmem>>
      %dma_start3A_338 = tpu.memref_squeeze %dma_start3A_337 : memref<1x128x128xf32, #tpu.memory_space<vmem>> -> memref<128x128xf32, #tpu.memory_space<vmem>>
      %dma_start3A_339 = arith.constant 0 : i32
      %dma_start3A_340 = tpu.memref_slice %arg8[%add3A_301, %dma_start3A_339] : memref<40x128xi32, #tpu.memory_space<vmem>> -> memref<1x128xi32, #tpu.memory_space<vmem>>
      %dma_start3A_341 = tpu.memref_squeeze %dma_start3A_340 : memref<1x128xi32, #tpu.memory_space<vmem>> -> memref<128xi32, #tpu.memory_space<vmem>>
      %dma_start3A_342 = arith.constant 0 : i32
      %dma_start3A_343 = arith.constant 0 : i32
      %dma_start3A_344 = tpu.memref_slice %arg11[%dma_start3A_342, %dma_start3A_343] : memref<10240x128xf32, #tpu.memory_space<vmem_shared>> -> memref<10240x128xf32, #tpu.memory_space<vmem_shared>>
      tpu.enqueue_indirect_dma source(%dma_start3A_338 : memref<128x128xf32, #tpu.memory_space<vmem>>) target(%dma_start3A_344 : memref<10240x128xf32, #tpu.memory_space<vmem_shared>>) offsets(%dma_start3A_341 : memref<128xi32, #tpu.memory_space<vmem>>) semaphore(%arg15 : memref<!tpu.dma_semaphore, #tpu.memory_space<semaphore_mem>>) {add = true}
      %dma_wait3A_345 = arith.constant 0 : i32
      %dma_wait3A_346 = arith.constant 0 : i32
      %dma_wait3A_347 = arith.constant 0 : i32
      %dma_wait3A_348 = tpu.memref_slice %arg10[%dma_wait3A_345, %dma_wait3A_346, %dma_wait3A_347] : memref<2x128x128xf32, #tpu.memory_space<vmem>> -> memref<1x128x128xf32, #tpu.memory_space<vmem>>
      %dma_wait3A_349 = tpu.memref_squeeze %dma_wait3A_348 : memref<1x128x128xf32, #tpu.memory_space<vmem>> -> memref<128x128xf32, #tpu.memory_space<vmem>>
      %dma_wait3A_350 = arith.constant 0 : i32
      %dma_wait3A_351 = tpu.memref_slice %arg8[%mul3A_299, %dma_wait3A_350] : memref<40x128xi32, #tpu.memory_space<vmem>> -> memref<1x128xi32, #tpu.memory_space<vmem>>
      %dma_wait3A_352 = tpu.memref_squeeze %dma_wait3A_351 : memref<1x128xi32, #tpu.memory_space<vmem>> -> memref<128xi32, #tpu.memory_space<vmem>>
      %dma_wait3A_353 = arith.constant 0 : i32
      %dma_wait3A_354 = arith.constant 0 : i32
      %dma_wait3A_355 = tpu.memref_slice %arg11[%dma_wait3A_353, %dma_wait3A_354] : memref<10240x128xf32, #tpu.memory_space<vmem_shared>> -> memref<10240x128xf32, #tpu.memory_space<vmem_shared>>
      tpu.wait_indirect_dma semaphore(%arg14 : memref<!tpu.dma_semaphore, #tpu.memory_space<semaphore_mem>>) src(%dma_wait3A_349 : memref<128x128xf32, #tpu.memory_space<vmem>>) dst(%dma_wait3A_355 : memref<10240x128xf32, #tpu.memory_space<vmem_shared>>)
      %add3A_356 = arith.constant 1 : i32
      %add3A_357 = arith.addi %scan3A_296, %add3A_356 : i32
      %lt3A = arith.constant 20 : i32
      %lt3A_358 = arith.cmpi slt, %add3A_357, %lt3A : i32
      %convert_element_type3A = arith.extui %lt3A_358 : i1 to i32
      %cond3A = arith.constant 0 : i32
      %cond3A_359 = arith.cmpi ne, %convert_element_type3A, %cond3A : i32
      scf.if %cond3A_359 {
        %add3A_379 = arith.constant 2 : i32
        %add3A_380 = arith.addi %mul3A_299, %add3A_379 : i32
        %dma_start3A_381 = arith.constant 0 : i32
        %dma_start3A_382 = arith.constant 0 : i32
        %dma_start3A_383 = arith.constant 0 : i32
        %dma_start3A_384 = tpu.memref_slice %arg10[%dma_start3A_381, %dma_start3A_382, %dma_start3A_383] : memref<2x128x128xf32, #tpu.memory_space<vmem>> -> memref<1x128x128xf32, #tpu.memory_space<vmem>>
        %dma_start3A_385 = tpu.memref_squeeze %dma_start3A_384 : memref<1x128x128xf32, #tpu.memory_space<vmem>> -> memref<128x128xf32, #tpu.memory_space<vmem>>
        %dma_start3A_386 = arith.constant 0 : i32
        %dma_start3A_387 = tpu.memref_slice %arg7[%add3A_380, %dma_start3A_386] : memref<40x128xi32, #tpu.memory_space<vmem>> -> memref<1x128xi32, #tpu.memory_space<vmem>>
        %dma_start3A_388 = tpu.memref_squeeze %dma_start3A_387 : memref<1x128xi32, #tpu.memory_space<vmem>> -> memref<128xi32, #tpu.memory_space<vmem>>
        %dma_start3A_389 = arith.constant 0 : i32
        %dma_start3A_390 = arith.constant 0 : i32
        %dma_start3A_391 = tpu.memref_slice %arg2[%dma_start3A_389, %dma_start3A_390] : memref<40960x128xf32, #tpu.memory_space<hbm>> -> memref<40960x128xf32, #tpu.memory_space<hbm>>
        tpu.enqueue_indirect_dma source(%dma_start3A_391 : memref<40960x128xf32, #tpu.memory_space<hbm>>) target(%dma_start3A_385 : memref<128x128xf32, #tpu.memory_space<vmem>>) offsets(%dma_start3A_388 : memref<128xi32, #tpu.memory_space<vmem>>) semaphore(%arg12 : memref<!tpu.dma_semaphore, #tpu.memory_space<semaphore_mem>>)
      } else {
      }
      %dma_wait3A_360 = arith.constant 1 : i32
      %dma_wait3A_361 = arith.constant 0 : i32
      %dma_wait3A_362 = arith.constant 0 : i32
      %dma_wait3A_363 = tpu.memref_slice %arg10[%dma_wait3A_360, %dma_wait3A_361, %dma_wait3A_362] : memref<2x128x128xf32, #tpu.memory_space<vmem>> -> memref<1x128x128xf32, #tpu.memory_space<vmem>>
      %dma_wait3A_364 = tpu.memref_squeeze %dma_wait3A_363 : memref<1x128x128xf32, #tpu.memory_space<vmem>> -> memref<128x128xf32, #tpu.memory_space<vmem>>
      %dma_wait3A_365 = arith.constant 0 : i32
      %dma_wait3A_366 = tpu.memref_slice %arg8[%add3A_301, %dma_wait3A_365] : memref<40x128xi32, #tpu.memory_space<vmem>> -> memref<1x128xi32, #tpu.memory_space<vmem>>
      %dma_wait3A_367 = tpu.memref_squeeze %dma_wait3A_366 : memref<1x128xi32, #tpu.memory_space<vmem>> -> memref<128xi32, #tpu.memory_space<vmem>>
      %dma_wait3A_368 = arith.constant 0 : i32
      %dma_wait3A_369 = arith.constant 0 : i32
      %dma_wait3A_370 = tpu.memref_slice %arg11[%dma_wait3A_368, %dma_wait3A_369] : memref<10240x128xf32, #tpu.memory_space<vmem_shared>> -> memref<10240x128xf32, #tpu.memory_space<vmem_shared>>
      tpu.wait_indirect_dma semaphore(%arg15 : memref<!tpu.dma_semaphore, #tpu.memory_space<semaphore_mem>>) src(%dma_wait3A_364 : memref<128x128xf32, #tpu.memory_space<vmem>>) dst(%dma_wait3A_370 : memref<10240x128xf32, #tpu.memory_space<vmem_shared>>)
      %add3A_371 = arith.constant 1 : i32
      %add3A_372 = arith.addi %scan3A_296, %add3A_371 : i32
      %lt3A_373 = arith.constant 20 : i32
      %lt3A_374 = arith.cmpi slt, %add3A_372, %lt3A_373 : i32
      %convert_element_type3A_375 = arith.extui %lt3A_374 : i1 to i32
      %cond3A_376 = arith.constant 0 : i32
      %cond3A_377 = arith.cmpi ne, %convert_element_type3A_375, %cond3A_376 : i32
      scf.if %cond3A_377 {
        %add3A_379 = arith.constant 2 : i32
        %add3A_380 = arith.addi %add3A_301, %add3A_379 : i32
        %dma_start3A_381 = arith.constant 1 : i32
        %dma_start3A_382 = arith.constant 0 : i32
        %dma_start3A_383 = arith.constant 0 : i32
        %dma_start3A_384 = tpu.memref_slice %arg10[%dma_start3A_381, %dma_start3A_382, %dma_start3A_383] : memref<2x128x128xf32, #tpu.memory_space<vmem>> -> memref<1x128x128xf32, #tpu.memory_space<vmem>>
        %dma_start3A_385 = tpu.memref_squeeze %dma_start3A_384 : memref<1x128x128xf32, #tpu.memory_space<vmem>> -> memref<128x128xf32, #tpu.memory_space<vmem>>
        %dma_start3A_386 = arith.constant 0 : i32
        %dma_start3A_387 = tpu.memref_slice %arg7[%add3A_380, %dma_start3A_386] : memref<40x128xi32, #tpu.memory_space<vmem>> -> memref<1x128xi32, #tpu.memory_space<vmem>>
        %dma_start3A_388 = tpu.memref_squeeze %dma_start3A_387 : memref<1x128xi32, #tpu.memory_space<vmem>> -> memref<128xi32, #tpu.memory_space<vmem>>
        %dma_start3A_389 = arith.constant 0 : i32
        %dma_start3A_390 = arith.constant 0 : i32
        %dma_start3A_391 = tpu.memref_slice %arg2[%dma_start3A_389, %dma_start3A_390] : memref<40960x128xf32, #tpu.memory_space<hbm>> -> memref<40960x128xf32, #tpu.memory_space<hbm>>
        tpu.enqueue_indirect_dma source(%dma_start3A_391 : memref<40960x128xf32, #tpu.memory_space<hbm>>) target(%dma_start3A_385 : memref<128x128xf32, #tpu.memory_space<vmem>>) offsets(%dma_start3A_388 : memref<128xi32, #tpu.memory_space<vmem>>) semaphore(%arg13 : memref<!tpu.dma_semaphore, #tpu.memory_space<semaphore_mem>>)
      } else {
      }
      %scan3A_378 = arith.constant 0 : i32
      scf.yield %scan3A_378 : i32
    }
    %scan3A_253 = arith.constant 20 : i32
    %barrier3A_254 = arith.constant 0 : index
    tpu.barrier barrier_id(%barrier3A_254)
    %run_scoped3A_255 = arith.constant 0 : i32
    %run_scoped3A_256 = arith.constant 0 : i32
    "tpu.region"() ({
      %run_scoped3A_296 = tpu.sem_alloc : memref<!tpu.dma_semaphore, #tpu.memory_space<semaphore_mem>>
      %dma_start3A_297 = arith.constant 0 : i32
      %dma_start3A_298 = arith.constant 0 : i32
      %dma_start3A_299 = tpu.memref_slice %arg10[%run_scoped3A_256, %dma_start3A_297, %dma_start3A_298] : memref<2x128x128xf32, #tpu.memory_space<vmem>> -> memref<1x128x128xf32, #tpu.memory_space<vmem>>
      %dma_start3A_300 = tpu.memref_squeeze %dma_start3A_299 : memref<1x128x128xf32, #tpu.memory_space<vmem>> -> memref<128x128xf32, #tpu.memory_space<vmem>>
      %dma_start3A_301 = arith.constant 0 : i32
      %dma_start3A_302 = tpu.memref_slice %arg9[%run_scoped3A_255, %dma_start3A_301] : memref<5x128xi32, #tpu.memory_space<vmem>> -> memref<1x128xi32, #tpu.memory_space<vmem>>
      %dma_start3A_303 = tpu.memref_squeeze %dma_start3A_302 : memref<1x128xi32, #tpu.memory_space<vmem>> -> memref<128xi32, #tpu.memory_space<vmem>>
      %dma_start3A_304 = arith.constant 0 : i32
      %dma_start3A_305 = arith.constant 0 : i32
      %dma_start3A_306 = tpu.memref_slice %arg11[%dma_start3A_304, %dma_start3A_305] : memref<10240x128xf32, #tpu.memory_space<vmem_shared>> -> memref<10240x128xf32, #tpu.memory_space<vmem_shared>>
      tpu.enqueue_indirect_dma source(%dma_start3A_306 : memref<10240x128xf32, #tpu.memory_space<vmem_shared>>) target(%dma_start3A_300 : memref<128x128xf32, #tpu.memory_space<vmem>>) offsets(%dma_start3A_303 : memref<128xi32, #tpu.memory_space<vmem>>) semaphore(%run_scoped3A_296 : memref<!tpu.dma_semaphore, #tpu.memory_space<semaphore_mem>>)
      %dma_wait3A = arith.constant 0 : i32
      %dma_wait3A_307 = arith.constant 0 : i32
      %dma_wait3A_308 = tpu.memref_slice %arg10[%run_scoped3A_256, %dma_wait3A, %dma_wait3A_307] : memref<2x128x128xf32, #tpu.memory_space<vmem>> -> memref<1x128x128xf32, #tpu.memory_space<vmem>>
      %dma_wait3A_309 = tpu.memref_squeeze %dma_wait3A_308 : memref<1x128x128xf32, #tpu.memory_space<vmem>> -> memref<128x128xf32, #tpu.memory_space<vmem>>
      %dma_wait3A_310 = arith.constant 0 : i32
      %dma_wait3A_311 = tpu.memref_slice %arg9[%run_scoped3A_255, %dma_wait3A_310] : memref<5x128xi32, #tpu.memory_space<vmem>> -> memref<1x128xi32, #tpu.memory_space<vmem>>
      %dma_wait3A_312 = tpu.memref_squeeze %dma_wait3A_311 : memref<1x128xi32, #tpu.memory_space<vmem>> -> memref<128xi32, #tpu.memory_space<vmem>>
      %dma_wait3A_313 = arith.constant 0 : i32
      %dma_wait3A_314 = arith.constant 0 : i32
      %dma_wait3A_315 = tpu.memref_slice %arg11[%dma_wait3A_313, %dma_wait3A_314] : memref<10240x128xf32, #tpu.memory_space<vmem_shared>> -> memref<10240x128xf32, #tpu.memory_space<vmem_shared>>
      tpu.wait_indirect_dma semaphore(%run_scoped3A_296 : memref<!tpu.dma_semaphore, #tpu.memory_space<semaphore_mem>>) src(%dma_wait3A_315 : memref<10240x128xf32, #tpu.memory_space<vmem_shared>>) dst(%dma_wait3A_309 : memref<128x128xf32, #tpu.memory_space<vmem>>)
      tpu.yield
    }) : () -> ()
    %mul3A_257 = arith.constant 640 : i32
    %mul3A_258 = arith.muli %arg1, %mul3A_257 : i32
    %add3A_259 = arith.addi %mul3A_150, %mul3A_258 : i32
    %add3A_260 = arith.constant 0 : i32
    %add3A_261 = arith.addi %add3A_259, %add3A_260 : i32
    %run_scoped3A_262 = arith.constant 0 : i32
    "tpu.region"() ({
      %run_scoped3A_296 = tpu.sem_alloc : memref<!tpu.dma_semaphore, #tpu.memory_space<semaphore_mem>>
      %dma_start3A_297 = arith.constant 0 : i32
      %dma_start3A_298 = arith.constant 0 : i32
      %dma_start3A_299 = tpu.memref_slice %arg10[%run_scoped3A_262, %dma_start3A_297, %dma_start3A_298] : memref<2x128x128xf32, #tpu.memory_space<vmem>> -> memref<1x128x128xf32, #tpu.memory_space<vmem>>
      %dma_start3A_300 = tpu.memref_squeeze %dma_start3A_299 : memref<1x128x128xf32, #tpu.memory_space<vmem>> -> memref<128x128xf32, #tpu.memory_space<vmem>>
      %dma_start3A_301 = arith.constant 0 : i32
      %dma_start3A_302 = tpu.memref_slice %arg6[%add3A_261, %dma_start3A_301] : memref<40960x128xf32, #tpu.memory_space<hbm>> -> memref<128x128xf32, #tpu.memory_space<hbm>>
      %dma_start3A_303 = arith.constant 0 : i32
      %dma_start3A_304 = tpu.memref_slice %arg6[%add3A_261, %dma_start3A_303] : memref<40960x128xf32, #tpu.memory_space<hbm>> -> memref<128x128xf32, #tpu.memory_space<hbm>>
      %dma_start3A_305 = arith.constant 0 : i32
      %dma_start3A_306 = arith.constant 0 : i32
      %dma_start3A_307 = tpu.memref_slice %arg10[%run_scoped3A_262, %dma_start3A_305, %dma_start3A_306] : memref<2x128x128xf32, #tpu.memory_space<vmem>> -> memref<1x128x128xf32, #tpu.memory_space<vmem>>
      %dma_start3A_308 = tpu.memref_squeeze %dma_start3A_307 : memref<1x128x128xf32, #tpu.memory_space<vmem>> -> memref<128x128xf32, #tpu.memory_space<vmem>>
      tpu.enqueue_dma source(%dma_start3A_308 : memref<128x128xf32, #tpu.memory_space<vmem>>) target(%dma_start3A_304 : memref<128x128xf32, #tpu.memory_space<hbm>>) target_semaphore(%run_scoped3A_296 : memref<!tpu.dma_semaphore, #tpu.memory_space<semaphore_mem>>)
      %dma_wait3A = arith.constant 0 : i32
      %dma_wait3A_309 = arith.constant 0 : i32
      %dma_wait3A_310 = tpu.memref_slice %arg10[%run_scoped3A_262, %dma_wait3A, %dma_wait3A_309] : memref<2x128x128xf32, #tpu.memory_space<vmem>> -> memref<1x128x128xf32, #tpu.memory_space<vmem>>
      %dma_wait3A_311 = tpu.memref_squeeze %dma_wait3A_310 : memref<1x128x128xf32, #tpu.memory_space<vmem>> -> memref<128x128xf32, #tpu.memory_space<vmem>>
      %dma_wait3A_312 = arith.constant 0 : i32
      %dma_wait3A_313 = tpu.memref_slice %arg6[%add3A_261, %dma_wait3A_312] : memref<40960x128xf32, #tpu.memory_space<hbm>> -> memref<128x128xf32, #tpu.memory_space<hbm>>
      %dma_wait3A_314 = arith.constant 0 : i32
      %dma_wait3A_315 = tpu.memref_slice %arg6[%add3A_261, %dma_wait3A_314] : memref<40960x128xf32, #tpu.memory_space<hbm>> -> memref<128x128xf32, #tpu.memory_space<hbm>>
      %dma_wait3A_316 = arith.constant 0 : i32
      %dma_wait3A_317 = arith.constant 0 : i32
      %dma_wait3A_318 = tpu.memref_slice %arg10[%run_scoped3A_262, %dma_wait3A_316, %dma_wait3A_317] : memref<2x128x128xf32, #tpu.memory_space<vmem>> -> memref<1x128x128xf32, #tpu.memory_space<vmem>>
      %dma_wait3A_319 = tpu.memref_squeeze %dma_wait3A_318 : memref<1x128x128xf32, #tpu.memory_space<vmem>> -> memref<128x128xf32, #tpu.memory_space<vmem>>
      tpu.wait_dma2 semaphore(%run_scoped3A_296 : memref<!tpu.dma_semaphore, #tpu.memory_space<semaphore_mem>>) src(%dma_wait3A_319 : memref<128x128xf32, #tpu.memory_space<vmem>>) dst(%dma_wait3A_315 : memref<128x128xf32, #tpu.memory_space<hbm>>)
      tpu.yield
    }) : () -> ()
    %run_scoped3A_263 = arith.constant 1 : i32
    %run_scoped3A_264 = arith.constant 0 : i32
    "tpu.region"() ({
      %run_scoped3A_296 = tpu.sem_alloc : memref<!tpu.dma_semaphore, #tpu.memory_space<semaphore_mem>>
      %dma_start3A_297 = arith.constant 0 : i32
      %dma_start3A_298 = arith.constant 0 : i32
      %dma_start3A_299 = tpu.memref_slice %arg10[%run_scoped3A_264, %dma_start3A_297, %dma_start3A_298] : memref<2x128x128xf32, #tpu.memory_space<vmem>> -> memref<1x128x128xf32, #tpu.memory_space<vmem>>
      %dma_start3A_300 = tpu.memref_squeeze %dma_start3A_299 : memref<1x128x128xf32, #tpu.memory_space<vmem>> -> memref<128x128xf32, #tpu.memory_space<vmem>>
      %dma_start3A_301 = arith.constant 0 : i32
      %dma_start3A_302 = tpu.memref_slice %arg9[%run_scoped3A_263, %dma_start3A_301] : memref<5x128xi32, #tpu.memory_space<vmem>> -> memref<1x128xi32, #tpu.memory_space<vmem>>
      %dma_start3A_303 = tpu.memref_squeeze %dma_start3A_302 : memref<1x128xi32, #tpu.memory_space<vmem>> -> memref<128xi32, #tpu.memory_space<vmem>>
      %dma_start3A_304 = arith.constant 0 : i32
      %dma_start3A_305 = arith.constant 0 : i32
      %dma_start3A_306 = tpu.memref_slice %arg11[%dma_start3A_304, %dma_start3A_305] : memref<10240x128xf32, #tpu.memory_space<vmem_shared>> -> memref<10240x128xf32, #tpu.memory_space<vmem_shared>>
      tpu.enqueue_indirect_dma source(%dma_start3A_306 : memref<10240x128xf32, #tpu.memory_space<vmem_shared>>) target(%dma_start3A_300 : memref<128x128xf32, #tpu.memory_space<vmem>>) offsets(%dma_start3A_303 : memref<128xi32, #tpu.memory_space<vmem>>) semaphore(%run_scoped3A_296 : memref<!tpu.dma_semaphore, #tpu.memory_space<semaphore_mem>>)
      %dma_wait3A = arith.constant 0 : i32
      %dma_wait3A_307 = arith.constant 0 : i32
      %dma_wait3A_308 = tpu.memref_slice %arg10[%run_scoped3A_264, %dma_wait3A, %dma_wait3A_307] : memref<2x128x128xf32, #tpu.memory_space<vmem>> -> memref<1x128x128xf32, #tpu.memory_space<vmem>>
      %dma_wait3A_309 = tpu.memref_squeeze %dma_wait3A_308 : memref<1x128x128xf32, #tpu.memory_space<vmem>> -> memref<128x128xf32, #tpu.memory_space<vmem>>
      %dma_wait3A_310 = arith.constant 0 : i32
      %dma_wait3A_311 = tpu.memref_slice %arg9[%run_scoped3A_263, %dma_wait3A_310] : memref<5x128xi32, #tpu.memory_space<vmem>> -> memref<1x128xi32, #tpu.memory_space<vmem>>
      %dma_wait3A_312 = tpu.memref_squeeze %dma_wait3A_311 : memref<1x128xi32, #tpu.memory_space<vmem>> -> memref<128xi32, #tpu.memory_space<vmem>>
      %dma_wait3A_313 = arith.constant 0 : i32
      %dma_wait3A_314 = arith.constant 0 : i32
      %dma_wait3A_315 = tpu.memref_slice %arg11[%dma_wait3A_313, %dma_wait3A_314] : memref<10240x128xf32, #tpu.memory_space<vmem_shared>> -> memref<10240x128xf32, #tpu.memory_space<vmem_shared>>
      tpu.wait_indirect_dma semaphore(%run_scoped3A_296 : memref<!tpu.dma_semaphore, #tpu.memory_space<semaphore_mem>>) src(%dma_wait3A_315 : memref<10240x128xf32, #tpu.memory_space<vmem_shared>>) dst(%dma_wait3A_309 : memref<128x128xf32, #tpu.memory_space<vmem>>)
      tpu.yield
    }) : () -> ()
    %mul3A_265 = arith.constant 640 : i32
    %mul3A_266 = arith.muli %arg1, %mul3A_265 : i32
    %add3A_267 = arith.addi %mul3A_150, %mul3A_266 : i32
    %add3A_268 = arith.constant 128 : i32
    %add3A_269 = arith.addi %add3A_267, %add3A_268 : i32
    %run_scoped3A_270 = arith.constant 0 : i32
    "tpu.region"() ({
      %run_scoped3A_296 = tpu.sem_alloc : memref<!tpu.dma_semaphore, #tpu.memory_space<semaphore_mem>>
      %dma_start3A_297 = arith.constant 0 : i32
      %dma_start3A_298 = arith.constant 0 : i32
      %dma_start3A_299 = tpu.memref_slice %arg10[%run_scoped3A_270, %dma_start3A_297, %dma_start3A_298] : memref<2x128x128xf32, #tpu.memory_space<vmem>> -> memref<1x128x128xf32, #tpu.memory_space<vmem>>
      %dma_start3A_300 = tpu.memref_squeeze %dma_start3A_299 : memref<1x128x128xf32, #tpu.memory_space<vmem>> -> memref<128x128xf32, #tpu.memory_space<vmem>>
      %dma_start3A_301 = arith.constant 0 : i32
      %dma_start3A_302 = tpu.memref_slice %arg6[%add3A_269, %dma_start3A_301] : memref<40960x128xf32, #tpu.memory_space<hbm>> -> memref<128x128xf32, #tpu.memory_space<hbm>>
      %dma_start3A_303 = arith.constant 0 : i32
      %dma_start3A_304 = tpu.memref_slice %arg6[%add3A_269, %dma_start3A_303] : memref<40960x128xf32, #tpu.memory_space<hbm>> -> memref<128x128xf32, #tpu.memory_space<hbm>>
      %dma_start3A_305 = arith.constant 0 : i32
      %dma_start3A_306 = arith.constant 0 : i32
      %dma_start3A_307 = tpu.memref_slice %arg10[%run_scoped3A_270, %dma_start3A_305, %dma_start3A_306] : memref<2x128x128xf32, #tpu.memory_space<vmem>> -> memref<1x128x128xf32, #tpu.memory_space<vmem>>
      %dma_start3A_308 = tpu.memref_squeeze %dma_start3A_307 : memref<1x128x128xf32, #tpu.memory_space<vmem>> -> memref<128x128xf32, #tpu.memory_space<vmem>>
      tpu.enqueue_dma source(%dma_start3A_308 : memref<128x128xf32, #tpu.memory_space<vmem>>) target(%dma_start3A_304 : memref<128x128xf32, #tpu.memory_space<hbm>>) target_semaphore(%run_scoped3A_296 : memref<!tpu.dma_semaphore, #tpu.memory_space<semaphore_mem>>)
      %dma_wait3A = arith.constant 0 : i32
      %dma_wait3A_309 = arith.constant 0 : i32
      %dma_wait3A_310 = tpu.memref_slice %arg10[%run_scoped3A_270, %dma_wait3A, %dma_wait3A_309] : memref<2x128x128xf32, #tpu.memory_space<vmem>> -> memref<1x128x128xf32, #tpu.memory_space<vmem>>
      %dma_wait3A_311 = tpu.memref_squeeze %dma_wait3A_310 : memref<1x128x128xf32, #tpu.memory_space<vmem>> -> memref<128x128xf32, #tpu.memory_space<vmem>>
      %dma_wait3A_312 = arith.constant 0 : i32
      %dma_wait3A_313 = tpu.memref_slice %arg6[%add3A_269, %dma_wait3A_312] : memref<40960x128xf32, #tpu.memory_space<hbm>> -> memref<128x128xf32, #tpu.memory_space<hbm>>
      %dma_wait3A_314 = arith.constant 0 : i32
      %dma_wait3A_315 = tpu.memref_slice %arg6[%add3A_269, %dma_wait3A_314] : memref<40960x128xf32, #tpu.memory_space<hbm>> -> memref<128x128xf32, #tpu.memory_space<hbm>>
      %dma_wait3A_316 = arith.constant 0 : i32
      %dma_wait3A_317 = arith.constant 0 : i32
      %dma_wait3A_318 = tpu.memref_slice %arg10[%run_scoped3A_270, %dma_wait3A_316, %dma_wait3A_317] : memref<2x128x128xf32, #tpu.memory_space<vmem>> -> memref<1x128x128xf32, #tpu.memory_space<vmem>>
      %dma_wait3A_319 = tpu.memref_squeeze %dma_wait3A_318 : memref<1x128x128xf32, #tpu.memory_space<vmem>> -> memref<128x128xf32, #tpu.memory_space<vmem>>
      tpu.wait_dma2 semaphore(%run_scoped3A_296 : memref<!tpu.dma_semaphore, #tpu.memory_space<semaphore_mem>>) src(%dma_wait3A_319 : memref<128x128xf32, #tpu.memory_space<vmem>>) dst(%dma_wait3A_315 : memref<128x128xf32, #tpu.memory_space<hbm>>)
      tpu.yield
    }) : () -> ()
    %run_scoped3A_271 = arith.constant 2 : i32
    %run_scoped3A_272 = arith.constant 0 : i32
    "tpu.region"() ({
      %run_scoped3A_296 = tpu.sem_alloc : memref<!tpu.dma_semaphore, #tpu.memory_space<semaphore_mem>>
      %dma_start3A_297 = arith.constant 0 : i32
      %dma_start3A_298 = arith.constant 0 : i32
      %dma_start3A_299 = tpu.memref_slice %arg10[%run_scoped3A_272, %dma_start3A_297, %dma_start3A_298] : memref<2x128x128xf32, #tpu.memory_space<vmem>> -> memref<1x128x128xf32, #tpu.memory_space<vmem>>
      %dma_start3A_300 = tpu.memref_squeeze %dma_start3A_299 : memref<1x128x128xf32, #tpu.memory_space<vmem>> -> memref<128x128xf32, #tpu.memory_space<vmem>>
      %dma_start3A_301 = arith.constant 0 : i32
      %dma_start3A_302 = tpu.memref_slice %arg9[%run_scoped3A_271, %dma_start3A_301] : memref<5x128xi32, #tpu.memory_space<vmem>> -> memref<1x128xi32, #tpu.memory_space<vmem>>
      %dma_start3A_303 = tpu.memref_squeeze %dma_start3A_302 : memref<1x128xi32, #tpu.memory_space<vmem>> -> memref<128xi32, #tpu.memory_space<vmem>>
      %dma_start3A_304 = arith.constant 0 : i32
      %dma_start3A_305 = arith.constant 0 : i32
      %dma_start3A_306 = tpu.memref_slice %arg11[%dma_start3A_304, %dma_start3A_305] : memref<10240x128xf32, #tpu.memory_space<vmem_shared>> -> memref<10240x128xf32, #tpu.memory_space<vmem_shared>>
      tpu.enqueue_indirect_dma source(%dma_start3A_306 : memref<10240x128xf32, #tpu.memory_space<vmem_shared>>) target(%dma_start3A_300 : memref<128x128xf32, #tpu.memory_space<vmem>>) offsets(%dma_start3A_303 : memref<128xi32, #tpu.memory_space<vmem>>) semaphore(%run_scoped3A_296 : memref<!tpu.dma_semaphore, #tpu.memory_space<semaphore_mem>>)
      %dma_wait3A = arith.constant 0 : i32
      %dma_wait3A_307 = arith.constant 0 : i32
      %dma_wait3A_308 = tpu.memref_slice %arg10[%run_scoped3A_272, %dma_wait3A, %dma_wait3A_307] : memref<2x128x128xf32, #tpu.memory_space<vmem>> -> memref<1x128x128xf32, #tpu.memory_space<vmem>>
      %dma_wait3A_309 = tpu.memref_squeeze %dma_wait3A_308 : memref<1x128x128xf32, #tpu.memory_space<vmem>> -> memref<128x128xf32, #tpu.memory_space<vmem>>
      %dma_wait3A_310 = arith.constant 0 : i32
      %dma_wait3A_311 = tpu.memref_slice %arg9[%run_scoped3A_271, %dma_wait3A_310] : memref<5x128xi32, #tpu.memory_space<vmem>> -> memref<1x128xi32, #tpu.memory_space<vmem>>
      %dma_wait3A_312 = tpu.memref_squeeze %dma_wait3A_311 : memref<1x128xi32, #tpu.memory_space<vmem>> -> memref<128xi32, #tpu.memory_space<vmem>>
      %dma_wait3A_313 = arith.constant 0 : i32
      %dma_wait3A_314 = arith.constant 0 : i32
      %dma_wait3A_315 = tpu.memref_slice %arg11[%dma_wait3A_313, %dma_wait3A_314] : memref<10240x128xf32, #tpu.memory_space<vmem_shared>> -> memref<10240x128xf32, #tpu.memory_space<vmem_shared>>
      tpu.wait_indirect_dma semaphore(%run_scoped3A_296 : memref<!tpu.dma_semaphore, #tpu.memory_space<semaphore_mem>>) src(%dma_wait3A_315 : memref<10240x128xf32, #tpu.memory_space<vmem_shared>>) dst(%dma_wait3A_309 : memref<128x128xf32, #tpu.memory_space<vmem>>)
      tpu.yield
    }) : () -> ()
    %mul3A_273 = arith.constant 640 : i32
    %mul3A_274 = arith.muli %arg1, %mul3A_273 : i32
    %add3A_275 = arith.addi %mul3A_150, %mul3A_274 : i32
    %add3A_276 = arith.constant 256 : i32
    %add3A_277 = arith.addi %add3A_275, %add3A_276 : i32
    %run_scoped3A_278 = arith.constant 0 : i32
    "tpu.region"() ({
      %run_scoped3A_296 = tpu.sem_alloc : memref<!tpu.dma_semaphore, #tpu.memory_space<semaphore_mem>>
      %dma_start3A_297 = arith.constant 0 : i32
      %dma_start3A_298 = arith.constant 0 : i32
      %dma_start3A_299 = tpu.memref_slice %arg10[%run_scoped3A_278, %dma_start3A_297, %dma_start3A_298] : memref<2x128x128xf32, #tpu.memory_space<vmem>> -> memref<1x128x128xf32, #tpu.memory_space<vmem>>
      %dma_start3A_300 = tpu.memref_squeeze %dma_start3A_299 : memref<1x128x128xf32, #tpu.memory_space<vmem>> -> memref<128x128xf32, #tpu.memory_space<vmem>>
      %dma_start3A_301 = arith.constant 0 : i32
      %dma_start3A_302 = tpu.memref_slice %arg6[%add3A_277, %dma_start3A_301] : memref<40960x128xf32, #tpu.memory_space<hbm>> -> memref<128x128xf32, #tpu.memory_space<hbm>>
      %dma_start3A_303 = arith.constant 0 : i32
      %dma_start3A_304 = tpu.memref_slice %arg6[%add3A_277, %dma_start3A_303] : memref<40960x128xf32, #tpu.memory_space<hbm>> -> memref<128x128xf32, #tpu.memory_space<hbm>>
      %dma_start3A_305 = arith.constant 0 : i32
      %dma_start3A_306 = arith.constant 0 : i32
      %dma_start3A_307 = tpu.memref_slice %arg10[%run_scoped3A_278, %dma_start3A_305, %dma_start3A_306] : memref<2x128x128xf32, #tpu.memory_space<vmem>> -> memref<1x128x128xf32, #tpu.memory_space<vmem>>
      %dma_start3A_308 = tpu.memref_squeeze %dma_start3A_307 : memref<1x128x128xf32, #tpu.memory_space<vmem>> -> memref<128x128xf32, #tpu.memory_space<vmem>>
      tpu.enqueue_dma source(%dma_start3A_308 : memref<128x128xf32, #tpu.memory_space<vmem>>) target(%dma_start3A_304 : memref<128x128xf32, #tpu.memory_space<hbm>>) target_semaphore(%run_scoped3A_296 : memref<!tpu.dma_semaphore, #tpu.memory_space<semaphore_mem>>)
      %dma_wait3A = arith.constant 0 : i32
      %dma_wait3A_309 = arith.constant 0 : i32
      %dma_wait3A_310 = tpu.memref_slice %arg10[%run_scoped3A_278, %dma_wait3A, %dma_wait3A_309] : memref<2x128x128xf32, #tpu.memory_space<vmem>> -> memref<1x128x128xf32, #tpu.memory_space<vmem>>
      %dma_wait3A_311 = tpu.memref_squeeze %dma_wait3A_310 : memref<1x128x128xf32, #tpu.memory_space<vmem>> -> memref<128x128xf32, #tpu.memory_space<vmem>>
      %dma_wait3A_312 = arith.constant 0 : i32
      %dma_wait3A_313 = tpu.memref_slice %arg6[%add3A_277, %dma_wait3A_312] : memref<40960x128xf32, #tpu.memory_space<hbm>> -> memref<128x128xf32, #tpu.memory_space<hbm>>
      %dma_wait3A_314 = arith.constant 0 : i32
      %dma_wait3A_315 = tpu.memref_slice %arg6[%add3A_277, %dma_wait3A_314] : memref<40960x128xf32, #tpu.memory_space<hbm>> -> memref<128x128xf32, #tpu.memory_space<hbm>>
      %dma_wait3A_316 = arith.constant 0 : i32
      %dma_wait3A_317 = arith.constant 0 : i32
      %dma_wait3A_318 = tpu.memref_slice %arg10[%run_scoped3A_278, %dma_wait3A_316, %dma_wait3A_317] : memref<2x128x128xf32, #tpu.memory_space<vmem>> -> memref<1x128x128xf32, #tpu.memory_space<vmem>>
      %dma_wait3A_319 = tpu.memref_squeeze %dma_wait3A_318 : memref<1x128x128xf32, #tpu.memory_space<vmem>> -> memref<128x128xf32, #tpu.memory_space<vmem>>
      tpu.wait_dma2 semaphore(%run_scoped3A_296 : memref<!tpu.dma_semaphore, #tpu.memory_space<semaphore_mem>>) src(%dma_wait3A_319 : memref<128x128xf32, #tpu.memory_space<vmem>>) dst(%dma_wait3A_315 : memref<128x128xf32, #tpu.memory_space<hbm>>)
      tpu.yield
    }) : () -> ()
    %run_scoped3A_279 = arith.constant 3 : i32
    %run_scoped3A_280 = arith.constant 0 : i32
    "tpu.region"() ({
      %run_scoped3A_296 = tpu.sem_alloc : memref<!tpu.dma_semaphore, #tpu.memory_space<semaphore_mem>>
      %dma_start3A_297 = arith.constant 0 : i32
      %dma_start3A_298 = arith.constant 0 : i32
      %dma_start3A_299 = tpu.memref_slice %arg10[%run_scoped3A_280, %dma_start3A_297, %dma_start3A_298] : memref<2x128x128xf32, #tpu.memory_space<vmem>> -> memref<1x128x128xf32, #tpu.memory_space<vmem>>
      %dma_start3A_300 = tpu.memref_squeeze %dma_start3A_299 : memref<1x128x128xf32, #tpu.memory_space<vmem>> -> memref<128x128xf32, #tpu.memory_space<vmem>>
      %dma_start3A_301 = arith.constant 0 : i32
      %dma_start3A_302 = tpu.memref_slice %arg9[%run_scoped3A_279, %dma_start3A_301] : memref<5x128xi32, #tpu.memory_space<vmem>> -> memref<1x128xi32, #tpu.memory_space<vmem>>
      %dma_start3A_303 = tpu.memref_squeeze %dma_start3A_302 : memref<1x128xi32, #tpu.memory_space<vmem>> -> memref<128xi32, #tpu.memory_space<vmem>>
      %dma_start3A_304 = arith.constant 0 : i32
      %dma_start3A_305 = arith.constant 0 : i32
      %dma_start3A_306 = tpu.memref_slice %arg11[%dma_start3A_304, %dma_start3A_305] : memref<10240x128xf32, #tpu.memory_space<vmem_shared>> -> memref<10240x128xf32, #tpu.memory_space<vmem_shared>>
      tpu.enqueue_indirect_dma source(%dma_start3A_306 : memref<10240x128xf32, #tpu.memory_space<vmem_shared>>) target(%dma_start3A_300 : memref<128x128xf32, #tpu.memory_space<vmem>>) offsets(%dma_start3A_303 : memref<128xi32, #tpu.memory_space<vmem>>) semaphore(%run_scoped3A_296 : memref<!tpu.dma_semaphore, #tpu.memory_space<semaphore_mem>>)
      %dma_wait3A = arith.constant 0 : i32
      %dma_wait3A_307 = arith.constant 0 : i32
      %dma_wait3A_308 = tpu.memref_slice %arg10[%run_scoped3A_280, %dma_wait3A, %dma_wait3A_307] : memref<2x128x128xf32, #tpu.memory_space<vmem>> -> memref<1x128x128xf32, #tpu.memory_space<vmem>>
      %dma_wait3A_309 = tpu.memref_squeeze %dma_wait3A_308 : memref<1x128x128xf32, #tpu.memory_space<vmem>> -> memref<128x128xf32, #tpu.memory_space<vmem>>
      %dma_wait3A_310 = arith.constant 0 : i32
      %dma_wait3A_311 = tpu.memref_slice %arg9[%run_scoped3A_279, %dma_wait3A_310] : memref<5x128xi32, #tpu.memory_space<vmem>> -> memref<1x128xi32, #tpu.memory_space<vmem>>
      %dma_wait3A_312 = tpu.memref_squeeze %dma_wait3A_311 : memref<1x128xi32, #tpu.memory_space<vmem>> -> memref<128xi32, #tpu.memory_space<vmem>>
      %dma_wait3A_313 = arith.constant 0 : i32
      %dma_wait3A_314 = arith.constant 0 : i32
      %dma_wait3A_315 = tpu.memref_slice %arg11[%dma_wait3A_313, %dma_wait3A_314] : memref<10240x128xf32, #tpu.memory_space<vmem_shared>> -> memref<10240x128xf32, #tpu.memory_space<vmem_shared>>
      tpu.wait_indirect_dma semaphore(%run_scoped3A_296 : memref<!tpu.dma_semaphore, #tpu.memory_space<semaphore_mem>>) src(%dma_wait3A_315 : memref<10240x128xf32, #tpu.memory_space<vmem_shared>>) dst(%dma_wait3A_309 : memref<128x128xf32, #tpu.memory_space<vmem>>)
      tpu.yield
    }) : () -> ()
    %mul3A_281 = arith.constant 640 : i32
    %mul3A_282 = arith.muli %arg1, %mul3A_281 : i32
    %add3A_283 = arith.addi %mul3A_150, %mul3A_282 : i32
    %add3A_284 = arith.constant 384 : i32
    %add3A_285 = arith.addi %add3A_283, %add3A_284 : i32
    %run_scoped3A_286 = arith.constant 0 : i32
    "tpu.region"() ({
      %run_scoped3A_296 = tpu.sem_alloc : memref<!tpu.dma_semaphore, #tpu.memory_space<semaphore_mem>>
      %dma_start3A_297 = arith.constant 0 : i32
      %dma_start3A_298 = arith.constant 0 : i32
      %dma_start3A_299 = tpu.memref_slice %arg10[%run_scoped3A_286, %dma_start3A_297, %dma_start3A_298] : memref<2x128x128xf32, #tpu.memory_space<vmem>> -> memref<1x128x128xf32, #tpu.memory_space<vmem>>
      %dma_start3A_300 = tpu.memref_squeeze %dma_start3A_299 : memref<1x128x128xf32, #tpu.memory_space<vmem>> -> memref<128x128xf32, #tpu.memory_space<vmem>>
      %dma_start3A_301 = arith.constant 0 : i32
      %dma_start3A_302 = tpu.memref_slice %arg6[%add3A_285, %dma_start3A_301] : memref<40960x128xf32, #tpu.memory_space<hbm>> -> memref<128x128xf32, #tpu.memory_space<hbm>>
      %dma_start3A_303 = arith.constant 0 : i32
      %dma_start3A_304 = tpu.memref_slice %arg6[%add3A_285, %dma_start3A_303] : memref<40960x128xf32, #tpu.memory_space<hbm>> -> memref<128x128xf32, #tpu.memory_space<hbm>>
      %dma_start3A_305 = arith.constant 0 : i32
      %dma_start3A_306 = arith.constant 0 : i32
      %dma_start3A_307 = tpu.memref_slice %arg10[%run_scoped3A_286, %dma_start3A_305, %dma_start3A_306] : memref<2x128x128xf32, #tpu.memory_space<vmem>> -> memref<1x128x128xf32, #tpu.memory_space<vmem>>
      %dma_start3A_308 = tpu.memref_squeeze %dma_start3A_307 : memref<1x128x128xf32, #tpu.memory_space<vmem>> -> memref<128x128xf32, #tpu.memory_space<vmem>>
      tpu.enqueue_dma source(%dma_start3A_308 : memref<128x128xf32, #tpu.memory_space<vmem>>) target(%dma_start3A_304 : memref<128x128xf32, #tpu.memory_space<hbm>>) target_semaphore(%run_scoped3A_296 : memref<!tpu.dma_semaphore, #tpu.memory_space<semaphore_mem>>)
      %dma_wait3A = arith.constant 0 : i32
      %dma_wait3A_309 = arith.constant 0 : i32
      %dma_wait3A_310 = tpu.memref_slice %arg10[%run_scoped3A_286, %dma_wait3A, %dma_wait3A_309] : memref<2x128x128xf32, #tpu.memory_space<vmem>> -> memref<1x128x128xf32, #tpu.memory_space<vmem>>
      %dma_wait3A_311 = tpu.memref_squeeze %dma_wait3A_310 : memref<1x128x128xf32, #tpu.memory_space<vmem>> -> memref<128x128xf32, #tpu.memory_space<vmem>>
      %dma_wait3A_312 = arith.constant 0 : i32
      %dma_wait3A_313 = tpu.memref_slice %arg6[%add3A_285, %dma_wait3A_312] : memref<40960x128xf32, #tpu.memory_space<hbm>> -> memref<128x128xf32, #tpu.memory_space<hbm>>
      %dma_wait3A_314 = arith.constant 0 : i32
      %dma_wait3A_315 = tpu.memref_slice %arg6[%add3A_285, %dma_wait3A_314] : memref<40960x128xf32, #tpu.memory_space<hbm>> -> memref<128x128xf32, #tpu.memory_space<hbm>>
      %dma_wait3A_316 = arith.constant 0 : i32
      %dma_wait3A_317 = arith.constant 0 : i32
      %dma_wait3A_318 = tpu.memref_slice %arg10[%run_scoped3A_286, %dma_wait3A_316, %dma_wait3A_317] : memref<2x128x128xf32, #tpu.memory_space<vmem>> -> memref<1x128x128xf32, #tpu.memory_space<vmem>>
      %dma_wait3A_319 = tpu.memref_squeeze %dma_wait3A_318 : memref<1x128x128xf32, #tpu.memory_space<vmem>> -> memref<128x128xf32, #tpu.memory_space<vmem>>
      tpu.wait_dma2 semaphore(%run_scoped3A_296 : memref<!tpu.dma_semaphore, #tpu.memory_space<semaphore_mem>>) src(%dma_wait3A_319 : memref<128x128xf32, #tpu.memory_space<vmem>>) dst(%dma_wait3A_315 : memref<128x128xf32, #tpu.memory_space<hbm>>)
      tpu.yield
    }) : () -> ()
    %run_scoped3A_287 = arith.constant 4 : i32
    %run_scoped3A_288 = arith.constant 0 : i32
    "tpu.region"() ({
      %run_scoped3A_296 = tpu.sem_alloc : memref<!tpu.dma_semaphore, #tpu.memory_space<semaphore_mem>>
      %dma_start3A_297 = arith.constant 0 : i32
      %dma_start3A_298 = arith.constant 0 : i32
      %dma_start3A_299 = tpu.memref_slice %arg10[%run_scoped3A_288, %dma_start3A_297, %dma_start3A_298] : memref<2x128x128xf32, #tpu.memory_space<vmem>> -> memref<1x128x128xf32, #tpu.memory_space<vmem>>
      %dma_start3A_300 = tpu.memref_squeeze %dma_start3A_299 : memref<1x128x128xf32, #tpu.memory_space<vmem>> -> memref<128x128xf32, #tpu.memory_space<vmem>>
      %dma_start3A_301 = arith.constant 0 : i32
      %dma_start3A_302 = tpu.memref_slice %arg9[%run_scoped3A_287, %dma_start3A_301] : memref<5x128xi32, #tpu.memory_space<vmem>> -> memref<1x128xi32, #tpu.memory_space<vmem>>
      %dma_start3A_303 = tpu.memref_squeeze %dma_start3A_302 : memref<1x128xi32, #tpu.memory_space<vmem>> -> memref<128xi32, #tpu.memory_space<vmem>>
      %dma_start3A_304 = arith.constant 0 : i32
      %dma_start3A_305 = arith.constant 0 : i32
      %dma_start3A_306 = tpu.memref_slice %arg11[%dma_start3A_304, %dma_start3A_305] : memref<10240x128xf32, #tpu.memory_space<vmem_shared>> -> memref<10240x128xf32, #tpu.memory_space<vmem_shared>>
      tpu.enqueue_indirect_dma source(%dma_start3A_306 : memref<10240x128xf32, #tpu.memory_space<vmem_shared>>) target(%dma_start3A_300 : memref<128x128xf32, #tpu.memory_space<vmem>>) offsets(%dma_start3A_303 : memref<128xi32, #tpu.memory_space<vmem>>) semaphore(%run_scoped3A_296 : memref<!tpu.dma_semaphore, #tpu.memory_space<semaphore_mem>>)
      %dma_wait3A = arith.constant 0 : i32
      %dma_wait3A_307 = arith.constant 0 : i32
      %dma_wait3A_308 = tpu.memref_slice %arg10[%run_scoped3A_288, %dma_wait3A, %dma_wait3A_307] : memref<2x128x128xf32, #tpu.memory_space<vmem>> -> memref<1x128x128xf32, #tpu.memory_space<vmem>>
      %dma_wait3A_309 = tpu.memref_squeeze %dma_wait3A_308 : memref<1x128x128xf32, #tpu.memory_space<vmem>> -> memref<128x128xf32, #tpu.memory_space<vmem>>
      %dma_wait3A_310 = arith.constant 0 : i32
      %dma_wait3A_311 = tpu.memref_slice %arg9[%run_scoped3A_287, %dma_wait3A_310] : memref<5x128xi32, #tpu.memory_space<vmem>> -> memref<1x128xi32, #tpu.memory_space<vmem>>
      %dma_wait3A_312 = tpu.memref_squeeze %dma_wait3A_311 : memref<1x128xi32, #tpu.memory_space<vmem>> -> memref<128xi32, #tpu.memory_space<vmem>>
      %dma_wait3A_313 = arith.constant 0 : i32
      %dma_wait3A_314 = arith.constant 0 : i32
      %dma_wait3A_315 = tpu.memref_slice %arg11[%dma_wait3A_313, %dma_wait3A_314] : memref<10240x128xf32, #tpu.memory_space<vmem_shared>> -> memref<10240x128xf32, #tpu.memory_space<vmem_shared>>
      tpu.wait_indirect_dma semaphore(%run_scoped3A_296 : memref<!tpu.dma_semaphore, #tpu.memory_space<semaphore_mem>>) src(%dma_wait3A_315 : memref<10240x128xf32, #tpu.memory_space<vmem_shared>>) dst(%dma_wait3A_309 : memref<128x128xf32, #tpu.memory_space<vmem>>)
      tpu.yield
    }) : () -> ()
    %mul3A_289 = arith.constant 640 : i32
    %mul3A_290 = arith.muli %arg1, %mul3A_289 : i32
    %add3A_291 = arith.addi %mul3A_150, %mul3A_290 : i32
    %add3A_292 = arith.constant 512 : i32
    %add3A_293 = arith.addi %add3A_291, %add3A_292 : i32
    %run_scoped3A_294 = arith.constant 0 : i32
    "tpu.region"() ({
      %run_scoped3A_296 = tpu.sem_alloc : memref<!tpu.dma_semaphore, #tpu.memory_space<semaphore_mem>>
      %dma_start3A_297 = arith.constant 0 : i32
      %dma_start3A_298 = arith.constant 0 : i32
      %dma_start3A_299 = tpu.memref_slice %arg10[%run_scoped3A_294, %dma_start3A_297, %dma_start3A_298] : memref<2x128x128xf32, #tpu.memory_space<vmem>> -> memref<1x128x128xf32, #tpu.memory_space<vmem>>
      %dma_start3A_300 = tpu.memref_squeeze %dma_start3A_299 : memref<1x128x128xf32, #tpu.memory_space<vmem>> -> memref<128x128xf32, #tpu.memory_space<vmem>>
      %dma_start3A_301 = arith.constant 0 : i32
      %dma_start3A_302 = tpu.memref_slice %arg6[%add3A_293, %dma_start3A_301] : memref<40960x128xf32, #tpu.memory_space<hbm>> -> memref<128x128xf32, #tpu.memory_space<hbm>>
      %dma_start3A_303 = arith.constant 0 : i32
      %dma_start3A_304 = tpu.memref_slice %arg6[%add3A_293, %dma_start3A_303] : memref<40960x128xf32, #tpu.memory_space<hbm>> -> memref<128x128xf32, #tpu.memory_space<hbm>>
      %dma_start3A_305 = arith.constant 0 : i32
      %dma_start3A_306 = arith.constant 0 : i32
      %dma_start3A_307 = tpu.memref_slice %arg10[%run_scoped3A_294, %dma_start3A_305, %dma_start3A_306] : memref<2x128x128xf32, #tpu.memory_space<vmem>> -> memref<1x128x128xf32, #tpu.memory_space<vmem>>
      %dma_start3A_308 = tpu.memref_squeeze %dma_start3A_307 : memref<1x128x128xf32, #tpu.memory_space<vmem>> -> memref<128x128xf32, #tpu.memory_space<vmem>>
      tpu.enqueue_dma source(%dma_start3A_308 : memref<128x128xf32, #tpu.memory_space<vmem>>) target(%dma_start3A_304 : memref<128x128xf32, #tpu.memory_space<hbm>>) target_semaphore(%run_scoped3A_296 : memref<!tpu.dma_semaphore, #tpu.memory_space<semaphore_mem>>)
      %dma_wait3A = arith.constant 0 : i32
      %dma_wait3A_309 = arith.constant 0 : i32
      %dma_wait3A_310 = tpu.memref_slice %arg10[%run_scoped3A_294, %dma_wait3A, %dma_wait3A_309] : memref<2x128x128xf32, #tpu.memory_space<vmem>> -> memref<1x128x128xf32, #tpu.memory_space<vmem>>
      %dma_wait3A_311 = tpu.memref_squeeze %dma_wait3A_310 : memref<1x128x128xf32, #tpu.memory_space<vmem>> -> memref<128x128xf32, #tpu.memory_space<vmem>>
      %dma_wait3A_312 = arith.constant 0 : i32
      %dma_wait3A_313 = tpu.memref_slice %arg6[%add3A_293, %dma_wait3A_312] : memref<40960x128xf32, #tpu.memory_space<hbm>> -> memref<128x128xf32, #tpu.memory_space<hbm>>
      %dma_wait3A_314 = arith.constant 0 : i32
      %dma_wait3A_315 = tpu.memref_slice %arg6[%add3A_293, %dma_wait3A_314] : memref<40960x128xf32, #tpu.memory_space<hbm>> -> memref<128x128xf32, #tpu.memory_space<hbm>>
      %dma_wait3A_316 = arith.constant 0 : i32
      %dma_wait3A_317 = arith.constant 0 : i32
      %dma_wait3A_318 = tpu.memref_slice %arg10[%run_scoped3A_294, %dma_wait3A_316, %dma_wait3A_317] : memref<2x128x128xf32, #tpu.memory_space<vmem>> -> memref<1x128x128xf32, #tpu.memory_space<vmem>>
      %dma_wait3A_319 = tpu.memref_squeeze %dma_wait3A_318 : memref<1x128x128xf32, #tpu.memory_space<vmem>> -> memref<128x128xf32, #tpu.memory_space<vmem>>
      tpu.wait_dma2 semaphore(%run_scoped3A_296 : memref<!tpu.dma_semaphore, #tpu.memory_space<semaphore_mem>>) src(%dma_wait3A_319 : memref<128x128xf32, #tpu.memory_space<vmem>>) dst(%dma_wait3A_315 : memref<128x128xf32, #tpu.memory_space<hbm>>)
      tpu.yield
    }) : () -> ()
    %barrier3A_295 = arith.constant 0 : index
    tpu.barrier barrier_id(%barrier3A_295)
    return
  }
}

#map = affine_map<(d0, d1) -> (0, 0)>
#map1 = affine_map<(d0, d1) -> (0, 0, 0, 0)>
#map2 = affine_map<(d0, d1) -> (0, 0, 0)>
module attributes {stable_mosaic.version = 14 : i64} {
  func.func @agg(%arg0: i32, %arg1: i32, %arg2: memref<20480x128xf32, #tpu.memory_space<hbm>>, %arg3: memref<2x16x80x128xi32, #tpu.memory_space<hbm>>, %arg4: memref<16x80x128xi32, #tpu.memory_space<hbm>>, %arg5: memref<16x5x128xi32, #tpu.memory_space<hbm>>, %arg6: memref<20480x128xf32, #tpu.memory_space<hbm>>, %arg7: memref<40x128xi32, #tpu.memory_space<vmem>>, %arg8: memref<40x128xi32, #tpu.memory_space<vmem>>, %arg9: memref<5x128xi32, #tpu.memory_space<vmem>>, %arg10: memref<2x128x128xf32, #tpu.memory_space<vmem>>, %arg11: memref<10240x128xf32, #tpu.memory_space<vmem_shared>>, %arg12: memref<!tpu.dma_semaphore, #tpu.memory_space<semaphore_mem>>, %arg13: memref<!tpu.dma_semaphore, #tpu.memory_space<semaphore_mem>>, %arg14: memref<!tpu.dma_semaphore, #tpu.memory_space<semaphore_mem>>, %arg15: memref<!tpu.dma_semaphore, #tpu.memory_space<semaphore_mem>>) attributes {dimension_semantics = [#tpu.dimension_semantics<core_parallel>, #tpu.dimension_semantics<subcore_parallel>], iteration_bounds = array<i64: 2, 16>, scalar_prefetch = 0 : i64, scratch_operands = 9 : i64, tpu.core_type = #tpu.core_type<sc_vector_subcore>, window_params = [{transform_indices = #map}, {transform_indices = #map1}, {transform_indices = #map2}, {transform_indices = #map2}, {transform_indices = #map}]} {
    "tpu.region"() ({
      %run_scoped3A_145 = tpu.sem_alloc : memref<!tpu.dma_semaphore, #tpu.memory_space<semaphore_mem>>
      %dma_start3A_146 = arith.constant 0 : i32
      %dma_start3A_147 = arith.constant 0 : i32
      %dma_start3A_148 = tpu.memref_slice %arg5[%arg1, %dma_start3A_146, %dma_start3A_147] : memref<16x5x128xi32, #tpu.memory_space<hbm>> -> memref<1x5x128xi32, #tpu.memory_space<hbm>>
      %dma_start3A_149 = tpu.memref_squeeze %dma_start3A_148 : memref<1x5x128xi32, #tpu.memory_space<hbm>> -> memref<5x128xi32, #tpu.memory_space<hbm>>
      %dma_start3A_150 = arith.constant 0 : i32
      %dma_start3A_151 = arith.constant 0 : i32
      %dma_start3A_152 = tpu.memref_slice %arg5[%arg1, %dma_start3A_150, %dma_start3A_151] : memref<16x5x128xi32, #tpu.memory_space<hbm>> -> memref<1x5x128xi32, #tpu.memory_space<hbm>>
      %dma_start3A_153 = tpu.memref_squeeze %dma_start3A_152 : memref<1x5x128xi32, #tpu.memory_space<hbm>> -> memref<5x128xi32, #tpu.memory_space<hbm>>
      tpu.enqueue_dma source(%dma_start3A_153 : memref<5x128xi32, #tpu.memory_space<hbm>>) target(%arg9 : memref<5x128xi32, #tpu.memory_space<vmem>>) target_semaphore(%run_scoped3A_145 : memref<!tpu.dma_semaphore, #tpu.memory_space<semaphore_mem>>)
      %dma_wait3A = arith.constant 0 : i32
      %dma_wait3A_154 = arith.constant 0 : i32
      %dma_wait3A_155 = tpu.memref_slice %arg5[%arg1, %dma_wait3A, %dma_wait3A_154] : memref<16x5x128xi32, #tpu.memory_space<hbm>> -> memref<1x5x128xi32, #tpu.memory_space<hbm>>
      %dma_wait3A_156 = tpu.memref_squeeze %dma_wait3A_155 : memref<1x5x128xi32, #tpu.memory_space<hbm>> -> memref<5x128xi32, #tpu.memory_space<hbm>>
      %dma_wait3A_157 = arith.constant 0 : i32
      %dma_wait3A_158 = arith.constant 0 : i32
      %dma_wait3A_159 = tpu.memref_slice %arg5[%arg1, %dma_wait3A_157, %dma_wait3A_158] : memref<16x5x128xi32, #tpu.memory_space<hbm>> -> memref<1x5x128xi32, #tpu.memory_space<hbm>>
      %dma_wait3A_160 = tpu.memref_squeeze %dma_wait3A_159 : memref<1x5x128xi32, #tpu.memory_space<hbm>> -> memref<5x128xi32, #tpu.memory_space<hbm>>
      tpu.wait_dma2 semaphore(%run_scoped3A_145 : memref<!tpu.dma_semaphore, #tpu.memory_space<semaphore_mem>>) src(%dma_wait3A_160 : memref<5x128xi32, #tpu.memory_space<hbm>>) dst(%arg9 : memref<5x128xi32, #tpu.memory_space<vmem>>)
      tpu.yield
    }) : () -> ()
    %mul3A = arith.constant 1 : i32
    %mul3A_0 = arith.muli %arg0, %mul3A : i32
    %add3A = arith.constant 0 : i32
    %add3A_1 = arith.addi %mul3A_0, %add3A : i32
    %mul3A_2 = arith.constant 10240 : i32
    %mul3A_3 = arith.muli %add3A_1, %mul3A_2 : i32
    %mul3A_4 = arith.constant 640 : i32
    %mul3A_5 = arith.muli %arg1, %mul3A_4 : i32
    %add3A_6 = arith.addi %mul3A_3, %mul3A_5 : i32
    %add3A_7 = arith.constant 0 : i32
    %add3A_8 = arith.addi %add3A_6, %add3A_7 : i32
    %run_scoped3A = arith.constant 0 : i32
    "tpu.region"() ({
      %run_scoped3A_145 = tpu.sem_alloc : memref<!tpu.dma_semaphore, #tpu.memory_space<semaphore_mem>>
      %dma_start3A_146 = arith.constant 0 : i32
      %dma_start3A_147 = arith.constant 0 : i32
      %dma_start3A_148 = tpu.memref_slice %arg10[%run_scoped3A, %dma_start3A_146, %dma_start3A_147] : memref<2x128x128xf32, #tpu.memory_space<vmem>> -> memref<1x128x128xf32, #tpu.memory_space<vmem>>
      %dma_start3A_149 = tpu.memref_squeeze %dma_start3A_148 : memref<1x128x128xf32, #tpu.memory_space<vmem>> -> memref<128x128xf32, #tpu.memory_space<vmem>>
      %dma_start3A_150 = arith.constant 0 : i32
      %dma_start3A_151 = tpu.memref_slice %arg2[%add3A_8, %dma_start3A_150] : memref<20480x128xf32, #tpu.memory_space<hbm>> -> memref<128x128xf32, #tpu.memory_space<hbm>>
      %dma_start3A_152 = arith.constant 0 : i32
      %dma_start3A_153 = arith.constant 0 : i32
      %dma_start3A_154 = tpu.memref_slice %arg10[%run_scoped3A, %dma_start3A_152, %dma_start3A_153] : memref<2x128x128xf32, #tpu.memory_space<vmem>> -> memref<1x128x128xf32, #tpu.memory_space<vmem>>
      %dma_start3A_155 = tpu.memref_squeeze %dma_start3A_154 : memref<1x128x128xf32, #tpu.memory_space<vmem>> -> memref<128x128xf32, #tpu.memory_space<vmem>>
      %dma_start3A_156 = arith.constant 0 : i32
      %dma_start3A_157 = tpu.memref_slice %arg2[%add3A_8, %dma_start3A_156] : memref<20480x128xf32, #tpu.memory_space<hbm>> -> memref<128x128xf32, #tpu.memory_space<hbm>>
      tpu.enqueue_dma source(%dma_start3A_157 : memref<128x128xf32, #tpu.memory_space<hbm>>) target(%dma_start3A_155 : memref<128x128xf32, #tpu.memory_space<vmem>>) target_semaphore(%run_scoped3A_145 : memref<!tpu.dma_semaphore, #tpu.memory_space<semaphore_mem>>)
      %dma_wait3A = arith.constant 0 : i32
      %dma_wait3A_158 = arith.constant 0 : i32
      %dma_wait3A_159 = tpu.memref_slice %arg10[%run_scoped3A, %dma_wait3A, %dma_wait3A_158] : memref<2x128x128xf32, #tpu.memory_space<vmem>> -> memref<1x128x128xf32, #tpu.memory_space<vmem>>
      %dma_wait3A_160 = tpu.memref_squeeze %dma_wait3A_159 : memref<1x128x128xf32, #tpu.memory_space<vmem>> -> memref<128x128xf32, #tpu.memory_space<vmem>>
      %dma_wait3A_161 = arith.constant 0 : i32
      %dma_wait3A_162 = tpu.memref_slice %arg2[%add3A_8, %dma_wait3A_161] : memref<20480x128xf32, #tpu.memory_space<hbm>> -> memref<128x128xf32, #tpu.memory_space<hbm>>
      %dma_wait3A_163 = arith.constant 0 : i32
      %dma_wait3A_164 = arith.constant 0 : i32
      %dma_wait3A_165 = tpu.memref_slice %arg10[%run_scoped3A, %dma_wait3A_163, %dma_wait3A_164] : memref<2x128x128xf32, #tpu.memory_space<vmem>> -> memref<1x128x128xf32, #tpu.memory_space<vmem>>
      %dma_wait3A_166 = tpu.memref_squeeze %dma_wait3A_165 : memref<1x128x128xf32, #tpu.memory_space<vmem>> -> memref<128x128xf32, #tpu.memory_space<vmem>>
      %dma_wait3A_167 = arith.constant 0 : i32
      %dma_wait3A_168 = tpu.memref_slice %arg2[%add3A_8, %dma_wait3A_167] : memref<20480x128xf32, #tpu.memory_space<hbm>> -> memref<128x128xf32, #tpu.memory_space<hbm>>
      tpu.wait_dma2 semaphore(%run_scoped3A_145 : memref<!tpu.dma_semaphore, #tpu.memory_space<semaphore_mem>>) src(%dma_wait3A_168 : memref<128x128xf32, #tpu.memory_space<hbm>>) dst(%dma_wait3A_166 : memref<128x128xf32, #tpu.memory_space<vmem>>)
      tpu.yield
    }) : () -> ()
    %run_scoped3A_9 = arith.constant 0 : i32
    %run_scoped3A_10 = arith.constant 0 : i32
    "tpu.region"() ({
      %run_scoped3A_145 = tpu.sem_alloc : memref<!tpu.dma_semaphore, #tpu.memory_space<semaphore_mem>>
      %dma_start3A_146 = arith.constant 0 : i32
      %dma_start3A_147 = arith.constant 0 : i32
      %dma_start3A_148 = tpu.memref_slice %arg10[%run_scoped3A_9, %dma_start3A_146, %dma_start3A_147] : memref<2x128x128xf32, #tpu.memory_space<vmem>> -> memref<1x128x128xf32, #tpu.memory_space<vmem>>
      %dma_start3A_149 = tpu.memref_squeeze %dma_start3A_148 : memref<1x128x128xf32, #tpu.memory_space<vmem>> -> memref<128x128xf32, #tpu.memory_space<vmem>>
      %dma_start3A_150 = arith.constant 0 : i32
      %dma_start3A_151 = tpu.memref_slice %arg9[%run_scoped3A_10, %dma_start3A_150] : memref<5x128xi32, #tpu.memory_space<vmem>> -> memref<1x128xi32, #tpu.memory_space<vmem>>
      %dma_start3A_152 = tpu.memref_squeeze %dma_start3A_151 : memref<1x128xi32, #tpu.memory_space<vmem>> -> memref<128xi32, #tpu.memory_space<vmem>>
      %dma_start3A_153 = arith.constant 0 : i32
      %dma_start3A_154 = arith.constant 0 : i32
      %dma_start3A_155 = tpu.memref_slice %arg11[%dma_start3A_153, %dma_start3A_154] : memref<10240x128xf32, #tpu.memory_space<vmem_shared>> -> memref<10240x128xf32, #tpu.memory_space<vmem_shared>>
      tpu.enqueue_indirect_dma source(%dma_start3A_149 : memref<128x128xf32, #tpu.memory_space<vmem>>) target(%dma_start3A_155 : memref<10240x128xf32, #tpu.memory_space<vmem_shared>>) offsets(%dma_start3A_152 : memref<128xi32, #tpu.memory_space<vmem>>) semaphore(%run_scoped3A_145 : memref<!tpu.dma_semaphore, #tpu.memory_space<semaphore_mem>>)
      %dma_wait3A = arith.constant 0 : i32
      %dma_wait3A_156 = arith.constant 0 : i32
      %dma_wait3A_157 = tpu.memref_slice %arg10[%run_scoped3A_9, %dma_wait3A, %dma_wait3A_156] : memref<2x128x128xf32, #tpu.memory_space<vmem>> -> memref<1x128x128xf32, #tpu.memory_space<vmem>>
      %dma_wait3A_158 = tpu.memref_squeeze %dma_wait3A_157 : memref<1x128x128xf32, #tpu.memory_space<vmem>> -> memref<128x128xf32, #tpu.memory_space<vmem>>
      %dma_wait3A_159 = arith.constant 0 : i32
      %dma_wait3A_160 = tpu.memref_slice %arg9[%run_scoped3A_10, %dma_wait3A_159] : memref<5x128xi32, #tpu.memory_space<vmem>> -> memref<1x128xi32, #tpu.memory_space<vmem>>
      %dma_wait3A_161 = tpu.memref_squeeze %dma_wait3A_160 : memref<1x128xi32, #tpu.memory_space<vmem>> -> memref<128xi32, #tpu.memory_space<vmem>>
      %dma_wait3A_162 = arith.constant 0 : i32
      %dma_wait3A_163 = arith.constant 0 : i32
      %dma_wait3A_164 = tpu.memref_slice %arg11[%dma_wait3A_162, %dma_wait3A_163] : memref<10240x128xf32, #tpu.memory_space<vmem_shared>> -> memref<10240x128xf32, #tpu.memory_space<vmem_shared>>
      tpu.wait_indirect_dma semaphore(%run_scoped3A_145 : memref<!tpu.dma_semaphore, #tpu.memory_space<semaphore_mem>>) src(%dma_wait3A_158 : memref<128x128xf32, #tpu.memory_space<vmem>>) dst(%dma_wait3A_164 : memref<10240x128xf32, #tpu.memory_space<vmem_shared>>)
      tpu.yield
    }) : () -> ()
    %mul3A_11 = arith.constant 640 : i32
    %mul3A_12 = arith.muli %arg1, %mul3A_11 : i32
    %add3A_13 = arith.addi %mul3A_3, %mul3A_12 : i32
    %add3A_14 = arith.constant 128 : i32
    %add3A_15 = arith.addi %add3A_13, %add3A_14 : i32
    %run_scoped3A_16 = arith.constant 0 : i32
    "tpu.region"() ({
      %run_scoped3A_145 = tpu.sem_alloc : memref<!tpu.dma_semaphore, #tpu.memory_space<semaphore_mem>>
      %dma_start3A_146 = arith.constant 0 : i32
      %dma_start3A_147 = arith.constant 0 : i32
      %dma_start3A_148 = tpu.memref_slice %arg10[%run_scoped3A_16, %dma_start3A_146, %dma_start3A_147] : memref<2x128x128xf32, #tpu.memory_space<vmem>> -> memref<1x128x128xf32, #tpu.memory_space<vmem>>
      %dma_start3A_149 = tpu.memref_squeeze %dma_start3A_148 : memref<1x128x128xf32, #tpu.memory_space<vmem>> -> memref<128x128xf32, #tpu.memory_space<vmem>>
      %dma_start3A_150 = arith.constant 0 : i32
      %dma_start3A_151 = tpu.memref_slice %arg2[%add3A_15, %dma_start3A_150] : memref<20480x128xf32, #tpu.memory_space<hbm>> -> memref<128x128xf32, #tpu.memory_space<hbm>>
      %dma_start3A_152 = arith.constant 0 : i32
      %dma_start3A_153 = arith.constant 0 : i32
      %dma_start3A_154 = tpu.memref_slice %arg10[%run_scoped3A_16, %dma_start3A_152, %dma_start3A_153] : memref<2x128x128xf32, #tpu.memory_space<vmem>> -> memref<1x128x128xf32, #tpu.memory_space<vmem>>
      %dma_start3A_155 = tpu.memref_squeeze %dma_start3A_154 : memref<1x128x128xf32, #tpu.memory_space<vmem>> -> memref<128x128xf32, #tpu.memory_space<vmem>>
      %dma_start3A_156 = arith.constant 0 : i32
      %dma_start3A_157 = tpu.memref_slice %arg2[%add3A_15, %dma_start3A_156] : memref<20480x128xf32, #tpu.memory_space<hbm>> -> memref<128x128xf32, #tpu.memory_space<hbm>>
      tpu.enqueue_dma source(%dma_start3A_157 : memref<128x128xf32, #tpu.memory_space<hbm>>) target(%dma_start3A_155 : memref<128x128xf32, #tpu.memory_space<vmem>>) target_semaphore(%run_scoped3A_145 : memref<!tpu.dma_semaphore, #tpu.memory_space<semaphore_mem>>)
      %dma_wait3A = arith.constant 0 : i32
      %dma_wait3A_158 = arith.constant 0 : i32
      %dma_wait3A_159 = tpu.memref_slice %arg10[%run_scoped3A_16, %dma_wait3A, %dma_wait3A_158] : memref<2x128x128xf32, #tpu.memory_space<vmem>> -> memref<1x128x128xf32, #tpu.memory_space<vmem>>
      %dma_wait3A_160 = tpu.memref_squeeze %dma_wait3A_159 : memref<1x128x128xf32, #tpu.memory_space<vmem>> -> memref<128x128xf32, #tpu.memory_space<vmem>>
      %dma_wait3A_161 = arith.constant 0 : i32
      %dma_wait3A_162 = tpu.memref_slice %arg2[%add3A_15, %dma_wait3A_161] : memref<20480x128xf32, #tpu.memory_space<hbm>> -> memref<128x128xf32, #tpu.memory_space<hbm>>
      %dma_wait3A_163 = arith.constant 0 : i32
      %dma_wait3A_164 = arith.constant 0 : i32
      %dma_wait3A_165 = tpu.memref_slice %arg10[%run_scoped3A_16, %dma_wait3A_163, %dma_wait3A_164] : memref<2x128x128xf32, #tpu.memory_space<vmem>> -> memref<1x128x128xf32, #tpu.memory_space<vmem>>
      %dma_wait3A_166 = tpu.memref_squeeze %dma_wait3A_165 : memref<1x128x128xf32, #tpu.memory_space<vmem>> -> memref<128x128xf32, #tpu.memory_space<vmem>>
      %dma_wait3A_167 = arith.constant 0 : i32
      %dma_wait3A_168 = tpu.memref_slice %arg2[%add3A_15, %dma_wait3A_167] : memref<20480x128xf32, #tpu.memory_space<hbm>> -> memref<128x128xf32, #tpu.memory_space<hbm>>
      tpu.wait_dma2 semaphore(%run_scoped3A_145 : memref<!tpu.dma_semaphore, #tpu.memory_space<semaphore_mem>>) src(%dma_wait3A_168 : memref<128x128xf32, #tpu.memory_space<hbm>>) dst(%dma_wait3A_166 : memref<128x128xf32, #tpu.memory_space<vmem>>)
      tpu.yield
    }) : () -> ()
    %run_scoped3A_17 = arith.constant 0 : i32
    %run_scoped3A_18 = arith.constant 1 : i32
    "tpu.region"() ({
      %run_scoped3A_145 = tpu.sem_alloc : memref<!tpu.dma_semaphore, #tpu.memory_space<semaphore_mem>>
      %dma_start3A_146 = arith.constant 0 : i32
      %dma_start3A_147 = arith.constant 0 : i32
      %dma_start3A_148 = tpu.memref_slice %arg10[%run_scoped3A_17, %dma_start3A_146, %dma_start3A_147] : memref<2x128x128xf32, #tpu.memory_space<vmem>> -> memref<1x128x128xf32, #tpu.memory_space<vmem>>
      %dma_start3A_149 = tpu.memref_squeeze %dma_start3A_148 : memref<1x128x128xf32, #tpu.memory_space<vmem>> -> memref<128x128xf32, #tpu.memory_space<vmem>>
      %dma_start3A_150 = arith.constant 0 : i32
      %dma_start3A_151 = tpu.memref_slice %arg9[%run_scoped3A_18, %dma_start3A_150] : memref<5x128xi32, #tpu.memory_space<vmem>> -> memref<1x128xi32, #tpu.memory_space<vmem>>
      %dma_start3A_152 = tpu.memref_squeeze %dma_start3A_151 : memref<1x128xi32, #tpu.memory_space<vmem>> -> memref<128xi32, #tpu.memory_space<vmem>>
      %dma_start3A_153 = arith.constant 0 : i32
      %dma_start3A_154 = arith.constant 0 : i32
      %dma_start3A_155 = tpu.memref_slice %arg11[%dma_start3A_153, %dma_start3A_154] : memref<10240x128xf32, #tpu.memory_space<vmem_shared>> -> memref<10240x128xf32, #tpu.memory_space<vmem_shared>>
      tpu.enqueue_indirect_dma source(%dma_start3A_149 : memref<128x128xf32, #tpu.memory_space<vmem>>) target(%dma_start3A_155 : memref<10240x128xf32, #tpu.memory_space<vmem_shared>>) offsets(%dma_start3A_152 : memref<128xi32, #tpu.memory_space<vmem>>) semaphore(%run_scoped3A_145 : memref<!tpu.dma_semaphore, #tpu.memory_space<semaphore_mem>>)
      %dma_wait3A = arith.constant 0 : i32
      %dma_wait3A_156 = arith.constant 0 : i32
      %dma_wait3A_157 = tpu.memref_slice %arg10[%run_scoped3A_17, %dma_wait3A, %dma_wait3A_156] : memref<2x128x128xf32, #tpu.memory_space<vmem>> -> memref<1x128x128xf32, #tpu.memory_space<vmem>>
      %dma_wait3A_158 = tpu.memref_squeeze %dma_wait3A_157 : memref<1x128x128xf32, #tpu.memory_space<vmem>> -> memref<128x128xf32, #tpu.memory_space<vmem>>
      %dma_wait3A_159 = arith.constant 0 : i32
      %dma_wait3A_160 = tpu.memref_slice %arg9[%run_scoped3A_18, %dma_wait3A_159] : memref<5x128xi32, #tpu.memory_space<vmem>> -> memref<1x128xi32, #tpu.memory_space<vmem>>
      %dma_wait3A_161 = tpu.memref_squeeze %dma_wait3A_160 : memref<1x128xi32, #tpu.memory_space<vmem>> -> memref<128xi32, #tpu.memory_space<vmem>>
      %dma_wait3A_162 = arith.constant 0 : i32
      %dma_wait3A_163 = arith.constant 0 : i32
      %dma_wait3A_164 = tpu.memref_slice %arg11[%dma_wait3A_162, %dma_wait3A_163] : memref<10240x128xf32, #tpu.memory_space<vmem_shared>> -> memref<10240x128xf32, #tpu.memory_space<vmem_shared>>
      tpu.wait_indirect_dma semaphore(%run_scoped3A_145 : memref<!tpu.dma_semaphore, #tpu.memory_space<semaphore_mem>>) src(%dma_wait3A_158 : memref<128x128xf32, #tpu.memory_space<vmem>>) dst(%dma_wait3A_164 : memref<10240x128xf32, #tpu.memory_space<vmem_shared>>)
      tpu.yield
    }) : () -> ()
    %mul3A_19 = arith.constant 640 : i32
    %mul3A_20 = arith.muli %arg1, %mul3A_19 : i32
    %add3A_21 = arith.addi %mul3A_3, %mul3A_20 : i32
    %add3A_22 = arith.constant 256 : i32
    %add3A_23 = arith.addi %add3A_21, %add3A_22 : i32
    %run_scoped3A_24 = arith.constant 0 : i32
    "tpu.region"() ({
      %run_scoped3A_145 = tpu.sem_alloc : memref<!tpu.dma_semaphore, #tpu.memory_space<semaphore_mem>>
      %dma_start3A_146 = arith.constant 0 : i32
      %dma_start3A_147 = arith.constant 0 : i32
      %dma_start3A_148 = tpu.memref_slice %arg10[%run_scoped3A_24, %dma_start3A_146, %dma_start3A_147] : memref<2x128x128xf32, #tpu.memory_space<vmem>> -> memref<1x128x128xf32, #tpu.memory_space<vmem>>
      %dma_start3A_149 = tpu.memref_squeeze %dma_start3A_148 : memref<1x128x128xf32, #tpu.memory_space<vmem>> -> memref<128x128xf32, #tpu.memory_space<vmem>>
      %dma_start3A_150 = arith.constant 0 : i32
      %dma_start3A_151 = tpu.memref_slice %arg2[%add3A_23, %dma_start3A_150] : memref<20480x128xf32, #tpu.memory_space<hbm>> -> memref<128x128xf32, #tpu.memory_space<hbm>>
      %dma_start3A_152 = arith.constant 0 : i32
      %dma_start3A_153 = arith.constant 0 : i32
      %dma_start3A_154 = tpu.memref_slice %arg10[%run_scoped3A_24, %dma_start3A_152, %dma_start3A_153] : memref<2x128x128xf32, #tpu.memory_space<vmem>> -> memref<1x128x128xf32, #tpu.memory_space<vmem>>
      %dma_start3A_155 = tpu.memref_squeeze %dma_start3A_154 : memref<1x128x128xf32, #tpu.memory_space<vmem>> -> memref<128x128xf32, #tpu.memory_space<vmem>>
      %dma_start3A_156 = arith.constant 0 : i32
      %dma_start3A_157 = tpu.memref_slice %arg2[%add3A_23, %dma_start3A_156] : memref<20480x128xf32, #tpu.memory_space<hbm>> -> memref<128x128xf32, #tpu.memory_space<hbm>>
      tpu.enqueue_dma source(%dma_start3A_157 : memref<128x128xf32, #tpu.memory_space<hbm>>) target(%dma_start3A_155 : memref<128x128xf32, #tpu.memory_space<vmem>>) target_semaphore(%run_scoped3A_145 : memref<!tpu.dma_semaphore, #tpu.memory_space<semaphore_mem>>)
      %dma_wait3A = arith.constant 0 : i32
      %dma_wait3A_158 = arith.constant 0 : i32
      %dma_wait3A_159 = tpu.memref_slice %arg10[%run_scoped3A_24, %dma_wait3A, %dma_wait3A_158] : memref<2x128x128xf32, #tpu.memory_space<vmem>> -> memref<1x128x128xf32, #tpu.memory_space<vmem>>
      %dma_wait3A_160 = tpu.memref_squeeze %dma_wait3A_159 : memref<1x128x128xf32, #tpu.memory_space<vmem>> -> memref<128x128xf32, #tpu.memory_space<vmem>>
      %dma_wait3A_161 = arith.constant 0 : i32
      %dma_wait3A_162 = tpu.memref_slice %arg2[%add3A_23, %dma_wait3A_161] : memref<20480x128xf32, #tpu.memory_space<hbm>> -> memref<128x128xf32, #tpu.memory_space<hbm>>
      %dma_wait3A_163 = arith.constant 0 : i32
      %dma_wait3A_164 = arith.constant 0 : i32
      %dma_wait3A_165 = tpu.memref_slice %arg10[%run_scoped3A_24, %dma_wait3A_163, %dma_wait3A_164] : memref<2x128x128xf32, #tpu.memory_space<vmem>> -> memref<1x128x128xf32, #tpu.memory_space<vmem>>
      %dma_wait3A_166 = tpu.memref_squeeze %dma_wait3A_165 : memref<1x128x128xf32, #tpu.memory_space<vmem>> -> memref<128x128xf32, #tpu.memory_space<vmem>>
      %dma_wait3A_167 = arith.constant 0 : i32
      %dma_wait3A_168 = tpu.memref_slice %arg2[%add3A_23, %dma_wait3A_167] : memref<20480x128xf32, #tpu.memory_space<hbm>> -> memref<128x128xf32, #tpu.memory_space<hbm>>
      tpu.wait_dma2 semaphore(%run_scoped3A_145 : memref<!tpu.dma_semaphore, #tpu.memory_space<semaphore_mem>>) src(%dma_wait3A_168 : memref<128x128xf32, #tpu.memory_space<hbm>>) dst(%dma_wait3A_166 : memref<128x128xf32, #tpu.memory_space<vmem>>)
      tpu.yield
    }) : () -> ()
    %run_scoped3A_25 = arith.constant 0 : i32
    %run_scoped3A_26 = arith.constant 2 : i32
    "tpu.region"() ({
      %run_scoped3A_145 = tpu.sem_alloc : memref<!tpu.dma_semaphore, #tpu.memory_space<semaphore_mem>>
      %dma_start3A_146 = arith.constant 0 : i32
      %dma_start3A_147 = arith.constant 0 : i32
      %dma_start3A_148 = tpu.memref_slice %arg10[%run_scoped3A_25, %dma_start3A_146, %dma_start3A_147] : memref<2x128x128xf32, #tpu.memory_space<vmem>> -> memref<1x128x128xf32, #tpu.memory_space<vmem>>
      %dma_start3A_149 = tpu.memref_squeeze %dma_start3A_148 : memref<1x128x128xf32, #tpu.memory_space<vmem>> -> memref<128x128xf32, #tpu.memory_space<vmem>>
      %dma_start3A_150 = arith.constant 0 : i32
      %dma_start3A_151 = tpu.memref_slice %arg9[%run_scoped3A_26, %dma_start3A_150] : memref<5x128xi32, #tpu.memory_space<vmem>> -> memref<1x128xi32, #tpu.memory_space<vmem>>
      %dma_start3A_152 = tpu.memref_squeeze %dma_start3A_151 : memref<1x128xi32, #tpu.memory_space<vmem>> -> memref<128xi32, #tpu.memory_space<vmem>>
      %dma_start3A_153 = arith.constant 0 : i32
      %dma_start3A_154 = arith.constant 0 : i32
      %dma_start3A_155 = tpu.memref_slice %arg11[%dma_start3A_153, %dma_start3A_154] : memref<10240x128xf32, #tpu.memory_space<vmem_shared>> -> memref<10240x128xf32, #tpu.memory_space<vmem_shared>>
      tpu.enqueue_indirect_dma source(%dma_start3A_149 : memref<128x128xf32, #tpu.memory_space<vmem>>) target(%dma_start3A_155 : memref<10240x128xf32, #tpu.memory_space<vmem_shared>>) offsets(%dma_start3A_152 : memref<128xi32, #tpu.memory_space<vmem>>) semaphore(%run_scoped3A_145 : memref<!tpu.dma_semaphore, #tpu.memory_space<semaphore_mem>>)
      %dma_wait3A = arith.constant 0 : i32
      %dma_wait3A_156 = arith.constant 0 : i32
      %dma_wait3A_157 = tpu.memref_slice %arg10[%run_scoped3A_25, %dma_wait3A, %dma_wait3A_156] : memref<2x128x128xf32, #tpu.memory_space<vmem>> -> memref<1x128x128xf32, #tpu.memory_space<vmem>>
      %dma_wait3A_158 = tpu.memref_squeeze %dma_wait3A_157 : memref<1x128x128xf32, #tpu.memory_space<vmem>> -> memref<128x128xf32, #tpu.memory_space<vmem>>
      %dma_wait3A_159 = arith.constant 0 : i32
      %dma_wait3A_160 = tpu.memref_slice %arg9[%run_scoped3A_26, %dma_wait3A_159] : memref<5x128xi32, #tpu.memory_space<vmem>> -> memref<1x128xi32, #tpu.memory_space<vmem>>
      %dma_wait3A_161 = tpu.memref_squeeze %dma_wait3A_160 : memref<1x128xi32, #tpu.memory_space<vmem>> -> memref<128xi32, #tpu.memory_space<vmem>>
      %dma_wait3A_162 = arith.constant 0 : i32
      %dma_wait3A_163 = arith.constant 0 : i32
      %dma_wait3A_164 = tpu.memref_slice %arg11[%dma_wait3A_162, %dma_wait3A_163] : memref<10240x128xf32, #tpu.memory_space<vmem_shared>> -> memref<10240x128xf32, #tpu.memory_space<vmem_shared>>
      tpu.wait_indirect_dma semaphore(%run_scoped3A_145 : memref<!tpu.dma_semaphore, #tpu.memory_space<semaphore_mem>>) src(%dma_wait3A_158 : memref<128x128xf32, #tpu.memory_space<vmem>>) dst(%dma_wait3A_164 : memref<10240x128xf32, #tpu.memory_space<vmem_shared>>)
      tpu.yield
    }) : () -> ()
    %mul3A_27 = arith.constant 640 : i32
    %mul3A_28 = arith.muli %arg1, %mul3A_27 : i32
    %add3A_29 = arith.addi %mul3A_3, %mul3A_28 : i32
    %add3A_30 = arith.constant 384 : i32
    %add3A_31 = arith.addi %add3A_29, %add3A_30 : i32
    %run_scoped3A_32 = arith.constant 0 : i32
    "tpu.region"() ({
      %run_scoped3A_145 = tpu.sem_alloc : memref<!tpu.dma_semaphore, #tpu.memory_space<semaphore_mem>>
      %dma_start3A_146 = arith.constant 0 : i32
      %dma_start3A_147 = arith.constant 0 : i32
      %dma_start3A_148 = tpu.memref_slice %arg10[%run_scoped3A_32, %dma_start3A_146, %dma_start3A_147] : memref<2x128x128xf32, #tpu.memory_space<vmem>> -> memref<1x128x128xf32, #tpu.memory_space<vmem>>
      %dma_start3A_149 = tpu.memref_squeeze %dma_start3A_148 : memref<1x128x128xf32, #tpu.memory_space<vmem>> -> memref<128x128xf32, #tpu.memory_space<vmem>>
      %dma_start3A_150 = arith.constant 0 : i32
      %dma_start3A_151 = tpu.memref_slice %arg2[%add3A_31, %dma_start3A_150] : memref<20480x128xf32, #tpu.memory_space<hbm>> -> memref<128x128xf32, #tpu.memory_space<hbm>>
      %dma_start3A_152 = arith.constant 0 : i32
      %dma_start3A_153 = arith.constant 0 : i32
      %dma_start3A_154 = tpu.memref_slice %arg10[%run_scoped3A_32, %dma_start3A_152, %dma_start3A_153] : memref<2x128x128xf32, #tpu.memory_space<vmem>> -> memref<1x128x128xf32, #tpu.memory_space<vmem>>
      %dma_start3A_155 = tpu.memref_squeeze %dma_start3A_154 : memref<1x128x128xf32, #tpu.memory_space<vmem>> -> memref<128x128xf32, #tpu.memory_space<vmem>>
      %dma_start3A_156 = arith.constant 0 : i32
      %dma_start3A_157 = tpu.memref_slice %arg2[%add3A_31, %dma_start3A_156] : memref<20480x128xf32, #tpu.memory_space<hbm>> -> memref<128x128xf32, #tpu.memory_space<hbm>>
      tpu.enqueue_dma source(%dma_start3A_157 : memref<128x128xf32, #tpu.memory_space<hbm>>) target(%dma_start3A_155 : memref<128x128xf32, #tpu.memory_space<vmem>>) target_semaphore(%run_scoped3A_145 : memref<!tpu.dma_semaphore, #tpu.memory_space<semaphore_mem>>)
      %dma_wait3A = arith.constant 0 : i32
      %dma_wait3A_158 = arith.constant 0 : i32
      %dma_wait3A_159 = tpu.memref_slice %arg10[%run_scoped3A_32, %dma_wait3A, %dma_wait3A_158] : memref<2x128x128xf32, #tpu.memory_space<vmem>> -> memref<1x128x128xf32, #tpu.memory_space<vmem>>
      %dma_wait3A_160 = tpu.memref_squeeze %dma_wait3A_159 : memref<1x128x128xf32, #tpu.memory_space<vmem>> -> memref<128x128xf32, #tpu.memory_space<vmem>>
      %dma_wait3A_161 = arith.constant 0 : i32
      %dma_wait3A_162 = tpu.memref_slice %arg2[%add3A_31, %dma_wait3A_161] : memref<20480x128xf32, #tpu.memory_space<hbm>> -> memref<128x128xf32, #tpu.memory_space<hbm>>
      %dma_wait3A_163 = arith.constant 0 : i32
      %dma_wait3A_164 = arith.constant 0 : i32
      %dma_wait3A_165 = tpu.memref_slice %arg10[%run_scoped3A_32, %dma_wait3A_163, %dma_wait3A_164] : memref<2x128x128xf32, #tpu.memory_space<vmem>> -> memref<1x128x128xf32, #tpu.memory_space<vmem>>
      %dma_wait3A_166 = tpu.memref_squeeze %dma_wait3A_165 : memref<1x128x128xf32, #tpu.memory_space<vmem>> -> memref<128x128xf32, #tpu.memory_space<vmem>>
      %dma_wait3A_167 = arith.constant 0 : i32
      %dma_wait3A_168 = tpu.memref_slice %arg2[%add3A_31, %dma_wait3A_167] : memref<20480x128xf32, #tpu.memory_space<hbm>> -> memref<128x128xf32, #tpu.memory_space<hbm>>
      tpu.wait_dma2 semaphore(%run_scoped3A_145 : memref<!tpu.dma_semaphore, #tpu.memory_space<semaphore_mem>>) src(%dma_wait3A_168 : memref<128x128xf32, #tpu.memory_space<hbm>>) dst(%dma_wait3A_166 : memref<128x128xf32, #tpu.memory_space<vmem>>)
      tpu.yield
    }) : () -> ()
    %run_scoped3A_33 = arith.constant 0 : i32
    %run_scoped3A_34 = arith.constant 3 : i32
    "tpu.region"() ({
      %run_scoped3A_145 = tpu.sem_alloc : memref<!tpu.dma_semaphore, #tpu.memory_space<semaphore_mem>>
      %dma_start3A_146 = arith.constant 0 : i32
      %dma_start3A_147 = arith.constant 0 : i32
      %dma_start3A_148 = tpu.memref_slice %arg10[%run_scoped3A_33, %dma_start3A_146, %dma_start3A_147] : memref<2x128x128xf32, #tpu.memory_space<vmem>> -> memref<1x128x128xf32, #tpu.memory_space<vmem>>
      %dma_start3A_149 = tpu.memref_squeeze %dma_start3A_148 : memref<1x128x128xf32, #tpu.memory_space<vmem>> -> memref<128x128xf32, #tpu.memory_space<vmem>>
      %dma_start3A_150 = arith.constant 0 : i32
      %dma_start3A_151 = tpu.memref_slice %arg9[%run_scoped3A_34, %dma_start3A_150] : memref<5x128xi32, #tpu.memory_space<vmem>> -> memref<1x128xi32, #tpu.memory_space<vmem>>
      %dma_start3A_152 = tpu.memref_squeeze %dma_start3A_151 : memref<1x128xi32, #tpu.memory_space<vmem>> -> memref<128xi32, #tpu.memory_space<vmem>>
      %dma_start3A_153 = arith.constant 0 : i32
      %dma_start3A_154 = arith.constant 0 : i32
      %dma_start3A_155 = tpu.memref_slice %arg11[%dma_start3A_153, %dma_start3A_154] : memref<10240x128xf32, #tpu.memory_space<vmem_shared>> -> memref<10240x128xf32, #tpu.memory_space<vmem_shared>>
      tpu.enqueue_indirect_dma source(%dma_start3A_149 : memref<128x128xf32, #tpu.memory_space<vmem>>) target(%dma_start3A_155 : memref<10240x128xf32, #tpu.memory_space<vmem_shared>>) offsets(%dma_start3A_152 : memref<128xi32, #tpu.memory_space<vmem>>) semaphore(%run_scoped3A_145 : memref<!tpu.dma_semaphore, #tpu.memory_space<semaphore_mem>>)
      %dma_wait3A = arith.constant 0 : i32
      %dma_wait3A_156 = arith.constant 0 : i32
      %dma_wait3A_157 = tpu.memref_slice %arg10[%run_scoped3A_33, %dma_wait3A, %dma_wait3A_156] : memref<2x128x128xf32, #tpu.memory_space<vmem>> -> memref<1x128x128xf32, #tpu.memory_space<vmem>>
      %dma_wait3A_158 = tpu.memref_squeeze %dma_wait3A_157 : memref<1x128x128xf32, #tpu.memory_space<vmem>> -> memref<128x128xf32, #tpu.memory_space<vmem>>
      %dma_wait3A_159 = arith.constant 0 : i32
      %dma_wait3A_160 = tpu.memref_slice %arg9[%run_scoped3A_34, %dma_wait3A_159] : memref<5x128xi32, #tpu.memory_space<vmem>> -> memref<1x128xi32, #tpu.memory_space<vmem>>
      %dma_wait3A_161 = tpu.memref_squeeze %dma_wait3A_160 : memref<1x128xi32, #tpu.memory_space<vmem>> -> memref<128xi32, #tpu.memory_space<vmem>>
      %dma_wait3A_162 = arith.constant 0 : i32
      %dma_wait3A_163 = arith.constant 0 : i32
      %dma_wait3A_164 = tpu.memref_slice %arg11[%dma_wait3A_162, %dma_wait3A_163] : memref<10240x128xf32, #tpu.memory_space<vmem_shared>> -> memref<10240x128xf32, #tpu.memory_space<vmem_shared>>
      tpu.wait_indirect_dma semaphore(%run_scoped3A_145 : memref<!tpu.dma_semaphore, #tpu.memory_space<semaphore_mem>>) src(%dma_wait3A_158 : memref<128x128xf32, #tpu.memory_space<vmem>>) dst(%dma_wait3A_164 : memref<10240x128xf32, #tpu.memory_space<vmem_shared>>)
      tpu.yield
    }) : () -> ()
    %mul3A_35 = arith.constant 640 : i32
    %mul3A_36 = arith.muli %arg1, %mul3A_35 : i32
    %add3A_37 = arith.addi %mul3A_3, %mul3A_36 : i32
    %add3A_38 = arith.constant 512 : i32
    %add3A_39 = arith.addi %add3A_37, %add3A_38 : i32
    %run_scoped3A_40 = arith.constant 0 : i32
    "tpu.region"() ({
      %run_scoped3A_145 = tpu.sem_alloc : memref<!tpu.dma_semaphore, #tpu.memory_space<semaphore_mem>>
      %dma_start3A_146 = arith.constant 0 : i32
      %dma_start3A_147 = arith.constant 0 : i32
      %dma_start3A_148 = tpu.memref_slice %arg10[%run_scoped3A_40, %dma_start3A_146, %dma_start3A_147] : memref<2x128x128xf32, #tpu.memory_space<vmem>> -> memref<1x128x128xf32, #tpu.memory_space<vmem>>
      %dma_start3A_149 = tpu.memref_squeeze %dma_start3A_148 : memref<1x128x128xf32, #tpu.memory_space<vmem>> -> memref<128x128xf32, #tpu.memory_space<vmem>>
      %dma_start3A_150 = arith.constant 0 : i32
      %dma_start3A_151 = tpu.memref_slice %arg2[%add3A_39, %dma_start3A_150] : memref<20480x128xf32, #tpu.memory_space<hbm>> -> memref<128x128xf32, #tpu.memory_space<hbm>>
      %dma_start3A_152 = arith.constant 0 : i32
      %dma_start3A_153 = arith.constant 0 : i32
      %dma_start3A_154 = tpu.memref_slice %arg10[%run_scoped3A_40, %dma_start3A_152, %dma_start3A_153] : memref<2x128x128xf32, #tpu.memory_space<vmem>> -> memref<1x128x128xf32, #tpu.memory_space<vmem>>
      %dma_start3A_155 = tpu.memref_squeeze %dma_start3A_154 : memref<1x128x128xf32, #tpu.memory_space<vmem>> -> memref<128x128xf32, #tpu.memory_space<vmem>>
      %dma_start3A_156 = arith.constant 0 : i32
      %dma_start3A_157 = tpu.memref_slice %arg2[%add3A_39, %dma_start3A_156] : memref<20480x128xf32, #tpu.memory_space<hbm>> -> memref<128x128xf32, #tpu.memory_space<hbm>>
      tpu.enqueue_dma source(%dma_start3A_157 : memref<128x128xf32, #tpu.memory_space<hbm>>) target(%dma_start3A_155 : memref<128x128xf32, #tpu.memory_space<vmem>>) target_semaphore(%run_scoped3A_145 : memref<!tpu.dma_semaphore, #tpu.memory_space<semaphore_mem>>)
      %dma_wait3A = arith.constant 0 : i32
      %dma_wait3A_158 = arith.constant 0 : i32
      %dma_wait3A_159 = tpu.memref_slice %arg10[%run_scoped3A_40, %dma_wait3A, %dma_wait3A_158] : memref<2x128x128xf32, #tpu.memory_space<vmem>> -> memref<1x128x128xf32, #tpu.memory_space<vmem>>
      %dma_wait3A_160 = tpu.memref_squeeze %dma_wait3A_159 : memref<1x128x128xf32, #tpu.memory_space<vmem>> -> memref<128x128xf32, #tpu.memory_space<vmem>>
      %dma_wait3A_161 = arith.constant 0 : i32
      %dma_wait3A_162 = tpu.memref_slice %arg2[%add3A_39, %dma_wait3A_161] : memref<20480x128xf32, #tpu.memory_space<hbm>> -> memref<128x128xf32, #tpu.memory_space<hbm>>
      %dma_wait3A_163 = arith.constant 0 : i32
      %dma_wait3A_164 = arith.constant 0 : i32
      %dma_wait3A_165 = tpu.memref_slice %arg10[%run_scoped3A_40, %dma_wait3A_163, %dma_wait3A_164] : memref<2x128x128xf32, #tpu.memory_space<vmem>> -> memref<1x128x128xf32, #tpu.memory_space<vmem>>
      %dma_wait3A_166 = tpu.memref_squeeze %dma_wait3A_165 : memref<1x128x128xf32, #tpu.memory_space<vmem>> -> memref<128x128xf32, #tpu.memory_space<vmem>>
      %dma_wait3A_167 = arith.constant 0 : i32
      %dma_wait3A_168 = tpu.memref_slice %arg2[%add3A_39, %dma_wait3A_167] : memref<20480x128xf32, #tpu.memory_space<hbm>> -> memref<128x128xf32, #tpu.memory_space<hbm>>
      tpu.wait_dma2 semaphore(%run_scoped3A_145 : memref<!tpu.dma_semaphore, #tpu.memory_space<semaphore_mem>>) src(%dma_wait3A_168 : memref<128x128xf32, #tpu.memory_space<hbm>>) dst(%dma_wait3A_166 : memref<128x128xf32, #tpu.memory_space<vmem>>)
      tpu.yield
    }) : () -> ()
    %run_scoped3A_41 = arith.constant 0 : i32
    %run_scoped3A_42 = arith.constant 4 : i32
    "tpu.region"() ({
      %run_scoped3A_145 = tpu.sem_alloc : memref<!tpu.dma_semaphore, #tpu.memory_space<semaphore_mem>>
      %dma_start3A_146 = arith.constant 0 : i32
      %dma_start3A_147 = arith.constant 0 : i32
      %dma_start3A_148 = tpu.memref_slice %arg10[%run_scoped3A_41, %dma_start3A_146, %dma_start3A_147] : memref<2x128x128xf32, #tpu.memory_space<vmem>> -> memref<1x128x128xf32, #tpu.memory_space<vmem>>
      %dma_start3A_149 = tpu.memref_squeeze %dma_start3A_148 : memref<1x128x128xf32, #tpu.memory_space<vmem>> -> memref<128x128xf32, #tpu.memory_space<vmem>>
      %dma_start3A_150 = arith.constant 0 : i32
      %dma_start3A_151 = tpu.memref_slice %arg9[%run_scoped3A_42, %dma_start3A_150] : memref<5x128xi32, #tpu.memory_space<vmem>> -> memref<1x128xi32, #tpu.memory_space<vmem>>
      %dma_start3A_152 = tpu.memref_squeeze %dma_start3A_151 : memref<1x128xi32, #tpu.memory_space<vmem>> -> memref<128xi32, #tpu.memory_space<vmem>>
      %dma_start3A_153 = arith.constant 0 : i32
      %dma_start3A_154 = arith.constant 0 : i32
      %dma_start3A_155 = tpu.memref_slice %arg11[%dma_start3A_153, %dma_start3A_154] : memref<10240x128xf32, #tpu.memory_space<vmem_shared>> -> memref<10240x128xf32, #tpu.memory_space<vmem_shared>>
      tpu.enqueue_indirect_dma source(%dma_start3A_149 : memref<128x128xf32, #tpu.memory_space<vmem>>) target(%dma_start3A_155 : memref<10240x128xf32, #tpu.memory_space<vmem_shared>>) offsets(%dma_start3A_152 : memref<128xi32, #tpu.memory_space<vmem>>) semaphore(%run_scoped3A_145 : memref<!tpu.dma_semaphore, #tpu.memory_space<semaphore_mem>>)
      %dma_wait3A = arith.constant 0 : i32
      %dma_wait3A_156 = arith.constant 0 : i32
      %dma_wait3A_157 = tpu.memref_slice %arg10[%run_scoped3A_41, %dma_wait3A, %dma_wait3A_156] : memref<2x128x128xf32, #tpu.memory_space<vmem>> -> memref<1x128x128xf32, #tpu.memory_space<vmem>>
      %dma_wait3A_158 = tpu.memref_squeeze %dma_wait3A_157 : memref<1x128x128xf32, #tpu.memory_space<vmem>> -> memref<128x128xf32, #tpu.memory_space<vmem>>
      %dma_wait3A_159 = arith.constant 0 : i32
      %dma_wait3A_160 = tpu.memref_slice %arg9[%run_scoped3A_42, %dma_wait3A_159] : memref<5x128xi32, #tpu.memory_space<vmem>> -> memref<1x128xi32, #tpu.memory_space<vmem>>
      %dma_wait3A_161 = tpu.memref_squeeze %dma_wait3A_160 : memref<1x128xi32, #tpu.memory_space<vmem>> -> memref<128xi32, #tpu.memory_space<vmem>>
      %dma_wait3A_162 = arith.constant 0 : i32
      %dma_wait3A_163 = arith.constant 0 : i32
      %dma_wait3A_164 = tpu.memref_slice %arg11[%dma_wait3A_162, %dma_wait3A_163] : memref<10240x128xf32, #tpu.memory_space<vmem_shared>> -> memref<10240x128xf32, #tpu.memory_space<vmem_shared>>
      tpu.wait_indirect_dma semaphore(%run_scoped3A_145 : memref<!tpu.dma_semaphore, #tpu.memory_space<semaphore_mem>>) src(%dma_wait3A_158 : memref<128x128xf32, #tpu.memory_space<vmem>>) dst(%dma_wait3A_164 : memref<10240x128xf32, #tpu.memory_space<vmem_shared>>)
      tpu.yield
    }) : () -> ()
    %barrier3A = arith.constant 0 : index
    tpu.barrier barrier_id(%barrier3A)
    "tpu.region"() ({
      %run_scoped3A_145 = tpu.sem_alloc : memref<!tpu.dma_semaphore, #tpu.memory_space<semaphore_mem>>
      %dma_start3A_146 = arith.constant 0 : i32
      %dma_start3A_147 = arith.constant 0 : i32
      %dma_start3A_148 = tpu.memref_slice %arg3[%add3A_1, %arg1, %dma_start3A_146, %dma_start3A_147] : memref<2x16x80x128xi32, #tpu.memory_space<hbm>> -> memref<1x1x40x128xi32, #tpu.memory_space<hbm>>
      %dma_start3A_149 = tpu.memref_squeeze %dma_start3A_148 : memref<1x1x40x128xi32, #tpu.memory_space<hbm>> -> memref<40x128xi32, #tpu.memory_space<hbm>>
      %dma_start3A_150 = arith.constant 0 : i32
      %dma_start3A_151 = arith.constant 0 : i32
      %dma_start3A_152 = tpu.memref_slice %arg3[%add3A_1, %arg1, %dma_start3A_150, %dma_start3A_151] : memref<2x16x80x128xi32, #tpu.memory_space<hbm>> -> memref<1x1x40x128xi32, #tpu.memory_space<hbm>>
      %dma_start3A_153 = tpu.memref_squeeze %dma_start3A_152 : memref<1x1x40x128xi32, #tpu.memory_space<hbm>> -> memref<40x128xi32, #tpu.memory_space<hbm>>
      tpu.enqueue_dma source(%dma_start3A_153 : memref<40x128xi32, #tpu.memory_space<hbm>>) target(%arg7 : memref<40x128xi32, #tpu.memory_space<vmem>>) target_semaphore(%run_scoped3A_145 : memref<!tpu.dma_semaphore, #tpu.memory_space<semaphore_mem>>)
      %dma_wait3A = arith.constant 0 : i32
      %dma_wait3A_154 = arith.constant 0 : i32
      %dma_wait3A_155 = tpu.memref_slice %arg3[%add3A_1, %arg1, %dma_wait3A, %dma_wait3A_154] : memref<2x16x80x128xi32, #tpu.memory_space<hbm>> -> memref<1x1x40x128xi32, #tpu.memory_space<hbm>>
      %dma_wait3A_156 = tpu.memref_squeeze %dma_wait3A_155 : memref<1x1x40x128xi32, #tpu.memory_space<hbm>> -> memref<40x128xi32, #tpu.memory_space<hbm>>
      %dma_wait3A_157 = arith.constant 0 : i32
      %dma_wait3A_158 = arith.constant 0 : i32
      %dma_wait3A_159 = tpu.memref_slice %arg3[%add3A_1, %arg1, %dma_wait3A_157, %dma_wait3A_158] : memref<2x16x80x128xi32, #tpu.memory_space<hbm>> -> memref<1x1x40x128xi32, #tpu.memory_space<hbm>>
      %dma_wait3A_160 = tpu.memref_squeeze %dma_wait3A_159 : memref<1x1x40x128xi32, #tpu.memory_space<hbm>> -> memref<40x128xi32, #tpu.memory_space<hbm>>
      tpu.wait_dma2 semaphore(%run_scoped3A_145 : memref<!tpu.dma_semaphore, #tpu.memory_space<semaphore_mem>>) src(%dma_wait3A_160 : memref<40x128xi32, #tpu.memory_space<hbm>>) dst(%arg7 : memref<40x128xi32, #tpu.memory_space<vmem>>)
      tpu.yield
    }) : () -> ()
    "tpu.region"() ({
      %run_scoped3A_145 = tpu.sem_alloc : memref<!tpu.dma_semaphore, #tpu.memory_space<semaphore_mem>>
      %dma_start3A_146 = arith.constant 0 : i32
      %dma_start3A_147 = arith.constant 0 : i32
      %dma_start3A_148 = tpu.memref_slice %arg4[%arg1, %dma_start3A_146, %dma_start3A_147] : memref<16x80x128xi32, #tpu.memory_space<hbm>> -> memref<1x40x128xi32, #tpu.memory_space<hbm>>
      %dma_start3A_149 = tpu.memref_squeeze %dma_start3A_148 : memref<1x40x128xi32, #tpu.memory_space<hbm>> -> memref<40x128xi32, #tpu.memory_space<hbm>>
      %dma_start3A_150 = arith.constant 0 : i32
      %dma_start3A_151 = arith.constant 0 : i32
      %dma_start3A_152 = tpu.memref_slice %arg4[%arg1, %dma_start3A_150, %dma_start3A_151] : memref<16x80x128xi32, #tpu.memory_space<hbm>> -> memref<1x40x128xi32, #tpu.memory_space<hbm>>
      %dma_start3A_153 = tpu.memref_squeeze %dma_start3A_152 : memref<1x40x128xi32, #tpu.memory_space<hbm>> -> memref<40x128xi32, #tpu.memory_space<hbm>>
      tpu.enqueue_dma source(%dma_start3A_153 : memref<40x128xi32, #tpu.memory_space<hbm>>) target(%arg8 : memref<40x128xi32, #tpu.memory_space<vmem>>) target_semaphore(%run_scoped3A_145 : memref<!tpu.dma_semaphore, #tpu.memory_space<semaphore_mem>>)
      %dma_wait3A = arith.constant 0 : i32
      %dma_wait3A_154 = arith.constant 0 : i32
      %dma_wait3A_155 = tpu.memref_slice %arg4[%arg1, %dma_wait3A, %dma_wait3A_154] : memref<16x80x128xi32, #tpu.memory_space<hbm>> -> memref<1x40x128xi32, #tpu.memory_space<hbm>>
      %dma_wait3A_156 = tpu.memref_squeeze %dma_wait3A_155 : memref<1x40x128xi32, #tpu.memory_space<hbm>> -> memref<40x128xi32, #tpu.memory_space<hbm>>
      %dma_wait3A_157 = arith.constant 0 : i32
      %dma_wait3A_158 = arith.constant 0 : i32
      %dma_wait3A_159 = tpu.memref_slice %arg4[%arg1, %dma_wait3A_157, %dma_wait3A_158] : memref<16x80x128xi32, #tpu.memory_space<hbm>> -> memref<1x40x128xi32, #tpu.memory_space<hbm>>
      %dma_wait3A_160 = tpu.memref_squeeze %dma_wait3A_159 : memref<1x40x128xi32, #tpu.memory_space<hbm>> -> memref<40x128xi32, #tpu.memory_space<hbm>>
      tpu.wait_dma2 semaphore(%run_scoped3A_145 : memref<!tpu.dma_semaphore, #tpu.memory_space<semaphore_mem>>) src(%dma_wait3A_160 : memref<40x128xi32, #tpu.memory_space<hbm>>) dst(%arg8 : memref<40x128xi32, #tpu.memory_space<vmem>>)
      tpu.yield
    }) : () -> ()
    %dma_start3A = arith.constant 0 : i32
    %dma_start3A_43 = arith.constant 0 : i32
    %dma_start3A_44 = arith.constant 0 : i32
    %dma_start3A_45 = arith.constant 0 : i32
    %dma_start3A_46 = tpu.memref_slice %arg10[%dma_start3A_43, %dma_start3A_44, %dma_start3A_45] : memref<2x128x128xf32, #tpu.memory_space<vmem>> -> memref<1x128x128xf32, #tpu.memory_space<vmem>>
    %dma_start3A_47 = tpu.memref_squeeze %dma_start3A_46 : memref<1x128x128xf32, #tpu.memory_space<vmem>> -> memref<128x128xf32, #tpu.memory_space<vmem>>
    %dma_start3A_48 = arith.constant 0 : i32
    %dma_start3A_49 = tpu.memref_slice %arg7[%dma_start3A, %dma_start3A_48] : memref<40x128xi32, #tpu.memory_space<vmem>> -> memref<1x128xi32, #tpu.memory_space<vmem>>
    %dma_start3A_50 = tpu.memref_squeeze %dma_start3A_49 : memref<1x128xi32, #tpu.memory_space<vmem>> -> memref<128xi32, #tpu.memory_space<vmem>>
    %dma_start3A_51 = arith.constant 0 : i32
    %dma_start3A_52 = arith.constant 0 : i32
    %dma_start3A_53 = tpu.memref_slice %arg2[%dma_start3A_51, %dma_start3A_52] : memref<20480x128xf32, #tpu.memory_space<hbm>> -> memref<20480x128xf32, #tpu.memory_space<hbm>>
    tpu.enqueue_indirect_dma source(%dma_start3A_53 : memref<20480x128xf32, #tpu.memory_space<hbm>>) target(%dma_start3A_47 : memref<128x128xf32, #tpu.memory_space<vmem>>) offsets(%dma_start3A_50 : memref<128xi32, #tpu.memory_space<vmem>>) semaphore(%arg12 : memref<!tpu.dma_semaphore, #tpu.memory_space<semaphore_mem>>)
    %dma_start3A_54 = arith.constant 1 : i32
    %dma_start3A_55 = arith.constant 1 : i32
    %dma_start3A_56 = arith.constant 0 : i32
    %dma_start3A_57 = arith.constant 0 : i32
    %dma_start3A_58 = tpu.memref_slice %arg10[%dma_start3A_55, %dma_start3A_56, %dma_start3A_57] : memref<2x128x128xf32, #tpu.memory_space<vmem>> -> memref<1x128x128xf32, #tpu.memory_space<vmem>>
    %dma_start3A_59 = tpu.memref_squeeze %dma_start3A_58 : memref<1x128x128xf32, #tpu.memory_space<vmem>> -> memref<128x128xf32, #tpu.memory_space<vmem>>
    %dma_start3A_60 = arith.constant 0 : i32
    %dma_start3A_61 = tpu.memref_slice %arg7[%dma_start3A_54, %dma_start3A_60] : memref<40x128xi32, #tpu.memory_space<vmem>> -> memref<1x128xi32, #tpu.memory_space<vmem>>
    %dma_start3A_62 = tpu.memref_squeeze %dma_start3A_61 : memref<1x128xi32, #tpu.memory_space<vmem>> -> memref<128xi32, #tpu.memory_space<vmem>>
    %dma_start3A_63 = arith.constant 0 : i32
    %dma_start3A_64 = arith.constant 0 : i32
    %dma_start3A_65 = tpu.memref_slice %arg2[%dma_start3A_63, %dma_start3A_64] : memref<20480x128xf32, #tpu.memory_space<hbm>> -> memref<20480x128xf32, #tpu.memory_space<hbm>>
    tpu.enqueue_indirect_dma source(%dma_start3A_65 : memref<20480x128xf32, #tpu.memory_space<hbm>>) target(%dma_start3A_59 : memref<128x128xf32, #tpu.memory_space<vmem>>) offsets(%dma_start3A_62 : memref<128xi32, #tpu.memory_space<vmem>>) semaphore(%arg13 : memref<!tpu.dma_semaphore, #tpu.memory_space<semaphore_mem>>)
    %scan3A = arith.constant 0 : i32
    %scan3A_66 = arith.constant 0 : i32
    %scan3A_67 = arith.constant 20 : i32
    %scan3A_68 = arith.addi %scan3A_66, %scan3A_67 : i32
    %scan3A_69 = arith.constant 1 : i32
    %scan3A_70 = scf.for %scan3A_145 = %scan3A_66 to %scan3A_68 step %scan3A_69 iter_args(%scan3A_146 = %scan3A) -> (i32)  : i32 {
      %mul3A_147 = arith.constant 2 : i32
      %mul3A_148 = arith.muli %mul3A_147, %scan3A_145 : i32
      %add3A_149 = arith.constant 1 : i32
      %add3A_150 = arith.addi %mul3A_148, %add3A_149 : i32
      %dma_wait3A = arith.constant 0 : i32
      %dma_wait3A_151 = arith.constant 0 : i32
      %dma_wait3A_152 = arith.constant 0 : i32
      %dma_wait3A_153 = tpu.memref_slice %arg10[%dma_wait3A, %dma_wait3A_151, %dma_wait3A_152] : memref<2x128x128xf32, #tpu.memory_space<vmem>> -> memref<1x128x128xf32, #tpu.memory_space<vmem>>
      %dma_wait3A_154 = tpu.memref_squeeze %dma_wait3A_153 : memref<1x128x128xf32, #tpu.memory_space<vmem>> -> memref<128x128xf32, #tpu.memory_space<vmem>>
      %dma_wait3A_155 = arith.constant 0 : i32
      %dma_wait3A_156 = tpu.memref_slice %arg7[%mul3A_148, %dma_wait3A_155] : memref<40x128xi32, #tpu.memory_space<vmem>> -> memref<1x128xi32, #tpu.memory_space<vmem>>
      %dma_wait3A_157 = tpu.memref_squeeze %dma_wait3A_156 : memref<1x128xi32, #tpu.memory_space<vmem>> -> memref<128xi32, #tpu.memory_space<vmem>>
      %dma_wait3A_158 = arith.constant 0 : i32
      %dma_wait3A_159 = arith.constant 0 : i32
      %dma_wait3A_160 = tpu.memref_slice %arg2[%dma_wait3A_158, %dma_wait3A_159] : memref<20480x128xf32, #tpu.memory_space<hbm>> -> memref<20480x128xf32, #tpu.memory_space<hbm>>
      tpu.wait_indirect_dma semaphore(%arg12 : memref<!tpu.dma_semaphore, #tpu.memory_space<semaphore_mem>>) src(%dma_wait3A_160 : memref<20480x128xf32, #tpu.memory_space<hbm>>) dst(%dma_wait3A_154 : memref<128x128xf32, #tpu.memory_space<vmem>>)
      %dma_start3A_161 = arith.constant 0 : i32
      %dma_start3A_162 = arith.constant 0 : i32
      %dma_start3A_163 = arith.constant 0 : i32
      %dma_start3A_164 = tpu.memref_slice %arg10[%dma_start3A_161, %dma_start3A_162, %dma_start3A_163] : memref<2x128x128xf32, #tpu.memory_space<vmem>> -> memref<1x128x128xf32, #tpu.memory_space<vmem>>
      %dma_start3A_165 = tpu.memref_squeeze %dma_start3A_164 : memref<1x128x128xf32, #tpu.memory_space<vmem>> -> memref<128x128xf32, #tpu.memory_space<vmem>>
      %dma_start3A_166 = arith.constant 0 : i32
      %dma_start3A_167 = tpu.memref_slice %arg8[%mul3A_148, %dma_start3A_166] : memref<40x128xi32, #tpu.memory_space<vmem>> -> memref<1x128xi32, #tpu.memory_space<vmem>>
      %dma_start3A_168 = tpu.memref_squeeze %dma_start3A_167 : memref<1x128xi32, #tpu.memory_space<vmem>> -> memref<128xi32, #tpu.memory_space<vmem>>
      %dma_start3A_169 = arith.constant 0 : i32
      %dma_start3A_170 = arith.constant 0 : i32
      %dma_start3A_171 = tpu.memref_slice %arg11[%dma_start3A_169, %dma_start3A_170] : memref<10240x128xf32, #tpu.memory_space<vmem_shared>> -> memref<10240x128xf32, #tpu.memory_space<vmem_shared>>
      tpu.enqueue_indirect_dma source(%dma_start3A_165 : memref<128x128xf32, #tpu.memory_space<vmem>>) target(%dma_start3A_171 : memref<10240x128xf32, #tpu.memory_space<vmem_shared>>) offsets(%dma_start3A_168 : memref<128xi32, #tpu.memory_space<vmem>>) semaphore(%arg14 : memref<!tpu.dma_semaphore, #tpu.memory_space<semaphore_mem>>) {add = true}
      %dma_wait3A_172 = arith.constant 1 : i32
      %dma_wait3A_173 = arith.constant 0 : i32
      %dma_wait3A_174 = arith.constant 0 : i32
      %dma_wait3A_175 = tpu.memref_slice %arg10[%dma_wait3A_172, %dma_wait3A_173, %dma_wait3A_174] : memref<2x128x128xf32, #tpu.memory_space<vmem>> -> memref<1x128x128xf32, #tpu.memory_space<vmem>>
      %dma_wait3A_176 = tpu.memref_squeeze %dma_wait3A_175 : memref<1x128x128xf32, #tpu.memory_space<vmem>> -> memref<128x128xf32, #tpu.memory_space<vmem>>
      %dma_wait3A_177 = arith.constant 0 : i32
      %dma_wait3A_178 = tpu.memref_slice %arg7[%add3A_150, %dma_wait3A_177] : memref<40x128xi32, #tpu.memory_space<vmem>> -> memref<1x128xi32, #tpu.memory_space<vmem>>
      %dma_wait3A_179 = tpu.memref_squeeze %dma_wait3A_178 : memref<1x128xi32, #tpu.memory_space<vmem>> -> memref<128xi32, #tpu.memory_space<vmem>>
      %dma_wait3A_180 = arith.constant 0 : i32
      %dma_wait3A_181 = arith.constant 0 : i32
      %dma_wait3A_182 = tpu.memref_slice %arg2[%dma_wait3A_180, %dma_wait3A_181] : memref<20480x128xf32, #tpu.memory_space<hbm>> -> memref<20480x128xf32, #tpu.memory_space<hbm>>
      tpu.wait_indirect_dma semaphore(%arg13 : memref<!tpu.dma_semaphore, #tpu.memory_space<semaphore_mem>>) src(%dma_wait3A_182 : memref<20480x128xf32, #tpu.memory_space<hbm>>) dst(%dma_wait3A_176 : memref<128x128xf32, #tpu.memory_space<vmem>>)
      %dma_start3A_183 = arith.constant 1 : i32
      %dma_start3A_184 = arith.constant 0 : i32
      %dma_start3A_185 = arith.constant 0 : i32
      %dma_start3A_186 = tpu.memref_slice %arg10[%dma_start3A_183, %dma_start3A_184, %dma_start3A_185] : memref<2x128x128xf32, #tpu.memory_space<vmem>> -> memref<1x128x128xf32, #tpu.memory_space<vmem>>
      %dma_start3A_187 = tpu.memref_squeeze %dma_start3A_186 : memref<1x128x128xf32, #tpu.memory_space<vmem>> -> memref<128x128xf32, #tpu.memory_space<vmem>>
      %dma_start3A_188 = arith.constant 0 : i32
      %dma_start3A_189 = tpu.memref_slice %arg8[%add3A_150, %dma_start3A_188] : memref<40x128xi32, #tpu.memory_space<vmem>> -> memref<1x128xi32, #tpu.memory_space<vmem>>
      %dma_start3A_190 = tpu.memref_squeeze %dma_start3A_189 : memref<1x128xi32, #tpu.memory_space<vmem>> -> memref<128xi32, #tpu.memory_space<vmem>>
      %dma_start3A_191 = arith.constant 0 : i32
      %dma_start3A_192 = arith.constant 0 : i32
      %dma_start3A_193 = tpu.memref_slice %arg11[%dma_start3A_191, %dma_start3A_192] : memref<10240x128xf32, #tpu.memory_space<vmem_shared>> -> memref<10240x128xf32, #tpu.memory_space<vmem_shared>>
      tpu.enqueue_indirect_dma source(%dma_start3A_187 : memref<128x128xf32, #tpu.memory_space<vmem>>) target(%dma_start3A_193 : memref<10240x128xf32, #tpu.memory_space<vmem_shared>>) offsets(%dma_start3A_190 : memref<128xi32, #tpu.memory_space<vmem>>) semaphore(%arg15 : memref<!tpu.dma_semaphore, #tpu.memory_space<semaphore_mem>>) {add = true}
      %dma_wait3A_194 = arith.constant 0 : i32
      %dma_wait3A_195 = arith.constant 0 : i32
      %dma_wait3A_196 = arith.constant 0 : i32
      %dma_wait3A_197 = tpu.memref_slice %arg10[%dma_wait3A_194, %dma_wait3A_195, %dma_wait3A_196] : memref<2x128x128xf32, #tpu.memory_space<vmem>> -> memref<1x128x128xf32, #tpu.memory_space<vmem>>
      %dma_wait3A_198 = tpu.memref_squeeze %dma_wait3A_197 : memref<1x128x128xf32, #tpu.memory_space<vmem>> -> memref<128x128xf32, #tpu.memory_space<vmem>>
      %dma_wait3A_199 = arith.constant 0 : i32
      %dma_wait3A_200 = tpu.memref_slice %arg8[%mul3A_148, %dma_wait3A_199] : memref<40x128xi32, #tpu.memory_space<vmem>> -> memref<1x128xi32, #tpu.memory_space<vmem>>
      %dma_wait3A_201 = tpu.memref_squeeze %dma_wait3A_200 : memref<1x128xi32, #tpu.memory_space<vmem>> -> memref<128xi32, #tpu.memory_space<vmem>>
      %dma_wait3A_202 = arith.constant 0 : i32
      %dma_wait3A_203 = arith.constant 0 : i32
      %dma_wait3A_204 = tpu.memref_slice %arg11[%dma_wait3A_202, %dma_wait3A_203] : memref<10240x128xf32, #tpu.memory_space<vmem_shared>> -> memref<10240x128xf32, #tpu.memory_space<vmem_shared>>
      tpu.wait_indirect_dma semaphore(%arg14 : memref<!tpu.dma_semaphore, #tpu.memory_space<semaphore_mem>>) src(%dma_wait3A_198 : memref<128x128xf32, #tpu.memory_space<vmem>>) dst(%dma_wait3A_204 : memref<10240x128xf32, #tpu.memory_space<vmem_shared>>)
      %add3A_205 = arith.constant 1 : i32
      %add3A_206 = arith.addi %scan3A_145, %add3A_205 : i32
      %lt3A = arith.constant 20 : i32
      %lt3A_207 = arith.cmpi slt, %add3A_206, %lt3A : i32
      %convert_element_type3A = arith.extui %lt3A_207 : i1 to i32
      %cond3A = arith.constant 0 : i32
      %cond3A_208 = arith.cmpi ne, %convert_element_type3A, %cond3A : i32
      scf.if %cond3A_208 {
        %add3A_228 = arith.constant 2 : i32
        %add3A_229 = arith.addi %mul3A_148, %add3A_228 : i32
        %dma_start3A_230 = arith.constant 0 : i32
        %dma_start3A_231 = arith.constant 0 : i32
        %dma_start3A_232 = arith.constant 0 : i32
        %dma_start3A_233 = tpu.memref_slice %arg10[%dma_start3A_230, %dma_start3A_231, %dma_start3A_232] : memref<2x128x128xf32, #tpu.memory_space<vmem>> -> memref<1x128x128xf32, #tpu.memory_space<vmem>>
        %dma_start3A_234 = tpu.memref_squeeze %dma_start3A_233 : memref<1x128x128xf32, #tpu.memory_space<vmem>> -> memref<128x128xf32, #tpu.memory_space<vmem>>
        %dma_start3A_235 = arith.constant 0 : i32
        %dma_start3A_236 = tpu.memref_slice %arg7[%add3A_229, %dma_start3A_235] : memref<40x128xi32, #tpu.memory_space<vmem>> -> memref<1x128xi32, #tpu.memory_space<vmem>>
        %dma_start3A_237 = tpu.memref_squeeze %dma_start3A_236 : memref<1x128xi32, #tpu.memory_space<vmem>> -> memref<128xi32, #tpu.memory_space<vmem>>
        %dma_start3A_238 = arith.constant 0 : i32
        %dma_start3A_239 = arith.constant 0 : i32
        %dma_start3A_240 = tpu.memref_slice %arg2[%dma_start3A_238, %dma_start3A_239] : memref<20480x128xf32, #tpu.memory_space<hbm>> -> memref<20480x128xf32, #tpu.memory_space<hbm>>
        tpu.enqueue_indirect_dma source(%dma_start3A_240 : memref<20480x128xf32, #tpu.memory_space<hbm>>) target(%dma_start3A_234 : memref<128x128xf32, #tpu.memory_space<vmem>>) offsets(%dma_start3A_237 : memref<128xi32, #tpu.memory_space<vmem>>) semaphore(%arg12 : memref<!tpu.dma_semaphore, #tpu.memory_space<semaphore_mem>>)
      } else {
      }
      %dma_wait3A_209 = arith.constant 1 : i32
      %dma_wait3A_210 = arith.constant 0 : i32
      %dma_wait3A_211 = arith.constant 0 : i32
      %dma_wait3A_212 = tpu.memref_slice %arg10[%dma_wait3A_209, %dma_wait3A_210, %dma_wait3A_211] : memref<2x128x128xf32, #tpu.memory_space<vmem>> -> memref<1x128x128xf32, #tpu.memory_space<vmem>>
      %dma_wait3A_213 = tpu.memref_squeeze %dma_wait3A_212 : memref<1x128x128xf32, #tpu.memory_space<vmem>> -> memref<128x128xf32, #tpu.memory_space<vmem>>
      %dma_wait3A_214 = arith.constant 0 : i32
      %dma_wait3A_215 = tpu.memref_slice %arg8[%add3A_150, %dma_wait3A_214] : memref<40x128xi32, #tpu.memory_space<vmem>> -> memref<1x128xi32, #tpu.memory_space<vmem>>
      %dma_wait3A_216 = tpu.memref_squeeze %dma_wait3A_215 : memref<1x128xi32, #tpu.memory_space<vmem>> -> memref<128xi32, #tpu.memory_space<vmem>>
      %dma_wait3A_217 = arith.constant 0 : i32
      %dma_wait3A_218 = arith.constant 0 : i32
      %dma_wait3A_219 = tpu.memref_slice %arg11[%dma_wait3A_217, %dma_wait3A_218] : memref<10240x128xf32, #tpu.memory_space<vmem_shared>> -> memref<10240x128xf32, #tpu.memory_space<vmem_shared>>
      tpu.wait_indirect_dma semaphore(%arg15 : memref<!tpu.dma_semaphore, #tpu.memory_space<semaphore_mem>>) src(%dma_wait3A_213 : memref<128x128xf32, #tpu.memory_space<vmem>>) dst(%dma_wait3A_219 : memref<10240x128xf32, #tpu.memory_space<vmem_shared>>)
      %add3A_220 = arith.constant 1 : i32
      %add3A_221 = arith.addi %scan3A_145, %add3A_220 : i32
      %lt3A_222 = arith.constant 20 : i32
      %lt3A_223 = arith.cmpi slt, %add3A_221, %lt3A_222 : i32
      %convert_element_type3A_224 = arith.extui %lt3A_223 : i1 to i32
      %cond3A_225 = arith.constant 0 : i32
      %cond3A_226 = arith.cmpi ne, %convert_element_type3A_224, %cond3A_225 : i32
      scf.if %cond3A_226 {
        %add3A_228 = arith.constant 2 : i32
        %add3A_229 = arith.addi %add3A_150, %add3A_228 : i32
        %dma_start3A_230 = arith.constant 1 : i32
        %dma_start3A_231 = arith.constant 0 : i32
        %dma_start3A_232 = arith.constant 0 : i32
        %dma_start3A_233 = tpu.memref_slice %arg10[%dma_start3A_230, %dma_start3A_231, %dma_start3A_232] : memref<2x128x128xf32, #tpu.memory_space<vmem>> -> memref<1x128x128xf32, #tpu.memory_space<vmem>>
        %dma_start3A_234 = tpu.memref_squeeze %dma_start3A_233 : memref<1x128x128xf32, #tpu.memory_space<vmem>> -> memref<128x128xf32, #tpu.memory_space<vmem>>
        %dma_start3A_235 = arith.constant 0 : i32
        %dma_start3A_236 = tpu.memref_slice %arg7[%add3A_229, %dma_start3A_235] : memref<40x128xi32, #tpu.memory_space<vmem>> -> memref<1x128xi32, #tpu.memory_space<vmem>>
        %dma_start3A_237 = tpu.memref_squeeze %dma_start3A_236 : memref<1x128xi32, #tpu.memory_space<vmem>> -> memref<128xi32, #tpu.memory_space<vmem>>
        %dma_start3A_238 = arith.constant 0 : i32
        %dma_start3A_239 = arith.constant 0 : i32
        %dma_start3A_240 = tpu.memref_slice %arg2[%dma_start3A_238, %dma_start3A_239] : memref<20480x128xf32, #tpu.memory_space<hbm>> -> memref<20480x128xf32, #tpu.memory_space<hbm>>
        tpu.enqueue_indirect_dma source(%dma_start3A_240 : memref<20480x128xf32, #tpu.memory_space<hbm>>) target(%dma_start3A_234 : memref<128x128xf32, #tpu.memory_space<vmem>>) offsets(%dma_start3A_237 : memref<128xi32, #tpu.memory_space<vmem>>) semaphore(%arg13 : memref<!tpu.dma_semaphore, #tpu.memory_space<semaphore_mem>>)
      } else {
      }
      %scan3A_227 = arith.constant 0 : i32
      scf.yield %scan3A_227 : i32
    }
    %scan3A_71 = arith.constant 20 : i32
    "tpu.region"() ({
      %run_scoped3A_145 = tpu.sem_alloc : memref<!tpu.dma_semaphore, #tpu.memory_space<semaphore_mem>>
      %dma_start3A_146 = arith.constant 40 : i32
      %dma_start3A_147 = arith.constant 0 : i32
      %dma_start3A_148 = tpu.memref_slice %arg3[%add3A_1, %arg1, %dma_start3A_146, %dma_start3A_147] : memref<2x16x80x128xi32, #tpu.memory_space<hbm>> -> memref<1x1x40x128xi32, #tpu.memory_space<hbm>>
      %dma_start3A_149 = tpu.memref_squeeze %dma_start3A_148 : memref<1x1x40x128xi32, #tpu.memory_space<hbm>> -> memref<40x128xi32, #tpu.memory_space<hbm>>
      %dma_start3A_150 = arith.constant 40 : i32
      %dma_start3A_151 = arith.constant 0 : i32
      %dma_start3A_152 = tpu.memref_slice %arg3[%add3A_1, %arg1, %dma_start3A_150, %dma_start3A_151] : memref<2x16x80x128xi32, #tpu.memory_space<hbm>> -> memref<1x1x40x128xi32, #tpu.memory_space<hbm>>
      %dma_start3A_153 = tpu.memref_squeeze %dma_start3A_152 : memref<1x1x40x128xi32, #tpu.memory_space<hbm>> -> memref<40x128xi32, #tpu.memory_space<hbm>>
      tpu.enqueue_dma source(%dma_start3A_153 : memref<40x128xi32, #tpu.memory_space<hbm>>) target(%arg7 : memref<40x128xi32, #tpu.memory_space<vmem>>) target_semaphore(%run_scoped3A_145 : memref<!tpu.dma_semaphore, #tpu.memory_space<semaphore_mem>>)
      %dma_wait3A = arith.constant 40 : i32
      %dma_wait3A_154 = arith.constant 0 : i32
      %dma_wait3A_155 = tpu.memref_slice %arg3[%add3A_1, %arg1, %dma_wait3A, %dma_wait3A_154] : memref<2x16x80x128xi32, #tpu.memory_space<hbm>> -> memref<1x1x40x128xi32, #tpu.memory_space<hbm>>
      %dma_wait3A_156 = tpu.memref_squeeze %dma_wait3A_155 : memref<1x1x40x128xi32, #tpu.memory_space<hbm>> -> memref<40x128xi32, #tpu.memory_space<hbm>>
      %dma_wait3A_157 = arith.constant 40 : i32
      %dma_wait3A_158 = arith.constant 0 : i32
      %dma_wait3A_159 = tpu.memref_slice %arg3[%add3A_1, %arg1, %dma_wait3A_157, %dma_wait3A_158] : memref<2x16x80x128xi32, #tpu.memory_space<hbm>> -> memref<1x1x40x128xi32, #tpu.memory_space<hbm>>
      %dma_wait3A_160 = tpu.memref_squeeze %dma_wait3A_159 : memref<1x1x40x128xi32, #tpu.memory_space<hbm>> -> memref<40x128xi32, #tpu.memory_space<hbm>>
      tpu.wait_dma2 semaphore(%run_scoped3A_145 : memref<!tpu.dma_semaphore, #tpu.memory_space<semaphore_mem>>) src(%dma_wait3A_160 : memref<40x128xi32, #tpu.memory_space<hbm>>) dst(%arg7 : memref<40x128xi32, #tpu.memory_space<vmem>>)
      tpu.yield
    }) : () -> ()
    "tpu.region"() ({
      %run_scoped3A_145 = tpu.sem_alloc : memref<!tpu.dma_semaphore, #tpu.memory_space<semaphore_mem>>
      %dma_start3A_146 = arith.constant 40 : i32
      %dma_start3A_147 = arith.constant 0 : i32
      %dma_start3A_148 = tpu.memref_slice %arg4[%arg1, %dma_start3A_146, %dma_start3A_147] : memref<16x80x128xi32, #tpu.memory_space<hbm>> -> memref<1x40x128xi32, #tpu.memory_space<hbm>>
      %dma_start3A_149 = tpu.memref_squeeze %dma_start3A_148 : memref<1x40x128xi32, #tpu.memory_space<hbm>> -> memref<40x128xi32, #tpu.memory_space<hbm>>
      %dma_start3A_150 = arith.constant 40 : i32
      %dma_start3A_151 = arith.constant 0 : i32
      %dma_start3A_152 = tpu.memref_slice %arg4[%arg1, %dma_start3A_150, %dma_start3A_151] : memref<16x80x128xi32, #tpu.memory_space<hbm>> -> memref<1x40x128xi32, #tpu.memory_space<hbm>>
      %dma_start3A_153 = tpu.memref_squeeze %dma_start3A_152 : memref<1x40x128xi32, #tpu.memory_space<hbm>> -> memref<40x128xi32, #tpu.memory_space<hbm>>
      tpu.enqueue_dma source(%dma_start3A_153 : memref<40x128xi32, #tpu.memory_space<hbm>>) target(%arg8 : memref<40x128xi32, #tpu.memory_space<vmem>>) target_semaphore(%run_scoped3A_145 : memref<!tpu.dma_semaphore, #tpu.memory_space<semaphore_mem>>)
      %dma_wait3A = arith.constant 40 : i32
      %dma_wait3A_154 = arith.constant 0 : i32
      %dma_wait3A_155 = tpu.memref_slice %arg4[%arg1, %dma_wait3A, %dma_wait3A_154] : memref<16x80x128xi32, #tpu.memory_space<hbm>> -> memref<1x40x128xi32, #tpu.memory_space<hbm>>
      %dma_wait3A_156 = tpu.memref_squeeze %dma_wait3A_155 : memref<1x40x128xi32, #tpu.memory_space<hbm>> -> memref<40x128xi32, #tpu.memory_space<hbm>>
      %dma_wait3A_157 = arith.constant 40 : i32
      %dma_wait3A_158 = arith.constant 0 : i32
      %dma_wait3A_159 = tpu.memref_slice %arg4[%arg1, %dma_wait3A_157, %dma_wait3A_158] : memref<16x80x128xi32, #tpu.memory_space<hbm>> -> memref<1x40x128xi32, #tpu.memory_space<hbm>>
      %dma_wait3A_160 = tpu.memref_squeeze %dma_wait3A_159 : memref<1x40x128xi32, #tpu.memory_space<hbm>> -> memref<40x128xi32, #tpu.memory_space<hbm>>
      tpu.wait_dma2 semaphore(%run_scoped3A_145 : memref<!tpu.dma_semaphore, #tpu.memory_space<semaphore_mem>>) src(%dma_wait3A_160 : memref<40x128xi32, #tpu.memory_space<hbm>>) dst(%arg8 : memref<40x128xi32, #tpu.memory_space<vmem>>)
      tpu.yield
    }) : () -> ()
    %dma_start3A_72 = arith.constant 0 : i32
    %dma_start3A_73 = arith.constant 0 : i32
    %dma_start3A_74 = arith.constant 0 : i32
    %dma_start3A_75 = arith.constant 0 : i32
    %dma_start3A_76 = tpu.memref_slice %arg10[%dma_start3A_73, %dma_start3A_74, %dma_start3A_75] : memref<2x128x128xf32, #tpu.memory_space<vmem>> -> memref<1x128x128xf32, #tpu.memory_space<vmem>>
    %dma_start3A_77 = tpu.memref_squeeze %dma_start3A_76 : memref<1x128x128xf32, #tpu.memory_space<vmem>> -> memref<128x128xf32, #tpu.memory_space<vmem>>
    %dma_start3A_78 = arith.constant 0 : i32
    %dma_start3A_79 = tpu.memref_slice %arg7[%dma_start3A_72, %dma_start3A_78] : memref<40x128xi32, #tpu.memory_space<vmem>> -> memref<1x128xi32, #tpu.memory_space<vmem>>
    %dma_start3A_80 = tpu.memref_squeeze %dma_start3A_79 : memref<1x128xi32, #tpu.memory_space<vmem>> -> memref<128xi32, #tpu.memory_space<vmem>>
    %dma_start3A_81 = arith.constant 0 : i32
    %dma_start3A_82 = arith.constant 0 : i32
    %dma_start3A_83 = tpu.memref_slice %arg2[%dma_start3A_81, %dma_start3A_82] : memref<20480x128xf32, #tpu.memory_space<hbm>> -> memref<20480x128xf32, #tpu.memory_space<hbm>>
    tpu.enqueue_indirect_dma source(%dma_start3A_83 : memref<20480x128xf32, #tpu.memory_space<hbm>>) target(%dma_start3A_77 : memref<128x128xf32, #tpu.memory_space<vmem>>) offsets(%dma_start3A_80 : memref<128xi32, #tpu.memory_space<vmem>>) semaphore(%arg12 : memref<!tpu.dma_semaphore, #tpu.memory_space<semaphore_mem>>)
    %dma_start3A_84 = arith.constant 1 : i32
    %dma_start3A_85 = arith.constant 1 : i32
    %dma_start3A_86 = arith.constant 0 : i32
    %dma_start3A_87 = arith.constant 0 : i32
    %dma_start3A_88 = tpu.memref_slice %arg10[%dma_start3A_85, %dma_start3A_86, %dma_start3A_87] : memref<2x128x128xf32, #tpu.memory_space<vmem>> -> memref<1x128x128xf32, #tpu.memory_space<vmem>>
    %dma_start3A_89 = tpu.memref_squeeze %dma_start3A_88 : memref<1x128x128xf32, #tpu.memory_space<vmem>> -> memref<128x128xf32, #tpu.memory_space<vmem>>
    %dma_start3A_90 = arith.constant 0 : i32
    %dma_start3A_91 = tpu.memref_slice %arg7[%dma_start3A_84, %dma_start3A_90] : memref<40x128xi32, #tpu.memory_space<vmem>> -> memref<1x128xi32, #tpu.memory_space<vmem>>
    %dma_start3A_92 = tpu.memref_squeeze %dma_start3A_91 : memref<1x128xi32, #tpu.memory_space<vmem>> -> memref<128xi32, #tpu.memory_space<vmem>>
    %dma_start3A_93 = arith.constant 0 : i32
    %dma_start3A_94 = arith.constant 0 : i32
    %dma_start3A_95 = tpu.memref_slice %arg2[%dma_start3A_93, %dma_start3A_94] : memref<20480x128xf32, #tpu.memory_space<hbm>> -> memref<20480x128xf32, #tpu.memory_space<hbm>>
    tpu.enqueue_indirect_dma source(%dma_start3A_95 : memref<20480x128xf32, #tpu.memory_space<hbm>>) target(%dma_start3A_89 : memref<128x128xf32, #tpu.memory_space<vmem>>) offsets(%dma_start3A_92 : memref<128xi32, #tpu.memory_space<vmem>>) semaphore(%arg13 : memref<!tpu.dma_semaphore, #tpu.memory_space<semaphore_mem>>)
    %scan3A_96 = arith.constant 0 : i32
    %scan3A_97 = arith.constant 0 : i32
    %scan3A_98 = arith.constant 20 : i32
    %scan3A_99 = arith.addi %scan3A_97, %scan3A_98 : i32
    %scan3A_100 = arith.constant 1 : i32
    %scan3A_101 = scf.for %scan3A_145 = %scan3A_97 to %scan3A_99 step %scan3A_100 iter_args(%scan3A_146 = %scan3A_96) -> (i32)  : i32 {
      %mul3A_147 = arith.constant 2 : i32
      %mul3A_148 = arith.muli %mul3A_147, %scan3A_145 : i32
      %add3A_149 = arith.constant 1 : i32
      %add3A_150 = arith.addi %mul3A_148, %add3A_149 : i32
      %dma_wait3A = arith.constant 0 : i32
      %dma_wait3A_151 = arith.constant 0 : i32
      %dma_wait3A_152 = arith.constant 0 : i32
      %dma_wait3A_153 = tpu.memref_slice %arg10[%dma_wait3A, %dma_wait3A_151, %dma_wait3A_152] : memref<2x128x128xf32, #tpu.memory_space<vmem>> -> memref<1x128x128xf32, #tpu.memory_space<vmem>>
      %dma_wait3A_154 = tpu.memref_squeeze %dma_wait3A_153 : memref<1x128x128xf32, #tpu.memory_space<vmem>> -> memref<128x128xf32, #tpu.memory_space<vmem>>
      %dma_wait3A_155 = arith.constant 0 : i32
      %dma_wait3A_156 = tpu.memref_slice %arg7[%mul3A_148, %dma_wait3A_155] : memref<40x128xi32, #tpu.memory_space<vmem>> -> memref<1x128xi32, #tpu.memory_space<vmem>>
      %dma_wait3A_157 = tpu.memref_squeeze %dma_wait3A_156 : memref<1x128xi32, #tpu.memory_space<vmem>> -> memref<128xi32, #tpu.memory_space<vmem>>
      %dma_wait3A_158 = arith.constant 0 : i32
      %dma_wait3A_159 = arith.constant 0 : i32
      %dma_wait3A_160 = tpu.memref_slice %arg2[%dma_wait3A_158, %dma_wait3A_159] : memref<20480x128xf32, #tpu.memory_space<hbm>> -> memref<20480x128xf32, #tpu.memory_space<hbm>>
      tpu.wait_indirect_dma semaphore(%arg12 : memref<!tpu.dma_semaphore, #tpu.memory_space<semaphore_mem>>) src(%dma_wait3A_160 : memref<20480x128xf32, #tpu.memory_space<hbm>>) dst(%dma_wait3A_154 : memref<128x128xf32, #tpu.memory_space<vmem>>)
      %dma_start3A_161 = arith.constant 0 : i32
      %dma_start3A_162 = arith.constant 0 : i32
      %dma_start3A_163 = arith.constant 0 : i32
      %dma_start3A_164 = tpu.memref_slice %arg10[%dma_start3A_161, %dma_start3A_162, %dma_start3A_163] : memref<2x128x128xf32, #tpu.memory_space<vmem>> -> memref<1x128x128xf32, #tpu.memory_space<vmem>>
      %dma_start3A_165 = tpu.memref_squeeze %dma_start3A_164 : memref<1x128x128xf32, #tpu.memory_space<vmem>> -> memref<128x128xf32, #tpu.memory_space<vmem>>
      %dma_start3A_166 = arith.constant 0 : i32
      %dma_start3A_167 = tpu.memref_slice %arg8[%mul3A_148, %dma_start3A_166] : memref<40x128xi32, #tpu.memory_space<vmem>> -> memref<1x128xi32, #tpu.memory_space<vmem>>
      %dma_start3A_168 = tpu.memref_squeeze %dma_start3A_167 : memref<1x128xi32, #tpu.memory_space<vmem>> -> memref<128xi32, #tpu.memory_space<vmem>>
      %dma_start3A_169 = arith.constant 0 : i32
      %dma_start3A_170 = arith.constant 0 : i32
      %dma_start3A_171 = tpu.memref_slice %arg11[%dma_start3A_169, %dma_start3A_170] : memref<10240x128xf32, #tpu.memory_space<vmem_shared>> -> memref<10240x128xf32, #tpu.memory_space<vmem_shared>>
      tpu.enqueue_indirect_dma source(%dma_start3A_165 : memref<128x128xf32, #tpu.memory_space<vmem>>) target(%dma_start3A_171 : memref<10240x128xf32, #tpu.memory_space<vmem_shared>>) offsets(%dma_start3A_168 : memref<128xi32, #tpu.memory_space<vmem>>) semaphore(%arg14 : memref<!tpu.dma_semaphore, #tpu.memory_space<semaphore_mem>>) {add = true}
      %dma_wait3A_172 = arith.constant 1 : i32
      %dma_wait3A_173 = arith.constant 0 : i32
      %dma_wait3A_174 = arith.constant 0 : i32
      %dma_wait3A_175 = tpu.memref_slice %arg10[%dma_wait3A_172, %dma_wait3A_173, %dma_wait3A_174] : memref<2x128x128xf32, #tpu.memory_space<vmem>> -> memref<1x128x128xf32, #tpu.memory_space<vmem>>
      %dma_wait3A_176 = tpu.memref_squeeze %dma_wait3A_175 : memref<1x128x128xf32, #tpu.memory_space<vmem>> -> memref<128x128xf32, #tpu.memory_space<vmem>>
      %dma_wait3A_177 = arith.constant 0 : i32
      %dma_wait3A_178 = tpu.memref_slice %arg7[%add3A_150, %dma_wait3A_177] : memref<40x128xi32, #tpu.memory_space<vmem>> -> memref<1x128xi32, #tpu.memory_space<vmem>>
      %dma_wait3A_179 = tpu.memref_squeeze %dma_wait3A_178 : memref<1x128xi32, #tpu.memory_space<vmem>> -> memref<128xi32, #tpu.memory_space<vmem>>
      %dma_wait3A_180 = arith.constant 0 : i32
      %dma_wait3A_181 = arith.constant 0 : i32
      %dma_wait3A_182 = tpu.memref_slice %arg2[%dma_wait3A_180, %dma_wait3A_181] : memref<20480x128xf32, #tpu.memory_space<hbm>> -> memref<20480x128xf32, #tpu.memory_space<hbm>>
      tpu.wait_indirect_dma semaphore(%arg13 : memref<!tpu.dma_semaphore, #tpu.memory_space<semaphore_mem>>) src(%dma_wait3A_182 : memref<20480x128xf32, #tpu.memory_space<hbm>>) dst(%dma_wait3A_176 : memref<128x128xf32, #tpu.memory_space<vmem>>)
      %dma_start3A_183 = arith.constant 1 : i32
      %dma_start3A_184 = arith.constant 0 : i32
      %dma_start3A_185 = arith.constant 0 : i32
      %dma_start3A_186 = tpu.memref_slice %arg10[%dma_start3A_183, %dma_start3A_184, %dma_start3A_185] : memref<2x128x128xf32, #tpu.memory_space<vmem>> -> memref<1x128x128xf32, #tpu.memory_space<vmem>>
      %dma_start3A_187 = tpu.memref_squeeze %dma_start3A_186 : memref<1x128x128xf32, #tpu.memory_space<vmem>> -> memref<128x128xf32, #tpu.memory_space<vmem>>
      %dma_start3A_188 = arith.constant 0 : i32
      %dma_start3A_189 = tpu.memref_slice %arg8[%add3A_150, %dma_start3A_188] : memref<40x128xi32, #tpu.memory_space<vmem>> -> memref<1x128xi32, #tpu.memory_space<vmem>>
      %dma_start3A_190 = tpu.memref_squeeze %dma_start3A_189 : memref<1x128xi32, #tpu.memory_space<vmem>> -> memref<128xi32, #tpu.memory_space<vmem>>
      %dma_start3A_191 = arith.constant 0 : i32
      %dma_start3A_192 = arith.constant 0 : i32
      %dma_start3A_193 = tpu.memref_slice %arg11[%dma_start3A_191, %dma_start3A_192] : memref<10240x128xf32, #tpu.memory_space<vmem_shared>> -> memref<10240x128xf32, #tpu.memory_space<vmem_shared>>
      tpu.enqueue_indirect_dma source(%dma_start3A_187 : memref<128x128xf32, #tpu.memory_space<vmem>>) target(%dma_start3A_193 : memref<10240x128xf32, #tpu.memory_space<vmem_shared>>) offsets(%dma_start3A_190 : memref<128xi32, #tpu.memory_space<vmem>>) semaphore(%arg15 : memref<!tpu.dma_semaphore, #tpu.memory_space<semaphore_mem>>) {add = true}
      %dma_wait3A_194 = arith.constant 0 : i32
      %dma_wait3A_195 = arith.constant 0 : i32
      %dma_wait3A_196 = arith.constant 0 : i32
      %dma_wait3A_197 = tpu.memref_slice %arg10[%dma_wait3A_194, %dma_wait3A_195, %dma_wait3A_196] : memref<2x128x128xf32, #tpu.memory_space<vmem>> -> memref<1x128x128xf32, #tpu.memory_space<vmem>>
      %dma_wait3A_198 = tpu.memref_squeeze %dma_wait3A_197 : memref<1x128x128xf32, #tpu.memory_space<vmem>> -> memref<128x128xf32, #tpu.memory_space<vmem>>
      %dma_wait3A_199 = arith.constant 0 : i32
      %dma_wait3A_200 = tpu.memref_slice %arg8[%mul3A_148, %dma_wait3A_199] : memref<40x128xi32, #tpu.memory_space<vmem>> -> memref<1x128xi32, #tpu.memory_space<vmem>>
      %dma_wait3A_201 = tpu.memref_squeeze %dma_wait3A_200 : memref<1x128xi32, #tpu.memory_space<vmem>> -> memref<128xi32, #tpu.memory_space<vmem>>
      %dma_wait3A_202 = arith.constant 0 : i32
      %dma_wait3A_203 = arith.constant 0 : i32
      %dma_wait3A_204 = tpu.memref_slice %arg11[%dma_wait3A_202, %dma_wait3A_203] : memref<10240x128xf32, #tpu.memory_space<vmem_shared>> -> memref<10240x128xf32, #tpu.memory_space<vmem_shared>>
      tpu.wait_indirect_dma semaphore(%arg14 : memref<!tpu.dma_semaphore, #tpu.memory_space<semaphore_mem>>) src(%dma_wait3A_198 : memref<128x128xf32, #tpu.memory_space<vmem>>) dst(%dma_wait3A_204 : memref<10240x128xf32, #tpu.memory_space<vmem_shared>>)
      %add3A_205 = arith.constant 1 : i32
      %add3A_206 = arith.addi %scan3A_145, %add3A_205 : i32
      %lt3A = arith.constant 20 : i32
      %lt3A_207 = arith.cmpi slt, %add3A_206, %lt3A : i32
      %convert_element_type3A = arith.extui %lt3A_207 : i1 to i32
      %cond3A = arith.constant 0 : i32
      %cond3A_208 = arith.cmpi ne, %convert_element_type3A, %cond3A : i32
      scf.if %cond3A_208 {
        %add3A_228 = arith.constant 2 : i32
        %add3A_229 = arith.addi %mul3A_148, %add3A_228 : i32
        %dma_start3A_230 = arith.constant 0 : i32
        %dma_start3A_231 = arith.constant 0 : i32
        %dma_start3A_232 = arith.constant 0 : i32
        %dma_start3A_233 = tpu.memref_slice %arg10[%dma_start3A_230, %dma_start3A_231, %dma_start3A_232] : memref<2x128x128xf32, #tpu.memory_space<vmem>> -> memref<1x128x128xf32, #tpu.memory_space<vmem>>
        %dma_start3A_234 = tpu.memref_squeeze %dma_start3A_233 : memref<1x128x128xf32, #tpu.memory_space<vmem>> -> memref<128x128xf32, #tpu.memory_space<vmem>>
        %dma_start3A_235 = arith.constant 0 : i32
        %dma_start3A_236 = tpu.memref_slice %arg7[%add3A_229, %dma_start3A_235] : memref<40x128xi32, #tpu.memory_space<vmem>> -> memref<1x128xi32, #tpu.memory_space<vmem>>
        %dma_start3A_237 = tpu.memref_squeeze %dma_start3A_236 : memref<1x128xi32, #tpu.memory_space<vmem>> -> memref<128xi32, #tpu.memory_space<vmem>>
        %dma_start3A_238 = arith.constant 0 : i32
        %dma_start3A_239 = arith.constant 0 : i32
        %dma_start3A_240 = tpu.memref_slice %arg2[%dma_start3A_238, %dma_start3A_239] : memref<20480x128xf32, #tpu.memory_space<hbm>> -> memref<20480x128xf32, #tpu.memory_space<hbm>>
        tpu.enqueue_indirect_dma source(%dma_start3A_240 : memref<20480x128xf32, #tpu.memory_space<hbm>>) target(%dma_start3A_234 : memref<128x128xf32, #tpu.memory_space<vmem>>) offsets(%dma_start3A_237 : memref<128xi32, #tpu.memory_space<vmem>>) semaphore(%arg12 : memref<!tpu.dma_semaphore, #tpu.memory_space<semaphore_mem>>)
      } else {
      }
      %dma_wait3A_209 = arith.constant 1 : i32
      %dma_wait3A_210 = arith.constant 0 : i32
      %dma_wait3A_211 = arith.constant 0 : i32
      %dma_wait3A_212 = tpu.memref_slice %arg10[%dma_wait3A_209, %dma_wait3A_210, %dma_wait3A_211] : memref<2x128x128xf32, #tpu.memory_space<vmem>> -> memref<1x128x128xf32, #tpu.memory_space<vmem>>
      %dma_wait3A_213 = tpu.memref_squeeze %dma_wait3A_212 : memref<1x128x128xf32, #tpu.memory_space<vmem>> -> memref<128x128xf32, #tpu.memory_space<vmem>>
      %dma_wait3A_214 = arith.constant 0 : i32
      %dma_wait3A_215 = tpu.memref_slice %arg8[%add3A_150, %dma_wait3A_214] : memref<40x128xi32, #tpu.memory_space<vmem>> -> memref<1x128xi32, #tpu.memory_space<vmem>>
      %dma_wait3A_216 = tpu.memref_squeeze %dma_wait3A_215 : memref<1x128xi32, #tpu.memory_space<vmem>> -> memref<128xi32, #tpu.memory_space<vmem>>
      %dma_wait3A_217 = arith.constant 0 : i32
      %dma_wait3A_218 = arith.constant 0 : i32
      %dma_wait3A_219 = tpu.memref_slice %arg11[%dma_wait3A_217, %dma_wait3A_218] : memref<10240x128xf32, #tpu.memory_space<vmem_shared>> -> memref<10240x128xf32, #tpu.memory_space<vmem_shared>>
      tpu.wait_indirect_dma semaphore(%arg15 : memref<!tpu.dma_semaphore, #tpu.memory_space<semaphore_mem>>) src(%dma_wait3A_213 : memref<128x128xf32, #tpu.memory_space<vmem>>) dst(%dma_wait3A_219 : memref<10240x128xf32, #tpu.memory_space<vmem_shared>>)
      %add3A_220 = arith.constant 1 : i32
      %add3A_221 = arith.addi %scan3A_145, %add3A_220 : i32
      %lt3A_222 = arith.constant 20 : i32
      %lt3A_223 = arith.cmpi slt, %add3A_221, %lt3A_222 : i32
      %convert_element_type3A_224 = arith.extui %lt3A_223 : i1 to i32
      %cond3A_225 = arith.constant 0 : i32
      %cond3A_226 = arith.cmpi ne, %convert_element_type3A_224, %cond3A_225 : i32
      scf.if %cond3A_226 {
        %add3A_228 = arith.constant 2 : i32
        %add3A_229 = arith.addi %add3A_150, %add3A_228 : i32
        %dma_start3A_230 = arith.constant 1 : i32
        %dma_start3A_231 = arith.constant 0 : i32
        %dma_start3A_232 = arith.constant 0 : i32
        %dma_start3A_233 = tpu.memref_slice %arg10[%dma_start3A_230, %dma_start3A_231, %dma_start3A_232] : memref<2x128x128xf32, #tpu.memory_space<vmem>> -> memref<1x128x128xf32, #tpu.memory_space<vmem>>
        %dma_start3A_234 = tpu.memref_squeeze %dma_start3A_233 : memref<1x128x128xf32, #tpu.memory_space<vmem>> -> memref<128x128xf32, #tpu.memory_space<vmem>>
        %dma_start3A_235 = arith.constant 0 : i32
        %dma_start3A_236 = tpu.memref_slice %arg7[%add3A_229, %dma_start3A_235] : memref<40x128xi32, #tpu.memory_space<vmem>> -> memref<1x128xi32, #tpu.memory_space<vmem>>
        %dma_start3A_237 = tpu.memref_squeeze %dma_start3A_236 : memref<1x128xi32, #tpu.memory_space<vmem>> -> memref<128xi32, #tpu.memory_space<vmem>>
        %dma_start3A_238 = arith.constant 0 : i32
        %dma_start3A_239 = arith.constant 0 : i32
        %dma_start3A_240 = tpu.memref_slice %arg2[%dma_start3A_238, %dma_start3A_239] : memref<20480x128xf32, #tpu.memory_space<hbm>> -> memref<20480x128xf32, #tpu.memory_space<hbm>>
        tpu.enqueue_indirect_dma source(%dma_start3A_240 : memref<20480x128xf32, #tpu.memory_space<hbm>>) target(%dma_start3A_234 : memref<128x128xf32, #tpu.memory_space<vmem>>) offsets(%dma_start3A_237 : memref<128xi32, #tpu.memory_space<vmem>>) semaphore(%arg13 : memref<!tpu.dma_semaphore, #tpu.memory_space<semaphore_mem>>)
      } else {
      }
      %scan3A_227 = arith.constant 0 : i32
      scf.yield %scan3A_227 : i32
    }
    %scan3A_102 = arith.constant 20 : i32
    %barrier3A_103 = arith.constant 0 : index
    tpu.barrier barrier_id(%barrier3A_103)
    %run_scoped3A_104 = arith.constant 0 : i32
    %run_scoped3A_105 = arith.constant 0 : i32
    "tpu.region"() ({
      %run_scoped3A_145 = tpu.sem_alloc : memref<!tpu.dma_semaphore, #tpu.memory_space<semaphore_mem>>
      %dma_start3A_146 = arith.constant 0 : i32
      %dma_start3A_147 = arith.constant 0 : i32
      %dma_start3A_148 = tpu.memref_slice %arg10[%run_scoped3A_105, %dma_start3A_146, %dma_start3A_147] : memref<2x128x128xf32, #tpu.memory_space<vmem>> -> memref<1x128x128xf32, #tpu.memory_space<vmem>>
      %dma_start3A_149 = tpu.memref_squeeze %dma_start3A_148 : memref<1x128x128xf32, #tpu.memory_space<vmem>> -> memref<128x128xf32, #tpu.memory_space<vmem>>
      %dma_start3A_150 = arith.constant 0 : i32
      %dma_start3A_151 = tpu.memref_slice %arg9[%run_scoped3A_104, %dma_start3A_150] : memref<5x128xi32, #tpu.memory_space<vmem>> -> memref<1x128xi32, #tpu.memory_space<vmem>>
      %dma_start3A_152 = tpu.memref_squeeze %dma_start3A_151 : memref<1x128xi32, #tpu.memory_space<vmem>> -> memref<128xi32, #tpu.memory_space<vmem>>
      %dma_start3A_153 = arith.constant 0 : i32
      %dma_start3A_154 = arith.constant 0 : i32
      %dma_start3A_155 = tpu.memref_slice %arg11[%dma_start3A_153, %dma_start3A_154] : memref<10240x128xf32, #tpu.memory_space<vmem_shared>> -> memref<10240x128xf32, #tpu.memory_space<vmem_shared>>
      tpu.enqueue_indirect_dma source(%dma_start3A_155 : memref<10240x128xf32, #tpu.memory_space<vmem_shared>>) target(%dma_start3A_149 : memref<128x128xf32, #tpu.memory_space<vmem>>) offsets(%dma_start3A_152 : memref<128xi32, #tpu.memory_space<vmem>>) semaphore(%run_scoped3A_145 : memref<!tpu.dma_semaphore, #tpu.memory_space<semaphore_mem>>)
      %dma_wait3A = arith.constant 0 : i32
      %dma_wait3A_156 = arith.constant 0 : i32
      %dma_wait3A_157 = tpu.memref_slice %arg10[%run_scoped3A_105, %dma_wait3A, %dma_wait3A_156] : memref<2x128x128xf32, #tpu.memory_space<vmem>> -> memref<1x128x128xf32, #tpu.memory_space<vmem>>
      %dma_wait3A_158 = tpu.memref_squeeze %dma_wait3A_157 : memref<1x128x128xf32, #tpu.memory_space<vmem>> -> memref<128x128xf32, #tpu.memory_space<vmem>>
      %dma_wait3A_159 = arith.constant 0 : i32
      %dma_wait3A_160 = tpu.memref_slice %arg9[%run_scoped3A_104, %dma_wait3A_159] : memref<5x128xi32, #tpu.memory_space<vmem>> -> memref<1x128xi32, #tpu.memory_space<vmem>>
      %dma_wait3A_161 = tpu.memref_squeeze %dma_wait3A_160 : memref<1x128xi32, #tpu.memory_space<vmem>> -> memref<128xi32, #tpu.memory_space<vmem>>
      %dma_wait3A_162 = arith.constant 0 : i32
      %dma_wait3A_163 = arith.constant 0 : i32
      %dma_wait3A_164 = tpu.memref_slice %arg11[%dma_wait3A_162, %dma_wait3A_163] : memref<10240x128xf32, #tpu.memory_space<vmem_shared>> -> memref<10240x128xf32, #tpu.memory_space<vmem_shared>>
      tpu.wait_indirect_dma semaphore(%run_scoped3A_145 : memref<!tpu.dma_semaphore, #tpu.memory_space<semaphore_mem>>) src(%dma_wait3A_164 : memref<10240x128xf32, #tpu.memory_space<vmem_shared>>) dst(%dma_wait3A_158 : memref<128x128xf32, #tpu.memory_space<vmem>>)
      tpu.yield
    }) : () -> ()
    %mul3A_106 = arith.constant 640 : i32
    %mul3A_107 = arith.muli %arg1, %mul3A_106 : i32
    %add3A_108 = arith.addi %mul3A_3, %mul3A_107 : i32
    %add3A_109 = arith.constant 0 : i32
    %add3A_110 = arith.addi %add3A_108, %add3A_109 : i32
    %run_scoped3A_111 = arith.constant 0 : i32
    "tpu.region"() ({
      %run_scoped3A_145 = tpu.sem_alloc : memref<!tpu.dma_semaphore, #tpu.memory_space<semaphore_mem>>
      %dma_start3A_146 = arith.constant 0 : i32
      %dma_start3A_147 = arith.constant 0 : i32
      %dma_start3A_148 = tpu.memref_slice %arg10[%run_scoped3A_111, %dma_start3A_146, %dma_start3A_147] : memref<2x128x128xf32, #tpu.memory_space<vmem>> -> memref<1x128x128xf32, #tpu.memory_space<vmem>>
      %dma_start3A_149 = tpu.memref_squeeze %dma_start3A_148 : memref<1x128x128xf32, #tpu.memory_space<vmem>> -> memref<128x128xf32, #tpu.memory_space<vmem>>
      %dma_start3A_150 = arith.constant 0 : i32
      %dma_start3A_151 = tpu.memref_slice %arg6[%add3A_110, %dma_start3A_150] : memref<20480x128xf32, #tpu.memory_space<hbm>> -> memref<128x128xf32, #tpu.memory_space<hbm>>
      %dma_start3A_152 = arith.constant 0 : i32
      %dma_start3A_153 = tpu.memref_slice %arg6[%add3A_110, %dma_start3A_152] : memref<20480x128xf32, #tpu.memory_space<hbm>> -> memref<128x128xf32, #tpu.memory_space<hbm>>
      %dma_start3A_154 = arith.constant 0 : i32
      %dma_start3A_155 = arith.constant 0 : i32
      %dma_start3A_156 = tpu.memref_slice %arg10[%run_scoped3A_111, %dma_start3A_154, %dma_start3A_155] : memref<2x128x128xf32, #tpu.memory_space<vmem>> -> memref<1x128x128xf32, #tpu.memory_space<vmem>>
      %dma_start3A_157 = tpu.memref_squeeze %dma_start3A_156 : memref<1x128x128xf32, #tpu.memory_space<vmem>> -> memref<128x128xf32, #tpu.memory_space<vmem>>
      tpu.enqueue_dma source(%dma_start3A_157 : memref<128x128xf32, #tpu.memory_space<vmem>>) target(%dma_start3A_153 : memref<128x128xf32, #tpu.memory_space<hbm>>) target_semaphore(%run_scoped3A_145 : memref<!tpu.dma_semaphore, #tpu.memory_space<semaphore_mem>>)
      %dma_wait3A = arith.constant 0 : i32
      %dma_wait3A_158 = arith.constant 0 : i32
      %dma_wait3A_159 = tpu.memref_slice %arg10[%run_scoped3A_111, %dma_wait3A, %dma_wait3A_158] : memref<2x128x128xf32, #tpu.memory_space<vmem>> -> memref<1x128x128xf32, #tpu.memory_space<vmem>>
      %dma_wait3A_160 = tpu.memref_squeeze %dma_wait3A_159 : memref<1x128x128xf32, #tpu.memory_space<vmem>> -> memref<128x128xf32, #tpu.memory_space<vmem>>
      %dma_wait3A_161 = arith.constant 0 : i32
      %dma_wait3A_162 = tpu.memref_slice %arg6[%add3A_110, %dma_wait3A_161] : memref<20480x128xf32, #tpu.memory_space<hbm>> -> memref<128x128xf32, #tpu.memory_space<hbm>>
      %dma_wait3A_163 = arith.constant 0 : i32
      %dma_wait3A_164 = tpu.memref_slice %arg6[%add3A_110, %dma_wait3A_163] : memref<20480x128xf32, #tpu.memory_space<hbm>> -> memref<128x128xf32, #tpu.memory_space<hbm>>
      %dma_wait3A_165 = arith.constant 0 : i32
      %dma_wait3A_166 = arith.constant 0 : i32
      %dma_wait3A_167 = tpu.memref_slice %arg10[%run_scoped3A_111, %dma_wait3A_165, %dma_wait3A_166] : memref<2x128x128xf32, #tpu.memory_space<vmem>> -> memref<1x128x128xf32, #tpu.memory_space<vmem>>
      %dma_wait3A_168 = tpu.memref_squeeze %dma_wait3A_167 : memref<1x128x128xf32, #tpu.memory_space<vmem>> -> memref<128x128xf32, #tpu.memory_space<vmem>>
      tpu.wait_dma2 semaphore(%run_scoped3A_145 : memref<!tpu.dma_semaphore, #tpu.memory_space<semaphore_mem>>) src(%dma_wait3A_168 : memref<128x128xf32, #tpu.memory_space<vmem>>) dst(%dma_wait3A_164 : memref<128x128xf32, #tpu.memory_space<hbm>>)
      tpu.yield
    }) : () -> ()
    %run_scoped3A_112 = arith.constant 1 : i32
    %run_scoped3A_113 = arith.constant 0 : i32
    "tpu.region"() ({
      %run_scoped3A_145 = tpu.sem_alloc : memref<!tpu.dma_semaphore, #tpu.memory_space<semaphore_mem>>
      %dma_start3A_146 = arith.constant 0 : i32
      %dma_start3A_147 = arith.constant 0 : i32
      %dma_start3A_148 = tpu.memref_slice %arg10[%run_scoped3A_113, %dma_start3A_146, %dma_start3A_147] : memref<2x128x128xf32, #tpu.memory_space<vmem>> -> memref<1x128x128xf32, #tpu.memory_space<vmem>>
      %dma_start3A_149 = tpu.memref_squeeze %dma_start3A_148 : memref<1x128x128xf32, #tpu.memory_space<vmem>> -> memref<128x128xf32, #tpu.memory_space<vmem>>
      %dma_start3A_150 = arith.constant 0 : i32
      %dma_start3A_151 = tpu.memref_slice %arg9[%run_scoped3A_112, %dma_start3A_150] : memref<5x128xi32, #tpu.memory_space<vmem>> -> memref<1x128xi32, #tpu.memory_space<vmem>>
      %dma_start3A_152 = tpu.memref_squeeze %dma_start3A_151 : memref<1x128xi32, #tpu.memory_space<vmem>> -> memref<128xi32, #tpu.memory_space<vmem>>
      %dma_start3A_153 = arith.constant 0 : i32
      %dma_start3A_154 = arith.constant 0 : i32
      %dma_start3A_155 = tpu.memref_slice %arg11[%dma_start3A_153, %dma_start3A_154] : memref<10240x128xf32, #tpu.memory_space<vmem_shared>> -> memref<10240x128xf32, #tpu.memory_space<vmem_shared>>
      tpu.enqueue_indirect_dma source(%dma_start3A_155 : memref<10240x128xf32, #tpu.memory_space<vmem_shared>>) target(%dma_start3A_149 : memref<128x128xf32, #tpu.memory_space<vmem>>) offsets(%dma_start3A_152 : memref<128xi32, #tpu.memory_space<vmem>>) semaphore(%run_scoped3A_145 : memref<!tpu.dma_semaphore, #tpu.memory_space<semaphore_mem>>)
      %dma_wait3A = arith.constant 0 : i32
      %dma_wait3A_156 = arith.constant 0 : i32
      %dma_wait3A_157 = tpu.memref_slice %arg10[%run_scoped3A_113, %dma_wait3A, %dma_wait3A_156] : memref<2x128x128xf32, #tpu.memory_space<vmem>> -> memref<1x128x128xf32, #tpu.memory_space<vmem>>
      %dma_wait3A_158 = tpu.memref_squeeze %dma_wait3A_157 : memref<1x128x128xf32, #tpu.memory_space<vmem>> -> memref<128x128xf32, #tpu.memory_space<vmem>>
      %dma_wait3A_159 = arith.constant 0 : i32
      %dma_wait3A_160 = tpu.memref_slice %arg9[%run_scoped3A_112, %dma_wait3A_159] : memref<5x128xi32, #tpu.memory_space<vmem>> -> memref<1x128xi32, #tpu.memory_space<vmem>>
      %dma_wait3A_161 = tpu.memref_squeeze %dma_wait3A_160 : memref<1x128xi32, #tpu.memory_space<vmem>> -> memref<128xi32, #tpu.memory_space<vmem>>
      %dma_wait3A_162 = arith.constant 0 : i32
      %dma_wait3A_163 = arith.constant 0 : i32
      %dma_wait3A_164 = tpu.memref_slice %arg11[%dma_wait3A_162, %dma_wait3A_163] : memref<10240x128xf32, #tpu.memory_space<vmem_shared>> -> memref<10240x128xf32, #tpu.memory_space<vmem_shared>>
      tpu.wait_indirect_dma semaphore(%run_scoped3A_145 : memref<!tpu.dma_semaphore, #tpu.memory_space<semaphore_mem>>) src(%dma_wait3A_164 : memref<10240x128xf32, #tpu.memory_space<vmem_shared>>) dst(%dma_wait3A_158 : memref<128x128xf32, #tpu.memory_space<vmem>>)
      tpu.yield
    }) : () -> ()
    %mul3A_114 = arith.constant 640 : i32
    %mul3A_115 = arith.muli %arg1, %mul3A_114 : i32
    %add3A_116 = arith.addi %mul3A_3, %mul3A_115 : i32
    %add3A_117 = arith.constant 128 : i32
    %add3A_118 = arith.addi %add3A_116, %add3A_117 : i32
    %run_scoped3A_119 = arith.constant 0 : i32
    "tpu.region"() ({
      %run_scoped3A_145 = tpu.sem_alloc : memref<!tpu.dma_semaphore, #tpu.memory_space<semaphore_mem>>
      %dma_start3A_146 = arith.constant 0 : i32
      %dma_start3A_147 = arith.constant 0 : i32
      %dma_start3A_148 = tpu.memref_slice %arg10[%run_scoped3A_119, %dma_start3A_146, %dma_start3A_147] : memref<2x128x128xf32, #tpu.memory_space<vmem>> -> memref<1x128x128xf32, #tpu.memory_space<vmem>>
      %dma_start3A_149 = tpu.memref_squeeze %dma_start3A_148 : memref<1x128x128xf32, #tpu.memory_space<vmem>> -> memref<128x128xf32, #tpu.memory_space<vmem>>
      %dma_start3A_150 = arith.constant 0 : i32
      %dma_start3A_151 = tpu.memref_slice %arg6[%add3A_118, %dma_start3A_150] : memref<20480x128xf32, #tpu.memory_space<hbm>> -> memref<128x128xf32, #tpu.memory_space<hbm>>
      %dma_start3A_152 = arith.constant 0 : i32
      %dma_start3A_153 = tpu.memref_slice %arg6[%add3A_118, %dma_start3A_152] : memref<20480x128xf32, #tpu.memory_space<hbm>> -> memref<128x128xf32, #tpu.memory_space<hbm>>
      %dma_start3A_154 = arith.constant 0 : i32
      %dma_start3A_155 = arith.constant 0 : i32
      %dma_start3A_156 = tpu.memref_slice %arg10[%run_scoped3A_119, %dma_start3A_154, %dma_start3A_155] : memref<2x128x128xf32, #tpu.memory_space<vmem>> -> memref<1x128x128xf32, #tpu.memory_space<vmem>>
      %dma_start3A_157 = tpu.memref_squeeze %dma_start3A_156 : memref<1x128x128xf32, #tpu.memory_space<vmem>> -> memref<128x128xf32, #tpu.memory_space<vmem>>
      tpu.enqueue_dma source(%dma_start3A_157 : memref<128x128xf32, #tpu.memory_space<vmem>>) target(%dma_start3A_153 : memref<128x128xf32, #tpu.memory_space<hbm>>) target_semaphore(%run_scoped3A_145 : memref<!tpu.dma_semaphore, #tpu.memory_space<semaphore_mem>>)
      %dma_wait3A = arith.constant 0 : i32
      %dma_wait3A_158 = arith.constant 0 : i32
      %dma_wait3A_159 = tpu.memref_slice %arg10[%run_scoped3A_119, %dma_wait3A, %dma_wait3A_158] : memref<2x128x128xf32, #tpu.memory_space<vmem>> -> memref<1x128x128xf32, #tpu.memory_space<vmem>>
      %dma_wait3A_160 = tpu.memref_squeeze %dma_wait3A_159 : memref<1x128x128xf32, #tpu.memory_space<vmem>> -> memref<128x128xf32, #tpu.memory_space<vmem>>
      %dma_wait3A_161 = arith.constant 0 : i32
      %dma_wait3A_162 = tpu.memref_slice %arg6[%add3A_118, %dma_wait3A_161] : memref<20480x128xf32, #tpu.memory_space<hbm>> -> memref<128x128xf32, #tpu.memory_space<hbm>>
      %dma_wait3A_163 = arith.constant 0 : i32
      %dma_wait3A_164 = tpu.memref_slice %arg6[%add3A_118, %dma_wait3A_163] : memref<20480x128xf32, #tpu.memory_space<hbm>> -> memref<128x128xf32, #tpu.memory_space<hbm>>
      %dma_wait3A_165 = arith.constant 0 : i32
      %dma_wait3A_166 = arith.constant 0 : i32
      %dma_wait3A_167 = tpu.memref_slice %arg10[%run_scoped3A_119, %dma_wait3A_165, %dma_wait3A_166] : memref<2x128x128xf32, #tpu.memory_space<vmem>> -> memref<1x128x128xf32, #tpu.memory_space<vmem>>
      %dma_wait3A_168 = tpu.memref_squeeze %dma_wait3A_167 : memref<1x128x128xf32, #tpu.memory_space<vmem>> -> memref<128x128xf32, #tpu.memory_space<vmem>>
      tpu.wait_dma2 semaphore(%run_scoped3A_145 : memref<!tpu.dma_semaphore, #tpu.memory_space<semaphore_mem>>) src(%dma_wait3A_168 : memref<128x128xf32, #tpu.memory_space<vmem>>) dst(%dma_wait3A_164 : memref<128x128xf32, #tpu.memory_space<hbm>>)
      tpu.yield
    }) : () -> ()
    %run_scoped3A_120 = arith.constant 2 : i32
    %run_scoped3A_121 = arith.constant 0 : i32
    "tpu.region"() ({
      %run_scoped3A_145 = tpu.sem_alloc : memref<!tpu.dma_semaphore, #tpu.memory_space<semaphore_mem>>
      %dma_start3A_146 = arith.constant 0 : i32
      %dma_start3A_147 = arith.constant 0 : i32
      %dma_start3A_148 = tpu.memref_slice %arg10[%run_scoped3A_121, %dma_start3A_146, %dma_start3A_147] : memref<2x128x128xf32, #tpu.memory_space<vmem>> -> memref<1x128x128xf32, #tpu.memory_space<vmem>>
      %dma_start3A_149 = tpu.memref_squeeze %dma_start3A_148 : memref<1x128x128xf32, #tpu.memory_space<vmem>> -> memref<128x128xf32, #tpu.memory_space<vmem>>
      %dma_start3A_150 = arith.constant 0 : i32
      %dma_start3A_151 = tpu.memref_slice %arg9[%run_scoped3A_120, %dma_start3A_150] : memref<5x128xi32, #tpu.memory_space<vmem>> -> memref<1x128xi32, #tpu.memory_space<vmem>>
      %dma_start3A_152 = tpu.memref_squeeze %dma_start3A_151 : memref<1x128xi32, #tpu.memory_space<vmem>> -> memref<128xi32, #tpu.memory_space<vmem>>
      %dma_start3A_153 = arith.constant 0 : i32
      %dma_start3A_154 = arith.constant 0 : i32
      %dma_start3A_155 = tpu.memref_slice %arg11[%dma_start3A_153, %dma_start3A_154] : memref<10240x128xf32, #tpu.memory_space<vmem_shared>> -> memref<10240x128xf32, #tpu.memory_space<vmem_shared>>
      tpu.enqueue_indirect_dma source(%dma_start3A_155 : memref<10240x128xf32, #tpu.memory_space<vmem_shared>>) target(%dma_start3A_149 : memref<128x128xf32, #tpu.memory_space<vmem>>) offsets(%dma_start3A_152 : memref<128xi32, #tpu.memory_space<vmem>>) semaphore(%run_scoped3A_145 : memref<!tpu.dma_semaphore, #tpu.memory_space<semaphore_mem>>)
      %dma_wait3A = arith.constant 0 : i32
      %dma_wait3A_156 = arith.constant 0 : i32
      %dma_wait3A_157 = tpu.memref_slice %arg10[%run_scoped3A_121, %dma_wait3A, %dma_wait3A_156] : memref<2x128x128xf32, #tpu.memory_space<vmem>> -> memref<1x128x128xf32, #tpu.memory_space<vmem>>
      %dma_wait3A_158 = tpu.memref_squeeze %dma_wait3A_157 : memref<1x128x128xf32, #tpu.memory_space<vmem>> -> memref<128x128xf32, #tpu.memory_space<vmem>>
      %dma_wait3A_159 = arith.constant 0 : i32
      %dma_wait3A_160 = tpu.memref_slice %arg9[%run_scoped3A_120, %dma_wait3A_159] : memref<5x128xi32, #tpu.memory_space<vmem>> -> memref<1x128xi32, #tpu.memory_space<vmem>>
      %dma_wait3A_161 = tpu.memref_squeeze %dma_wait3A_160 : memref<1x128xi32, #tpu.memory_space<vmem>> -> memref<128xi32, #tpu.memory_space<vmem>>
      %dma_wait3A_162 = arith.constant 0 : i32
      %dma_wait3A_163 = arith.constant 0 : i32
      %dma_wait3A_164 = tpu.memref_slice %arg11[%dma_wait3A_162, %dma_wait3A_163] : memref<10240x128xf32, #tpu.memory_space<vmem_shared>> -> memref<10240x128xf32, #tpu.memory_space<vmem_shared>>
      tpu.wait_indirect_dma semaphore(%run_scoped3A_145 : memref<!tpu.dma_semaphore, #tpu.memory_space<semaphore_mem>>) src(%dma_wait3A_164 : memref<10240x128xf32, #tpu.memory_space<vmem_shared>>) dst(%dma_wait3A_158 : memref<128x128xf32, #tpu.memory_space<vmem>>)
      tpu.yield
    }) : () -> ()
    %mul3A_122 = arith.constant 640 : i32
    %mul3A_123 = arith.muli %arg1, %mul3A_122 : i32
    %add3A_124 = arith.addi %mul3A_3, %mul3A_123 : i32
    %add3A_125 = arith.constant 256 : i32
    %add3A_126 = arith.addi %add3A_124, %add3A_125 : i32
    %run_scoped3A_127 = arith.constant 0 : i32
    "tpu.region"() ({
      %run_scoped3A_145 = tpu.sem_alloc : memref<!tpu.dma_semaphore, #tpu.memory_space<semaphore_mem>>
      %dma_start3A_146 = arith.constant 0 : i32
      %dma_start3A_147 = arith.constant 0 : i32
      %dma_start3A_148 = tpu.memref_slice %arg10[%run_scoped3A_127, %dma_start3A_146, %dma_start3A_147] : memref<2x128x128xf32, #tpu.memory_space<vmem>> -> memref<1x128x128xf32, #tpu.memory_space<vmem>>
      %dma_start3A_149 = tpu.memref_squeeze %dma_start3A_148 : memref<1x128x128xf32, #tpu.memory_space<vmem>> -> memref<128x128xf32, #tpu.memory_space<vmem>>
      %dma_start3A_150 = arith.constant 0 : i32
      %dma_start3A_151 = tpu.memref_slice %arg6[%add3A_126, %dma_start3A_150] : memref<20480x128xf32, #tpu.memory_space<hbm>> -> memref<128x128xf32, #tpu.memory_space<hbm>>
      %dma_start3A_152 = arith.constant 0 : i32
      %dma_start3A_153 = tpu.memref_slice %arg6[%add3A_126, %dma_start3A_152] : memref<20480x128xf32, #tpu.memory_space<hbm>> -> memref<128x128xf32, #tpu.memory_space<hbm>>
      %dma_start3A_154 = arith.constant 0 : i32
      %dma_start3A_155 = arith.constant 0 : i32
      %dma_start3A_156 = tpu.memref_slice %arg10[%run_scoped3A_127, %dma_start3A_154, %dma_start3A_155] : memref<2x128x128xf32, #tpu.memory_space<vmem>> -> memref<1x128x128xf32, #tpu.memory_space<vmem>>
      %dma_start3A_157 = tpu.memref_squeeze %dma_start3A_156 : memref<1x128x128xf32, #tpu.memory_space<vmem>> -> memref<128x128xf32, #tpu.memory_space<vmem>>
      tpu.enqueue_dma source(%dma_start3A_157 : memref<128x128xf32, #tpu.memory_space<vmem>>) target(%dma_start3A_153 : memref<128x128xf32, #tpu.memory_space<hbm>>) target_semaphore(%run_scoped3A_145 : memref<!tpu.dma_semaphore, #tpu.memory_space<semaphore_mem>>)
      %dma_wait3A = arith.constant 0 : i32
      %dma_wait3A_158 = arith.constant 0 : i32
      %dma_wait3A_159 = tpu.memref_slice %arg10[%run_scoped3A_127, %dma_wait3A, %dma_wait3A_158] : memref<2x128x128xf32, #tpu.memory_space<vmem>> -> memref<1x128x128xf32, #tpu.memory_space<vmem>>
      %dma_wait3A_160 = tpu.memref_squeeze %dma_wait3A_159 : memref<1x128x128xf32, #tpu.memory_space<vmem>> -> memref<128x128xf32, #tpu.memory_space<vmem>>
      %dma_wait3A_161 = arith.constant 0 : i32
      %dma_wait3A_162 = tpu.memref_slice %arg6[%add3A_126, %dma_wait3A_161] : memref<20480x128xf32, #tpu.memory_space<hbm>> -> memref<128x128xf32, #tpu.memory_space<hbm>>
      %dma_wait3A_163 = arith.constant 0 : i32
      %dma_wait3A_164 = tpu.memref_slice %arg6[%add3A_126, %dma_wait3A_163] : memref<20480x128xf32, #tpu.memory_space<hbm>> -> memref<128x128xf32, #tpu.memory_space<hbm>>
      %dma_wait3A_165 = arith.constant 0 : i32
      %dma_wait3A_166 = arith.constant 0 : i32
      %dma_wait3A_167 = tpu.memref_slice %arg10[%run_scoped3A_127, %dma_wait3A_165, %dma_wait3A_166] : memref<2x128x128xf32, #tpu.memory_space<vmem>> -> memref<1x128x128xf32, #tpu.memory_space<vmem>>
      %dma_wait3A_168 = tpu.memref_squeeze %dma_wait3A_167 : memref<1x128x128xf32, #tpu.memory_space<vmem>> -> memref<128x128xf32, #tpu.memory_space<vmem>>
      tpu.wait_dma2 semaphore(%run_scoped3A_145 : memref<!tpu.dma_semaphore, #tpu.memory_space<semaphore_mem>>) src(%dma_wait3A_168 : memref<128x128xf32, #tpu.memory_space<vmem>>) dst(%dma_wait3A_164 : memref<128x128xf32, #tpu.memory_space<hbm>>)
      tpu.yield
    }) : () -> ()
    %run_scoped3A_128 = arith.constant 3 : i32
    %run_scoped3A_129 = arith.constant 0 : i32
    "tpu.region"() ({
      %run_scoped3A_145 = tpu.sem_alloc : memref<!tpu.dma_semaphore, #tpu.memory_space<semaphore_mem>>
      %dma_start3A_146 = arith.constant 0 : i32
      %dma_start3A_147 = arith.constant 0 : i32
      %dma_start3A_148 = tpu.memref_slice %arg10[%run_scoped3A_129, %dma_start3A_146, %dma_start3A_147] : memref<2x128x128xf32, #tpu.memory_space<vmem>> -> memref<1x128x128xf32, #tpu.memory_space<vmem>>
      %dma_start3A_149 = tpu.memref_squeeze %dma_start3A_148 : memref<1x128x128xf32, #tpu.memory_space<vmem>> -> memref<128x128xf32, #tpu.memory_space<vmem>>
      %dma_start3A_150 = arith.constant 0 : i32
      %dma_start3A_151 = tpu.memref_slice %arg9[%run_scoped3A_128, %dma_start3A_150] : memref<5x128xi32, #tpu.memory_space<vmem>> -> memref<1x128xi32, #tpu.memory_space<vmem>>
      %dma_start3A_152 = tpu.memref_squeeze %dma_start3A_151 : memref<1x128xi32, #tpu.memory_space<vmem>> -> memref<128xi32, #tpu.memory_space<vmem>>
      %dma_start3A_153 = arith.constant 0 : i32
      %dma_start3A_154 = arith.constant 0 : i32
      %dma_start3A_155 = tpu.memref_slice %arg11[%dma_start3A_153, %dma_start3A_154] : memref<10240x128xf32, #tpu.memory_space<vmem_shared>> -> memref<10240x128xf32, #tpu.memory_space<vmem_shared>>
      tpu.enqueue_indirect_dma source(%dma_start3A_155 : memref<10240x128xf32, #tpu.memory_space<vmem_shared>>) target(%dma_start3A_149 : memref<128x128xf32, #tpu.memory_space<vmem>>) offsets(%dma_start3A_152 : memref<128xi32, #tpu.memory_space<vmem>>) semaphore(%run_scoped3A_145 : memref<!tpu.dma_semaphore, #tpu.memory_space<semaphore_mem>>)
      %dma_wait3A = arith.constant 0 : i32
      %dma_wait3A_156 = arith.constant 0 : i32
      %dma_wait3A_157 = tpu.memref_slice %arg10[%run_scoped3A_129, %dma_wait3A, %dma_wait3A_156] : memref<2x128x128xf32, #tpu.memory_space<vmem>> -> memref<1x128x128xf32, #tpu.memory_space<vmem>>
      %dma_wait3A_158 = tpu.memref_squeeze %dma_wait3A_157 : memref<1x128x128xf32, #tpu.memory_space<vmem>> -> memref<128x128xf32, #tpu.memory_space<vmem>>
      %dma_wait3A_159 = arith.constant 0 : i32
      %dma_wait3A_160 = tpu.memref_slice %arg9[%run_scoped3A_128, %dma_wait3A_159] : memref<5x128xi32, #tpu.memory_space<vmem>> -> memref<1x128xi32, #tpu.memory_space<vmem>>
      %dma_wait3A_161 = tpu.memref_squeeze %dma_wait3A_160 : memref<1x128xi32, #tpu.memory_space<vmem>> -> memref<128xi32, #tpu.memory_space<vmem>>
      %dma_wait3A_162 = arith.constant 0 : i32
      %dma_wait3A_163 = arith.constant 0 : i32
      %dma_wait3A_164 = tpu.memref_slice %arg11[%dma_wait3A_162, %dma_wait3A_163] : memref<10240x128xf32, #tpu.memory_space<vmem_shared>> -> memref<10240x128xf32, #tpu.memory_space<vmem_shared>>
      tpu.wait_indirect_dma semaphore(%run_scoped3A_145 : memref<!tpu.dma_semaphore, #tpu.memory_space<semaphore_mem>>) src(%dma_wait3A_164 : memref<10240x128xf32, #tpu.memory_space<vmem_shared>>) dst(%dma_wait3A_158 : memref<128x128xf32, #tpu.memory_space<vmem>>)
      tpu.yield
    }) : () -> ()
    %mul3A_130 = arith.constant 640 : i32
    %mul3A_131 = arith.muli %arg1, %mul3A_130 : i32
    %add3A_132 = arith.addi %mul3A_3, %mul3A_131 : i32
    %add3A_133 = arith.constant 384 : i32
    %add3A_134 = arith.addi %add3A_132, %add3A_133 : i32
    %run_scoped3A_135 = arith.constant 0 : i32
    "tpu.region"() ({
      %run_scoped3A_145 = tpu.sem_alloc : memref<!tpu.dma_semaphore, #tpu.memory_space<semaphore_mem>>
      %dma_start3A_146 = arith.constant 0 : i32
      %dma_start3A_147 = arith.constant 0 : i32
      %dma_start3A_148 = tpu.memref_slice %arg10[%run_scoped3A_135, %dma_start3A_146, %dma_start3A_147] : memref<2x128x128xf32, #tpu.memory_space<vmem>> -> memref<1x128x128xf32, #tpu.memory_space<vmem>>
      %dma_start3A_149 = tpu.memref_squeeze %dma_start3A_148 : memref<1x128x128xf32, #tpu.memory_space<vmem>> -> memref<128x128xf32, #tpu.memory_space<vmem>>
      %dma_start3A_150 = arith.constant 0 : i32
      %dma_start3A_151 = tpu.memref_slice %arg6[%add3A_134, %dma_start3A_150] : memref<20480x128xf32, #tpu.memory_space<hbm>> -> memref<128x128xf32, #tpu.memory_space<hbm>>
      %dma_start3A_152 = arith.constant 0 : i32
      %dma_start3A_153 = tpu.memref_slice %arg6[%add3A_134, %dma_start3A_152] : memref<20480x128xf32, #tpu.memory_space<hbm>> -> memref<128x128xf32, #tpu.memory_space<hbm>>
      %dma_start3A_154 = arith.constant 0 : i32
      %dma_start3A_155 = arith.constant 0 : i32
      %dma_start3A_156 = tpu.memref_slice %arg10[%run_scoped3A_135, %dma_start3A_154, %dma_start3A_155] : memref<2x128x128xf32, #tpu.memory_space<vmem>> -> memref<1x128x128xf32, #tpu.memory_space<vmem>>
      %dma_start3A_157 = tpu.memref_squeeze %dma_start3A_156 : memref<1x128x128xf32, #tpu.memory_space<vmem>> -> memref<128x128xf32, #tpu.memory_space<vmem>>
      tpu.enqueue_dma source(%dma_start3A_157 : memref<128x128xf32, #tpu.memory_space<vmem>>) target(%dma_start3A_153 : memref<128x128xf32, #tpu.memory_space<hbm>>) target_semaphore(%run_scoped3A_145 : memref<!tpu.dma_semaphore, #tpu.memory_space<semaphore_mem>>)
      %dma_wait3A = arith.constant 0 : i32
      %dma_wait3A_158 = arith.constant 0 : i32
      %dma_wait3A_159 = tpu.memref_slice %arg10[%run_scoped3A_135, %dma_wait3A, %dma_wait3A_158] : memref<2x128x128xf32, #tpu.memory_space<vmem>> -> memref<1x128x128xf32, #tpu.memory_space<vmem>>
      %dma_wait3A_160 = tpu.memref_squeeze %dma_wait3A_159 : memref<1x128x128xf32, #tpu.memory_space<vmem>> -> memref<128x128xf32, #tpu.memory_space<vmem>>
      %dma_wait3A_161 = arith.constant 0 : i32
      %dma_wait3A_162 = tpu.memref_slice %arg6[%add3A_134, %dma_wait3A_161] : memref<20480x128xf32, #tpu.memory_space<hbm>> -> memref<128x128xf32, #tpu.memory_space<hbm>>
      %dma_wait3A_163 = arith.constant 0 : i32
      %dma_wait3A_164 = tpu.memref_slice %arg6[%add3A_134, %dma_wait3A_163] : memref<20480x128xf32, #tpu.memory_space<hbm>> -> memref<128x128xf32, #tpu.memory_space<hbm>>
      %dma_wait3A_165 = arith.constant 0 : i32
      %dma_wait3A_166 = arith.constant 0 : i32
      %dma_wait3A_167 = tpu.memref_slice %arg10[%run_scoped3A_135, %dma_wait3A_165, %dma_wait3A_166] : memref<2x128x128xf32, #tpu.memory_space<vmem>> -> memref<1x128x128xf32, #tpu.memory_space<vmem>>
      %dma_wait3A_168 = tpu.memref_squeeze %dma_wait3A_167 : memref<1x128x128xf32, #tpu.memory_space<vmem>> -> memref<128x128xf32, #tpu.memory_space<vmem>>
      tpu.wait_dma2 semaphore(%run_scoped3A_145 : memref<!tpu.dma_semaphore, #tpu.memory_space<semaphore_mem>>) src(%dma_wait3A_168 : memref<128x128xf32, #tpu.memory_space<vmem>>) dst(%dma_wait3A_164 : memref<128x128xf32, #tpu.memory_space<hbm>>)
      tpu.yield
    }) : () -> ()
    %run_scoped3A_136 = arith.constant 4 : i32
    %run_scoped3A_137 = arith.constant 0 : i32
    "tpu.region"() ({
      %run_scoped3A_145 = tpu.sem_alloc : memref<!tpu.dma_semaphore, #tpu.memory_space<semaphore_mem>>
      %dma_start3A_146 = arith.constant 0 : i32
      %dma_start3A_147 = arith.constant 0 : i32
      %dma_start3A_148 = tpu.memref_slice %arg10[%run_scoped3A_137, %dma_start3A_146, %dma_start3A_147] : memref<2x128x128xf32, #tpu.memory_space<vmem>> -> memref<1x128x128xf32, #tpu.memory_space<vmem>>
      %dma_start3A_149 = tpu.memref_squeeze %dma_start3A_148 : memref<1x128x128xf32, #tpu.memory_space<vmem>> -> memref<128x128xf32, #tpu.memory_space<vmem>>
      %dma_start3A_150 = arith.constant 0 : i32
      %dma_start3A_151 = tpu.memref_slice %arg9[%run_scoped3A_136, %dma_start3A_150] : memref<5x128xi32, #tpu.memory_space<vmem>> -> memref<1x128xi32, #tpu.memory_space<vmem>>
      %dma_start3A_152 = tpu.memref_squeeze %dma_start3A_151 : memref<1x128xi32, #tpu.memory_space<vmem>> -> memref<128xi32, #tpu.memory_space<vmem>>
      %dma_start3A_153 = arith.constant 0 : i32
      %dma_start3A_154 = arith.constant 0 : i32
      %dma_start3A_155 = tpu.memref_slice %arg11[%dma_start3A_153, %dma_start3A_154] : memref<10240x128xf32, #tpu.memory_space<vmem_shared>> -> memref<10240x128xf32, #tpu.memory_space<vmem_shared>>
      tpu.enqueue_indirect_dma source(%dma_start3A_155 : memref<10240x128xf32, #tpu.memory_space<vmem_shared>>) target(%dma_start3A_149 : memref<128x128xf32, #tpu.memory_space<vmem>>) offsets(%dma_start3A_152 : memref<128xi32, #tpu.memory_space<vmem>>) semaphore(%run_scoped3A_145 : memref<!tpu.dma_semaphore, #tpu.memory_space<semaphore_mem>>)
      %dma_wait3A = arith.constant 0 : i32
      %dma_wait3A_156 = arith.constant 0 : i32
      %dma_wait3A_157 = tpu.memref_slice %arg10[%run_scoped3A_137, %dma_wait3A, %dma_wait3A_156] : memref<2x128x128xf32, #tpu.memory_space<vmem>> -> memref<1x128x128xf32, #tpu.memory_space<vmem>>
      %dma_wait3A_158 = tpu.memref_squeeze %dma_wait3A_157 : memref<1x128x128xf32, #tpu.memory_space<vmem>> -> memref<128x128xf32, #tpu.memory_space<vmem>>
      %dma_wait3A_159 = arith.constant 0 : i32
      %dma_wait3A_160 = tpu.memref_slice %arg9[%run_scoped3A_136, %dma_wait3A_159] : memref<5x128xi32, #tpu.memory_space<vmem>> -> memref<1x128xi32, #tpu.memory_space<vmem>>
      %dma_wait3A_161 = tpu.memref_squeeze %dma_wait3A_160 : memref<1x128xi32, #tpu.memory_space<vmem>> -> memref<128xi32, #tpu.memory_space<vmem>>
      %dma_wait3A_162 = arith.constant 0 : i32
      %dma_wait3A_163 = arith.constant 0 : i32
      %dma_wait3A_164 = tpu.memref_slice %arg11[%dma_wait3A_162, %dma_wait3A_163] : memref<10240x128xf32, #tpu.memory_space<vmem_shared>> -> memref<10240x128xf32, #tpu.memory_space<vmem_shared>>
      tpu.wait_indirect_dma semaphore(%run_scoped3A_145 : memref<!tpu.dma_semaphore, #tpu.memory_space<semaphore_mem>>) src(%dma_wait3A_164 : memref<10240x128xf32, #tpu.memory_space<vmem_shared>>) dst(%dma_wait3A_158 : memref<128x128xf32, #tpu.memory_space<vmem>>)
      tpu.yield
    }) : () -> ()
    %mul3A_138 = arith.constant 640 : i32
    %mul3A_139 = arith.muli %arg1, %mul3A_138 : i32
    %add3A_140 = arith.addi %mul3A_3, %mul3A_139 : i32
    %add3A_141 = arith.constant 512 : i32
    %add3A_142 = arith.addi %add3A_140, %add3A_141 : i32
    %run_scoped3A_143 = arith.constant 0 : i32
    "tpu.region"() ({
      %run_scoped3A_145 = tpu.sem_alloc : memref<!tpu.dma_semaphore, #tpu.memory_space<semaphore_mem>>
      %dma_start3A_146 = arith.constant 0 : i32
      %dma_start3A_147 = arith.constant 0 : i32
      %dma_start3A_148 = tpu.memref_slice %arg10[%run_scoped3A_143, %dma_start3A_146, %dma_start3A_147] : memref<2x128x128xf32, #tpu.memory_space<vmem>> -> memref<1x128x128xf32, #tpu.memory_space<vmem>>
      %dma_start3A_149 = tpu.memref_squeeze %dma_start3A_148 : memref<1x128x128xf32, #tpu.memory_space<vmem>> -> memref<128x128xf32, #tpu.memory_space<vmem>>
      %dma_start3A_150 = arith.constant 0 : i32
      %dma_start3A_151 = tpu.memref_slice %arg6[%add3A_142, %dma_start3A_150] : memref<20480x128xf32, #tpu.memory_space<hbm>> -> memref<128x128xf32, #tpu.memory_space<hbm>>
      %dma_start3A_152 = arith.constant 0 : i32
      %dma_start3A_153 = tpu.memref_slice %arg6[%add3A_142, %dma_start3A_152] : memref<20480x128xf32, #tpu.memory_space<hbm>> -> memref<128x128xf32, #tpu.memory_space<hbm>>
      %dma_start3A_154 = arith.constant 0 : i32
      %dma_start3A_155 = arith.constant 0 : i32
      %dma_start3A_156 = tpu.memref_slice %arg10[%run_scoped3A_143, %dma_start3A_154, %dma_start3A_155] : memref<2x128x128xf32, #tpu.memory_space<vmem>> -> memref<1x128x128xf32, #tpu.memory_space<vmem>>
      %dma_start3A_157 = tpu.memref_squeeze %dma_start3A_156 : memref<1x128x128xf32, #tpu.memory_space<vmem>> -> memref<128x128xf32, #tpu.memory_space<vmem>>
      tpu.enqueue_dma source(%dma_start3A_157 : memref<128x128xf32, #tpu.memory_space<vmem>>) target(%dma_start3A_153 : memref<128x128xf32, #tpu.memory_space<hbm>>) target_semaphore(%run_scoped3A_145 : memref<!tpu.dma_semaphore, #tpu.memory_space<semaphore_mem>>)
      %dma_wait3A = arith.constant 0 : i32
      %dma_wait3A_158 = arith.constant 0 : i32
      %dma_wait3A_159 = tpu.memref_slice %arg10[%run_scoped3A_143, %dma_wait3A, %dma_wait3A_158] : memref<2x128x128xf32, #tpu.memory_space<vmem>> -> memref<1x128x128xf32, #tpu.memory_space<vmem>>
      %dma_wait3A_160 = tpu.memref_squeeze %dma_wait3A_159 : memref<1x128x128xf32, #tpu.memory_space<vmem>> -> memref<128x128xf32, #tpu.memory_space<vmem>>
      %dma_wait3A_161 = arith.constant 0 : i32
      %dma_wait3A_162 = tpu.memref_slice %arg6[%add3A_142, %dma_wait3A_161] : memref<20480x128xf32, #tpu.memory_space<hbm>> -> memref<128x128xf32, #tpu.memory_space<hbm>>
      %dma_wait3A_163 = arith.constant 0 : i32
      %dma_wait3A_164 = tpu.memref_slice %arg6[%add3A_142, %dma_wait3A_163] : memref<20480x128xf32, #tpu.memory_space<hbm>> -> memref<128x128xf32, #tpu.memory_space<hbm>>
      %dma_wait3A_165 = arith.constant 0 : i32
      %dma_wait3A_166 = arith.constant 0 : i32
      %dma_wait3A_167 = tpu.memref_slice %arg10[%run_scoped3A_143, %dma_wait3A_165, %dma_wait3A_166] : memref<2x128x128xf32, #tpu.memory_space<vmem>> -> memref<1x128x128xf32, #tpu.memory_space<vmem>>
      %dma_wait3A_168 = tpu.memref_squeeze %dma_wait3A_167 : memref<1x128x128xf32, #tpu.memory_space<vmem>> -> memref<128x128xf32, #tpu.memory_space<vmem>>
      tpu.wait_dma2 semaphore(%run_scoped3A_145 : memref<!tpu.dma_semaphore, #tpu.memory_space<semaphore_mem>>) src(%dma_wait3A_168 : memref<128x128xf32, #tpu.memory_space<vmem>>) dst(%dma_wait3A_164 : memref<128x128xf32, #tpu.memory_space<hbm>>)
      tpu.yield
    }) : () -> ()
    %barrier3A_144 = arith.constant 0 : index
    tpu.barrier barrier_id(%barrier3A_144)
    return
  }
}

module attributes {stable_mosaic.version = 14 : i64} {
  func.func @_predis_body(%arg0: i32, %arg1: i32, %arg2: memref<400x128xf32, #tpu.memory_space<vmem>>, %arg3: memref<400x128xf32, #tpu.memory_space<vmem>>, %arg4: memref<400x128xf32, #tpu.memory_space<vmem>>, %arg5: memref<400x1xf32, #tpu.memory_space<vmem>>, %arg6: memref<1x400x128xf32, #tpu.memory_space<vmem>>) attributes {dimension_semantics = [#tpu.dimension_semantics<arbitrary>, #tpu.dimension_semantics<arbitrary>], iteration_bounds = array<i64: 25, 2>, scalar_prefetch = 0 : i64, scratch_operands = 0 : i64, tpu.core_type = #tpu.core_type<tc>, window_params = [{transform_indices = @transform_0, window_bounds = array<i64: 400, 128>}, {transform_indices = @transform_1, window_bounds = array<i64: 400, 128>}, {transform_indices = @transform_2, window_bounds = array<i64: 400, 128>}, {transform_indices = @transform_3, window_bounds = array<i64: 400, 1>}, {transform_indices = @transform_4, window_bounds = array<i64: 1, 400, 128>}]} {
    %get3A = arith.constant 0 : index
    %get3A_0 = arith.constant 0 : index
    %get3A_1 = vector.load %arg2[%get3A, %get3A_0] : memref<400x128xf32, #tpu.memory_space<vmem>>, vector<400x1xf32>
    %get3A_2 = arith.constant 0 : index
    %get3A_3 = arith.constant 0 : index
    %get3A_4 = vector.load %arg3[%get3A_2, %get3A_3] : memref<400x128xf32, #tpu.memory_space<vmem>>, vector<400x1xf32>
    %add3A = arith.addf %get3A_1, %get3A_4 : vector<400x1xf32>
    %add3A_5 = arith.constant 1.000000e+00 : f32
    %add3A_6 = vector.broadcast %add3A_5 : f32 to vector<400x1xf32>
    %add3A_7 = arith.addf %add3A, %add3A_6 : vector<400x1xf32>
    %rsqrt3A = math.rsqrt %add3A_7 : vector<400x1xf32>
    %swap3A = arith.constant 0 : index
    %swap3A_8 = arith.constant 0 : index
    %swap3A_9 = vector.load %arg5[%swap3A, %swap3A_8] : memref<400x1xf32, #tpu.memory_space<vmem>>, vector<400x1xf32>
    tpu.vector_store %arg5[%swap3A, %swap3A_8], %rsqrt3A {strides = array<i32>} : memref<400x1xf32, #tpu.memory_space<vmem>>, vector<400x1xf32>,
    %get3A_10 = arith.constant 0 : index
    %get3A_11 = arith.constant 0 : index
    %get3A_12 = vector.load %arg4[%get3A_10, %get3A_11] : memref<400x128xf32, #tpu.memory_space<vmem>>, vector<400x128xf32>
    %mul3A = vector.broadcast %rsqrt3A : vector<400x1xf32> to vector<400x128xf32>
    %mul3A_13 = arith.mulf %get3A_12, %mul3A : vector<400x128xf32>
    %swap3A_14 = arith.constant 0 : index
    %swap3A_15 = arith.constant 0 : index
    %swap3A_16 = arith.constant 0 : index
    %swap3A_17 = vector.load %arg6[%swap3A_14, %swap3A_15, %swap3A_16] : memref<1x400x128xf32, #tpu.memory_space<vmem>>, vector<1x400x128xf32>
    %swap3A_18 = vector.shape_cast %swap3A_17 : vector<1x400x128xf32> to vector<400x128xf32>
    %swap3A_19 = vector.shape_cast %mul3A_13 : vector<400x128xf32> to vector<1x400x128xf32>
    tpu.vector_store %arg6[%swap3A_14, %swap3A_15, %swap3A_16], %swap3A_19 {strides = array<i32>} : memref<1x400x128xf32, #tpu.memory_space<vmem>>, vector<1x400x128xf32>,
    return
  }
  func.func @transform_0(%arg0: i32, %arg1: i32) -> (i32, i32) {
    %c0_i32 = arith.constant 0 : i32
    %c0_i32_0 = arith.constant 0 : i32
    return %arg0, %c0_i32 : i32, i32
  }
  func.func @transform_1(%arg0: i32, %arg1: i32) -> (i32, i32) {
    %c0_i32 = arith.constant 0 : i32
    %c0_i32_0 = arith.constant 0 : i32
    return %arg0, %c0_i32 : i32, i32
  }
  func.func @transform_2(%arg0: i32, %arg1: i32) -> (i32, i32) {
    %c0_i32 = arith.constant 0 : i32
    return %arg0, %arg1 : i32, i32
  }
  func.func @transform_3(%arg0: i32, %arg1: i32) -> (i32, i32) {
    %c0_i32 = arith.constant 0 : i32
    %c0_i32_0 = arith.constant 0 : i32
    return %arg0, %c0_i32 : i32, i32
  }
  func.func @transform_4(%arg0: i32, %arg1: i32) -> (i32, i32, i32) {
    %c0_i32 = arith.constant 0 : i32
    %c0_i32_0 = arith.constant 0 : i32
    return %arg1, %arg0, %c0_i32 : i32, i32, i32
  }
}

module attributes {stable_mosaic.version = 14 : i64} {
  func.func @_mm1_body(%arg0: i32, %arg1: i32, %arg2: memref<400x128xf32, #tpu.memory_space<vmem>>, %arg3: memref<400x128xf32, #tpu.memory_space<vmem>>, %arg4: memref<128x256xf32, #tpu.memory_space<vmem>>, %arg5: memref<128x256xf32, #tpu.memory_space<vmem>>, %arg6: memref<400x1xf32, #tpu.memory_space<vmem>>, %arg7: memref<1x256xf32, #tpu.memory_space<vmem>>, %arg8: memref<400x256xf32, #tpu.memory_space<vmem>>) attributes {dimension_semantics = [#tpu.dimension_semantics<arbitrary>, #tpu.dimension_semantics<arbitrary>], iteration_bounds = array<i64: 25, 4>, scalar_prefetch = 0 : i64, scratch_operands = 0 : i64, tpu.core_type = #tpu.core_type<tc>, window_params = [{transform_indices = @transform_0, window_bounds = array<i64: 400, 128>}, {transform_indices = @transform_1, window_bounds = array<i64: 400, 128>}, {transform_indices = @transform_2, window_bounds = array<i64: 128, 256>}, {transform_indices = @transform_3, window_bounds = array<i64: 128, 256>}, {transform_indices = @transform_4, window_bounds = array<i64: 400, 1>}, {transform_indices = @transform_5, window_bounds = array<i64: 1, 256>}, {transform_indices = @transform_6, window_bounds = array<i64: 400, 256>}]} {
    %get3A = arith.constant 0 : index
    %get3A_0 = arith.constant 0 : index
    %get3A_1 = vector.load %arg2[%get3A, %get3A_0] : memref<400x128xf32, #tpu.memory_space<vmem>>, vector<400x128xf32>
    %get3A_2 = arith.constant 0 : index
    %get3A_3 = arith.constant 0 : index
    %get3A_4 = vector.load %arg6[%get3A_2, %get3A_3] : memref<400x1xf32, #tpu.memory_space<vmem>>, vector<400x1xf32>
    %mul3A = vector.broadcast %get3A_4 : vector<400x1xf32> to vector<400x128xf32>
    %mul3A_5 = arith.mulf %get3A_1, %mul3A : vector<400x128xf32>
    %get3A_6 = arith.constant 0 : index
    %get3A_7 = arith.constant 0 : index
    %get3A_8 = vector.load %arg4[%get3A_6, %get3A_7] : memref<128x256xf32, #tpu.memory_space<vmem>>, vector<128x256xf32>
    %dot_general3A = arith.constant dense<0.000000e+00> : vector<400x256xf32>
    %dot_general3A_9 = tpu.matmul %mul3A_5, %get3A_8, %dot_general3A {dimension_numbers = #tpu.dot_dimension_numbers<[1], [0], [0], [1], [0, 0, 1, 1], [], []>, transpose_lhs_hint = false} : vector<400x128xf32>, vector<128x256xf32>, vector<400x256xf32> -> vector<400x256xf32>
    %get3A_10 = arith.constant 0 : index
    %get3A_11 = arith.constant 0 : index
    %get3A_12 = vector.load %arg3[%get3A_10, %get3A_11] : memref<400x128xf32, #tpu.memory_space<vmem>>, vector<400x128xf32>
    %get3A_13 = arith.constant 0 : index
    %get3A_14 = arith.constant 0 : index
    %get3A_15 = vector.load %arg6[%get3A_13, %get3A_14] : memref<400x1xf32, #tpu.memory_space<vmem>>, vector<400x1xf32>
    %mul3A_16 = vector.broadcast %get3A_15 : vector<400x1xf32> to vector<400x128xf32>
    %mul3A_17 = arith.mulf %get3A_12, %mul3A_16 : vector<400x128xf32>
    %get3A_18 = arith.constant 0 : index
    %get3A_19 = arith.constant 0 : index
    %get3A_20 = vector.load %arg5[%get3A_18, %get3A_19] : memref<128x256xf32, #tpu.memory_space<vmem>>, vector<128x256xf32>
    %dot_general3A_21 = arith.constant dense<0.000000e+00> : vector<400x256xf32>
    %dot_general3A_22 = tpu.matmul %mul3A_17, %get3A_20, %dot_general3A_21 {dimension_numbers = #tpu.dot_dimension_numbers<[1], [0], [0], [1], [0, 0, 1, 1], [], []>, transpose_lhs_hint = false} : vector<400x128xf32>, vector<128x256xf32>, vector<400x256xf32> -> vector<400x256xf32>
    %add3A = arith.addf %dot_general3A_9, %dot_general3A_22 : vector<400x256xf32>
    %get3A_23 = arith.constant 0 : index
    %get3A_24 = arith.constant 0 : index
    %get3A_25 = vector.load %arg7[%get3A_23, %get3A_24] : memref<1x256xf32, #tpu.memory_space<vmem>>, vector<1x256xf32>
    %add3A_26 = vector.broadcast %get3A_25 : vector<1x256xf32> to vector<400x256xf32>
    %add3A_27 = arith.addf %add3A, %add3A_26 : vector<400x256xf32>
    %max3A = arith.constant 0.000000e+00 : f32
    %max3A_28 = vector.broadcast %max3A : f32 to vector<400x256xf32>
    %max3A_29 = arith.maximumf %add3A_27, %max3A_28 : vector<400x256xf32>
    %swap3A = arith.constant 0 : index
    %swap3A_30 = arith.constant 0 : index
    %swap3A_31 = vector.load %arg8[%swap3A, %swap3A_30] : memref<400x256xf32, #tpu.memory_space<vmem>>, vector<400x256xf32>
    tpu.vector_store %arg8[%swap3A, %swap3A_30], %max3A_29 {strides = array<i32>} : memref<400x256xf32, #tpu.memory_space<vmem>>, vector<400x256xf32>,
    return
  }
  func.func @transform_0(%arg0: i32, %arg1: i32) -> (i32, i32) {
    %c0_i32 = arith.constant 0 : i32
    %c0_i32_0 = arith.constant 0 : i32
    return %arg0, %c0_i32 : i32, i32
  }
  func.func @transform_1(%arg0: i32, %arg1: i32) -> (i32, i32) {
    %c0_i32 = arith.constant 0 : i32
    %c0_i32_0 = arith.constant 0 : i32
    return %arg0, %c0_i32 : i32, i32
  }
  func.func @transform_2(%arg0: i32, %arg1: i32) -> (i32, i32) {
    %c0_i32 = arith.constant 0 : i32
    %c0_i32_0 = arith.constant 0 : i32
    return %c0_i32, %arg1 : i32, i32
  }
  func.func @transform_3(%arg0: i32, %arg1: i32) -> (i32, i32) {
    %c0_i32 = arith.constant 0 : i32
    %c0_i32_0 = arith.constant 0 : i32
    return %c0_i32, %arg1 : i32, i32
  }
  func.func @transform_4(%arg0: i32, %arg1: i32) -> (i32, i32) {
    %c0_i32 = arith.constant 0 : i32
    %c0_i32_0 = arith.constant 0 : i32
    return %arg0, %c0_i32 : i32, i32
  }
  func.func @transform_5(%arg0: i32, %arg1: i32) -> (i32, i32) {
    %c0_i32 = arith.constant 0 : i32
    %c0_i32_0 = arith.constant 0 : i32
    return %c0_i32, %arg1 : i32, i32
  }
  func.func @transform_6(%arg0: i32, %arg1: i32) -> (i32, i32) {
    %c0_i32 = arith.constant 0 : i32
    return %arg0, %arg1 : i32, i32
  }
}

module attributes {stable_mosaic.version = 14 : i64} {
  func.func @_mm2_body(%arg0: i32, %arg1: i32, %arg2: memref<400x1024xf32, #tpu.memory_space<vmem>>, %arg3: memref<1024x256xf32, #tpu.memory_space<vmem>>, %arg4: memref<400x1xf32, #tpu.memory_space<vmem>>, %arg5: memref<2x400x128xf32, #tpu.memory_space<vmem>>) attributes {dimension_semantics = [#tpu.dimension_semantics<arbitrary>, #tpu.dimension_semantics<arbitrary>], iteration_bounds = array<i64: 25, 2>, scalar_prefetch = 0 : i64, scratch_operands = 0 : i64, tpu.core_type = #tpu.core_type<tc>, window_params = [{transform_indices = @transform_0, window_bounds = array<i64: 400, 1024>}, {transform_indices = @transform_1, window_bounds = array<i64: 1024, 256>}, {transform_indices = @transform_2, window_bounds = array<i64: 400, 1>}, {transform_indices = @transform_3, window_bounds = array<i64: 2, 400, 128>}]} {
    %get3A = arith.constant 0 : index
    %get3A_0 = arith.constant 0 : index
    %get3A_1 = vector.load %arg2[%get3A, %get3A_0] : memref<400x1024xf32, #tpu.memory_space<vmem>>, vector<400x1024xf32>
    %get3A_2 = arith.constant 0 : index
    %get3A_3 = arith.constant 0 : index
    %get3A_4 = vector.load %arg3[%get3A_2, %get3A_3] : memref<1024x256xf32, #tpu.memory_space<vmem>>, vector<1024x256xf32>
    %dot_general3A = arith.constant dense<0.000000e+00> : vector<400x256xf32>
    %dot_general3A_5 = tpu.matmul %get3A_1, %get3A_4, %dot_general3A {dimension_numbers = #tpu.dot_dimension_numbers<[1], [0], [0], [1], [0, 0, 1, 1], [], []>, transpose_lhs_hint = false} : vector<400x1024xf32>, vector<1024x256xf32>, vector<400x256xf32> -> vector<400x256xf32>
    %get3A_6 = arith.constant 0 : index
    %get3A_7 = arith.constant 0 : index
    %get3A_8 = vector.load %arg4[%get3A_6, %get3A_7] : memref<400x1xf32, #tpu.memory_space<vmem>>, vector<400x1xf32>
    %mul3A = vector.broadcast %get3A_8 : vector<400x1xf32> to vector<400x256xf32>
    %mul3A_9 = arith.mulf %dot_general3A_5, %mul3A : vector<400x256xf32>
    %slice3A = vector.extract_strided_slice %mul3A_9 {offsets = [0, 0], sizes = [400, 128], strides = [1, 1]} : vector<400x256xf32> to vector<400x128xf32>
    %swap3A = arith.constant 0 : index
    %swap3A_10 = arith.constant 0 : index
    %swap3A_11 = arith.constant 0 : index
    %swap3A_12 = vector.load %arg5[%swap3A, %swap3A_10, %swap3A_11] : memref<2x400x128xf32, #tpu.memory_space<vmem>>, vector<1x400x128xf32>
    %swap3A_13 = vector.shape_cast %swap3A_12 : vector<1x400x128xf32> to vector<400x128xf32>
    %swap3A_14 = vector.shape_cast %slice3A : vector<400x128xf32> to vector<1x400x128xf32>
    tpu.vector_store %arg5[%swap3A, %swap3A_10, %swap3A_11], %swap3A_14 {strides = array<i32>} : memref<2x400x128xf32, #tpu.memory_space<vmem>>, vector<1x400x128xf32>,
    %slice3A_15 = vector.extract_strided_slice %mul3A_9 {offsets = [0, 128], sizes = [400, 128], strides = [1, 1]} : vector<400x256xf32> to vector<400x128xf32>
    %swap3A_16 = arith.constant 1 : index
    %swap3A_17 = arith.constant 0 : index
    %swap3A_18 = arith.constant 0 : index
    %swap3A_19 = vector.load %arg5[%swap3A_16, %swap3A_17, %swap3A_18] : memref<2x400x128xf32, #tpu.memory_space<vmem>>, vector<1x400x128xf32>
    %swap3A_20 = vector.shape_cast %swap3A_19 : vector<1x400x128xf32> to vector<400x128xf32>
    %swap3A_21 = vector.shape_cast %slice3A_15 : vector<400x128xf32> to vector<1x400x128xf32>
    tpu.vector_store %arg5[%swap3A_16, %swap3A_17, %swap3A_18], %swap3A_21 {strides = array<i32>} : memref<2x400x128xf32, #tpu.memory_space<vmem>>, vector<1x400x128xf32>,
    return
  }
  func.func @transform_0(%arg0: i32, %arg1: i32) -> (i32, i32) {
    %c0_i32 = arith.constant 0 : i32
    %c0_i32_0 = arith.constant 0 : i32
    return %arg0, %c0_i32 : i32, i32
  }
  func.func @transform_1(%arg0: i32, %arg1: i32) -> (i32, i32) {
    %c0_i32 = arith.constant 0 : i32
    %c0_i32_0 = arith.constant 0 : i32
    return %c0_i32, %arg1 : i32, i32
  }
  func.func @transform_2(%arg0: i32, %arg1: i32) -> (i32, i32) {
    %c0_i32 = arith.constant 0 : i32
    %c0_i32_0 = arith.constant 0 : i32
    return %arg0, %c0_i32 : i32, i32
  }
  func.func @transform_3(%arg0: i32, %arg1: i32) -> (i32, i32, i32) {
    %c0_i32 = arith.constant 0 : i32
    %c0_i32_0 = arith.constant 0 : i32
    return %arg1, %arg0, %c0_i32 : i32, i32, i32
  }
}

module attributes {stable_mosaic.version = 14 : i64} {
  func.func @_final_body(%arg0: i32, %arg1: i32, %arg2: memref<2x400x128xf32, #tpu.memory_space<vmem>>, %arg3: memref<400x1xf32, #tpu.memory_space<vmem>>, %arg4: memref<2x1x128xf32, #tpu.memory_space<vmem>>, %arg5: memref<400x256xf32, #tpu.memory_space<vmem>>) attributes {dimension_semantics = [#tpu.dimension_semantics<arbitrary>, #tpu.dimension_semantics<arbitrary>], iteration_bounds = array<i64: 25, 2>, scalar_prefetch = 0 : i64, scratch_operands = 0 : i64, tpu.core_type = #tpu.core_type<tc>, window_params = [{transform_indices = @transform_0, window_bounds = array<i64: 2, 400, 128>}, {transform_indices = @transform_1, window_bounds = array<i64: 400, 1>}, {transform_indices = @transform_2, window_bounds = array<i64: 2, 1, 128>}, {transform_indices = @transform_3, window_bounds = array<i64: 400, 256>}]} {
    %get3A = arith.constant 0 : index
    %get3A_0 = arith.constant 0 : index
    %get3A_1 = arith.constant 0 : index
    %get3A_2 = vector.load %arg2[%get3A, %get3A_0, %get3A_1] : memref<2x400x128xf32, #tpu.memory_space<vmem>>, vector<1x400x128xf32>
    %get3A_3 = vector.shape_cast %get3A_2 : vector<1x400x128xf32> to vector<400x128xf32>
    %get3A_4 = arith.constant 0 : index
    %get3A_5 = arith.constant 0 : index
    %get3A_6 = vector.load %arg3[%get3A_4, %get3A_5] : memref<400x1xf32, #tpu.memory_space<vmem>>, vector<400x1xf32>
    %mul3A = vector.broadcast %get3A_6 : vector<400x1xf32> to vector<400x128xf32>
    %mul3A_7 = arith.mulf %get3A_3, %mul3A : vector<400x128xf32>
    %get3A_8 = arith.constant 0 : index
    %get3A_9 = arith.constant 0 : index
    %get3A_10 = arith.constant 0 : index
    %get3A_11 = vector.load %arg4[%get3A_8, %get3A_9, %get3A_10] : memref<2x1x128xf32, #tpu.memory_space<vmem>>, vector<1x1x128xf32>
    %get3A_12 = vector.shape_cast %get3A_11 : vector<1x1x128xf32> to vector<1x128xf32>
    %add3A = vector.broadcast %get3A_12 : vector<1x128xf32> to vector<400x128xf32>
    %add3A_13 = arith.addf %mul3A_7, %add3A : vector<400x128xf32>
    %swap3A = arith.constant 0 : index
    %swap3A_14 = arith.constant 0 : index
    %swap3A_15 = vector.load %arg5[%swap3A, %swap3A_14] : memref<400x256xf32, #tpu.memory_space<vmem>>, vector<400x128xf32>
    tpu.vector_store %arg5[%swap3A, %swap3A_14], %add3A_13 {strides = array<i32>} : memref<400x256xf32, #tpu.memory_space<vmem>>, vector<400x128xf32>,
    %get3A_16 = arith.constant 1 : index
    %get3A_17 = arith.constant 0 : index
    %get3A_18 = arith.constant 0 : index
    %get3A_19 = vector.load %arg2[%get3A_16, %get3A_17, %get3A_18] : memref<2x400x128xf32, #tpu.memory_space<vmem>>, vector<1x400x128xf32>
    %get3A_20 = vector.shape_cast %get3A_19 : vector<1x400x128xf32> to vector<400x128xf32>
    %get3A_21 = arith.constant 0 : index
    %get3A_22 = arith.constant 0 : index
    %get3A_23 = vector.load %arg3[%get3A_21, %get3A_22] : memref<400x1xf32, #tpu.memory_space<vmem>>, vector<400x1xf32>
    %mul3A_24 = vector.broadcast %get3A_23 : vector<400x1xf32> to vector<400x128xf32>
    %mul3A_25 = arith.mulf %get3A_20, %mul3A_24 : vector<400x128xf32>
    %get3A_26 = arith.constant 1 : index
    %get3A_27 = arith.constant 0 : index
    %get3A_28 = arith.constant 0 : index
    %get3A_29 = vector.load %arg4[%get3A_26, %get3A_27, %get3A_28] : memref<2x1x128xf32, #tpu.memory_space<vmem>>, vector<1x1x128xf32>
    %get3A_30 = vector.shape_cast %get3A_29 : vector<1x1x128xf32> to vector<1x128xf32>
    %add3A_31 = vector.broadcast %get3A_30 : vector<1x128xf32> to vector<400x128xf32>
    %add3A_32 = arith.addf %mul3A_25, %add3A_31 : vector<400x128xf32>
    %swap3A_33 = arith.constant 0 : index
    %swap3A_34 = arith.constant 128 : index
    %swap3A_35 = vector.load %arg5[%swap3A_33, %swap3A_34] : memref<400x256xf32, #tpu.memory_space<vmem>>, vector<400x128xf32>
    tpu.vector_store %arg5[%swap3A_33, %swap3A_34], %add3A_32 {strides = array<i32>} : memref<400x256xf32, #tpu.memory_space<vmem>>, vector<400x128xf32>,
    return
  }
  func.func @transform_0(%arg0: i32, %arg1: i32) -> (i32, i32, i32) {
    %c0_i32 = arith.constant 0 : i32
    %c0_i32_0 = arith.constant 0 : i32
    return %arg1, %arg0, %c0_i32 : i32, i32, i32
  }
  func.func @transform_1(%arg0: i32, %arg1: i32) -> (i32, i32) {
    %c0_i32 = arith.constant 0 : i32
    %c0_i32_0 = arith.constant 0 : i32
    return %arg0, %c0_i32 : i32, i32
  }
  func.func @transform_2(%arg0: i32, %arg1: i32) -> (i32, i32, i32) {
    %c0_i32 = arith.constant 0 : i32
    %c0_i32_0 = arith.constant 0 : i32
    %c0_i32_1 = arith.constant 0 : i32
    return %arg1, %c0_i32, %c0_i32_0 : i32, i32, i32
  }
  func.func @transform_3(%arg0: i32, %arg1: i32) -> (i32, i32) {
    %c0_i32 = arith.constant 0 : i32
    return %arg0, %arg1 : i32, i32
  }
}

</mosaic_0001>

<sc_bundles>
// kernel: kernel.12.cloned.1.call-start
scs
__scs_entry_jumppad:
0x0: {  	(pc) =	sbr.rel $0x88, $3  }
0x1: {  	(tag) =	ssettag $0x0;
	lr =	simm.s32 $0x1  }
0x2: {  	[smem:$0x3F9B] =	sst lr;
	_ =	strace $0xD0000000  }
0x3: {  	_ = 	snop  }
0x4: {  	_ = 	snop  }
0x5: {  	_ = 	snop  }
0x6: {  	_ = 	snop  }
0x7: {  	_ = 	snop  }
__scs_overlays_trampoline_lowered:
0x8: {  	[smem:$0x3FAA] =	sst s0  }
0x9: {  	[smem:$0x3FAB] =	sst s1  }
0xa: {  	[smem:$0x3FAC] =	sst s2  }
0xb: {  	[smem:$0x3FAD] =	sst s3  }
0xc: {  	[smem:$0x3FAE] =	sst s4  }
0xd: {  	[smem:$0x3FAF] =	sst s5  }
0xe: {  	[smem:$0x3FB0] =	sst s6  }
0xf: {  	[smem:$0x3FB1] =	sst s7  }
0x10: {  	[smem:$0x3FB2] =	sst s8  }
0x11: {  	[smem:$0x3FB3] =	sst s9;
	s0 =	simm.s32 @!p0 $0x0  }
0x12: {  	s1 =	sld [smem:$0x3F99];
	s0 =	simm.s32 @p0 $0x1  }
0x13: {  	[smem:$0x3FB4] =	sst s0;
	s0 =	simm.s32 @!p1 $0x0  }
0x14: {  	s2 =	sld [smem:$0x3F98];
	s0 =	simm.s32 @p1 $0x1  }
0x15: {  	[smem:$0x3FB5] =	sst s0;
	s0 =	simm.s32 @!p2 $0x0  }
0x16: {  	s3 =	sld [smem:$0x3FDB];
	s0 =	simm.s32 @p2 $0x1  }
0x17: {  	s4 =	simm.s32 $0x1BF5;
	[smem:$0x3FB7] =	sst s0  }
0x18: {  	s0 =	sld [smem:$0x3F9A];
	_ =	swait.ge [sflag:s4], $0x0  }
0x19: {  	s7 =	sld [smem:$0x3F9B]  }
0x1a: {  	s8 =	sadd.s32 $0xFFFFE003, lr  }
0x1b: {  	s9 =	sadd.s32 $0xFFFFFEF7, lr;
	s5 =	simm.s32 $0xFFFFFFFF;
	p2 =	slt.u32 s8, $0xFFFFF086  }
0x1c: {  	p1 =	slt.u32 s9, $0xF7A;
	s5 =	simm.s32 @!p2 $0x0  }
0x1d: {  	s5 =	simm.s32 @p1 $0x1;
	p0 =	seq.s32 s7, s2  }
0x1e: {  	s7 =	smul.u32 @!p0 $0xF7A, s2;
	p2 =	seq.s32 @!p0 s5, $0x0  }
0x1f: {  	s9 =	smul.u32 $0xF7A, s1;
	s8 =	simm.s32 @!p0 $0x1BF5;
	p2 =	por !p2, p0  }
0x20: {  	[sflag:s8] =	ssyncset.s32 @!p0 $0xFFFFF086;
	s6 =	sadd.s32 @!p0 s3, s7;
	s7 =	simm.s32 @!p0 $0x108  }
0x21: {  	s3 =	sadd.s32 s3, s9;
	s6 =	sadd.s32 @!p0 $0x88, s6;
	s7 =	simm.s32 @p2 $0x1082  }
0x22: {  	[simem:s7], [sflag:s8] =	dma.local @!p0 [hbm:s6], $0xF7A  }
0x23: {  	s9 =	sor.u32 $0xD0000000, s2;
	s6 =	simm.s32 $0x108;
	_ =	swait.ge @!p0 [sflag:s8], $0x0  }
0x24: {  	s3 =	sadd.s32 $0x88, s3;
	s6 =	simm.s32 @!p1 $0x1082;
	[sflag:s4] =	ssyncset.s32 $0xFFFFF086  }
0x25: {  	[simem:s6], [sflag:s4] =	dma.local [hbm:s3], $0xF7A  }
0x26: {  	[smem:$0x3F9B] =	sst s1;
	(tag) =	ssettag s2;
	_ =	strace s9  }
0x27: {  	s1 =	sld [smem:$0x3FAB]  }
0x28: {  	s2 =	sld [smem:$0x3FAC]  }
0x29: {  	s4 =	sld [smem:$0x3FAE]  }
0x2a: {  	p0 =	seq.s32 s5, $0x0;
	s5 =	sld [smem:$0x3FAF]  }
0x2b: {  	s6 =	sld [smem:$0x3FB0]  }
0x2c: {  	s7 =	sld [smem:$0x3FB1]  }
0x2d: {  	s3 =	simm.s32 $0x108;
	s8 =	sld [smem:$0x3FB2]  }
0x2e: {  	s3 =	simm.s32 @!p0 $0x1082;
	s9 =	sld [smem:$0x3FB3]  }
0x2f: {  	lr =	sadd.s32 s0, s3;
	s0 =	sld [smem:$0x3FAA]  }
0x30: {  	s3 =	sld [smem:$0x3FAD]  }
0x31: {  	[smem:$0x3FB6] =	sst s10  }
0x32: {  	s10 =	sld [smem:$0x3FB4];
	_ =	sdelay $0x3  }
0x33: {  	p0 =	seq.s32 s10, $0x1;
	s10 =	sld [smem:$0x3FB6];
	_ =	sdelay $0x3  }
0x34: {  	[smem:$0x3FB6] =	sst s10  }
0x35: {  	s10 =	sld [smem:$0x3FB5];
	_ =	sdelay $0x3  }
0x36: {  	p1 =	seq.s32 s10, $0x1;
	s10 =	sld [smem:$0x3FB6];
	_ =	sdelay $0x3  }
0x37: {  	[smem:$0x3FB6] =	sst s10  }
0x38: {  	s10 =	sld [smem:$0x3FB7]  }
0x39: {  	_ = 	snop;
	(pc) =	sbr.ind lr, $3  }
0x3a: {  	_ = 	snop  }
0x3b: {  	_ = 	snop  }
0x3c: {  	p2 =	seq.s32 s10, $0x1;
	s10 =	sld [smem:$0x3FB6]  }
0x3d: {  	_ =	shalt  }
0x3e: {  	_ =	shalt  }
0x3f: {  	_ =	shalt  }
0x40: {  	_ =	shalt  }
0x41: {  	_ =	shalt  }
0x42: {  	_ =	shalt  }
0x43: {  	_ =	shalt  }
0x44: {  	_ =	shalt  }
0x45: {  	_ =	shalt  }
0x46: {  	_ =	shalt  }
0x47: {  	_ =	shalt  }
0x48: {  	_ =	shalt  }
0x49: {  	_ =	shalt  }
0x4a: {  	_ =	shalt  }
0x4b: {  	_ =	shalt  }
0x4c: {  	_ =	shalt  }
0x4d: {  	_ =	shalt  }
0x4e: {  	_ =	shalt  }
0x4f: {  	_ =	shalt  }
0x50: {  	_ =	shalt  }
0x51: {  	_ =	shalt  }
0x52: {  	_ =	shalt  }
0x53: {  	_ =	shalt  }
0x54: {  	_ =	shalt  }
0x55: {  	_ =	shalt  }
0x56: {  	_ =	shalt  }
0x57: {  	_ =	shalt  }
0x58: {  	_ =	shalt  }
0x59: {  	_ =	shalt  }
0x5a: {  	_ =	shalt  }
0x5b: {  	_ =	shalt  }
0x5c: {  	_ =	shalt  }
0x5d: {  	_ =	shalt  }
0x5e: {  	_ =	shalt  }
0x5f: {  	_ =	shalt  }
0x60: {  	_ =	shalt  }
0x61: {  	_ =	shalt  }
0x62: {  	_ =	shalt  }
0x63: {  	_ =	shalt  }
0x64: {  	_ =	shalt  }
0x65: {  	_ =	shalt  }
0x66: {  	_ =	shalt  }
0x67: {  	_ =	shalt  }
0x68: {  	_ =	shalt  }
0x69: {  	_ =	shalt  }
0x6a: {  	_ =	shalt  }
0x6b: {  	_ =	shalt  }
0x6c: {  	_ =	shalt  }
0x6d: {  	_ =	shalt  }
0x6e: {  	_ =	shalt  }
0x6f: {  	_ =	shalt  }
0x70: {  	_ =	shalt  }
0x71: {  	_ =	shalt  }
0x72: {  	_ =	shalt  }
0x73: {  	_ =	shalt  }
0x74: {  	_ =	shalt  }
0x75: {  	_ =	shalt  }
0x76: {  	_ =	shalt  }
0x77: {  	_ =	shalt  }
0x78: {  	_ =	shalt  }
0x79: {  	_ =	shalt  }
0x7a: {  	_ =	shalt  }
0x7b: {  	_ =	shalt  }
0x7c: {  	_ =	shalt  }
0x7d: {  	_ =	shalt  }
0x7e: {  	_ =	shalt  }
0x7f: {  	_ =	shalt  }
0x80: {  	_ =	shalt  }
0x81: {  	_ =	shalt  }
0x82: {  	_ =	shalt  }
0x83: {  	_ =	shalt  }
0x84: {  	_ =	shalt  }
0x85: {  	_ =	shalt  }
0x86: {  	_ =	shalt  }
0x87: {  	_ =	shalt  }
.Lfunc_end0:
.L_simem_size_0:
called_computation.1_lowered:
.L_overlay_start_0:
0x88: {  	s2 =	sld [smem:$0x3FD9]  }
0x89: {  	s3 =	sld [smem:$0x3FFE];
	_ =	sdelay $0x1  }
0x8a: {  	s1 =	srdreg.scid  }
0x8b: {  	s0 =	sand.u32 $0x1, s1  }
0x8c: {  	s17 =	sshll.u32 s0, $0xA;
	s2 =	sadd.s32 s3, s2  }
0x8d: {  	s2 =	sadd.s32 s2, s17  }
0x8e: {  	[smem:$0x3FC2] =	sst s2  }
0x8f: {  	_ = 	snop  }
0x90: {  	s2 =	sld [smem:$0x3FD0];
	(tm) =	ssettm $0x1  }
0x91: {  	s18 =	sld [smem:$0x3FFB];
	_ =	sdelay $0x3  }
0x92: {  	_ =	strace s18  }
0x93: {  	s3 =	sld [smem:$0x3FFC];
	_ =	sdelay $0x3  }
0x94: {  	_ =	strace s3  }
0x95: {  	s3 =	sld [smem:$0x3FFD];
	_ =	sdelay $0x3  }
0x96: {  	_ =	strace s3  }
0x97: {  	_ =	strace $0x8FFFFFFF  }
0x98: {  	s19 =	sld [smem:$0x3FDB];
	_ =	sdelay $0x1  }
0x99: {  	s4 =	simm.s32 $_scs_section_size  }
0x9a: {  	s5 =	simm.s32 $_size__tile_overlayer_lowered;
	s6 =	simm.s32 $_tile_overlayer_lowered  }
0x9b: {  	s22 =	simm.s32 $0x1BFF;
	s21 =	sshll.u32 s6, $0x1;
	s3 =	sadd.s32 s4, s19  }
0x9c: {  	s7 =	simm.s32 $0x0;
	s20 =	sshll.u32 s5, $0x1;
	s5 =	sadd.s32 s21, s3  }
0x9d: {  	[timem:s7], [sflag:s22] =	dma.local [hbm:s5], s20  }
0x9e: {  	_ =	swait.ge [sflag:s22], s20  }
0x9f: {  	s4 =	ssub.s32 $0x0, s20;
	[sflag:s22] =	ssyncset.done $0x0  }
0xa0: {  	[sflag:s22] =	ssyncadd.s32 s4;
	_ =	sdelay $0x1  }
0xa1: {  	s23 =	simm.s32 $0x1B8B  }
0xa2: {  	_ =	swait.ge [sflag:s23], $0x1  }
0xa3: {  	[sflag:s23] =	ssyncset.done $0x0  }
0xa4: {  	s25 =	simm.s32 $0x1B8E;
	s24 =	sld [smem:$0x3FFE];
	[sflag:s23] =	ssyncadd.s32 $0xFFFFFFFF  }
0xa5: {  	s26 =	simm.s32 $execute0_lowered;
	[smem:$0x3FD2] =	sst s25  }
0xa6: {  	s5 =	sshll.u32 s26, $0x1;
	_ =	strace $0x80000049;
	[dreg:$0x1] =	wrdreg $0xFFFFFFFF  }
0xa7: {  	s28 =	simm.s32 $_size_execute0_lowered;
	s3 =	sadd.s32 s3, s5;
	[dreg:$0x0] =	wrdreg $0x0  }
0xa8: {  	s5 =	sshll.u32 s28, $0x1;
	[dreg:$0x2] =	wrdreg s3  }
0xa9: {  	[dreg:$0x3] =	wrdreg s5  }
0xaa: {  	[dreg:$0x4] =	wrdreg $0xC0  }
0xab: {  	_ =	task [dreg:s7], $0x5FFFF  }
0xac: {  	[dreg:$0x1] =	wrdreg $0xFFFFFFFF  }
0xad: {  	[dreg:$0x0] =	wrdreg $0x60  }
0xae: {  	[dreg:$0x2] =	wrdreg s2  }
0xaf: {  	[dreg:$0x3] =	wrdreg s24  }
0xb0: {  	[dreg:$0x4] =	wrdreg $0xAC000  }
0xb1: {  	[dreg:$0x5] =	wrdreg $0x9  }
0xb2: {  	_ =	task.clear_ibuf [dreg:s7], $0x6FFFF;
	_ =	strace $0x90000049  }
0xb3: {  	s29 =	simm.s32 $0x9;
	_ =	strace $0x8000004B  }
0xb4: {  	_ =	swait.ge [sflag:s29], $0x1  }
0xb5: {  	[sflag:s29] =	ssyncadd.s32 $0xFFFFFFFF  }
0xb6: {  	_ =	strace $0x9000004B  }
0xb7: {  	_ =	sfence  }
0xb8: {  	s30 =	sld [smem:$0x0];
	_ =	sdelay $0x2  }
0xb9: {  	s31 =	sshll.u32 s1, $0xD;
	s1 =	sshrl.u32 s1, $0x2  }
0xba: {  	s3 =	sand.u32 $0x4000, s31;
	s1 =	sadd.s32 s1, s30  }
0xbb: {  	s0 =	sor.u32 s3, s0;
	s1 =	sshll.u32 s1, $0x11  }
0xbc: {  	s0 =	sor.u32 s1, s0  }
0xbd: {  	s0 =	sadd.s32 $0x8F2B, s0  }
0xbe: {  	[sflag:s0] =	ssyncadd.remote.s32 $0x1  }
0xbf: {  	_ =	sfence.sel $0xFFFF  }
0xc0: {  	[dreg:$0x0] =	wrdreg $0xFFFFFFFF;
	(pc) =	sbr.abs _section_cstart, $3  }
0xc1: {  	[dreg:$0x1] =	wrdreg $0xFFFFFFFF  }
0xc2: {  	_ =	task.clear_ibuf [dreg:s7], $0x2FFFF;
	_ =	strace $0x9FFFFFFF  }
0xc3: {  	(tm) =	ssettm $0x7FFFFFFF  }
tec
execute0_lowered:
.L_overlay_start_1:
0x0: {  	(tag) =	ssettag $0x1  }
0x1: {  	s1 =	rddreg [dreg:$0x0]  }
0x2: {  	s0 =	srdreg.scid;
	s2 =	rddreg [dreg:$0x1]  }
0x3: {  	s9 =	stileid.u32;
	s3 =	rddreg [dreg:$0x2]  }
0x4: {  	s4 =	simm.s32 $0x0;
	s28 =	simm.s32 $0x2980;
	s6 =	smul.u32 $0x2800, s9  }
0x5: {  	s29 =	simm.s32 $0x2A00;
	s0 =	sand.u32 $0x1, s0;
	s8 =	smul.u32 $0x280, s9  }
0x6: {  	s30 =	simm.s32 $0x1400;
	s31 =	simm.s32 $0x6C00;
	s5 =	smul.u32 $0x28000, s0  }
0x7: {  	[smem:$0x7FF] =	sst s4;
	s9 =	sshll.u32 s9, $0x7;
	s7 =	smul.u32 $0x2800, s0  }
0x8: {  	_ =	strace $0x8000004A;
	s0 =	ssub.s32 $0x2, s0;
	s17 =	sadd.s32 s9, s2  }
0x9: {  	s9 =	simm.s32 $0x0;
	s18 =	sshrl.u32 s0, $0x1;
	s5 =	sadd.s32 s6, s5  }
0xa: {  	s6 =	sshrl.u32 s6, $0x3;
	s7 =	sadd.s32 s8, s7;
	s0 =	ssub.s32 s0, s18  }
0xb: {  	s8 =	sadd.s32 $0x1400, s17;
	s5 =	sshrl.u32 s5, $0x3;
	s6 =	sadd.s32 s6, s2  }
0xc: {  	s7 =	sshll.u32 s7, $0x4;
	[dreg:$0x4] =	wrdreg s8;
	s8 =	simm.s32 $0x2780  }
0xd: {  	s5 =	sadd.s32 s5, s2;
	s2 =	sadd.s32 $0x16C00, s2;
	s19 =	sadd.s32 $0x800, s7  }
0xe: {  	s20 =	sadd.s32 s1, s7;
	s22 =	sadd.s32 $0x1000, s7;
	s10 =	sadd.s32 $0x1800, s7  }
0xf: {  	s11 =	sadd.s32 $0x2000, s7;
	s26 =	sadd.s32 $0x7C00, s6;
	s14 =	sadd.s32 $0x7E80, s6  }
0x10: {  	s6 =	simm.s32 $0x4;
	[dreg:$0x5] =	wrdreg s20;
	s21 =	sadd.s32 s1, s19  }
0x11: {  	s12 =	sadd.s32 s1, s22;
	s23 =	sadd.s32 s1, s10;
	s24 =	sadd.s32 s1, s11  }
0x12: {  	s25 =	sadd.s32 $0xCC00, s5;
	[dreg:$0xb] =	wrdreg s26;
	s13 =	sadd.s32 $0xCE80, s5  }
0x13: {  	s15 =	sadd.s32 s2, s7;
	s16 =	sadd.s32 s2, s19;
	s17 =	sadd.s32 s2, s22  }
0x14: {  	s18 =	sadd.s32 s2, s10;
	s19 =	sadd.s32 s2, s11;
	[dreg:$0x6] =	wrdreg s21  }
0x15: {  	s20 =	smax.u32 s0, $0x1;
	s22 =	simm.s32 $0x5;
	[dreg:$0x7] =	wrdreg s12  }
0x16: {  	s26 =	simm.s32 $0x2900;
	s2 =	simm.s32 $0x1;
	[dreg:$0x8] =	wrdreg s23  }
0x17: {  	s0 =	simm.s32 $0x2;
	s5 =	simm.s32 $0x3;
	[dreg:$0x9] =	wrdreg s24  }
0x18: {  	s7 =	simm.s32 $0x2700;
	[dreg:$0xa] =	wrdreg s25;
	s21 =	simm.s32 $0x2800  }
0x19: {  	s23 =	simm.s32 $0x2C00;
	s24 =	simm.s32 $0x80;
	s25 =	simm.s32 $0x2880  }
.LBB2_1:
0x1a: {  	s10 =	rddreg [dreg:$0x4]  }
0x1b: {  	[tilespmem:s21], [sflag:$0x5] =	stream.linear.gather [hbm4b:s10+s4], $0x280, $0x38;
	[tilespmem:$0x1EC00] =	vst v63  }
0x1c: {  	_ =	swait.ge [sflag:s22], $0x280  }
0x1d: {  	[sflag:s22] =	ssyncset.done $0x0  }
0x1e: {  	s11 =	rddreg [dreg:$0x5];
	[sflag:s22] =	ssyncadd.s32 $0xFFFFFD80  }
0x1f: {  	[tilespmem:s23], [sflag:$0x5] =	stream.linear.gather [hbm4b:s11+s4], $0x4000, $0x38;
	[tilespmem:$0x1EC00] =	vst v63  }
0x20: {  	_ =	swait.ge [sflag:s22], $0x4000  }
0x21: {  	[sflag:s22] =	ssyncset.done $0x0  }
0x22: {  	[sflag:s22] =	ssyncadd.s32 $0xFFFFC000  }
0x23: {  	[spmem:s3] =	stream.indirect.scatter [tilespmem:s23], [sflag:$0x5], $0x80, s21, s24, $0xb8;
	[tilespmem:$0x1EC00] =	vst v63  }
0x24: {  	_ =	swait.ge [sflag:s22], $0x4000  }
0x25: {  	[sflag:s22] =	ssyncset.done $0x0  }
0x26: {  	s12 =	rddreg [dreg:$0x6];
	[sflag:s22] =	ssyncadd.s32 $0xFFFFC000  }
0x27: {  	[tilespmem:s23], [sflag:$0x5] =	stream.linear.gather [hbm4b:s12+s4], $0x4000, $0x38;
	[tilespmem:$0x1EC00] =	vst v63  }
0x28: {  	_ =	swait.ge [sflag:s22], $0x4000  }
0x29: {  	[sflag:s22] =	ssyncset.done $0x0  }
0x2a: {  	[sflag:s22] =	ssyncadd.s32 $0xFFFFC000  }
0x2b: {  	[spmem:s3] =	stream.indirect.scatter [tilespmem:s23], [sflag:$0x5], $0x80, s25, s24, $0xb8;
	[tilespmem:$0x1EC00] =	vst v63  }
0x2c: {  	_ =	swait.ge [sflag:s22], $0x4000  }
0x2d: {  	[sflag:s22] =	ssyncset.done $0x0  }
0x2e: {  	s11 =	rddreg [dreg:$0x7];
	[sflag:s22] =	ssyncadd.s32 $0xFFFFC000  }
0x2f: {  	[tilespmem:s23], [sflag:$0x5] =	stream.linear.gather [hbm4b:s11+s4], $0x4000, $0x38;
	[tilespmem:$0x1EC00] =	vst v63  }
0x30: {  	_ =	swait.ge [sflag:s22], $0x4000  }
0x31: {  	[sflag:s22] =	ssyncset.done $0x0  }
0x32: {  	[sflag:s22] =	ssyncadd.s32 $0xFFFFC000  }
0x33: {  	[spmem:s3] =	stream.indirect.scatter [tilespmem:s23], [sflag:$0x5], $0x80, s26, s24, $0xb8;
	[tilespmem:$0x1EC00] =	vst v63  }
0x34: {  	_ =	swait.ge [sflag:s22], $0x4000  }
0x35: {  	[sflag:s22] =	ssyncset.done $0x0  }
0x36: {  	s12 =	rddreg [dreg:$0x8];
	[sflag:s22] =	ssyncadd.s32 $0xFFFFC000  }
0x37: {  	[tilespmem:s23], [sflag:$0x5] =	stream.linear.gather [hbm4b:s12+s4], $0x4000, $0x38;
	[tilespmem:$0x1EC00] =	vst v63  }
0x38: {  	_ =	swait.ge [sflag:s22], $0x4000  }
0x39: {  	[sflag:s22] =	ssyncset.done $0x0  }
0x3a: {  	[sflag:s22] =	ssyncadd.s32 $0xFFFFC000  }
0x3b: {  	[spmem:s3] =	stream.indirect.scatter [tilespmem:s23], [sflag:$0x5], $0x80, s28, s24, $0xb8;
	[tilespmem:$0x1EC00] =	vst v63  }
0x3c: {  	_ =	swait.ge [sflag:s22], $0x4000  }
0x3d: {  	[sflag:s22] =	ssyncset.done $0x0  }
0x3e: {  	s11 =	rddreg [dreg:$0x9];
	[sflag:s22] =	ssyncadd.s32 $0xFFFFC000  }
0x3f: {  	[tilespmem:s23], [sflag:$0x5] =	stream.linear.gather [hbm4b:s11+s4], $0x4000, $0x38;
	[tilespmem:$0x1EC00] =	vst v63  }
0x40: {  	_ =	swait.ge [sflag:s22], $0x4000  }
0x41: {  	[sflag:s22] =	ssyncset.done $0x0  }
0x42: {  	[sflag:s22] =	ssyncadd.s32 $0xFFFFC000  }
0x43: {  	[spmem:s3] =	stream.indirect.scatter [tilespmem:s23], [sflag:$0x5], $0x80, s29, s24, $0xb8;
	[tilespmem:$0x1EC00] =	vst v63  }
0x44: {  	_ =	swait.ge [sflag:s22], $0x4000  }
0x45: {  	[sflag:s22] =	ssyncset.done $0x0  }
0x46: {  	[sflag:s22] =	ssyncadd.s32 $0xFFFFC000  }
0x47: {  	[bflag:$0x0] =	sbarrier.arrive $0xFFFF  }
0x48: {  	s12 =	rddreg [dreg:$0xa]  }
0x49: {  	[tilespmem:s4], [sflag:$0x5] =	stream.linear.gather [hbm4b:s12+s4], $0x1400, $0x38;
	[tilespmem:$0x1EC00] =	vst v63  }
0x4a: {  	_ =	swait.ge [sflag:s22], $0x1400  }
0x4b: {  	[sflag:s22] =	ssyncset.done $0x0  }
0x4c: {  	s11 =	rddreg [dreg:$0xb];
	[sflag:s22] =	ssyncadd.s32 $0xFFFFEC00  }
0x4d: {  	[tilespmem:s30], [sflag:$0x5] =	stream.linear.gather [hbm4b:s11+s4], $0x1400, $0x38;
	[tilespmem:$0x1EC00] =	vst v63  }
0x4e: {  	_ =	swait.ge [sflag:s22], $0x1400  }
0x4f: {  	[sflag:s22] =	ssyncset.done $0x0  }
0x50: {  	[sflag:s22] =	ssyncadd.s32 $0xFFFFEC00  }
0x51: {  	[tilespmem:s23], [sflag:$0x1] =	stream.indirect.gather [hbm4b:s1+s24], $0x80, s4, s24, $0xb8;
	[tilespmem:$0x1EC00] =	vst v63  }
0x52: {  	_ = 	snop  }
0x53: {  	[tilespmem:s31], [sflag:$0x2] =	stream.indirect.gather [hbm4b:s1+s24], $0x80, s24, s24, $0xb8;
	[tilespmem:$0x1EC00] =	vst v63  }
0x54: {  	_ =	swait.ge [sflag:s2], $0x4000  }
0x55: {  	[sflag:s2] =	ssyncset.done $0x0  }
0x56: {  	s12 =	simm.s32 $0x1400;
	[sflag:s2] =	ssyncadd.s32 $0xFFFFC000  }
0x57: {  	[spmem:s3] =	stream.indirect.scatter.add.f32 [tilespmem:s23], [sflag:$0x3], $0x80, s12, s24, $0xb8;
	[tilespmem:$0x1EC00] =	vst v63  }
0x58: {  	_ =	swait.ge [sflag:s0], $0x4000  }
0x59: {  	[sflag:s0] =	ssyncset.done $0x0  }
0x5a: {  	s11 =	simm.s32 $0x1480;
	[sflag:s0] =	ssyncadd.s32 $0xFFFFC000  }
0x5b: {  	[spmem:s3] =	stream.indirect.scatter.add.f32 [tilespmem:s31], [sflag:$0x4], $0x80, s11, s24, $0xb8;
	[tilespmem:$0x1EC00] =	vst v63  }
0x5c: {  	_ =	swait.ge [sflag:s5], $0x4000  }
0x5d: {  	[sflag:s5] =	ssyncset.done $0x0  }
0x5e: {  	s12 =	simm.s32 $0x100;
	[sflag:s5] =	ssyncadd.s32 $0xFFFFC000  }
0x5f: {  	[tilespmem:s23], [sflag:$0x1] =	stream.indirect.gather [hbm4b:s1+s24], $0x80, s12, s24, $0xb8;
	[tilespmem:$0x1EC00] =	vst v63  }
0x60: {  	_ =	swait.ge [sflag:s6], $0x4000  }
0x61: {  	[sflag:s6] =	ssyncset.done $0x0  }
0x62: {  	s10 =	simm.s32 $0x400;
	s11 =	simm.s32 $0x180;
	[sflag:s6] =	ssyncadd.s32 $0xFFFFC000  }
.LBB2_2:
0x63: {  	[tilespmem:s31], [sflag:$0x2] =	stream.indirect.gather [hbm4b:s1+s24], $0x80, s11, s24, $0xb8;
	[tilespmem:$0x1EC00] =	vst v63  }
0x64: {  	s11 =	smov.u32 s10  }
0x65: {  	p0 =	sne.s32 s10, $0x4800;
	s10 =	sadd.s32 $0x400, s10;
	_ =	swait.ge [sflag:s2], $0x4000  }
0x66: {  	s11 =	sshra.s32 s11, $0x2;
	[sflag:s2] =	ssyncset.done $0x0  }
0x67: {  	s12 =	sadd.s32 $0x1400, s11;
	[sflag:s2] =	ssyncadd.s32 $0xFFFFC000  }
0x68: {  	[spmem:s3] =	stream.indirect.scatter.add.f32 [tilespmem:s23], [sflag:$0x3], $0x80, s12, s24, $0xb8;
	[tilespmem:$0x1EC00] =	vst v63  }
0x69: {  	_ =	swait.ge [sflag:s0], $0x4000  }
0x6a: {  	[sflag:s0] =	ssyncset.done $0x0  }
0x6b: {  	s12 =	sadd.s32 $0x1480, s11;
	[sflag:s0] =	ssyncadd.s32 $0xFFFFC000  }
0x6c: {  	[spmem:s3] =	stream.indirect.scatter.add.f32 [tilespmem:s31], [sflag:$0x4], $0x80, s12, s24, $0xb8;
	[tilespmem:$0x1EC00] =	vst v63  }
0x6d: {  	_ =	swait.ge [sflag:s5], $0x4000  }
0x6e: {  	[sflag:s5] =	ssyncset.done $0x0  }
.Ltmp0:
0x6f: {  	s12 =	sadd.s32 $0x100, s11;
	[sflag:s5] =	ssyncadd.s32 $0xFFFFC000;
	(pc) =	sbr.rel @p0 .LBB2_2-.Ltmp0, $4  }
0x70: {  	[tilespmem:s23], [sflag:$0x1] =	stream.indirect.gather [hbm4b:s1+s24], $0x80, s12, s24, $0xb8;
	[tilespmem:$0x1EC00] =	vst v63  }
0x71: {  	_ =	swait.ge [sflag:s6], $0x4000  }
0x72: {  	[sflag:s6] =	ssyncset.done $0x0  }
0x73: {  	s11 =	sadd.s32 $0x180, s11;
	[sflag:s6] =	ssyncadd.s32 $0xFFFFC000  }
0x74: {  	[tilespmem:s31], [sflag:$0x2] =	stream.indirect.gather [hbm4b:s1+s24], $0x80, s11, s24, $0xb8;
	[tilespmem:$0x1EC00] =	vst v63  }
0x75: {  	_ =	swait.ge [sflag:s2], $0x4000  }
0x76: {  	[sflag:s2] =	ssyncset.done $0x0  }
0x77: {  	[sflag:s2] =	ssyncadd.s32 $0xFFFFC000  }
0x78: {  	[spmem:s3] =	stream.indirect.scatter.add.f32 [tilespmem:s23], [sflag:$0x3], $0x80, s7, s24, $0xb8;
	[tilespmem:$0x1EC00] =	vst v63  }
0x79: {  	_ =	swait.ge [sflag:s0], $0x4000  }
0x7a: {  	[sflag:s0] =	ssyncset.done $0x0  }
0x7b: {  	[sflag:s0] =	ssyncadd.s32 $0xFFFFC000  }
0x7c: {  	[spmem:s3] =	stream.indirect.scatter.add.f32 [tilespmem:s31], [sflag:$0x4], $0x80, s8, s24, $0xb8;
	[tilespmem:$0x1EC00] =	vst v63  }
0x7d: {  	_ =	swait.ge [sflag:s5], $0x4000  }
0x7e: {  	[sflag:s5] =	ssyncset.done $0x0  }
0x7f: {  	[sflag:s5] =	ssyncadd.s32 $0xFFFFC000  }
0x80: {  	_ =	swait.ge [sflag:s6], $0x4000  }
0x81: {  	[sflag:s6] =	ssyncset.done $0x0  }
0x82: {  	s10 =	simm.s32 $0x0;
	[sflag:s6] =	ssyncadd.s32 $0xFFFFC000  }
0x83: {  	[tilespmem:s10], [sflag:$0x5] =	stream.linear.gather [hbm4b:s13+s10], $0x1400, $0x38;
	[tilespmem:$0x1EC00] =	vst v63  }
0x84: {  	_ =	swait.ge [sflag:s22], $0x1400  }
0x85: {  	[sflag:s22] =	ssyncset.done $0x0  }
0x86: {  	[sflag:s22] =	ssyncadd.s32 $0xFFFFEC00  }
0x87: {  	[tilespmem:s30], [sflag:$0x5] =	stream.linear.gather [hbm4b:s14+s10], $0x1400, $0x38;
	[tilespmem:$0x1EC00] =	vst v63  }
0x88: {  	_ =	swait.ge [sflag:s22], $0x1400  }
0x89: {  	[sflag:s22] =	ssyncset.done $0x0  }
0x8a: {  	[sflag:s22] =	ssyncadd.s32 $0xFFFFEC00  }
0x8b: {  	[tilespmem:s23], [sflag:$0x1] =	stream.indirect.gather [hbm4b:s1+s24], $0x80, s10, s24, $0xb8;
	[tilespmem:$0x1EC00] =	vst v63  }
0x8c: {  	_ = 	snop  }
0x8d: {  	[tilespmem:s31], [sflag:$0x2] =	stream.indirect.gather [hbm4b:s1+s24], $0x80, s24, s24, $0xb8;
	[tilespmem:$0x1EC00] =	vst v63  }
0x8e: {  	_ =	swait.ge [sflag:s2], $0x4000  }
0x8f: {  	[sflag:s2] =	ssyncset.done $0x0  }
0x90: {  	s12 =	simm.s32 $0x1400;
	[sflag:s2] =	ssyncadd.s32 $0xFFFFC000  }
0x91: {  	[spmem:s3] =	stream.indirect.scatter.add.f32 [tilespmem:s23], [sflag:$0x3], $0x80, s12, s24, $0xb8;
	[tilespmem:$0x1EC00] =	vst v63  }
0x92: {  	_ =	swait.ge [sflag:s0], $0x4000  }
0x93: {  	[sflag:s0] =	ssyncset.done $0x0  }
0x94: {  	s11 =	simm.s32 $0x1480;
	[sflag:s0] =	ssyncadd.s32 $0xFFFFC000  }
0x95: {  	[spmem:s3] =	stream.indirect.scatter.add.f32 [tilespmem:s31], [sflag:$0x4], $0x80, s11, s24, $0xb8;
	[tilespmem:$0x1EC00] =	vst v63  }
0x96: {  	_ =	swait.ge [sflag:s5], $0x4000  }
0x97: {  	[sflag:s5] =	ssyncset.done $0x0  }
0x98: {  	s12 =	simm.s32 $0x100;
	[sflag:s5] =	ssyncadd.s32 $0xFFFFC000  }
0x99: {  	[tilespmem:s23], [sflag:$0x1] =	stream.indirect.gather [hbm4b:s1+s24], $0x80, s12, s24, $0xb8;
	[tilespmem:$0x1EC00] =	vst v63  }
0x9a: {  	_ =	swait.ge [sflag:s6], $0x4000  }
0x9b: {  	[sflag:s6] =	ssyncset.done $0x0  }
0x9c: {  	s10 =	simm.s32 $0x400;
	s11 =	simm.s32 $0x180;
	[sflag:s6] =	ssyncadd.s32 $0xFFFFC000  }
.LBB2_4:
0x9d: {  	[tilespmem:s31], [sflag:$0x2] =	stream.indirect.gather [hbm4b:s1+s24], $0x80, s11, s24, $0xb8;
	[tilespmem:$0x1EC00] =	vst v63  }
0x9e: {  	s11 =	smov.u32 s10  }
0x9f: {  	p0 =	sne.s32 s10, $0x4800;
	s10 =	sadd.s32 $0x400, s10;
	_ =	swait.ge [sflag:s2], $0x4000  }
0xa0: {  	s11 =	sshra.s32 s11, $0x2;
	[sflag:s2] =	ssyncset.done $0x0  }
0xa1: {  	s12 =	sadd.s32 $0x1400, s11;
	[sflag:s2] =	ssyncadd.s32 $0xFFFFC000  }
0xa2: {  	[spmem:s3] =	stream.indirect.scatter.add.f32 [tilespmem:s23], [sflag:$0x3], $0x80, s12, s24, $0xb8;
	[tilespmem:$0x1EC00] =	vst v63  }
0xa3: {  	_ =	swait.ge [sflag:s0], $0x4000  }
0xa4: {  	[sflag:s0] =	ssyncset.done $0x0  }
0xa5: {  	s12 =	sadd.s32 $0x1480, s11;
	[sflag:s0] =	ssyncadd.s32 $0xFFFFC000  }
0xa6: {  	[spmem:s3] =	stream.indirect.scatter.add.f32 [tilespmem:s31], [sflag:$0x4], $0x80, s12, s24, $0xb8;
	[tilespmem:$0x1EC00] =	vst v63  }
0xa7: {  	_ =	swait.ge [sflag:s5], $0x4000  }
0xa8: {  	[sflag:s5] =	ssyncset.done $0x0  }
.Ltmp1:
0xa9: {  	s12 =	sadd.s32 $0x100, s11;
	[sflag:s5] =	ssyncadd.s32 $0xFFFFC000;
	(pc) =	sbr.rel @p0 .LBB2_4-.Ltmp1, $4  }
0xaa: {  	[tilespmem:s23], [sflag:$0x1] =	stream.indirect.gather [hbm4b:s1+s24], $0x80, s12, s24, $0xb8;
	[tilespmem:$0x1EC00] =	vst v63  }
0xab: {  	_ =	swait.ge [sflag:s6], $0x4000  }
0xac: {  	[sflag:s6] =	ssyncset.done $0x0  }
0xad: {  	s11 =	sadd.s32 $0x180, s11;
	[sflag:s6] =	ssyncadd.s32 $0xFFFFC000  }
0xae: {  	[tilespmem:s31], [sflag:$0x2] =	stream.indirect.gather [hbm4b:s1+s24], $0x80, s11, s24, $0xb8;
	[tilespmem:$0x1EC00] =	vst v63  }
0xaf: {  	_ =	swait.ge [sflag:s2], $0x4000  }
0xb0: {  	[sflag:s2] =	ssyncset.done $0x0  }
0xb1: {  	[sflag:s2] =	ssyncadd.s32 $0xFFFFC000  }
0xb2: {  	[spmem:s3] =	stream.indirect.scatter.add.f32 [tilespmem:s23], [sflag:$0x3], $0x80, s7, s24, $0xb8;
	[tilespmem:$0x1EC00] =	vst v63  }
0xb3: {  	_ =	swait.ge [sflag:s0], $0x4000  }
0xb4: {  	[sflag:s0] =	ssyncset.done $0x0  }
0xb5: {  	[sflag:s0] =	ssyncadd.s32 $0xFFFFC000  }
0xb6: {  	[spmem:s3] =	stream.indirect.scatter.add.f32 [tilespmem:s31], [sflag:$0x4], $0x80, s8, s24, $0xb8;
	[tilespmem:$0x1EC00] =	vst v63  }
0xb7: {  	_ =	swait.ge [sflag:s5], $0x4000  }
0xb8: {  	[sflag:s5] =	ssyncset.done $0x0  }
0xb9: {  	[sflag:s5] =	ssyncadd.s32 $0xFFFFC000  }
0xba: {  	_ =	swait.ge [sflag:s6], $0x4000  }
0xbb: {  	[sflag:s6] =	ssyncset.done $0x0  }
0xbc: {  	[sflag:s6] =	ssyncadd.s32 $0xFFFFC000  }
0xbd: {  	[bflag:$0x0] =	sbarrier.arrive $0xFFFF  }
0xbe: {  	[tilespmem:s23], [sflag:$0x5] =	stream.indirect.gather [spmem:s3], $0x80, s21, s24, $0xb8;
	[tilespmem:$0x1EC00] =	vst v63  }
0xbf: {  	_ =	swait.ge [sflag:s22], $0x4000  }
0xc0: {  	[sflag:s22] =	ssyncset.done $0x0  }
0xc1: {  	[sflag:s22] =	ssyncadd.s32 $0xFFFFC000  }
0xc2: {  	[hbm4b:s15+s4] =	stream.linear.scatter [tilespmem:s23], [sflag:$0x5], $0x4000, $0x38;
	[tilespmem:$0x1EC00] =	vst v63  }
0xc3: {  	_ =	swait.ge [sflag:s22], $0x4000  }
0xc4: {  	[sflag:s22] =	ssyncset.done $0x0  }
0xc5: {  	[sflag:s22] =	ssyncadd.s32 $0xFFFFC000  }
0xc6: {  	[tilespmem:s23], [sflag:$0x5] =	stream.indirect.gather [spmem:s3], $0x80, s25, s24, $0xb8;
	[tilespmem:$0x1EC00] =	vst v63  }
0xc7: {  	_ =	swait.ge [sflag:s22], $0x4000  }
0xc8: {  	[sflag:s22] =	ssyncset.done $0x0  }
0xc9: {  	[sflag:s22] =	ssyncadd.s32 $0xFFFFC000  }
0xca: {  	[hbm4b:s16+s4] =	stream.linear.scatter [tilespmem:s23], [sflag:$0x5], $0x4000, $0x38;
	[tilespmem:$0x1EC00] =	vst v63  }
0xcb: {  	_ =	swait.ge [sflag:s22], $0x4000  }
0xcc: {  	[sflag:s22] =	ssyncset.done $0x0  }
0xcd: {  	[sflag:s22] =	ssyncadd.s32 $0xFFFFC000  }
0xce: {  	[tilespmem:s23], [sflag:$0x5] =	stream.indirect.gather [spmem:s3], $0x80, s26, s24, $0xb8;
	[tilespmem:$0x1EC00] =	vst v63  }
0xcf: {  	_ =	swait.ge [sflag:s22], $0x4000  }
0xd0: {  	[sflag:s22] =	ssyncset.done $0x0  }
0xd1: {  	[sflag:s22] =	ssyncadd.s32 $0xFFFFC000  }
0xd2: {  	[hbm4b:s17+s4] =	stream.linear.scatter [tilespmem:s23], [sflag:$0x5], $0x4000, $0x38;
	[tilespmem:$0x1EC00] =	vst v63  }
0xd3: {  	_ =	swait.ge [sflag:s22], $0x4000  }
0xd4: {  	[sflag:s22] =	ssyncset.done $0x0  }
0xd5: {  	[sflag:s22] =	ssyncadd.s32 $0xFFFFC000  }
0xd6: {  	[tilespmem:s23], [sflag:$0x5] =	stream.indirect.gather [spmem:s3], $0x80, s28, s24, $0xb8;
	[tilespmem:$0x1EC00] =	vst v63  }
0xd7: {  	_ =	swait.ge [sflag:s22], $0x4000  }
0xd8: {  	[sflag:s22] =	ssyncset.done $0x0  }
0xd9: {  	[sflag:s22] =	ssyncadd.s32 $0xFFFFC000  }
0xda: {  	[hbm4b:s18+s4] =	stream.linear.scatter [tilespmem:s23], [sflag:$0x5], $0x4000, $0x38;
	[tilespmem:$0x1EC00] =	vst v63  }
0xdb: {  	_ =	swait.ge [sflag:s22], $0x4000  }
0xdc: {  	[sflag:s22] =	ssyncset.done $0x0  }
0xdd: {  	[sflag:s22] =	ssyncadd.s32 $0xFFFFC000  }
0xde: {  	[tilespmem:s23], [sflag:$0x5] =	stream.indirect.gather [spmem:s3], $0x80, s29, s24, $0xb8;
	[tilespmem:$0x1EC00] =	vst v63  }
0xdf: {  	_ =	swait.ge [sflag:s22], $0x4000  }
0xe0: {  	s9 =	sadd.s32 $0x1, s9;
	[sflag:s22] =	ssyncset.done $0x0  }
0xe1: {  	p0 =	sne.s32 s9, s20;
	[sflag:s22] =	ssyncadd.s32 $0xFFFFC000  }
0xe2: {  	[hbm4b:s19+s4] =	stream.linear.scatter [tilespmem:s23], [sflag:$0x5], $0x4000, $0x38;
	[tilespmem:$0x1EC00] =	vst v63  }
.Ltmp2:
0xe3: {  	_ =	swait.ge [sflag:s22], $0x4000;
	(pc) =	sbr.rel @p0 .LBB2_1-.Ltmp2, $3  }
0xe4: {  	[sflag:s22] =	ssyncset.done $0x0  }
0xe5: {  	[sflag:s22] =	ssyncadd.s32 $0xFFFFC000  }
0xe6: {  	[bflag:$0x0] =	sbarrier.arrive $0xFFFF;
	_ =	sdelay $0x1  }
0xe7: {  	_ =	sfence.sel $0x180000  }
0xe8: {  	[bflag:$0x0] =	sbarrier.arrive $0xFFFF  }
0xe9: {  	_ =	strace $0x9000004A  }
0xea: {  	s0 =	stileid.u32;
	[bflag:$0x2] =	sbarrier.arrive $0xFFFF  }
0xeb: {  	p0 =	sne.s32 s0, $0x0;
	s0 =	rddreg [dreg:$0x3]  }
0xec: {  	s0 =	sadd.s32 @!p0 $0x100000, s0  }
0xed: {  	[sflag:s0] =	ssyncadd.tile.s32 @!p0 $0x1;
	_ =	shalt  }
.Lfunc_end2:
_tile_overlayer_lowered:
.L_overlay_start_2:
0xee: {  	(tag) =	ssettag $0x2  }
0xef: {  	s0 =	rddreg [dreg:$0x0];
	s2 =	stileid.u32  }
0xf0: {  	s1 =	rddreg [dreg:$0x1];
	p0 =	sne.s32 s2, $0x0  }
0xf1: {  	s3 =	rddreg [dreg:$0x2];
	[bflag:$0x3] =	sbarrier.arrive $0xFFFF;
	s2 =	simm.s32 @!p0 $0x1C05  }
0xf2: {  	[timem:s3], [sflag:s2] =	dma.local @!p0 [hbm:s0], s1  }
0xf3: {  	s0 =	simm.s32 @!p0 $0x5  }
0xf4: {  	_ =	swait.ge @!p0 [sflag:s0], s1  }
0xf5: {  	s1 =	ssub.s32 @!p0 $0x0, s1;
	[sflag:s0] =	ssyncset.done @!p0 $0x0  }
0xf6: {  	[sflag:s0] =	ssyncadd.s32 @!p0 s1  }
0xf7: {  	[bflag:$0x3] =	sbarrier.arrive $0xFFFF  }
0xf8: {  	_ =	shalt  }

// kernel: kernel.15.cloned.1.call-start
scs
__scs_entry_jumppad:
0x0: {  	(pc) =	sbr.rel $0x88, $3  }
0x1: {  	(tag) =	ssettag $0x0;
	lr =	simm.s32 $0x1  }
0x2: {  	[smem:$0x3F9B] =	sst lr;
	_ =	strace $0xD0000000  }
0x3: {  	_ = 	snop  }
0x4: {  	_ = 	snop  }
0x5: {  	_ = 	snop  }
0x6: {  	_ = 	snop  }
0x7: {  	_ = 	snop  }
__scs_overlays_trampoline_lowered:
0x8: {  	[smem:$0x3FAA] =	sst s0  }
0x9: {  	[smem:$0x3FAB] =	sst s1  }
0xa: {  	[smem:$0x3FAC] =	sst s2  }
0xb: {  	[smem:$0x3FAD] =	sst s3  }
0xc: {  	[smem:$0x3FAE] =	sst s4  }
0xd: {  	[smem:$0x3FAF] =	sst s5  }
0xe: {  	[smem:$0x3FB0] =	sst s6  }
0xf: {  	[smem:$0x3FB1] =	sst s7  }
0x10: {  	[smem:$0x3FB2] =	sst s8  }
0x11: {  	[smem:$0x3FB3] =	sst s9;
	s0 =	simm.s32 @!p0 $0x0  }
0x12: {  	s1 =	sld [smem:$0x3F99];
	s0 =	simm.s32 @p0 $0x1  }
0x13: {  	[smem:$0x3FB4] =	sst s0;
	s0 =	simm.s32 @!p1 $0x0  }
0x14: {  	s2 =	sld [smem:$0x3F98];
	s0 =	simm.s32 @p1 $0x1  }
0x15: {  	[smem:$0x3FB5] =	sst s0;
	s0 =	simm.s32 @!p2 $0x0  }
0x16: {  	s3 =	sld [smem:$0x3FDB];
	s0 =	simm.s32 @p2 $0x1  }
0x17: {  	s4 =	simm.s32 $0x1BF5;
	[smem:$0x3FB7] =	sst s0  }
0x18: {  	s0 =	sld [smem:$0x3F9A];
	_ =	swait.ge [sflag:s4], $0x0  }
0x19: {  	s7 =	sld [smem:$0x3F9B]  }
0x1a: {  	s8 =	sadd.s32 $0xFFFFE003, lr  }
0x1b: {  	s9 =	sadd.s32 $0xFFFFFEF7, lr;
	s5 =	simm.s32 $0xFFFFFFFF;
	p2 =	slt.u32 s8, $0xFFFFF086  }
0x1c: {  	p1 =	slt.u32 s9, $0xF7A;
	s5 =	simm.s32 @!p2 $0x0  }
0x1d: {  	s5 =	simm.s32 @p1 $0x1;
	p0 =	seq.s32 s7, s2  }
0x1e: {  	s7 =	smul.u32 @!p0 $0xF7A, s2;
	p2 =	seq.s32 @!p0 s5, $0x0  }
0x1f: {  	s9 =	smul.u32 $0xF7A, s1;
	s8 =	simm.s32 @!p0 $0x1BF5;
	p2 =	por !p2, p0  }
0x20: {  	[sflag:s8] =	ssyncset.s32 @!p0 $0xFFFFF086;
	s6 =	sadd.s32 @!p0 s3, s7;
	s7 =	simm.s32 @!p0 $0x108  }
0x21: {  	s3 =	sadd.s32 s3, s9;
	s6 =	sadd.s32 @!p0 $0x88, s6;
	s7 =	simm.s32 @p2 $0x1082  }
0x22: {  	[simem:s7], [sflag:s8] =	dma.local @!p0 [hbm:s6], $0xF7A  }
0x23: {  	s9 =	sor.u32 $0xD0000000, s2;
	s6 =	simm.s32 $0x108;
	_ =	swait.ge @!p0 [sflag:s8], $0x0  }
0x24: {  	s3 =	sadd.s32 $0x88, s3;
	s6 =	simm.s32 @!p1 $0x1082;
	[sflag:s4] =	ssyncset.s32 $0xFFFFF086  }
0x25: {  	[simem:s6], [sflag:s4] =	dma.local [hbm:s3], $0xF7A  }
0x26: {  	[smem:$0x3F9B] =	sst s1;
	(tag) =	ssettag s2;
	_ =	strace s9  }
0x27: {  	s1 =	sld [smem:$0x3FAB]  }
0x28: {  	s2 =	sld [smem:$0x3FAC]  }
0x29: {  	s4 =	sld [smem:$0x3FAE]  }
0x2a: {  	p0 =	seq.s32 s5, $0x0;
	s5 =	sld [smem:$0x3FAF]  }
0x2b: {  	s6 =	sld [smem:$0x3FB0]  }
0x2c: {  	s7 =	sld [smem:$0x3FB1]  }
0x2d: {  	s3 =	simm.s32 $0x108;
	s8 =	sld [smem:$0x3FB2]  }
0x2e: {  	s3 =	simm.s32 @!p0 $0x1082;
	s9 =	sld [smem:$0x3FB3]  }
0x2f: {  	lr =	sadd.s32 s0, s3;
	s0 =	sld [smem:$0x3FAA]  }
0x30: {  	s3 =	sld [smem:$0x3FAD]  }
0x31: {  	[smem:$0x3FB6] =	sst s10  }
0x32: {  	s10 =	sld [smem:$0x3FB4];
	_ =	sdelay $0x3  }
0x33: {  	p0 =	seq.s32 s10, $0x1;
	s10 =	sld [smem:$0x3FB6];
	_ =	sdelay $0x3  }
0x34: {  	[smem:$0x3FB6] =	sst s10  }
0x35: {  	s10 =	sld [smem:$0x3FB5];
	_ =	sdelay $0x3  }
0x36: {  	p1 =	seq.s32 s10, $0x1;
	s10 =	sld [smem:$0x3FB6];
	_ =	sdelay $0x3  }
0x37: {  	[smem:$0x3FB6] =	sst s10  }
0x38: {  	s10 =	sld [smem:$0x3FB7]  }
0x39: {  	_ = 	snop;
	(pc) =	sbr.ind lr, $3  }
0x3a: {  	_ = 	snop  }
0x3b: {  	_ = 	snop  }
0x3c: {  	p2 =	seq.s32 s10, $0x1;
	s10 =	sld [smem:$0x3FB6]  }
0x3d: {  	_ =	shalt  }
0x3e: {  	_ =	shalt  }
0x3f: {  	_ =	shalt  }
0x40: {  	_ =	shalt  }
0x41: {  	_ =	shalt  }
0x42: {  	_ =	shalt  }
0x43: {  	_ =	shalt  }
0x44: {  	_ =	shalt  }
0x45: {  	_ =	shalt  }
0x46: {  	_ =	shalt  }
0x47: {  	_ =	shalt  }
0x48: {  	_ =	shalt  }
0x49: {  	_ =	shalt  }
0x4a: {  	_ =	shalt  }
0x4b: {  	_ =	shalt  }
0x4c: {  	_ =	shalt  }
0x4d: {  	_ =	shalt  }
0x4e: {  	_ =	shalt  }
0x4f: {  	_ =	shalt  }
0x50: {  	_ =	shalt  }
0x51: {  	_ =	shalt  }
0x52: {  	_ =	shalt  }
0x53: {  	_ =	shalt  }
0x54: {  	_ =	shalt  }
0x55: {  	_ =	shalt  }
0x56: {  	_ =	shalt  }
0x57: {  	_ =	shalt  }
0x58: {  	_ =	shalt  }
0x59: {  	_ =	shalt  }
0x5a: {  	_ =	shalt  }
0x5b: {  	_ =	shalt  }
0x5c: {  	_ =	shalt  }
0x5d: {  	_ =	shalt  }
0x5e: {  	_ =	shalt  }
0x5f: {  	_ =	shalt  }
0x60: {  	_ =	shalt  }
0x61: {  	_ =	shalt  }
0x62: {  	_ =	shalt  }
0x63: {  	_ =	shalt  }
0x64: {  	_ =	shalt  }
0x65: {  	_ =	shalt  }
0x66: {  	_ =	shalt  }
0x67: {  	_ =	shalt  }
0x68: {  	_ =	shalt  }
0x69: {  	_ =	shalt  }
0x6a: {  	_ =	shalt  }
0x6b: {  	_ =	shalt  }
0x6c: {  	_ =	shalt  }
0x6d: {  	_ =	shalt  }
0x6e: {  	_ =	shalt  }
0x6f: {  	_ =	shalt  }
0x70: {  	_ =	shalt  }
0x71: {  	_ =	shalt  }
0x72: {  	_ =	shalt  }
0x73: {  	_ =	shalt  }
0x74: {  	_ =	shalt  }
0x75: {  	_ =	shalt  }
0x76: {  	_ =	shalt  }
0x77: {  	_ =	shalt  }
0x78: {  	_ =	shalt  }
0x79: {  	_ =	shalt  }
0x7a: {  	_ =	shalt  }
0x7b: {  	_ =	shalt  }
0x7c: {  	_ =	shalt  }
0x7d: {  	_ =	shalt  }
0x7e: {  	_ =	shalt  }
0x7f: {  	_ =	shalt  }
0x80: {  	_ =	shalt  }
0x81: {  	_ =	shalt  }
0x82: {  	_ =	shalt  }
0x83: {  	_ =	shalt  }
0x84: {  	_ =	shalt  }
0x85: {  	_ =	shalt  }
0x86: {  	_ =	shalt  }
0x87: {  	_ =	shalt  }
.Lfunc_end0:
.L_simem_size_0:
called_computation.2_lowered:
.L_overlay_start_0:
0x88: {  	s2 =	sld [smem:$0x3FD9]  }
0x89: {  	s3 =	sld [smem:$0x3FFE];
	_ =	sdelay $0x1  }
0x8a: {  	s1 =	srdreg.scid  }
0x8b: {  	s0 =	sand.u32 $0x1, s1  }
0x8c: {  	s16 =	sshll.u32 s0, $0xA;
	s2 =	sadd.s32 s3, s2  }
0x8d: {  	s2 =	sadd.s32 s2, s16  }
0x8e: {  	[smem:$0x3FC2] =	sst s2  }
0x8f: {  	_ = 	snop  }
0x90: {  	(tm) =	ssettm $0x1  }
0x91: {  	s17 =	sld [smem:$0x3FFB];
	_ =	sdelay $0x3  }
0x92: {  	_ =	strace s17  }
0x93: {  	s2 =	sld [smem:$0x3FFC];
	_ =	sdelay $0x3  }
0x94: {  	_ =	strace s2  }
0x95: {  	s2 =	sld [smem:$0x3FFD];
	_ =	sdelay $0x3  }
0x96: {  	_ =	strace s2  }
0x97: {  	_ =	strace $0x8FFFFFFF  }
0x98: {  	s18 =	sld [smem:$0x3FDB];
	_ =	sdelay $0x1  }
0x99: {  	s19 =	simm.s32 $_scs_section_size  }
0x9a: {  	s4 =	simm.s32 $_size__tile_overlayer_lowered;
	s5 =	simm.s32 $_tile_overlayer_lowered  }
0x9b: {  	s22 =	simm.s32 $0x1BFF;
	s21 =	sshll.u32 s5, $0x1;
	s2 =	sadd.s32 s19, s18  }
0x9c: {  	s6 =	simm.s32 $0x0;
	s20 =	sshll.u32 s4, $0x1;
	s4 =	sadd.s32 s21, s2  }
0x9d: {  	[timem:s6], [sflag:s22] =	dma.local [hbm:s4], s20  }
0x9e: {  	_ =	swait.ge [sflag:s22], s20  }
0x9f: {  	s3 =	ssub.s32 $0x0, s20;
	[sflag:s22] =	ssyncset.done $0x0  }
0xa0: {  	[sflag:s22] =	ssyncadd.s32 s3;
	_ =	sdelay $0x1  }
0xa1: {  	s23 =	simm.s32 $0x1B8B  }
0xa2: {  	_ =	swait.ge [sflag:s23], $0x1  }
0xa3: {  	[sflag:s23] =	ssyncset.done $0x0  }
0xa4: {  	s25 =	simm.s32 $0x1B8E;
	s24 =	sld [smem:$0x3FFE];
	[sflag:s23] =	ssyncadd.s32 $0xFFFFFFFF  }
0xa5: {  	s26 =	simm.s32 $execute0_lowered;
	[smem:$0x3FD2] =	sst s25  }
0xa6: {  	s4 =	sshll.u32 s26, $0x1;
	_ =	strace $0x8000004C;
	[dreg:$0x1] =	wrdreg $0xFFFFFFFF  }
0xa7: {  	s28 =	simm.s32 $_size_execute0_lowered;
	s2 =	sadd.s32 s2, s4;
	[dreg:$0x0] =	wrdreg $0x0  }
0xa8: {  	s4 =	sshll.u32 s28, $0x1;
	[dreg:$0x2] =	wrdreg s2  }
0xa9: {  	[dreg:$0x3] =	wrdreg s4  }
0xaa: {  	[dreg:$0x4] =	wrdreg $0xC0  }
0xab: {  	_ =	task [dreg:s6], $0x5FFFF  }
0xac: {  	[dreg:$0x1] =	wrdreg $0xFFFFFFFF  }
0xad: {  	[dreg:$0x0] =	wrdreg $0x60  }
0xae: {  	[dreg:$0x2] =	wrdreg s24  }
0xaf: {  	[dreg:$0x3] =	wrdreg $0xAC000  }
0xb0: {  	[dreg:$0x4] =	wrdreg $0x9  }
0xb1: {  	_ =	task.clear_ibuf [dreg:s6], $0x5FFFF;
	_ =	strace $0x9000004C  }
0xb2: {  	s29 =	simm.s32 $0x9;
	_ =	strace $0x8000004E  }
0xb3: {  	_ =	swait.ge [sflag:s29], $0x1  }
0xb4: {  	[sflag:s29] =	ssyncadd.s32 $0xFFFFFFFF  }
0xb5: {  	_ =	strace $0x9000004E  }
0xb6: {  	_ =	sfence  }
0xb7: {  	s30 =	sld [smem:$0x0];
	_ =	sdelay $0x2  }
0xb8: {  	s31 =	sshll.u32 s1, $0xD;
	s1 =	sshrl.u32 s1, $0x2  }
0xb9: {  	s3 =	sand.u32 $0x4000, s31;
	s1 =	sadd.s32 s1, s30  }
0xba: {  	s0 =	sor.u32 s3, s0;
	s1 =	sshll.u32 s1, $0x11  }
0xbb: {  	s0 =	sor.u32 s1, s0  }
0xbc: {  	s0 =	sadd.s32 $0x8F2B, s0  }
0xbd: {  	[sflag:s0] =	ssyncadd.remote.s32 $0x1  }
0xbe: {  	_ =	sfence.sel $0xFFFF  }
0xbf: {  	[dreg:$0x0] =	wrdreg $0xFFFFFFFF;
	(pc) =	sbr.abs _section_cstart, $3  }
0xc0: {  	[dreg:$0x1] =	wrdreg $0xFFFFFFFF  }
0xc1: {  	_ =	task.clear_ibuf [dreg:s6], $0x2FFFF;
	_ =	strace $0x9FFFFFFF  }
0xc2: {  	(tm) =	ssettm $0x7FFFFFFF  }
0xc3: {  	_ =	shalt  }
tec
execute0_lowered:
.L_overlay_start_1:
0x0: {  	(tag) =	ssettag $0x1  }
0x1: {  	s0 =	rddreg [dreg:$0x0]  }
0x2: {  	s2 =	rddreg [dreg:$0x1]  }
0x3: {  	s3 =	simm.s32 $0x0;
	s10 =	stileid.u32;
	s1 =	srdreg.scid  }
0x4: {  	[smem:$0x7FF] =	sst s3;
	s5 =	smul.u32 $0x2800, s10;
	s1 =	sand.u32 $0x1, s1  }
0x5: {  	s4 =	sadd.s32 $0x1B3400, s0;
	s7 =	sadd.s32 $0x66C00, s0;
	s9 =	smul.u32 $0x280, s10  }
0x6: {  	s10 =	sshll.u32 s10, $0x7;
	_ =	strace $0x8000004D;
	s6 =	smul.u32 $0x5000, s1  }
0x7: {  	s11 =	ssub.s32 $0x2, s1;
	s21 =	smul.u32 $0x50000, s1;
	s1 =	sshllo.u32 s1, $0x1  }
0x8: {  	s10 =	sadd.s32 s10, s0;
	s8 =	sshrl.u32 s5, $0x3;
	s26 =	smul.u32 $0x2800, s1  }
0x9: {  	s12 =	sshrl.u32 s11, $0x1;
	s10 =	sadd.s32 $0x1400, s10;
	s1 =	smul.u32 $0x28000, s1  }
0xa: {  	s8 =	sadd.s32 s8, s0;
	s6 =	sadd.s32 s9, s6;
	s0 =	sadd.s32 $0x7AC00, s0  }
0xb: {  	s11 =	ssub.s32 s11, s12;
	[dreg:$0x3] =	wrdreg s10;
	s12 =	sadd.s32 s5, s21  }
0xc: {  	s6 =	sshll.u32 s6, $0x4;
	s12 =	sshrl.u32 s12, $0x3;
	s1 =	sadd.s32 s5, s1  }
0xd: {  	s31 =	smax.u32 s11, $0x1;
	s11 =	simm.s32 $0x3;
	s20 =	sadd.s32 $0x800, s6  }
0xe: {  	s13 =	sadd.s32 s4, s6;
	s14 =	sadd.s32 $0x1000, s6;
	s15 =	sadd.s32 $0x1800, s6  }
0xf: {  	s16 =	sadd.s32 $0x2000, s6;
	s6 =	sadd.s32 s0, s6;
	[dreg:$0x4] =	wrdreg s13  }
0x10: {  	s17 =	sadd.s32 s7, s12;
	s22 =	sadd.s32 s4, s20;
	[dreg:$0x9] =	wrdreg s6  }
0x11: {  	s12 =	sadd.s32 $0x7C00, s8;
	s23 =	sadd.s32 s4, s14;
	[dreg:$0x5] =	wrdreg s22  }
0x12: {  	s1 =	sshrl.u32 s1, $0x3;
	s24 =	sadd.s32 s4, s15;
	[dreg:$0x6] =	wrdreg s23  }
0x13: {  	s25 =	sadd.s32 s4, s16;
	s13 =	sadd.s32 $0x7E80, s8;
	[dreg:$0x7] =	wrdreg s24  }
0x14: {  	s28 =	sadd.s32 s0, s20;
	s10 =	sadd.s32 s0, s14;
	[dreg:$0x8] =	wrdreg s25  }
0x15: {  	s14 =	sadd.s32 s0, s15;
	s15 =	sadd.s32 s9, s26;
	[dreg:$0xa] =	wrdreg s28  }
0x16: {  	s16 =	sadd.s32 s0, s16;
	s20 =	sadd.s32 s7, s1;
	[dreg:$0xb] =	wrdreg s10  }
0x17: {  	s29 =	smov.u32 s17;
	s7 =	simm.s32 $0x2C00;
	[dreg:$0xc] =	wrdreg s14  }
0x18: {  	s8 =	simm.s32 $0x80;
	s9 =	simm.s32 $0x2880;
	[dreg:$0xd] =	wrdreg s16  }
0x19: {  	s6 =	sshll.u32 s15, $0x4;
	s10 =	simm.s32 $0x2900;
	s14 =	simm.s32 $0x2980  }
0x1a: {  	s15 =	simm.s32 $0x2A00;
	s16 =	simm.s32 $0x1400;
	s18 =	sadd.s32 s4, s6  }
0x1b: {  	s19 =	sadd.s32 $0x800, s6;
	s21 =	sadd.s32 $0x1000, s6;
	s22 =	sadd.s32 $0x1800, s6  }
0x1c: {  	s23 =	sadd.s32 $0x2000, s6;
	s6 =	sadd.s32 s0, s6;
	[dreg:$0xe] =	wrdreg s18  }
0x1d: {  	[dreg:$0xf] =	wrdreg s6;
	s24 =	sadd.s32 s4, s19;
	s5 =	sadd.s32 s0, s19  }
0x1e: {  	s25 =	sadd.s32 s4, s21;
	s1 =	sadd.s32 s0, s21;
	[dreg:$0x10] =	wrdreg s24  }
0x1f: {  	s26 =	sadd.s32 s4, s22;
	s28 =	sadd.s32 s0, s22;
	[dreg:$0x11] =	wrdreg s5  }
0x20: {  	s0 =	sadd.s32 s0, s23;
	s30 =	sadd.s32 s4, s23;
	[dreg:$0x12] =	wrdreg s25  }
0x21: {  	s6 =	simm.s32 $0x5;
	s18 =	simm.s32 $0x1;
	[dreg:$0x13] =	wrdreg s1  }
0x22: {  	s19 =	simm.s32 $0x2;
	s21 =	simm.s32 $0x4;
	[dreg:$0x14] =	wrdreg s26  }
0x23: {  	s22 =	simm.s32 $0x2700;
	s23 =	simm.s32 $0x2780;
	[dreg:$0x15] =	wrdreg s28  }
0x24: {  	[dreg:$0x16] =	wrdreg s0;
	s0 =	sadd.s32 $0x280, s17;
	s1 =	sadd.s32 $0x280, s20  }
0x25: {  	s5 =	simm.s32 $0x2800;
	s17 =	simm.s32 $0x6C00;
	s24 =	simm.s32 $0x0  }
.LBB2_1:
0x26: {  	s25 =	rddreg [dreg:$0x3]  }
0x27: {  	[tilespmem:s5], [sflag:$0x5] =	stream.linear.gather [hbm4b:s25+s3], $0x280, $0x38;
	[tilespmem:$0x1EC00] =	vst v63  }
0x28: {  	_ =	swait.ge [sflag:s6], $0x280  }
0x29: {  	[sflag:s6] =	ssyncset.done $0x0  }
0x2a: {  	s26 =	rddreg [dreg:$0x4];
	[sflag:s6] =	ssyncadd.s32 $0xFFFFFD80  }
0x2b: {  	[tilespmem:s7], [sflag:$0x5] =	stream.linear.gather [hbm4b:s26+s3], $0x4000, $0x38;
	[tilespmem:$0x1EC00] =	vst v63  }
0x2c: {  	_ =	swait.ge [sflag:s6], $0x4000  }
0x2d: {  	[sflag:s6] =	ssyncset.done $0x0  }
0x2e: {  	[sflag:s6] =	ssyncadd.s32 $0xFFFFC000  }
0x2f: {  	[spmem:s2] =	stream.indirect.scatter [tilespmem:s7], [sflag:$0x5], $0x80, s5, s8, $0xb8;
	[tilespmem:$0x1EC00] =	vst v63  }
0x30: {  	_ =	swait.ge [sflag:s6], $0x4000  }
0x31: {  	[sflag:s6] =	ssyncset.done $0x0  }
0x32: {  	s28 =	rddreg [dreg:$0x5];
	[sflag:s6] =	ssyncadd.s32 $0xFFFFC000  }
0x33: {  	[tilespmem:s7], [sflag:$0x5] =	stream.linear.gather [hbm4b:s28+s3], $0x4000, $0x38;
	[tilespmem:$0x1EC00] =	vst v63  }
0x34: {  	_ =	swait.ge [sflag:s6], $0x4000  }
0x35: {  	[sflag:s6] =	ssyncset.done $0x0  }
0x36: {  	[sflag:s6] =	ssyncadd.s32 $0xFFFFC000  }
0x37: {  	[spmem:s2] =	stream.indirect.scatter [tilespmem:s7], [sflag:$0x5], $0x80, s9, s8, $0xb8;
	[tilespmem:$0x1EC00] =	vst v63  }
0x38: {  	_ =	swait.ge [sflag:s6], $0x4000  }
0x39: {  	[sflag:s6] =	ssyncset.done $0x0  }
0x3a: {  	s26 =	rddreg [dreg:$0x6];
	[sflag:s6] =	ssyncadd.s32 $0xFFFFC000  }
0x3b: {  	[tilespmem:s7], [sflag:$0x5] =	stream.linear.gather [hbm4b:s26+s3], $0x4000, $0x38;
	[tilespmem:$0x1EC00] =	vst v63  }
0x3c: {  	_ =	swait.ge [sflag:s6], $0x4000  }
0x3d: {  	[sflag:s6] =	ssyncset.done $0x0  }
0x3e: {  	[sflag:s6] =	ssyncadd.s32 $0xFFFFC000  }
0x3f: {  	[spmem:s2] =	stream.indirect.scatter [tilespmem:s7], [sflag:$0x5], $0x80, s10, s8, $0xb8;
	[tilespmem:$0x1EC00] =	vst v63  }
0x40: {  	_ =	swait.ge [sflag:s6], $0x4000  }
0x41: {  	[sflag:s6] =	ssyncset.done $0x0  }
0x42: {  	s28 =	rddreg [dreg:$0x7];
	[sflag:s6] =	ssyncadd.s32 $0xFFFFC000  }
0x43: {  	[tilespmem:s7], [sflag:$0x5] =	stream.linear.gather [hbm4b:s28+s3], $0x4000, $0x38;
	[tilespmem:$0x1EC00] =	vst v63  }
0x44: {  	_ =	swait.ge [sflag:s6], $0x4000  }
0x45: {  	[sflag:s6] =	ssyncset.done $0x0  }
0x46: {  	[sflag:s6] =	ssyncadd.s32 $0xFFFFC000  }
0x47: {  	[spmem:s2] =	stream.indirect.scatter [tilespmem:s7], [sflag:$0x5], $0x80, s14, s8, $0xb8;
	[tilespmem:$0x1EC00] =	vst v63  }
0x48: {  	_ =	swait.ge [sflag:s6], $0x4000  }
0x49: {  	[sflag:s6] =	ssyncset.done $0x0  }
0x4a: {  	s26 =	rddreg [dreg:$0x8];
	[sflag:s6] =	ssyncadd.s32 $0xFFFFC000  }
0x4b: {  	[tilespmem:s7], [sflag:$0x5] =	stream.linear.gather [hbm4b:s26+s3], $0x4000, $0x38;
	[tilespmem:$0x1EC00] =	vst v63  }
0x4c: {  	_ =	swait.ge [sflag:s6], $0x4000  }
0x4d: {  	[sflag:s6] =	ssyncset.done $0x0  }
0x4e: {  	[sflag:s6] =	ssyncadd.s32 $0xFFFFC000  }
0x4f: {  	[spmem:s2] =	stream.indirect.scatter [tilespmem:s7], [sflag:$0x5], $0x80, s15, s8, $0xb8;
	[tilespmem:$0x1EC00] =	vst v63  }
0x50: {  	_ =	swait.ge [sflag:s6], $0x4000  }
0x51: {  	[sflag:s6] =	ssyncset.done $0x0  }
0x52: {  	[sflag:s6] =	ssyncadd.s32 $0xFFFFC000  }
0x53: {  	[bflag:$0x0] =	sbarrier.arrive $0xFFFF  }
0x54: {  	[tilespmem:s3], [sflag:$0x5] =	stream.linear.gather [hbm4b:s29+s3], $0x1400, $0x38;
	[tilespmem:$0x1EC00] =	vst v63  }
0x55: {  	_ =	swait.ge [sflag:s6], $0x1400  }
0x56: {  	[sflag:s6] =	ssyncset.done $0x0  }
0x57: {  	[sflag:s6] =	ssyncadd.s32 $0xFFFFEC00  }
0x58: {  	[tilespmem:s16], [sflag:$0x5] =	stream.linear.gather [hbm4b:s12+s3], $0x1400, $0x38;
	[tilespmem:$0x1EC00] =	vst v63  }
0x59: {  	_ =	swait.ge [sflag:s6], $0x1400  }
0x5a: {  	[sflag:s6] =	ssyncset.done $0x0  }
0x5b: {  	[sflag:s6] =	ssyncadd.s32 $0xFFFFEC00  }
0x5c: {  	[tilespmem:s7], [sflag:$0x1] =	stream.indirect.gather [hbm4b:s4+s8], $0x80, s3, s8, $0xb8;
	[tilespmem:$0x1EC00] =	vst v63  }
0x5d: {  	_ = 	snop  }
0x5e: {  	[tilespmem:s17], [sflag:$0x2] =	stream.indirect.gather [hbm4b:s4+s8], $0x80, s8, s8, $0xb8;
	[tilespmem:$0x1EC00] =	vst v63  }
0x5f: {  	_ =	swait.ge [sflag:s18], $0x4000  }
0x60: {  	[sflag:s18] =	ssyncset.done $0x0  }
0x61: {  	s28 =	simm.s32 $0x1400;
	[sflag:s18] =	ssyncadd.s32 $0xFFFFC000  }
0x62: {  	[spmem:s2] =	stream.indirect.scatter.add.f32 [tilespmem:s7], [sflag:$0x3], $0x80, s28, s8, $0xb8;
	[tilespmem:$0x1EC00] =	vst v63  }
0x63: {  	_ =	swait.ge [sflag:s19], $0x4000  }
0x64: {  	[sflag:s19] =	ssyncset.done $0x0  }
0x65: {  	s26 =	simm.s32 $0x1480;
	[sflag:s19] =	ssyncadd.s32 $0xFFFFC000  }
0x66: {  	[spmem:s2] =	stream.indirect.scatter.add.f32 [tilespmem:s17], [sflag:$0x4], $0x80, s26, s8, $0xb8;
	[tilespmem:$0x1EC00] =	vst v63  }
0x67: {  	_ =	swait.ge [sflag:s11], $0x4000  }
0x68: {  	[sflag:s11] =	ssyncset.done $0x0  }
0x69: {  	s28 =	simm.s32 $0x100;
	[sflag:s11] =	ssyncadd.s32 $0xFFFFC000  }
0x6a: {  	[tilespmem:s7], [sflag:$0x1] =	stream.indirect.gather [hbm4b:s4+s8], $0x80, s28, s8, $0xb8;
	[tilespmem:$0x1EC00] =	vst v63  }
0x6b: {  	_ =	swait.ge [sflag:s21], $0x4000  }
0x6c: {  	[sflag:s21] =	ssyncset.done $0x0  }
0x6d: {  	s25 =	simm.s32 $0x400;
	s26 =	simm.s32 $0x180;
	[sflag:s21] =	ssyncadd.s32 $0xFFFFC000  }
.LBB2_2:
0x6e: {  	[tilespmem:s17], [sflag:$0x2] =	stream.indirect.gather [hbm4b:s4+s8], $0x80, s26, s8, $0xb8;
	[tilespmem:$0x1EC00] =	vst v63  }
0x6f: {  	s26 =	smov.u32 s25  }
0x70: {  	p0 =	sne.s32 s25, $0x4800;
	s25 =	sadd.s32 $0x400, s25;
	_ =	swait.ge [sflag:s18], $0x4000  }
0x71: {  	s26 =	sshra.s32 s26, $0x2;
	[sflag:s18] =	ssyncset.done $0x0  }
0x72: {  	s28 =	sadd.s32 $0x1400, s26;
	[sflag:s18] =	ssyncadd.s32 $0xFFFFC000  }
0x73: {  	[spmem:s2] =	stream.indirect.scatter.add.f32 [tilespmem:s7], [sflag:$0x3], $0x80, s28, s8, $0xb8;
	[tilespmem:$0x1EC00] =	vst v63  }
0x74: {  	_ =	swait.ge [sflag:s19], $0x4000  }
0x75: {  	[sflag:s19] =	ssyncset.done $0x0  }
0x76: {  	s28 =	sadd.s32 $0x1480, s26;
	[sflag:s19] =	ssyncadd.s32 $0xFFFFC000  }
0x77: {  	[spmem:s2] =	stream.indirect.scatter.add.f32 [tilespmem:s17], [sflag:$0x4], $0x80, s28, s8, $0xb8;
	[tilespmem:$0x1EC00] =	vst v63  }
0x78: {  	_ =	swait.ge [sflag:s11], $0x4000  }
0x79: {  	[sflag:s11] =	ssyncset.done $0x0  }
.Ltmp0:
0x7a: {  	s28 =	sadd.s32 $0x100, s26;
	[sflag:s11] =	ssyncadd.s32 $0xFFFFC000;
	(pc) =	sbr.rel @p0 .LBB2_2-.Ltmp0, $4  }
0x7b: {  	[tilespmem:s7], [sflag:$0x1] =	stream.indirect.gather [hbm4b:s4+s8], $0x80, s28, s8, $0xb8;
	[tilespmem:$0x1EC00] =	vst v63  }
0x7c: {  	_ =	swait.ge [sflag:s21], $0x4000  }
0x7d: {  	[sflag:s21] =	ssyncset.done $0x0  }
0x7e: {  	s26 =	sadd.s32 $0x180, s26;
	[sflag:s21] =	ssyncadd.s32 $0xFFFFC000  }
0x7f: {  	[tilespmem:s17], [sflag:$0x2] =	stream.indirect.gather [hbm4b:s4+s8], $0x80, s26, s8, $0xb8;
	[tilespmem:$0x1EC00] =	vst v63  }
0x80: {  	_ =	swait.ge [sflag:s18], $0x4000  }
0x81: {  	[sflag:s18] =	ssyncset.done $0x0  }
0x82: {  	[sflag:s18] =	ssyncadd.s32 $0xFFFFC000  }
0x83: {  	[spmem:s2] =	stream.indirect.scatter.add.f32 [tilespmem:s7], [sflag:$0x3], $0x80, s22, s8, $0xb8;
	[tilespmem:$0x1EC00] =	vst v63  }
0x84: {  	_ =	swait.ge [sflag:s19], $0x4000  }
0x85: {  	[sflag:s19] =	ssyncset.done $0x0  }
0x86: {  	[sflag:s19] =	ssyncadd.s32 $0xFFFFC000  }
0x87: {  	[spmem:s2] =	stream.indirect.scatter.add.f32 [tilespmem:s17], [sflag:$0x4], $0x80, s23, s8, $0xb8;
	[tilespmem:$0x1EC00] =	vst v63  }
0x88: {  	_ =	swait.ge [sflag:s11], $0x4000  }
0x89: {  	[sflag:s11] =	ssyncset.done $0x0  }
0x8a: {  	[sflag:s11] =	ssyncadd.s32 $0xFFFFC000  }
0x8b: {  	_ =	swait.ge [sflag:s21], $0x4000  }
0x8c: {  	[sflag:s21] =	ssyncset.done $0x0  }
0x8d: {  	s25 =	simm.s32 $0x0;
	[sflag:s21] =	ssyncadd.s32 $0xFFFFC000  }
0x8e: {  	[tilespmem:s25], [sflag:$0x5] =	stream.linear.gather [hbm4b:s0+s25], $0x1400, $0x38;
	[tilespmem:$0x1EC00] =	vst v63  }
0x8f: {  	_ =	swait.ge [sflag:s6], $0x1400  }
0x90: {  	[sflag:s6] =	ssyncset.done $0x0  }
0x91: {  	[sflag:s6] =	ssyncadd.s32 $0xFFFFEC00  }
0x92: {  	[tilespmem:s16], [sflag:$0x5] =	stream.linear.gather [hbm4b:s13+s25], $0x1400, $0x38;
	[tilespmem:$0x1EC00] =	vst v63  }
0x93: {  	_ =	swait.ge [sflag:s6], $0x1400  }
0x94: {  	[sflag:s6] =	ssyncset.done $0x0  }
0x95: {  	[sflag:s6] =	ssyncadd.s32 $0xFFFFEC00  }
0x96: {  	[tilespmem:s7], [sflag:$0x1] =	stream.indirect.gather [hbm4b:s4+s8], $0x80, s25, s8, $0xb8;
	[tilespmem:$0x1EC00] =	vst v63  }
0x97: {  	_ = 	snop  }
0x98: {  	[tilespmem:s17], [sflag:$0x2] =	stream.indirect.gather [hbm4b:s4+s8], $0x80, s8, s8, $0xb8;
	[tilespmem:$0x1EC00] =	vst v63  }
0x99: {  	_ =	swait.ge [sflag:s18], $0x4000  }
0x9a: {  	[sflag:s18] =	ssyncset.done $0x0  }
0x9b: {  	s28 =	simm.s32 $0x1400;
	[sflag:s18] =	ssyncadd.s32 $0xFFFFC000  }
0x9c: {  	[spmem:s2] =	stream.indirect.scatter.add.f32 [tilespmem:s7], [sflag:$0x3], $0x80, s28, s8, $0xb8;
	[tilespmem:$0x1EC00] =	vst v63  }
0x9d: {  	_ =	swait.ge [sflag:s19], $0x4000  }
0x9e: {  	[sflag:s19] =	ssyncset.done $0x0  }
0x9f: {  	s26 =	simm.s32 $0x1480;
	[sflag:s19] =	ssyncadd.s32 $0xFFFFC000  }
0xa0: {  	[spmem:s2] =	stream.indirect.scatter.add.f32 [tilespmem:s17], [sflag:$0x4], $0x80, s26, s8, $0xb8;
	[tilespmem:$0x1EC00] =	vst v63  }
0xa1: {  	_ =	swait.ge [sflag:s11], $0x4000  }
0xa2: {  	[sflag:s11] =	ssyncset.done $0x0  }
0xa3: {  	s28 =	simm.s32 $0x100;
	[sflag:s11] =	ssyncadd.s32 $0xFFFFC000  }
0xa4: {  	[tilespmem:s7], [sflag:$0x1] =	stream.indirect.gather [hbm4b:s4+s8], $0x80, s28, s8, $0xb8;
	[tilespmem:$0x1EC00] =	vst v63  }
0xa5: {  	_ =	swait.ge [sflag:s21], $0x4000  }
0xa6: {  	[sflag:s21] =	ssyncset.done $0x0  }
0xa7: {  	s25 =	simm.s32 $0x400;
	s26 =	simm.s32 $0x180;
	[sflag:s21] =	ssyncadd.s32 $0xFFFFC000  }
.LBB2_4:
0xa8: {  	[tilespmem:s17], [sflag:$0x2] =	stream.indirect.gather [hbm4b:s4+s8], $0x80, s26, s8, $0xb8;
	[tilespmem:$0x1EC00] =	vst v63  }
0xa9: {  	s26 =	smov.u32 s25  }
0xaa: {  	p0 =	sne.s32 s25, $0x4800;
	s25 =	sadd.s32 $0x400, s25;
	_ =	swait.ge [sflag:s18], $0x4000  }
0xab: {  	s26 =	sshra.s32 s26, $0x2;
	[sflag:s18] =	ssyncset.done $0x0  }
0xac: {  	s28 =	sadd.s32 $0x1400, s26;
	[sflag:s18] =	ssyncadd.s32 $0xFFFFC000  }
0xad: {  	[spmem:s2] =	stream.indirect.scatter.add.f32 [tilespmem:s7], [sflag:$0x3], $0x80, s28, s8, $0xb8;
	[tilespmem:$0x1EC00] =	vst v63  }
0xae: {  	_ =	swait.ge [sflag:s19], $0x4000  }
0xaf: {  	[sflag:s19] =	ssyncset.done $0x0  }
0xb0: {  	s28 =	sadd.s32 $0x1480, s26;
	[sflag:s19] =	ssyncadd.s32 $0xFFFFC000  }
0xb1: {  	[spmem:s2] =	stream.indirect.scatter.add.f32 [tilespmem:s17], [sflag:$0x4], $0x80, s28, s8, $0xb8;
	[tilespmem:$0x1EC00] =	vst v63  }
0xb2: {  	_ =	swait.ge [sflag:s11], $0x4000  }
0xb3: {  	[sflag:s11] =	ssyncset.done $0x0  }
.Ltmp1:
0xb4: {  	s28 =	sadd.s32 $0x100, s26;
	[sflag:s11] =	ssyncadd.s32 $0xFFFFC000;
	(pc) =	sbr.rel @p0 .LBB2_4-.Ltmp1, $4  }
0xb5: {  	[tilespmem:s7], [sflag:$0x1] =	stream.indirect.gather [hbm4b:s4+s8], $0x80, s28, s8, $0xb8;
	[tilespmem:$0x1EC00] =	vst v63  }
0xb6: {  	_ =	swait.ge [sflag:s21], $0x4000  }
0xb7: {  	[sflag:s21] =	ssyncset.done $0x0  }
0xb8: {  	s26 =	sadd.s32 $0x180, s26;
	[sflag:s21] =	ssyncadd.s32 $0xFFFFC000  }
0xb9: {  	[tilespmem:s17], [sflag:$0x2] =	stream.indirect.gather [hbm4b:s4+s8], $0x80, s26, s8, $0xb8;
	[tilespmem:$0x1EC00] =	vst v63  }
0xba: {  	_ =	swait.ge [sflag:s18], $0x4000  }
0xbb: {  	[sflag:s18] =	ssyncset.done $0x0  }
0xbc: {  	[sflag:s18] =	ssyncadd.s32 $0xFFFFC000  }
0xbd: {  	[spmem:s2] =	stream.indirect.scatter.add.f32 [tilespmem:s7], [sflag:$0x3], $0x80, s22, s8, $0xb8;
	[tilespmem:$0x1EC00] =	vst v63  }
0xbe: {  	_ =	swait.ge [sflag:s19], $0x4000  }
0xbf: {  	[sflag:s19] =	ssyncset.done $0x0  }
0xc0: {  	[sflag:s19] =	ssyncadd.s32 $0xFFFFC000  }
0xc1: {  	[spmem:s2] =	stream.indirect.scatter.add.f32 [tilespmem:s17], [sflag:$0x4], $0x80, s23, s8, $0xb8;
	[tilespmem:$0x1EC00] =	vst v63  }
0xc2: {  	_ =	swait.ge [sflag:s11], $0x4000  }
0xc3: {  	[sflag:s11] =	ssyncset.done $0x0  }
0xc4: {  	[sflag:s11] =	ssyncadd.s32 $0xFFFFC000  }
0xc5: {  	_ =	swait.ge [sflag:s21], $0x4000  }
0xc6: {  	[sflag:s21] =	ssyncset.done $0x0  }
0xc7: {  	[sflag:s21] =	ssyncadd.s32 $0xFFFFC000  }
0xc8: {  	[bflag:$0x0] =	sbarrier.arrive $0xFFFF  }
0xc9: {  	[tilespmem:s7], [sflag:$0x5] =	stream.indirect.gather [spmem:s2], $0x80, s5, s8, $0xb8;
	[tilespmem:$0x1EC00] =	vst v63  }
0xca: {  	_ =	swait.ge [sflag:s6], $0x4000  }
0xcb: {  	[sflag:s6] =	ssyncset.done $0x0  }
0xcc: {  	s25 =	simm.s32 $0x0;
	s28 =	rddreg [dreg:$0x9];
	[sflag:s6] =	ssyncadd.s32 $0xFFFFC000  }
0xcd: {  	[hbm4b:s28+s25] =	stream.linear.scatter [tilespmem:s7], [sflag:$0x5], $0x4000, $0x38;
	[tilespmem:$0x1EC00] =	vst v63  }
0xce: {  	_ =	swait.ge [sflag:s6], $0x4000  }
0xcf: {  	[sflag:s6] =	ssyncset.done $0x0  }
0xd0: {  	[sflag:s6] =	ssyncadd.s32 $0xFFFFC000  }
0xd1: {  	[tilespmem:s7], [sflag:$0x5] =	stream.indirect.gather [spmem:s2], $0x80, s9, s8, $0xb8;
	[tilespmem:$0x1EC00] =	vst v63  }
0xd2: {  	_ =	swait.ge [sflag:s6], $0x4000  }
0xd3: {  	[sflag:s6] =	ssyncset.done $0x0  }
0xd4: {  	s28 =	rddreg [dreg:$0xa];
	[sflag:s6] =	ssyncadd.s32 $0xFFFFC000  }
0xd5: {  	[hbm4b:s28+s25] =	stream.linear.scatter [tilespmem:s7], [sflag:$0x5], $0x4000, $0x38;
	[tilespmem:$0x1EC00] =	vst v63  }
0xd6: {  	_ =	swait.ge [sflag:s6], $0x4000  }
0xd7: {  	[sflag:s6] =	ssyncset.done $0x0  }
0xd8: {  	[sflag:s6] =	ssyncadd.s32 $0xFFFFC000  }
0xd9: {  	[tilespmem:s7], [sflag:$0x5] =	stream.indirect.gather [spmem:s2], $0x80, s10, s8, $0xb8;
	[tilespmem:$0x1EC00] =	vst v63  }
0xda: {  	_ =	swait.ge [sflag:s6], $0x4000  }
0xdb: {  	[sflag:s6] =	ssyncset.done $0x0  }
0xdc: {  	s28 =	rddreg [dreg:$0xb];
	[sflag:s6] =	ssyncadd.s32 $0xFFFFC000  }
0xdd: {  	[hbm4b:s28+s25] =	stream.linear.scatter [tilespmem:s7], [sflag:$0x5], $0x4000, $0x38;
	[tilespmem:$0x1EC00] =	vst v63  }
0xde: {  	_ =	swait.ge [sflag:s6], $0x4000  }
0xdf: {  	[sflag:s6] =	ssyncset.done $0x0  }
0xe0: {  	[sflag:s6] =	ssyncadd.s32 $0xFFFFC000  }
0xe1: {  	[tilespmem:s7], [sflag:$0x5] =	stream.indirect.gather [spmem:s2], $0x80, s14, s8, $0xb8;
	[tilespmem:$0x1EC00] =	vst v63  }
0xe2: {  	_ =	swait.ge [sflag:s6], $0x4000  }
0xe3: {  	[sflag:s6] =	ssyncset.done $0x0  }
0xe4: {  	s28 =	rddreg [dreg:$0xc];
	[sflag:s6] =	ssyncadd.s32 $0xFFFFC000  }
0xe5: {  	[hbm4b:s28+s25] =	stream.linear.scatter [tilespmem:s7], [sflag:$0x5], $0x4000, $0x38;
	[tilespmem:$0x1EC00] =	vst v63  }
0xe6: {  	_ =	swait.ge [sflag:s6], $0x4000  }
0xe7: {  	[sflag:s6] =	ssyncset.done $0x0  }
0xe8: {  	[sflag:s6] =	ssyncadd.s32 $0xFFFFC000  }
0xe9: {  	[tilespmem:s7], [sflag:$0x5] =	stream.indirect.gather [spmem:s2], $0x80, s15, s8, $0xb8;
	[tilespmem:$0x1EC00] =	vst v63  }
0xea: {  	_ =	swait.ge [sflag:s6], $0x4000  }
0xeb: {  	[sflag:s6] =	ssyncset.done $0x0  }
0xec: {  	s28 =	rddreg [dreg:$0xd];
	[sflag:s6] =	ssyncadd.s32 $0xFFFFC000  }
0xed: {  	[hbm4b:s28+s25] =	stream.linear.scatter [tilespmem:s7], [sflag:$0x5], $0x4000, $0x38;
	[tilespmem:$0x1EC00] =	vst v63  }
0xee: {  	_ =	swait.ge [sflag:s6], $0x4000  }
0xef: {  	[sflag:s6] =	ssyncset.done $0x0  }
0xf0: {  	[sflag:s6] =	ssyncadd.s32 $0xFFFFC000  }
0xf1: {  	[bflag:$0x0] =	sbarrier.arrive $0xFFFF  }
0xf2: {  	s28 =	rddreg [dreg:$0xe]  }
0xf3: {  	[tilespmem:s7], [sflag:$0x5] =	stream.linear.gather [hbm4b:s28+s25], $0x4000, $0x38;
	[tilespmem:$0x1EC00] =	vst v63  }
0xf4: {  	_ =	swait.ge [sflag:s6], $0x4000  }
0xf5: {  	[sflag:s6] =	ssyncset.done $0x0  }
0xf6: {  	[sflag:s6] =	ssyncadd.s32 $0xFFFFC000  }
0xf7: {  	[spmem:s2] =	stream.indirect.scatter [tilespmem:s7], [sflag:$0x5], $0x80, s5, s8, $0xb8;
	[tilespmem:$0x1EC00] =	vst v63  }
0xf8: {  	_ =	swait.ge [sflag:s6], $0x4000  }
0xf9: {  	[sflag:s6] =	ssyncset.done $0x0  }
0xfa: {  	s28 =	rddreg [dreg:$0x10];
	[sflag:s6] =	ssyncadd.s32 $0xFFFFC000  }
0xfb: {  	[tilespmem:s7], [sflag:$0x5] =	stream.linear.gather [hbm4b:s28+s25], $0x4000, $0x38;
	[tilespmem:$0x1EC00] =	vst v63  }
0xfc: {  	_ =	swait.ge [sflag:s6], $0x4000  }
0xfd: {  	[sflag:s6] =	ssyncset.done $0x0  }
0xfe: {  	[sflag:s6] =	ssyncadd.s32 $0xFFFFC000  }
0xff: {  	[spmem:s2] =	stream.indirect.scatter [tilespmem:s7], [sflag:$0x5], $0x80, s9, s8, $0xb8;
	[tilespmem:$0x1EC00] =	vst v63  }
0x100: {  	_ =	swait.ge [sflag:s6], $0x4000  }
0x101: {  	[sflag:s6] =	ssyncset.done $0x0  }
0x102: {  	s28 =	rddreg [dreg:$0x12];
	[sflag:s6] =	ssyncadd.s32 $0xFFFFC000  }
0x103: {  	[tilespmem:s7], [sflag:$0x5] =	stream.linear.gather [hbm4b:s28+s25], $0x4000, $0x38;
	[tilespmem:$0x1EC00] =	vst v63  }
0x104: {  	_ =	swait.ge [sflag:s6], $0x4000  }
0x105: {  	[sflag:s6] =	ssyncset.done $0x0  }
0x106: {  	[sflag:s6] =	ssyncadd.s32 $0xFFFFC000  }
0x107: {  	[spmem:s2] =	stream.indirect.scatter [tilespmem:s7], [sflag:$0x5], $0x80, s10, s8, $0xb8;
	[tilespmem:$0x1EC00] =	vst v63  }
0x108: {  	_ =	swait.ge [sflag:s6], $0x4000  }
0x109: {  	[sflag:s6] =	ssyncset.done $0x0  }
0x10a: {  	s28 =	rddreg [dreg:$0x14];
	[sflag:s6] =	ssyncadd.s32 $0xFFFFC000  }
0x10b: {  	[tilespmem:s7], [sflag:$0x5] =	stream.linear.gather [hbm4b:s28+s25], $0x4000, $0x38;
	[tilespmem:$0x1EC00] =	vst v63  }
0x10c: {  	_ =	swait.ge [sflag:s6], $0x4000  }
0x10d: {  	[sflag:s6] =	ssyncset.done $0x0  }
0x10e: {  	[sflag:s6] =	ssyncadd.s32 $0xFFFFC000  }
0x10f: {  	[spmem:s2] =	stream.indirect.scatter [tilespmem:s7], [sflag:$0x5], $0x80, s14, s8, $0xb8;
	[tilespmem:$0x1EC00] =	vst v63  }
0x110: {  	_ =	swait.ge [sflag:s6], $0x4000  }
0x111: {  	[sflag:s6] =	ssyncset.done $0x0  }
0x112: {  	[sflag:s6] =	ssyncadd.s32 $0xFFFFC000  }
0x113: {  	[tilespmem:s7], [sflag:$0x5] =	stream.linear.gather [hbm4b:s30+s25], $0x4000, $0x38;
	[tilespmem:$0x1EC00] =	vst v63  }
0x114: {  	_ =	swait.ge [sflag:s6], $0x4000  }
0x115: {  	[sflag:s6] =	ssyncset.done $0x0  }
0x116: {  	[sflag:s6] =	ssyncadd.s32 $0xFFFFC000  }
0x117: {  	[spmem:s2] =	stream.indirect.scatter [tilespmem:s7], [sflag:$0x5], $0x80, s15, s8, $0xb8;
	[tilespmem:$0x1EC00] =	vst v63  }
0x118: {  	_ =	swait.ge [sflag:s6], $0x4000  }
0x119: {  	[sflag:s6] =	ssyncset.done $0x0  }
0x11a: {  	[sflag:s6] =	ssyncadd.s32 $0xFFFFC000  }
0x11b: {  	[bflag:$0x0] =	sbarrier.arrive $0xFFFF  }
0x11c: {  	[tilespmem:s25], [sflag:$0x5] =	stream.linear.gather [hbm4b:s20+s25], $0x1400, $0x38;
	[tilespmem:$0x1EC00] =	vst v63  }
0x11d: {  	_ =	swait.ge [sflag:s6], $0x1400  }
0x11e: {  	[sflag:s6] =	ssyncset.done $0x0  }
0x11f: {  	[sflag:s6] =	ssyncadd.s32 $0xFFFFEC00  }
0x120: {  	[tilespmem:s16], [sflag:$0x5] =	stream.linear.gather [hbm4b:s12+s25], $0x1400, $0x38;
	[tilespmem:$0x1EC00] =	vst v63  }
0x121: {  	_ =	swait.ge [sflag:s6], $0x1400  }
0x122: {  	[sflag:s6] =	ssyncset.done $0x0  }
0x123: {  	[sflag:s6] =	ssyncadd.s32 $0xFFFFEC00  }
0x124: {  	[tilespmem:s7], [sflag:$0x1] =	stream.indirect.gather [hbm4b:s4+s8], $0x80, s25, s8, $0xb8;
	[tilespmem:$0x1EC00] =	vst v63  }
0x125: {  	_ = 	snop  }
0x126: {  	[tilespmem:s17], [sflag:$0x2] =	stream.indirect.gather [hbm4b:s4+s8], $0x80, s8, s8, $0xb8;
	[tilespmem:$0x1EC00] =	vst v63  }
0x127: {  	_ =	swait.ge [sflag:s18], $0x4000  }
0x128: {  	[sflag:s18] =	ssyncset.done $0x0  }
0x129: {  	s28 =	simm.s32 $0x1400;
	[sflag:s18] =	ssyncadd.s32 $0xFFFFC000  }
0x12a: {  	[spmem:s2] =	stream.indirect.scatter.add.f32 [tilespmem:s7], [sflag:$0x3], $0x80, s28, s8, $0xb8;
	[tilespmem:$0x1EC00] =	vst v63  }
0x12b: {  	_ =	swait.ge [sflag:s19], $0x4000  }
0x12c: {  	[sflag:s19] =	ssyncset.done $0x0  }
0x12d: {  	s26 =	simm.s32 $0x1480;
	[sflag:s19] =	ssyncadd.s32 $0xFFFFC000  }
0x12e: {  	[spmem:s2] =	stream.indirect.scatter.add.f32 [tilespmem:s17], [sflag:$0x4], $0x80, s26, s8, $0xb8;
	[tilespmem:$0x1EC00] =	vst v63  }
0x12f: {  	_ =	swait.ge [sflag:s11], $0x4000  }
0x130: {  	[sflag:s11] =	ssyncset.done $0x0  }
0x131: {  	s28 =	simm.s32 $0x100;
	[sflag:s11] =	ssyncadd.s32 $0xFFFFC000  }
0x132: {  	[tilespmem:s7], [sflag:$0x1] =	stream.indirect.gather [hbm4b:s4+s8], $0x80, s28, s8, $0xb8;
	[tilespmem:$0x1EC00] =	vst v63  }
0x133: {  	_ =	swait.ge [sflag:s21], $0x4000  }
0x134: {  	[sflag:s21] =	ssyncset.done $0x0  }
0x135: {  	s25 =	simm.s32 $0x400;
	s26 =	simm.s32 $0x180;
	[sflag:s21] =	ssyncadd.s32 $0xFFFFC000  }
.LBB2_6:
0x136: {  	[tilespmem:s17], [sflag:$0x2] =	stream.indirect.gather [hbm4b:s4+s8], $0x80, s26, s8, $0xb8;
	[tilespmem:$0x1EC00] =	vst v63  }
0x137: {  	s26 =	smov.u32 s25  }
0x138: {  	p0 =	sne.s32 s25, $0x4800;
	s25 =	sadd.s32 $0x400, s25;
	_ =	swait.ge [sflag:s18], $0x4000  }
0x139: {  	s26 =	sshra.s32 s26, $0x2;
	[sflag:s18] =	ssyncset.done $0x0  }
0x13a: {  	s28 =	sadd.s32 $0x1400, s26;
	[sflag:s18] =	ssyncadd.s32 $0xFFFFC000  }
0x13b: {  	[spmem:s2] =	stream.indirect.scatter.add.f32 [tilespmem:s7], [sflag:$0x3], $0x80, s28, s8, $0xb8;
	[tilespmem:$0x1EC00] =	vst v63  }
0x13c: {  	_ =	swait.ge [sflag:s19], $0x4000  }
0x13d: {  	[sflag:s19] =	ssyncset.done $0x0  }
0x13e: {  	s28 =	sadd.s32 $0x1480, s26;
	[sflag:s19] =	ssyncadd.s32 $0xFFFFC000  }
0x13f: {  	[spmem:s2] =	stream.indirect.scatter.add.f32 [tilespmem:s17], [sflag:$0x4], $0x80, s28, s8, $0xb8;
	[tilespmem:$0x1EC00] =	vst v63  }
0x140: {  	_ =	swait.ge [sflag:s11], $0x4000  }
0x141: {  	[sflag:s11] =	ssyncset.done $0x0  }
.Ltmp2:
0x142: {  	s28 =	sadd.s32 $0x100, s26;
	[sflag:s11] =	ssyncadd.s32 $0xFFFFC000;
	(pc) =	sbr.rel @p0 .LBB2_6-.Ltmp2, $4  }
0x143: {  	[tilespmem:s7], [sflag:$0x1] =	stream.indirect.gather [hbm4b:s4+s8], $0x80, s28, s8, $0xb8;
	[tilespmem:$0x1EC00] =	vst v63  }
0x144: {  	_ =	swait.ge [sflag:s21], $0x4000  }
0x145: {  	[sflag:s21] =	ssyncset.done $0x0  }
0x146: {  	s26 =	sadd.s32 $0x180, s26;
	[sflag:s21] =	ssyncadd.s32 $0xFFFFC000  }
0x147: {  	[tilespmem:s17], [sflag:$0x2] =	stream.indirect.gather [hbm4b:s4+s8], $0x80, s26, s8, $0xb8;
	[tilespmem:$0x1EC00] =	vst v63  }
0x148: {  	_ =	swait.ge [sflag:s18], $0x4000  }
0x149: {  	[sflag:s18] =	ssyncset.done $0x0  }
0x14a: {  	[sflag:s18] =	ssyncadd.s32 $0xFFFFC000  }
0x14b: {  	[spmem:s2] =	stream.indirect.scatter.add.f32 [tilespmem:s7], [sflag:$0x3], $0x80, s22, s8, $0xb8;
	[tilespmem:$0x1EC00] =	vst v63  }
0x14c: {  	_ =	swait.ge [sflag:s19], $0x4000  }
0x14d: {  	[sflag:s19] =	ssyncset.done $0x0  }
0x14e: {  	[sflag:s19] =	ssyncadd.s32 $0xFFFFC000  }
0x14f: {  	[spmem:s2] =	stream.indirect.scatter.add.f32 [tilespmem:s17], [sflag:$0x4], $0x80, s23, s8, $0xb8;
	[tilespmem:$0x1EC00] =	vst v63  }
0x150: {  	_ =	swait.ge [sflag:s11], $0x4000  }
0x151: {  	[sflag:s11] =	ssyncset.done $0x0  }
0x152: {  	[sflag:s11] =	ssyncadd.s32 $0xFFFFC000  }
0x153: {  	_ =	swait.ge [sflag:s21], $0x4000  }
0x154: {  	[sflag:s21] =	ssyncset.done $0x0  }
0x155: {  	s25 =	simm.s32 $0x0;
	[sflag:s21] =	ssyncadd.s32 $0xFFFFC000  }
0x156: {  	[tilespmem:s25], [sflag:$0x5] =	stream.linear.gather [hbm4b:s1+s25], $0x1400, $0x38;
	[tilespmem:$0x1EC00] =	vst v63  }
0x157: {  	_ =	swait.ge [sflag:s6], $0x1400  }
0x158: {  	[sflag:s6] =	ssyncset.done $0x0  }
0x159: {  	[sflag:s6] =	ssyncadd.s32 $0xFFFFEC00  }
0x15a: {  	[tilespmem:s16], [sflag:$0x5] =	stream.linear.gather [hbm4b:s13+s25], $0x1400, $0x38;
	[tilespmem:$0x1EC00] =	vst v63  }
0x15b: {  	_ =	swait.ge [sflag:s6], $0x1400  }
0x15c: {  	[sflag:s6] =	ssyncset.done $0x0  }
0x15d: {  	[sflag:s6] =	ssyncadd.s32 $0xFFFFEC00  }
0x15e: {  	[tilespmem:s7], [sflag:$0x1] =	stream.indirect.gather [hbm4b:s4+s8], $0x80, s25, s8, $0xb8;
	[tilespmem:$0x1EC00] =	vst v63  }
0x15f: {  	_ = 	snop  }
0x160: {  	[tilespmem:s17], [sflag:$0x2] =	stream.indirect.gather [hbm4b:s4+s8], $0x80, s8, s8, $0xb8;
	[tilespmem:$0x1EC00] =	vst v63  }
0x161: {  	_ =	swait.ge [sflag:s18], $0x4000  }
0x162: {  	[sflag:s18] =	ssyncset.done $0x0  }
0x163: {  	s28 =	simm.s32 $0x1400;
	[sflag:s18] =	ssyncadd.s32 $0xFFFFC000  }
0x164: {  	[spmem:s2] =	stream.indirect.scatter.add.f32 [tilespmem:s7], [sflag:$0x3], $0x80, s28, s8, $0xb8;
	[tilespmem:$0x1EC00] =	vst v63  }
0x165: {  	_ =	swait.ge [sflag:s19], $0x4000  }
0x166: {  	[sflag:s19] =	ssyncset.done $0x0  }
0x167: {  	s26 =	simm.s32 $0x1480;
	[sflag:s19] =	ssyncadd.s32 $0xFFFFC000  }
0x168: {  	[spmem:s2] =	stream.indirect.scatter.add.f32 [tilespmem:s17], [sflag:$0x4], $0x80, s26, s8, $0xb8;
	[tilespmem:$0x1EC00] =	vst v63  }
0x169: {  	_ =	swait.ge [sflag:s11], $0x4000  }
0x16a: {  	[sflag:s11] =	ssyncset.done $0x0  }
0x16b: {  	s28 =	simm.s32 $0x100;
	[sflag:s11] =	ssyncadd.s32 $0xFFFFC000  }
0x16c: {  	[tilespmem:s7], [sflag:$0x1] =	stream.indirect.gather [hbm4b:s4+s8], $0x80, s28, s8, $0xb8;
	[tilespmem:$0x1EC00] =	vst v63  }
0x16d: {  	_ =	swait.ge [sflag:s21], $0x4000  }
0x16e: {  	[sflag:s21] =	ssyncset.done $0x0  }
0x16f: {  	s25 =	simm.s32 $0x400;
	s26 =	simm.s32 $0x180;
	[sflag:s21] =	ssyncadd.s32 $0xFFFFC000  }
.LBB2_8:
0x170: {  	[tilespmem:s17], [sflag:$0x2] =	stream.indirect.gather [hbm4b:s4+s8], $0x80, s26, s8, $0xb8;
	[tilespmem:$0x1EC00] =	vst v63  }
0x171: {  	s26 =	smov.u32 s25  }
0x172: {  	p0 =	sne.s32 s25, $0x4800;
	s25 =	sadd.s32 $0x400, s25;
	_ =	swait.ge [sflag:s18], $0x4000  }
0x173: {  	s26 =	sshra.s32 s26, $0x2;
	[sflag:s18] =	ssyncset.done $0x0  }
0x174: {  	s28 =	sadd.s32 $0x1400, s26;
	[sflag:s18] =	ssyncadd.s32 $0xFFFFC000  }
0x175: {  	[spmem:s2] =	stream.indirect.scatter.add.f32 [tilespmem:s7], [sflag:$0x3], $0x80, s28, s8, $0xb8;
	[tilespmem:$0x1EC00] =	vst v63  }
0x176: {  	_ =	swait.ge [sflag:s19], $0x4000  }
0x177: {  	[sflag:s19] =	ssyncset.done $0x0  }
0x178: {  	s28 =	sadd.s32 $0x1480, s26;
	[sflag:s19] =	ssyncadd.s32 $0xFFFFC000  }
0x179: {  	[spmem:s2] =	stream.indirect.scatter.add.f32 [tilespmem:s17], [sflag:$0x4], $0x80, s28, s8, $0xb8;
	[tilespmem:$0x1EC00] =	vst v63  }
0x17a: {  	_ =	swait.ge [sflag:s11], $0x4000  }
0x17b: {  	[sflag:s11] =	ssyncset.done $0x0  }
.Ltmp3:
0x17c: {  	s28 =	sadd.s32 $0x100, s26;
	[sflag:s11] =	ssyncadd.s32 $0xFFFFC000;
	(pc) =	sbr.rel @p0 .LBB2_8-.Ltmp3, $4  }
0x17d: {  	[tilespmem:s7], [sflag:$0x1] =	stream.indirect.gather [hbm4b:s4+s8], $0x80, s28, s8, $0xb8;
	[tilespmem:$0x1EC00] =	vst v63  }
0x17e: {  	_ =	swait.ge [sflag:s21], $0x4000  }
0x17f: {  	[sflag:s21] =	ssyncset.done $0x0  }
0x180: {  	s26 =	sadd.s32 $0x180, s26;
	[sflag:s21] =	ssyncadd.s32 $0xFFFFC000  }
0x181: {  	[tilespmem:s17], [sflag:$0x2] =	stream.indirect.gather [hbm4b:s4+s8], $0x80, s26, s8, $0xb8;
	[tilespmem:$0x1EC00] =	vst v63  }
0x182: {  	_ =	swait.ge [sflag:s18], $0x4000  }
0x183: {  	[sflag:s18] =	ssyncset.done $0x0  }
0x184: {  	[sflag:s18] =	ssyncadd.s32 $0xFFFFC000  }
0x185: {  	[spmem:s2] =	stream.indirect.scatter.add.f32 [tilespmem:s7], [sflag:$0x3], $0x80, s22, s8, $0xb8;
	[tilespmem:$0x1EC00] =	vst v63  }
0x186: {  	_ =	swait.ge [sflag:s19], $0x4000  }
0x187: {  	[sflag:s19] =	ssyncset.done $0x0  }
0x188: {  	[sflag:s19] =	ssyncadd.s32 $0xFFFFC000  }
0x189: {  	[spmem:s2] =	stream.indirect.scatter.add.f32 [tilespmem:s17], [sflag:$0x4], $0x80, s23, s8, $0xb8;
	[tilespmem:$0x1EC00] =	vst v63  }
0x18a: {  	_ =	swait.ge [sflag:s11], $0x4000  }
0x18b: {  	[sflag:s11] =	ssyncset.done $0x0  }
0x18c: {  	[sflag:s11] =	ssyncadd.s32 $0xFFFFC000  }
0x18d: {  	_ =	swait.ge [sflag:s21], $0x4000  }
0x18e: {  	[sflag:s21] =	ssyncset.done $0x0  }
0x18f: {  	[sflag:s21] =	ssyncadd.s32 $0xFFFFC000  }
0x190: {  	[bflag:$0x0] =	sbarrier.arrive $0xFFFF  }
0x191: {  	[tilespmem:s7], [sflag:$0x5] =	stream.indirect.gather [spmem:s2], $0x80, s5, s8, $0xb8;
	[tilespmem:$0x1EC00] =	vst v63  }
0x192: {  	_ =	swait.ge [sflag:s6], $0x4000  }
0x193: {  	[sflag:s6] =	ssyncset.done $0x0  }
0x194: {  	s25 =	rddreg [dreg:$0xf];
	[sflag:s6] =	ssyncadd.s32 $0xFFFFC000  }
0x195: {  	[hbm4b:s25+s3] =	stream.linear.scatter [tilespmem:s7], [sflag:$0x5], $0x4000, $0x38;
	[tilespmem:$0x1EC00] =	vst v63  }
0x196: {  	_ =	swait.ge [sflag:s6], $0x4000  }
0x197: {  	[sflag:s6] =	ssyncset.done $0x0  }
0x198: {  	[sflag:s6] =	ssyncadd.s32 $0xFFFFC000  }
0x199: {  	[tilespmem:s7], [sflag:$0x5] =	stream.indirect.gather [spmem:s2], $0x80, s9, s8, $0xb8;
	[tilespmem:$0x1EC00] =	vst v63  }
0x19a: {  	_ =	swait.ge [sflag:s6], $0x4000  }
0x19b: {  	[sflag:s6] =	ssyncset.done $0x0  }
0x19c: {  	s26 =	rddreg [dreg:$0x11];
	[sflag:s6] =	ssyncadd.s32 $0xFFFFC000  }
0x19d: {  	[hbm4b:s26+s3] =	stream.linear.scatter [tilespmem:s7], [sflag:$0x5], $0x4000, $0x38;
	[tilespmem:$0x1EC00] =	vst v63  }
0x19e: {  	_ =	swait.ge [sflag:s6], $0x4000  }
0x19f: {  	[sflag:s6] =	ssyncset.done $0x0  }
0x1a0: {  	[sflag:s6] =	ssyncadd.s32 $0xFFFFC000  }
0x1a1: {  	[tilespmem:s7], [sflag:$0x5] =	stream.indirect.gather [spmem:s2], $0x80, s10, s8, $0xb8;
	[tilespmem:$0x1EC00] =	vst v63  }
0x1a2: {  	_ =	swait.ge [sflag:s6], $0x4000  }
0x1a3: {  	[sflag:s6] =	ssyncset.done $0x0  }
0x1a4: {  	s28 =	rddreg [dreg:$0x13];
	[sflag:s6] =	ssyncadd.s32 $0xFFFFC000  }
0x1a5: {  	[hbm4b:s28+s3] =	stream.linear.scatter [tilespmem:s7], [sflag:$0x5], $0x4000, $0x38;
	[tilespmem:$0x1EC00] =	vst v63  }
0x1a6: {  	_ =	swait.ge [sflag:s6], $0x4000  }
0x1a7: {  	[sflag:s6] =	ssyncset.done $0x0  }
0x1a8: {  	[sflag:s6] =	ssyncadd.s32 $0xFFFFC000  }
0x1a9: {  	[tilespmem:s7], [sflag:$0x5] =	stream.indirect.gather [spmem:s2], $0x80, s14, s8, $0xb8;
	[tilespmem:$0x1EC00] =	vst v63  }
0x1aa: {  	_ =	swait.ge [sflag:s6], $0x4000  }
0x1ab: {  	[sflag:s6] =	ssyncset.done $0x0  }
0x1ac: {  	s26 =	rddreg [dreg:$0x15];
	[sflag:s6] =	ssyncadd.s32 $0xFFFFC000  }
0x1ad: {  	[hbm4b:s26+s3] =	stream.linear.scatter [tilespmem:s7], [sflag:$0x5], $0x4000, $0x38;
	[tilespmem:$0x1EC00] =	vst v63  }
0x1ae: {  	_ =	swait.ge [sflag:s6], $0x4000  }
0x1af: {  	[sflag:s6] =	ssyncset.done $0x0  }
0x1b0: {  	[sflag:s6] =	ssyncadd.s32 $0xFFFFC000  }
0x1b1: {  	[tilespmem:s7], [sflag:$0x5] =	stream.indirect.gather [spmem:s2], $0x80, s15, s8, $0xb8;
	[tilespmem:$0x1EC00] =	vst v63  }
0x1b2: {  	_ =	swait.ge [sflag:s6], $0x4000  }
0x1b3: {  	s24 =	sadd.s32 $0x1, s24;
	[sflag:s6] =	ssyncset.done $0x0  }
0x1b4: {  	p0 =	sne.s32 s24, s31;
	s28 =	rddreg [dreg:$0x16];
	[sflag:s6] =	ssyncadd.s32 $0xFFFFC000  }
0x1b5: {  	[hbm4b:s28+s3] =	stream.linear.scatter [tilespmem:s7], [sflag:$0x5], $0x4000, $0x38;
	[tilespmem:$0x1EC00] =	vst v63  }
.Ltmp4:
0x1b6: {  	_ =	swait.ge [sflag:s6], $0x4000;
	(pc) =	sbr.rel @p0 .LBB2_1-.Ltmp4, $3  }
0x1b7: {  	[sflag:s6] =	ssyncset.done $0x0  }
0x1b8: {  	[sflag:s6] =	ssyncadd.s32 $0xFFFFC000  }
0x1b9: {  	[bflag:$0x0] =	sbarrier.arrive $0xFFFF;
	_ =	sdelay $0x1  }
0x1ba: {  	_ =	sfence.sel $0x180000  }
0x1bb: {  	[bflag:$0x0] =	sbarrier.arrive $0xFFFF  }
0x1bc: {  	_ =	strace $0x9000004D  }
0x1bd: {  	s0 =	stileid.u32;
	[bflag:$0x2] =	sbarrier.arrive $0xFFFF  }
0x1be: {  	p0 =	sne.s32 s0, $0x0;
	s0 =	rddreg [dreg:$0x2]  }
0x1bf: {  	s0 =	sadd.s32 @!p0 $0x100000, s0  }
0x1c0: {  	[sflag:s0] =	ssyncadd.tile.s32 @!p0 $0x1;
	_ =	shalt  }
.Lfunc_end2:
_tile_overlayer_lowered:
.L_overlay_start_2:
0x1c1: {  	(tag) =	ssettag $0x2  }
0x1c2: {  	s0 =	rddreg [dreg:$0x0];
	s2 =	stileid.u32  }
0x1c3: {  	s1 =	rddreg [dreg:$0x1];
	p0 =	sne.s32 s2, $0x0  }
0x1c4: {  	s3 =	rddreg [dreg:$0x2];
	[bflag:$0x3] =	sbarrier.arrive $0xFFFF;
	s2 =	simm.s32 @!p0 $0x1C05  }
0x1c5: {  	[timem:s3], [sflag:s2] =	dma.local @!p0 [hbm:s0], s1  }
0x1c6: {  	s0 =	simm.s32 @!p0 $0x5  }
0x1c7: {  	_ =	swait.ge @!p0 [sflag:s0], s1  }
0x1c8: {  	s1 =	ssub.s32 @!p0 $0x0, s1;
	[sflag:s0] =	ssyncset.done @!p0 $0x0  }
0x1c9: {  	[sflag:s0] =	ssyncadd.s32 @!p0 s1  }
0x1ca: {  	[bflag:$0x3] =	sbarrier.arrive $0xFFFF  }
0x1cb: {  	_ =	shalt  }

// kernel: kernel.9.cloned.1.call-start
scs
__scs_entry_jumppad:
0x0: {  	(pc) =	sbr.rel $0x88, $3  }
0x1: {  	(tag) =	ssettag $0x0;
	lr =	simm.s32 $0x1  }
0x2: {  	[smem:$0x3F9B] =	sst lr;
	_ =	strace $0xD0000000  }
0x3: {  	_ = 	snop  }
0x4: {  	_ = 	snop  }
0x5: {  	_ = 	snop  }
0x6: {  	_ = 	snop  }
0x7: {  	_ = 	snop  }
__scs_overlays_trampoline_lowered:
0x8: {  	[smem:$0x3FAA] =	sst s0  }
0x9: {  	[smem:$0x3FAB] =	sst s1  }
0xa: {  	[smem:$0x3FAC] =	sst s2  }
0xb: {  	[smem:$0x3FAD] =	sst s3  }
0xc: {  	[smem:$0x3FAE] =	sst s4  }
0xd: {  	[smem:$0x3FAF] =	sst s5  }
0xe: {  	[smem:$0x3FB0] =	sst s6  }
0xf: {  	[smem:$0x3FB1] =	sst s7  }
0x10: {  	[smem:$0x3FB2] =	sst s8  }
0x11: {  	[smem:$0x3FB3] =	sst s9;
	s0 =	simm.s32 @!p0 $0x0  }
0x12: {  	s1 =	sld [smem:$0x3F99];
	s0 =	simm.s32 @p0 $0x1  }
0x13: {  	[smem:$0x3FB4] =	sst s0;
	s0 =	simm.s32 @!p1 $0x0  }
0x14: {  	s2 =	sld [smem:$0x3F98];
	s0 =	simm.s32 @p1 $0x1  }
0x15: {  	[smem:$0x3FB5] =	sst s0;
	s0 =	simm.s32 @!p2 $0x0  }
0x16: {  	s3 =	sld [smem:$0x3FDB];
	s0 =	simm.s32 @p2 $0x1  }
0x17: {  	s4 =	simm.s32 $0x1BF5;
	[smem:$0x3FB7] =	sst s0  }
0x18: {  	s0 =	sld [smem:$0x3F9A];
	_ =	swait.ge [sflag:s4], $0x0  }
0x19: {  	s7 =	sld [smem:$0x3F9B]  }
0x1a: {  	s8 =	sadd.s32 $0xFFFFE003, lr  }
0x1b: {  	s9 =	sadd.s32 $0xFFFFFEF7, lr;
	s5 =	simm.s32 $0xFFFFFFFF;
	p2 =	slt.u32 s8, $0xFFFFF086  }
0x1c: {  	p1 =	slt.u32 s9, $0xF7A;
	s5 =	simm.s32 @!p2 $0x0  }
0x1d: {  	s5 =	simm.s32 @p1 $0x1;
	p0 =	seq.s32 s7, s2  }
0x1e: {  	s7 =	smul.u32 @!p0 $0xF7A, s2;
	p2 =	seq.s32 @!p0 s5, $0x0  }
0x1f: {  	s9 =	smul.u32 $0xF7A, s1;
	s8 =	simm.s32 @!p0 $0x1BF5;
	p2 =	por !p2, p0  }
0x20: {  	[sflag:s8] =	ssyncset.s32 @!p0 $0xFFFFF086;
	s6 =	sadd.s32 @!p0 s3, s7;
	s7 =	simm.s32 @!p0 $0x108  }
0x21: {  	s3 =	sadd.s32 s3, s9;
	s6 =	sadd.s32 @!p0 $0x88, s6;
	s7 =	simm.s32 @p2 $0x1082  }
0x22: {  	[simem:s7], [sflag:s8] =	dma.local @!p0 [hbm:s6], $0xF7A  }
0x23: {  	s9 =	sor.u32 $0xD0000000, s2;
	s6 =	simm.s32 $0x108;
	_ =	swait.ge @!p0 [sflag:s8], $0x0  }
0x24: {  	s3 =	sadd.s32 $0x88, s3;
	s6 =	simm.s32 @!p1 $0x1082;
	[sflag:s4] =	ssyncset.s32 $0xFFFFF086  }
0x25: {  	[simem:s6], [sflag:s4] =	dma.local [hbm:s3], $0xF7A  }
0x26: {  	[smem:$0x3F9B] =	sst s1;
	(tag) =	ssettag s2;
	_ =	strace s9  }
0x27: {  	s1 =	sld [smem:$0x3FAB]  }
0x28: {  	s2 =	sld [smem:$0x3FAC]  }
0x29: {  	s4 =	sld [smem:$0x3FAE]  }
0x2a: {  	p0 =	seq.s32 s5, $0x0;
	s5 =	sld [smem:$0x3FAF]  }
0x2b: {  	s6 =	sld [smem:$0x3FB0]  }
0x2c: {  	s7 =	sld [smem:$0x3FB1]  }
0x2d: {  	s3 =	simm.s32 $0x108;
	s8 =	sld [smem:$0x3FB2]  }
0x2e: {  	s3 =	simm.s32 @!p0 $0x1082;
	s9 =	sld [smem:$0x3FB3]  }
0x2f: {  	lr =	sadd.s32 s0, s3;
	s0 =	sld [smem:$0x3FAA]  }
0x30: {  	s3 =	sld [smem:$0x3FAD]  }
0x31: {  	[smem:$0x3FB6] =	sst s10  }
0x32: {  	s10 =	sld [smem:$0x3FB4];
	_ =	sdelay $0x3  }
0x33: {  	p0 =	seq.s32 s10, $0x1;
	s10 =	sld [smem:$0x3FB6];
	_ =	sdelay $0x3  }
0x34: {  	[smem:$0x3FB6] =	sst s10  }
0x35: {  	s10 =	sld [smem:$0x3FB5];
	_ =	sdelay $0x3  }
0x36: {  	p1 =	seq.s32 s10, $0x1;
	s10 =	sld [smem:$0x3FB6];
	_ =	sdelay $0x3  }
0x37: {  	[smem:$0x3FB6] =	sst s10  }
0x38: {  	s10 =	sld [smem:$0x3FB7]  }
0x39: {  	_ = 	snop;
	(pc) =	sbr.ind lr, $3  }
0x3a: {  	_ = 	snop  }
0x3b: {  	_ = 	snop  }
0x3c: {  	p2 =	seq.s32 s10, $0x1;
	s10 =	sld [smem:$0x3FB6]  }
0x3d: {  	_ =	shalt  }
0x3e: {  	_ =	shalt  }
0x3f: {  	_ =	shalt  }
0x40: {  	_ =	shalt  }
0x41: {  	_ =	shalt  }
0x42: {  	_ =	shalt  }
0x43: {  	_ =	shalt  }
0x44: {  	_ =	shalt  }
0x45: {  	_ =	shalt  }
0x46: {  	_ =	shalt  }
0x47: {  	_ =	shalt  }
0x48: {  	_ =	shalt  }
0x49: {  	_ =	shalt  }
0x4a: {  	_ =	shalt  }
0x4b: {  	_ =	shalt  }
0x4c: {  	_ =	shalt  }
0x4d: {  	_ =	shalt  }
0x4e: {  	_ =	shalt  }
0x4f: {  	_ =	shalt  }
0x50: {  	_ =	shalt  }
0x51: {  	_ =	shalt  }
0x52: {  	_ =	shalt  }
0x53: {  	_ =	shalt  }
0x54: {  	_ =	shalt  }
0x55: {  	_ =	shalt  }
0x56: {  	_ =	shalt  }
0x57: {  	_ =	shalt  }
0x58: {  	_ =	shalt  }
0x59: {  	_ =	shalt  }
0x5a: {  	_ =	shalt  }
0x5b: {  	_ =	shalt  }
0x5c: {  	_ =	shalt  }
0x5d: {  	_ =	shalt  }
0x5e: {  	_ =	shalt  }
0x5f: {  	_ =	shalt  }
0x60: {  	_ =	shalt  }
0x61: {  	_ =	shalt  }
0x62: {  	_ =	shalt  }
0x63: {  	_ =	shalt  }
0x64: {  	_ =	shalt  }
0x65: {  	_ =	shalt  }
0x66: {  	_ =	shalt  }
0x67: {  	_ =	shalt  }
0x68: {  	_ =	shalt  }
0x69: {  	_ =	shalt  }
0x6a: {  	_ =	shalt  }
0x6b: {  	_ =	shalt  }
0x6c: {  	_ =	shalt  }
0x6d: {  	_ =	shalt  }
0x6e: {  	_ =	shalt  }
0x6f: {  	_ =	shalt  }
0x70: {  	_ =	shalt  }
0x71: {  	_ =	shalt  }
0x72: {  	_ =	shalt  }
0x73: {  	_ =	shalt  }
0x74: {  	_ =	shalt  }
0x75: {  	_ =	shalt  }
0x76: {  	_ =	shalt  }
0x77: {  	_ =	shalt  }
0x78: {  	_ =	shalt  }
0x79: {  	_ =	shalt  }
0x7a: {  	_ =	shalt  }
0x7b: {  	_ =	shalt  }
0x7c: {  	_ =	shalt  }
0x7d: {  	_ =	shalt  }
0x7e: {  	_ =	shalt  }
0x7f: {  	_ =	shalt  }
0x80: {  	_ =	shalt  }
0x81: {  	_ =	shalt  }
0x82: {  	_ =	shalt  }
0x83: {  	_ =	shalt  }
0x84: {  	_ =	shalt  }
0x85: {  	_ =	shalt  }
0x86: {  	_ =	shalt  }
0x87: {  	_ =	shalt  }
.Lfunc_end0:
.L_simem_size_0:
called_computation_lowered:
.L_overlay_start_0:
0x88: {  	s2 =	sld [smem:$0x3FD9]  }
0x89: {  	s3 =	sld [smem:$0x3FFE];
	_ =	sdelay $0x1  }
0x8a: {  	s1 =	srdreg.scid  }
0x8b: {  	s0 =	sand.u32 $0x1, s1  }
0x8c: {  	s17 =	sshll.u32 s0, $0xA;
	s2 =	sadd.s32 s3, s2  }
0x8d: {  	s2 =	sadd.s32 s2, s17  }
0x8e: {  	[smem:$0x3FC2] =	sst s2  }
0x8f: {  	_ = 	snop  }
0x90: {  	s2 =	sld [smem:$0x3FD0];
	(tm) =	ssettm $0x1  }
0x91: {  	s18 =	sld [smem:$0x3FFB];
	_ =	sdelay $0x3  }
0x92: {  	_ =	strace s18  }
0x93: {  	s3 =	sld [smem:$0x3FFC];
	_ =	sdelay $0x3  }
0x94: {  	_ =	strace s3  }
0x95: {  	s3 =	sld [smem:$0x3FFD];
	_ =	sdelay $0x3  }
0x96: {  	_ =	strace s3  }
0x97: {  	_ =	strace $0x8FFFFFFF  }
0x98: {  	s19 =	sld [smem:$0x3FDB];
	_ =	sdelay $0x1  }
0x99: {  	s4 =	simm.s32 $_scs_section_size  }
0x9a: {  	s5 =	simm.s32 $_size__tile_overlayer_lowered;
	s6 =	simm.s32 $_tile_overlayer_lowered  }
0x9b: {  	s22 =	simm.s32 $0x1BFF;
	s21 =	sshll.u32 s6, $0x1;
	s3 =	sadd.s32 s4, s19  }
0x9c: {  	s7 =	simm.s32 $0x0;
	s20 =	sshll.u32 s5, $0x1;
	s5 =	sadd.s32 s21, s3  }
0x9d: {  	[timem:s7], [sflag:s22] =	dma.local [hbm:s5], s20  }
0x9e: {  	_ =	swait.ge [sflag:s22], s20  }
0x9f: {  	s4 =	ssub.s32 $0x0, s20;
	[sflag:s22] =	ssyncset.done $0x0  }
0xa0: {  	[sflag:s22] =	ssyncadd.s32 s4;
	_ =	sdelay $0x1  }
0xa1: {  	s23 =	simm.s32 $0x1B8B  }
0xa2: {  	_ =	swait.ge [sflag:s23], $0x1  }
0xa3: {  	[sflag:s23] =	ssyncset.done $0x0  }
0xa4: {  	s25 =	simm.s32 $0x1B8E;
	s24 =	sld [smem:$0x3FFE];
	[sflag:s23] =	ssyncadd.s32 $0xFFFFFFFF  }
0xa5: {  	s26 =	simm.s32 $execute0_lowered;
	[smem:$0x3FD2] =	sst s25  }
0xa6: {  	s5 =	sshll.u32 s26, $0x1;
	_ =	strace $0x80000046;
	[dreg:$0x1] =	wrdreg $0xFFFFFFFF  }
0xa7: {  	s28 =	simm.s32 $_size_execute0_lowered;
	s3 =	sadd.s32 s3, s5;
	[dreg:$0x0] =	wrdreg $0x0  }
0xa8: {  	s5 =	sshll.u32 s28, $0x1;
	[dreg:$0x2] =	wrdreg s3  }
0xa9: {  	[dreg:$0x3] =	wrdreg s5  }
0xaa: {  	[dreg:$0x4] =	wrdreg $0xC0  }
0xab: {  	_ =	task [dreg:s7], $0x5FFFF  }
0xac: {  	[dreg:$0x1] =	wrdreg $0xFFFFFFFF  }
0xad: {  	[dreg:$0x0] =	wrdreg $0x60  }
0xae: {  	[dreg:$0x2] =	wrdreg s24  }
0xaf: {  	[dreg:$0x3] =	wrdreg s2  }
0xb0: {  	[dreg:$0x4] =	wrdreg $0x98000  }
0xb1: {  	[dreg:$0x5] =	wrdreg $0x9  }
0xb2: {  	_ =	task.clear_ibuf [dreg:s7], $0x6FFFF;
	_ =	strace $0x90000046  }
0xb3: {  	s29 =	simm.s32 $0x9;
	_ =	strace $0x80000048  }
0xb4: {  	_ =	swait.ge [sflag:s29], $0x1  }
0xb5: {  	[sflag:s29] =	ssyncadd.s32 $0xFFFFFFFF  }
0xb6: {  	_ =	strace $0x90000048  }
0xb7: {  	_ =	sfence  }
0xb8: {  	s30 =	sld [smem:$0x0];
	_ =	sdelay $0x2  }
0xb9: {  	s31 =	sshll.u32 s1, $0xD;
	s1 =	sshrl.u32 s1, $0x2  }
0xba: {  	s3 =	sand.u32 $0x4000, s31;
	s1 =	sadd.s32 s1, s30  }
0xbb: {  	s0 =	sor.u32 s3, s0;
	s1 =	sshll.u32 s1, $0x11  }
0xbc: {  	s0 =	sor.u32 s1, s0  }
0xbd: {  	s0 =	sadd.s32 $0x8F2B, s0  }
0xbe: {  	[sflag:s0] =	ssyncadd.remote.s32 $0x1  }
0xbf: {  	_ =	sfence.sel $0xFFFF  }
0xc0: {  	[dreg:$0x0] =	wrdreg $0xFFFFFFFF;
	(pc) =	sbr.abs _section_cstart, $3  }
0xc1: {  	[dreg:$0x1] =	wrdreg $0xFFFFFFFF  }
0xc2: {  	_ =	task.clear_ibuf [dreg:s7], $0x2FFFF;
	_ =	strace $0x9FFFFFFF  }
0xc3: {  	(tm) =	ssettm $0x7FFFFFFF  }
tec
execute0_lowered:
.L_overlay_start_1:
0x0: {  	(tag) =	ssettag $0x1  }
0x1: {  	s5 =	rddreg [dreg:$0x0];
	s1 =	srdreg.scid  }
0x2: {  	s0 =	stileid.u32;
	s8 =	rddreg [dreg:$0x1]  }
0x3: {  	s2 =	rddreg [dreg:$0x2];
	s3 =	simm.s32 $0x0;
	s14 =	simm.s32 $0x1800  }
0x4: {  	s15 =	simm.s32 $0x1;
	s16 =	simm.s32 $0x5800;
	s17 =	simm.s32 $0x1400  }
0x5: {  	s18 =	simm.s32 $0x80;
	s19 =	simm.s32 $0x1480;
	s20 =	simm.s32 $0x1500  }
0x6: {  	s21 =	simm.s32 $0x1580;
	s22 =	simm.s32 $0x1600;
	s23 =	simm.s32 $0x0  }
0x7: {  	s4 =	sand.u32 $0x1, s1;
	s31 =	sshll.u32 s0, $0x1;
	s1 =	rddreg [dreg:$0x3]  }
0x8: {  	[smem:$0x7FF] =	sst s3;
	s9 =	sshll.u32 s0, $0x7;
	s10 =	smul.u32 $0x280, s0  }
0x9: {  	s6 =	sor.u32 s4, s31;
	s7 =	smul.u32 $0x2800, s4;
	_ =	strace $0x80000047  }
0xa: {  	s9 =	sadd.s32 s9, s5;
	s11 =	ssub.s32 $0x2, s4;
	s6 =	smul.u32 $0x280, s6  }
0xb: {  	s4 =	sadd.s32 $0x7400, s5;
	s12 =	sshrl.u32 s11, $0x1;
	s7 =	sadd.s32 s10, s7  }
0xc: {  	s13 =	ssub.s32 s11, s12;
	s6 =	sadd.s32 s6, s5;
	s10 =	sshll.u32 s7, $0x4  }
0xd: {  	s5 =	sadd.s32 $0x6C00, s5;
	s7 =	sadd.s32 $0x1400, s9;
	s8 =	sadd.s32 s8, s10  }
0xe: {  	s13 =	smax.u32 s13, $0x1;
	s6 =	sadd.s32 $0x1C00, s6;
	s9 =	sadd.s32 $0x800, s8  }
0xf: {  	s10 =	sadd.s32 $0x1000, s8;
	s11 =	sadd.s32 $0x1800, s8;
	s12 =	sadd.s32 $0x2000, s8  }
.LBB2_1:
0x10: {  	[tilespmem:s14], [sflag:$0x1] =	stream.linear.gather [hbm4b:s4+s3], $0x4000, $0x38;
	[tilespmem:$0x1D800] =	vst v63  }
0x11: {  	_ =	swait.ge [sflag:s15], $0x4000  }
0x12: {  	[sflag:s15] =	ssyncset.done $0x0  }
0x13: {  	[sflag:s15] =	ssyncadd.s32 $0xFFFFC000  }
0x14: {  	[tilespmem:s16], [sflag:$0x1] =	stream.linear.gather [hbm4b:s5+s3], $0x4000, $0x38;
	[tilespmem:$0x1D800] =	vst v63  }
0x15: {  	_ =	swait.ge [sflag:s15], $0x4000  }
0x16: {  	[sflag:s15] =	ssyncset.done $0x0  }
0x17: {  	[sflag:s15] =	ssyncadd.s32 $0xFFFFC000  }
0x18: {  	[tilespmem:s3], [sflag:$0x1] =	stream.linear.gather [hbm4b:s6+s3], $0x1400, $0x38;
	[tilespmem:$0x1D800] =	vst v63  }
0x19: {  	_ =	swait.ge [sflag:s15], $0x1400  }
0x1a: {  	[sflag:s15] =	ssyncset.done $0x0  }
0x1b: {  	[sflag:s15] =	ssyncadd.s32 $0xFFFFEC00  }
0x1c: {  	[tilespmem:s17], [sflag:$0x1] =	stream.linear.gather [hbm4b:s7+s3], $0x280, $0x38;
	[tilespmem:$0x1D800] =	vst v63  }
0x1d: {  	_ =	swait.ge [sflag:s15], $0x280  }
0x1e: {  	[sflag:s15] =	ssyncset.done $0x0  }
0x1f: {  	[sflag:s15] =	ssyncadd.s32 $0xFFFFFD80  }
0x20: {  	[spmem:s2] =	stream.indirect.scatter [tilespmem:s16], [sflag:$0x1], $0x80, s17, s18, $0xb8;
	[tilespmem:$0x1D800] =	vst v63  }
0x21: {  	_ =	swait.ge [sflag:s15], $0x4000  }
0x22: {  	[sflag:s15] =	ssyncset.done $0x0  }
0x23: {  	[sflag:s15] =	ssyncadd.s32 $0xFFFFC000  }
0x24: {  	[spmem:s2] =	stream.indirect.scatter [tilespmem:s16], [sflag:$0x1], $0x80, s19, s18, $0xb8;
	[tilespmem:$0x1D800] =	vst v63  }
0x25: {  	_ =	swait.ge [sflag:s15], $0x4000  }
0x26: {  	[sflag:s15] =	ssyncset.done $0x0  }
0x27: {  	[sflag:s15] =	ssyncadd.s32 $0xFFFFC000  }
0x28: {  	[spmem:s2] =	stream.indirect.scatter [tilespmem:s16], [sflag:$0x1], $0x80, s20, s18, $0xb8;
	[tilespmem:$0x1D800] =	vst v63  }
0x29: {  	_ =	swait.ge [sflag:s15], $0x4000  }
0x2a: {  	[sflag:s15] =	ssyncset.done $0x0  }
0x2b: {  	[sflag:s15] =	ssyncadd.s32 $0xFFFFC000  }
0x2c: {  	[spmem:s2] =	stream.indirect.scatter [tilespmem:s16], [sflag:$0x1], $0x80, s21, s18, $0xb8;
	[tilespmem:$0x1D800] =	vst v63  }
0x2d: {  	_ =	swait.ge [sflag:s15], $0x4000  }
0x2e: {  	[sflag:s15] =	ssyncset.done $0x0  }
0x2f: {  	[sflag:s15] =	ssyncadd.s32 $0xFFFFC000  }
0x30: {  	[spmem:s2] =	stream.indirect.scatter [tilespmem:s16], [sflag:$0x1], $0x80, s22, s18, $0xb8;
	[tilespmem:$0x1D800] =	vst v63  }
0x31: {  	_ =	swait.ge [sflag:s15], $0x4000  }
0x32: {  	[sflag:s15] =	ssyncset.done $0x0  }
0x33: {  	[sflag:s15] =	ssyncadd.s32 $0xFFFFC000  }
0x34: {  	s24 =	simm.s32 $0x0;
	[bflag:$0x0] =	sbarrier.arrive $0xFFFF  }
0x35: {  	[spmem:s2] =	stream.indirect.scatter.add.f32 [tilespmem:s14], [sflag:$0x1], $0x80, s24, s18, $0xb8;
	[tilespmem:$0x1D800] =	vst v63  }
0x36: {  	_ =	swait.ge [sflag:s15], $0x4000  }
0x37: {  	s24 =	simm.s32 $0x200;
	[sflag:s15] =	ssyncset.done $0x0  }
.LBB2_2:
0x38: {  	s25 =	sshra.s32 s24, $0x2;
	[sflag:s15] =	ssyncadd.s32 $0xFFFFC000;
	p0 =	sne.s32 s24, $0x4E00  }
0x39: {  	[spmem:s2] =	stream.indirect.scatter.add.f32 [tilespmem:s14], [sflag:$0x1], $0x80, s25, s18, $0xb8;
	[tilespmem:$0x1D800] =	vst v63  }
.Ltmp0:
0x3a: {  	_ = 	snop;
	(pc) =	sbr.rel @p0 .LBB2_2-.Ltmp0, $4  }
0x3b: {  	_ = 	snop  }
0x3c: {  	s24 =	sadd.s32 $0x200, s24  }
0x3d: {  	_ =	swait.ge [sflag:s15], $0x4000  }
0x3e: {  	[sflag:s15] =	ssyncset.done $0x0  }
0x3f: {  	[sflag:s15] =	ssyncadd.s32 $0xFFFFC000  }
0x40: {  	[bflag:$0x0] =	sbarrier.arrive $0xFFFF  }
0x41: {  	[tilespmem:s16], [sflag:$0x1] =	stream.indirect.gather [spmem:s2], $0x80, s17, s18, $0xb8;
	[tilespmem:$0x1D800] =	vst v63  }
0x42: {  	_ =	swait.ge [sflag:s15], $0x4000  }
0x43: {  	[sflag:s15] =	ssyncset.done $0x0  }
0x44: {  	[sflag:s15] =	ssyncadd.s32 $0xFFFFC000  }
0x45: {  	[hbm4b:s8+s3] =	stream.linear.scatter [tilespmem:s16], [sflag:$0x1], $0x4000, $0x38;
	[tilespmem:$0x1D800] =	vst v63  }
0x46: {  	_ =	swait.ge [sflag:s15], $0x4000  }
0x47: {  	[sflag:s15] =	ssyncset.done $0x0  }
0x48: {  	[sflag:s15] =	ssyncadd.s32 $0xFFFFC000  }
0x49: {  	[tilespmem:s16], [sflag:$0x1] =	stream.indirect.gather [spmem:s2], $0x80, s19, s18, $0xb8;
	[tilespmem:$0x1D800] =	vst v63  }
0x4a: {  	_ =	swait.ge [sflag:s15], $0x4000  }
0x4b: {  	[sflag:s15] =	ssyncset.done $0x0  }
0x4c: {  	[sflag:s15] =	ssyncadd.s32 $0xFFFFC000  }
0x4d: {  	[hbm4b:s9+s3] =	stream.linear.scatter [tilespmem:s16], [sflag:$0x1], $0x4000, $0x38;
	[tilespmem:$0x1D800] =	vst v63  }
0x4e: {  	_ =	swait.ge [sflag:s15], $0x4000  }
0x4f: {  	[sflag:s15] =	ssyncset.done $0x0  }
0x50: {  	[sflag:s15] =	ssyncadd.s32 $0xFFFFC000  }
0x51: {  	[tilespmem:s16], [sflag:$0x1] =	stream.indirect.gather [spmem:s2], $0x80, s20, s18, $0xb8;
	[tilespmem:$0x1D800] =	vst v63  }
0x52: {  	_ =	swait.ge [sflag:s15], $0x4000  }
0x53: {  	[sflag:s15] =	ssyncset.done $0x0  }
0x54: {  	[sflag:s15] =	ssyncadd.s32 $0xFFFFC000  }
0x55: {  	[hbm4b:s10+s3] =	stream.linear.scatter [tilespmem:s16], [sflag:$0x1], $0x4000, $0x38;
	[tilespmem:$0x1D800] =	vst v63  }
0x56: {  	_ =	swait.ge [sflag:s15], $0x4000  }
0x57: {  	[sflag:s15] =	ssyncset.done $0x0  }
0x58: {  	[sflag:s15] =	ssyncadd.s32 $0xFFFFC000  }
0x59: {  	[tilespmem:s16], [sflag:$0x1] =	stream.indirect.gather [spmem:s2], $0x80, s21, s18, $0xb8;
	[tilespmem:$0x1D800] =	vst v63  }
0x5a: {  	_ =	swait.ge [sflag:s15], $0x4000  }
0x5b: {  	[sflag:s15] =	ssyncset.done $0x0  }
0x5c: {  	[sflag:s15] =	ssyncadd.s32 $0xFFFFC000  }
0x5d: {  	[hbm4b:s11+s3] =	stream.linear.scatter [tilespmem:s16], [sflag:$0x1], $0x4000, $0x38;
	[tilespmem:$0x1D800] =	vst v63  }
0x5e: {  	_ =	swait.ge [sflag:s15], $0x4000  }
0x5f: {  	[sflag:s15] =	ssyncset.done $0x0  }
0x60: {  	[sflag:s15] =	ssyncadd.s32 $0xFFFFC000  }
0x61: {  	[tilespmem:s16], [sflag:$0x1] =	stream.indirect.gather [spmem:s2], $0x80, s22, s18, $0xb8;
	[tilespmem:$0x1D800] =	vst v63  }
0x62: {  	s23 =	sadd.s32 $0x1, s23;
	_ =	swait.ge [sflag:s15], $0x4000  }
0x63: {  	p0 =	sne.s32 s23, s13;
	[sflag:s15] =	ssyncset.done $0x0  }
.Ltmp1:
0x64: {  	[sflag:s15] =	ssyncadd.s32 $0xFFFFC000;
	(pc) =	sbr.rel @p0 .LBB2_1-.Ltmp1, $4  }
0x65: {  	[hbm4b:s12+s3] =	stream.linear.scatter [tilespmem:s16], [sflag:$0x1], $0x4000, $0x38;
	[tilespmem:$0x1D800] =	vst v63  }
0x66: {  	_ =	swait.ge [sflag:s15], $0x4000  }
0x67: {  	[sflag:s15] =	ssyncset.done $0x0  }
0x68: {  	[sflag:s15] =	ssyncadd.s32 $0xFFFFC000  }
0x69: {  	_ =	sfence.sel $0x180000  }
0x6a: {  	[bflag:$0x0] =	sbarrier.arrive $0xFFFF  }
0x6b: {  	p0 =	sne.s32 s0, $0x0;
	_ =	strace $0x90000047  }
0x6c: {  	s0 =	sadd.s32 @!p0 $0x100000, s1;
	[bflag:$0x2] =	sbarrier.arrive $0xFFFF  }
0x6d: {  	[sflag:s0] =	ssyncadd.tile.s32 @!p0 $0x1;
	_ =	shalt  }
.Lfunc_end2:
_tile_overlayer_lowered:
.L_overlay_start_2:
0x6e: {  	(tag) =	ssettag $0x2  }
0x6f: {  	s0 =	rddreg [dreg:$0x0];
	s2 =	stileid.u32  }
0x70: {  	s1 =	rddreg [dreg:$0x1];
	p0 =	sne.s32 s2, $0x0  }
0x71: {  	s3 =	rddreg [dreg:$0x2];
	[bflag:$0x3] =	sbarrier.arrive $0xFFFF;
	s2 =	simm.s32 @!p0 $0x1C01  }
0x72: {  	[timem:s3], [sflag:s2] =	dma.local @!p0 [hbm:s0], s1  }
0x73: {  	s0 =	simm.s32 @!p0 $0x1  }
0x74: {  	_ =	swait.ge @!p0 [sflag:s0], s1  }
0x75: {  	s1 =	ssub.s32 @!p0 $0x0, s1;
	[sflag:s0] =	ssyncset.done @!p0 $0x0  }
0x76: {  	[sflag:s0] =	ssyncadd.s32 @!p0 s1  }
0x77: {  	[bflag:$0x3] =	sbarrier.arrive $0xFFFF  }
0x78: {  	_ =	shalt  }

</sc_bundles>
